<compile_context>
chip_gen: v7x
topology: tpu7x:2x2x1
jax: 0.10.2.dev20260603
libtpu: 0.0.44.dev20260713+nightly
codegen_flags: <defaults>
</compile_context>

<pallas_src>
import functools

import numpy as np
import jax
import jax.numpy as jnp
from jax import lax
from jax.experimental import pallas as pl
from jax.experimental.pallas import tpu as pltpu
from jax.experimental.pallas import tpu_sc as plsc

N = 10000
E = 160000
D = 128
SCALE = 0.25

BE = 4000
NS = 16
NCORE = 2
EP = E // NS
C = 80
NCHUNK = EP // C
HALF = 5120
ACC_R = HALF + 8
RP = HALF // NS
RB = 80
NRB = RP // RB


def _build_tables():
    P1 = np.zeros((3, 9), np.float32)
    P2 = np.zeros((3, 9), np.float32)
    for i in range(3):
        for j in range(3):
            P1[i, 3 * i + j] = 1.0
            P2[j, 3 * i + j] = 1.0
    Q1 = np.zeros((9, 27), np.float32)
    Q2 = np.zeros((3, 27), np.float32)
    for i in range(3):
        for j in range(3):
            for k in range(3):
                Q1[3 * i + j, 9 * i + 3 * j + k] = 1.0
                Q2[k, 9 * i + 3 * j + k] = 1.0
    CL = np.zeros((3, 16), np.float32)
    CQ = np.zeros((9, 16), np.float32)
    CC = np.zeros((27, 16), np.float32)
    C0 = np.zeros((16,), np.float32)
    c1 = 1.7320508075688772
    C0[0] = 1.0
    CL[0, 1] = c1
    CL[1, 2] = c1
    CL[2, 3] = c1
    CQ[1, 4] = 3.872983
    CQ[5, 5] = 3.872983
    CQ[8, 6] = 3.0 * 1.118034
    C0[6] = -1.118034
    CQ[6, 7] = 3.872983
    CQ[0, 8] = 1.936492
    CQ[4, 8] = -1.936492
    CC[1, 9] = 3.0 * 2.091650
    CC[13, 9] = -2.091650
    CC[5, 10] = 10.246951
    CC[17, 11] = 5.0 * 1.620185
    CL[1, 11] = -1.620185
    CC[26, 12] = 5.0 * 1.322876
    CL[2, 12] = -3.0 * 1.322876
    CC[8, 13] = 5.0 * 1.620185
    CL[0, 13] = -1.620185
    CC[2, 14] = 5.123475
    CC[14, 14] = -5.123475
    CC[0, 15] = 2.091650
    CC[4, 15] = -3.0 * 2.091650
    R = np.kron(np.eye(16, dtype=np.float32), np.ones((1, 8), np.float32))
    return P1, P2, Q1, Q2, CL @ R, CQ @ R, CC @ R, (C0 @ R)[None, :]


_TABLES = _build_tables()


def _silu(x):
    return x / (1.0 + jnp.exp(-x))


def _mix_body(vec_ref, rad_ref, w1, w2, w3, w4, p1, p2, q1, q2, cl, cq, cc, c0,
              out_ref):
    f32 = jnp.float32
    v = vec_ref[...]
    n2 = jnp.sum(v * v, axis=1, keepdims=True)
    inv = jnp.where(n2 > 0.0, lax.rsqrt(jnp.where(n2 > 0.0, n2, 1.0)), 0.0)
    u = v * inv
    m2 = (jnp.dot(u, p1[...], preferred_element_type=f32)
          * jnp.dot(u, p2[...], preferred_element_type=f32))
    m3 = (jnp.dot(m2, q1[...], preferred_element_type=f32)
          * jnp.dot(u, q2[...], preferred_element_type=f32))
    sh = (c0[...]
          + jnp.dot(u, cl[...], preferred_element_type=f32)
          + jnp.dot(m2, cq[...], preferred_element_type=f32)
          + jnp.dot(m3, cc[...], preferred_element_type=f32))
    h = _silu(jnp.dot(rad_ref[...], w1[...], preferred_element_type=f32))
    h = _silu(jnp.dot(h, w2[...], preferred_element_type=f32))
    h = _silu(jnp.dot(h, w3[...], preferred_element_type=f32))
    mix = jnp.dot(h, w4[...], preferred_element_type=f32)

    def _pack_half(mh):
        ubits = lax.bitcast_convert_type(mh, jnp.uint32)
        r = (ubits + jnp.uint32(0x7FFF)
             + ((ubits >> jnp.uint32(16)) & jnp.uint32(1))) >> jnp.uint32(16)
        return r[:, :D // 2] | (r[:, D // 2:] << jnp.uint32(16))

    out_ref[:, :D // 2] = _pack_half(mix[:, :D] * SCALE)
    out_ref[:, D // 2:] = _pack_half(mix[:, D:] * sh * SCALE)


def _full(shape):
    return pl.BlockSpec(shape, lambda i: tuple(0 for _ in shape))


_mix_call = pl.pallas_call(
    _mix_body,
    grid=(E // BE,),
    in_specs=[
        pl.BlockSpec((BE, 3), lambda i: (i, 0)),
        pl.BlockSpec((BE, 8), lambda i: (i, 0)),
        _full((8, 64)), _full((64, 64)), _full((64, 64)), _full((64, 256)),
        _full((3, 9)), _full((3, 9)), _full((9, 27)), _full((3, 27)),
        _full((3, 128)), _full((9, 128)), _full((27, 128)), _full((1, 128)),
    ],
    out_specs=pl.BlockSpec((BE, D), lambda i: (i, 0)),
    out_shape=jax.ShapeDtypeStruct((E, D), jnp.uint32),
)


def _sc_body(nf, sr, mix, out, srx, lst, sbuf0, sbuf1, midx0, midx1, rbuf0,
             rbuf1, msgs0, msgs1, mixc0, mixc1, prod, acc, sem0, sem1):
    c = lax.axis_index("c")
    s = lax.axis_index("s")
    i32 = jnp.int32

    pltpu.sync_copy(sr.at[s], srx)
    ebase = s * EP
    row0 = s * RP
    cbase = c * (D // 2)
    bufs = ((msgs0, mixc0, sbuf0, midx0, rbuf0, sem0),
            (msgs1, mixc1, sbuf1, midx1, rbuf1, sem1))

    def _part(take_low, start):
        def body(g, n):
            w = srx[pl.ds(g * 16, 16)]
            r = w >> 16
            lid = g * 16 + lax.iota(i32, 16)
            m = (r < HALF) if take_low else (r >= HALF)
            plsc.store_compressed(lst.at[pl.ds(n, 16)], lid, mask=m)
            return n + jnp.max(plsc.all_reduce_population_count(m))
        return lax.fori_loop(0, EP // 16, body, start)
    k0 = _part(True, 0)
    _part(False, k0)

    def _bld(k, sb, mb, rb, lo_node, k_lo, kp):
        lim = jnp.maximum(kp - 1, 0)
        for g in range(C // 16):
            pos = k * C + g * 16 + lax.iota(i32, 16)
            valid = pos < kp
            posc = jnp.minimum(jnp.minimum(pos, lim) + k_lo, EP - 1)
            lidv = plsc.load_gather(lst, [posc])
            w = plsc.load_gather(srx, [lidv])
            sb[pl.ds(g * 16, 16)] = w & 0xFFFF
            mb[pl.ds(g * 16, 16)] = ebase + lidv
            radj = (w >> 16) - lo_node
            rb[pl.ds(g * 16, 16)] = jnp.where(valid, radj, HALF)

    for p in range(2):
        lo_node = p * HALF
        k_lo = 0 if p == 0 else k0
        kp = k0 if p == 0 else EP - k0
        nch = (kp + C - 1) // C

        def _z(i, carry):
            r = i // 8
            col = (i % 8) * 16
            prod[r, pl.ds(col, 16)] = jnp.zeros((16,), jnp.float32)
            return carry
        lax.fori_loop(0, RB * 8, _z, 0)
        for k in range(NRB):
            pltpu.sync_copy(prod, acc.at[pl.ds(row0 + k * RB, RB)])
        @pl.when(s == 0)
        def _():
            pltpu.sync_copy(prod.at[pl.ds(0, 8)], acc.at[pl.ds(HALF, 8)])
        plsc.subcore_barrier()

        for i, (mg, mx, sb, mb, rb, sm) in enumerate(bufs):
            @pl.when(i < nch)
            def _():
                _bld(i, sb, mb, rb, lo_node, k_lo, kp)
                pltpu.async_copy(nf.at[sb], mg, sm)
                pltpu.async_copy(mix.at[mb], mx, sm)

        def _pair(t, carry):
            k0c = 2 * t
            for i, (mg, mx, sb, mb, rb, sm) in enumerate(bufs):
                k = k0c + i

                @pl.when(k < nch)
                def _():
                    pltpu.make_async_copy(nf.at[sb], mg, sm).wait()
                    pltpu.make_async_copy(mix.at[mb], mx, sm).wait()

                    @plsc.parallel_loop(0, C, 1, unroll=4)
                    def _mul(e):
                        for q in range(4):
                            mw = plsc.bitcast(
                                mx[e, pl.ds(cbase + q * 16, 16)],
                                jnp.bfloat16)
                            ax, bx = plsc.unpack(
                                mw, format=plsc.PackFormat.INTERLEAVED)
                            lo = pl.ds(q * 16, 16)
                            hi = pl.ds(D // 2 + q * 16, 16)
                            prod[e, lo] = mg[e, lo] * ax
                            prod[e, hi] = mg[e, hi] * bx
                    pltpu.sync_copy(prod, acc.at[rb], add=True)

                    @pl.when(k + 2 < nch)
                    def _():
                        _bld(k + 2, sb, mb, rb, lo_node, k_lo, kp)
                        pltpu.async_copy(nf.at[sb], mg, sm)
                        pltpu.async_copy(mix.at[mb], mx, sm)
            return carry
        lax.fori_loop(0, (nch + 1) // 2, _pair, 0)
        plsc.subcore_barrier()

        def _cp(k, carry):
            pltpu.sync_copy(acc.at[pl.ds(row0 + k * RB, RB)], prod)
            pltpu.sync_copy(prod,
                            out.at[c, pl.ds(lo_node + row0 + k * RB, RB)])
            return carry
        lax.fori_loop(0, NRB, _cp, 0)
        if p == 0:
            plsc.subcore_barrier()


@functools.cache
def _get_sc_call():
    return functools.partial(
        pl.kernel,
        out_type=jax.ShapeDtypeStruct((NCORE, 2 * HALF, D), jnp.float32),
        mesh=plsc.VectorSubcoreMesh(core_axis_name="c", subcore_axis_name="s"),
        compiler_params=pltpu.CompilerParams(needs_layout_passes=False),
        scratch_types=[
            pltpu.VMEM((EP,), jnp.int32),
            pltpu.VMEM((EP + 16,), jnp.int32),
            pltpu.VMEM((C,), jnp.int32),
            pltpu.VMEM((C,), jnp.int32),
            pltpu.VMEM((C,), jnp.int32),
            pltpu.VMEM((C,), jnp.int32),
            pltpu.VMEM((C,), jnp.int32),
            pltpu.VMEM((C,), jnp.int32),
            pltpu.VMEM((C, D), jnp.float32),
            pltpu.VMEM((C, D), jnp.float32),
            pltpu.VMEM((C, D), jnp.uint32),
            pltpu.VMEM((C, D), jnp.uint32),
            pltpu.VMEM((C, D), jnp.float32),
            pltpu.VMEM_SHARED((ACC_R, D), jnp.float32),
            pltpu.SemaphoreType.DMA,
            pltpu.SemaphoreType.DMA,
        ],
    )(_sc_body)


def kernel(vectors, node_feats, radial_embedding, senders, receivers,
           W1, W2, W3, W4):
    tabs = [jnp.asarray(t) for t in _TABLES]
    mix = _mix_call(vectors, radial_embedding, W1, W2, W3, W4, *tabs)
    sr2 = (senders.astype(jnp.int32)
           | (receivers.astype(jnp.int32) << 16)).reshape(NS, EP)
    out2 = _get_sc_call()(node_feats, sr2, mix)
    return jnp.swapaxes(out2[:, :N], 0, 1).reshape(N, NCORE * D)

# --- scband reference (transcript-rebuilt; emitter-appended) ---
"""Pipeline reference for scband-mace-84859963834520 (READ-ONLY COPY).

The authoritative reference and input builder live on the scoring server;
editing this copy changes nothing except your own understanding.
"""

import jax, jax.numpy as jnp
import numpy as np

N = 10000
E = 160000
D = 128
NB = 8
H = 64
OUT_D = 2 * D
AVG_NEIGH = 16.0
NSH = 16  # l=0..3 -> 1+3+5+7


def _spherical_harmonics(vectors):
    # real spherical harmonics of normalized vectors, l=0..3 (constants approximate)
    n2 = jnp.sum(vectors ** 2, axis=-1, keepdims=True)
    inv = jnp.where(n2 == 0.0, 0.0, 1.0 / jnp.sqrt(jnp.where(n2 == 0.0, 1.0, n2)))
    u = vectors * inv
    x, y, z = u[..., 0], u[..., 1], u[..., 2]
    c1 = 1.7320508075688772  # sqrt(3)
    sh = [jnp.ones_like(x),
          c1 * x, c1 * y, c1 * z,
          3.872983 * x * y,
          3.872983 * y * z,
          1.118034 * (3.0 * z * z - 1.0),
          3.872983 * z * x,
          1.936492 * (x * x - y * y),
          2.091650 * y * (3.0 * x * x - y * y),
          10.246951 * x * y * z,
          1.620185 * y * (5.0 * z * z - 1.0),
          1.322876 * z * (5.0 * z * z - 3.0),
          1.620185 * x * (5.0 * z * z - 1.0),
          5.123475 * z * (x * x - y * y),
          2.091650 * x * (x * x - 3.0 * y * y)]
    return jnp.stack(sh, axis=-1)


def setup_inputs(seed: int = 0) -> dict:
    key = jax.random.key(seed)
    ks = jax.random.split(key, 9)
    vectors = jax.random.normal(ks[0], (E, 3), dtype=jnp.float32)
    node_feats = jax.random.normal(ks[1], (N, D), dtype=jnp.float32)
    radial_embedding = jax.random.uniform(ks[2], (E, NB), dtype=jnp.float32)
    senders = jax.random.randint(ks[3], (E,), 0, N)
    receivers = jax.random.randint(ks[4], (E,), 0, N)
    W1 = jax.random.normal(ks[5], (NB, H), dtype=jnp.float32) * (NB ** -0.5)
    W2 = jax.random.normal(ks[6], (H, H), dtype=jnp.float32) * (H ** -0.5)
    W3 = jax.random.normal(ks[7], (H, H), dtype=jnp.float32) * (H ** -0.5)
    W4 = jax.random.normal(ks[8], (H, OUT_D), dtype=jnp.float32) * (H ** -0.5)
    return {"vectors": vectors, "node_feats": node_feats,
            "radial_embedding": radial_embedding, "senders": senders,
            "receivers": receivers, "W1": W1, "W2": W2, "W3": W3, "W4": W4}


def reference(vectors, node_feats, radial_embedding, senders, receivers, W1, W2, W3, W4):
    # gather messages from sender nodes
    messages = node_feats[senders]                      # [E, D]
    # tensor product with spherical harmonics (channel-blocked contraction)
    sh = _spherical_harmonics(vectors)                  # [E, 16]
    e = messages.shape[0]
    tp = (messages.reshape(e, NSH, D // NSH) * sh[:, :, None]).reshape(e, D)
    msg = jnp.concatenate([messages, tp], axis=-1)      # [E, 2D]
    # radial MLP producing per-irrep mixing weights (3x64 hidden, silu)
    h = jax.nn.silu(radial_embedding @ W1)
    h = jax.nn.silu(h @ W2)
    h = jax.nn.silu(h @ W3)
    mix = h @ W4                                        # [E, 2D]
    msg = msg * mix
    # scatter-add to receiver nodes
    out = jnp.zeros((node_feats.shape[0], msg.shape[-1]), msg.dtype).at[receivers].add(msg)
    return out / jnp.sqrt(AVG_NEIGH)

if __name__ == "__main__":
    import jax
    _d = setup_inputs()
    print(jax.jit(kernel)(*tuple(_d.values())))

</pallas_src>

<mosaic_0001>
#map = affine_map<(d0, d1) -> (0, 0)>
#map1 = affine_map<(d0, d1) -> (0, 0, 0)>
module attributes {stable_mosaic.version = 14 : i64} {
  func.func @_sc_body(%arg0: i32, %arg1: i32, %arg2: memref<10000x128xf32, #tpu.memory_space<hbm>>, %arg3: memref<16x10000xi32, #tpu.memory_space<hbm>>, %arg4: memref<160000x128xi32, #tpu.memory_space<hbm>>, %arg5: memref<2x10240x128xf32, #tpu.memory_space<hbm>>, %arg6: memref<10000xi32, #tpu.memory_space<vmem>>, %arg7: memref<10016xi32, #tpu.memory_space<vmem>>, %arg8: memref<80xi32, #tpu.memory_space<vmem>>, %arg9: memref<80xi32, #tpu.memory_space<vmem>>, %arg10: memref<80xi32, #tpu.memory_space<vmem>>, %arg11: memref<80xi32, #tpu.memory_space<vmem>>, %arg12: memref<80xi32, #tpu.memory_space<vmem>>, %arg13: memref<80xi32, #tpu.memory_space<vmem>>, %arg14: memref<80x128xf32, #tpu.memory_space<vmem>>, %arg15: memref<80x128xf32, #tpu.memory_space<vmem>>, %arg16: memref<80x128xi32, #tpu.memory_space<vmem>>, %arg17: memref<80x128xi32, #tpu.memory_space<vmem>>, %arg18: memref<80x128xf32, #tpu.memory_space<vmem>>, %arg19: memref<5128x128xf32, #tpu.memory_space<vmem_shared>>, %arg20: memref<!tpu.dma_semaphore, #tpu.memory_space<semaphore_mem>>, %arg21: memref<!tpu.dma_semaphore, #tpu.memory_space<semaphore_mem>>) attributes {dimension_semantics = [#tpu.dimension_semantics<core_parallel>, #tpu.dimension_semantics<subcore_parallel>], iteration_bounds = array<i64: 2, 16>, scalar_prefetch = 0 : i64, scratch_operands = 16 : i64, tpu.core_type = #tpu.core_type<sc_vector_subcore>, window_params = [{transform_indices = #map}, {transform_indices = #map}, {transform_indices = #map}, {transform_indices = #map1}]} {
    "tpu.region"() ({
      %run_scoped3A = tpu.sem_alloc : memref<!tpu.dma_semaphore, #tpu.memory_space<semaphore_mem>>
      %dma_start3A = arith.constant 0 : i32
      %dma_start3A_207 = tpu.memref_slice %arg3[%arg1, %dma_start3A] : memref<16x10000xi32, #tpu.memory_space<hbm>> -> memref<1x10000xi32, #tpu.memory_space<hbm>>
      %dma_start3A_208 = tpu.memref_squeeze %dma_start3A_207 : memref<1x10000xi32, #tpu.memory_space<hbm>> -> memref<10000xi32, #tpu.memory_space<hbm>>
      %dma_start3A_209 = arith.constant 0 : i32
      %dma_start3A_210 = tpu.memref_slice %arg3[%arg1, %dma_start3A_209] : memref<16x10000xi32, #tpu.memory_space<hbm>> -> memref<1x10000xi32, #tpu.memory_space<hbm>>
      %dma_start3A_211 = tpu.memref_squeeze %dma_start3A_210 : memref<1x10000xi32, #tpu.memory_space<hbm>> -> memref<10000xi32, #tpu.memory_space<hbm>>
      tpu.enqueue_dma source(%dma_start3A_211 : memref<10000xi32, #tpu.memory_space<hbm>>) target(%arg6 : memref<10000xi32, #tpu.memory_space<vmem>>) target_semaphore(%run_scoped3A : memref<!tpu.dma_semaphore, #tpu.memory_space<semaphore_mem>>)
      %dma_wait3A = arith.constant 0 : i32
      %dma_wait3A_212 = tpu.memref_slice %arg3[%arg1, %dma_wait3A] : memref<16x10000xi32, #tpu.memory_space<hbm>> -> memref<1x10000xi32, #tpu.memory_space<hbm>>
      %dma_wait3A_213 = tpu.memref_squeeze %dma_wait3A_212 : memref<1x10000xi32, #tpu.memory_space<hbm>> -> memref<10000xi32, #tpu.memory_space<hbm>>
      %dma_wait3A_214 = arith.constant 0 : i32
      %dma_wait3A_215 = tpu.memref_slice %arg3[%arg1, %dma_wait3A_214] : memref<16x10000xi32, #tpu.memory_space<hbm>> -> memref<1x10000xi32, #tpu.memory_space<hbm>>
      %dma_wait3A_216 = tpu.memref_squeeze %dma_wait3A_215 : memref<1x10000xi32, #tpu.memory_space<hbm>> -> memref<10000xi32, #tpu.memory_space<hbm>>
      tpu.wait_dma2 semaphore(%run_scoped3A : memref<!tpu.dma_semaphore, #tpu.memory_space<semaphore_mem>>) src(%dma_wait3A_216 : memref<10000xi32, #tpu.memory_space<hbm>>) dst(%arg6 : memref<10000xi32, #tpu.memory_space<vmem>>)
      tpu.yield
    }) : () -> ()
    %mul3A = arith.constant 10000 : i32
    %mul3A_0 = arith.muli %arg1, %mul3A : i32
    %mul3A_1 = arith.constant 320 : i32
    %mul3A_2 = arith.muli %arg1, %mul3A_1 : i32
    %mul3A_3 = arith.constant 64 : i32
    %mul3A_4 = arith.muli %arg0, %mul3A_3 : i32
    %scan3A = arith.constant 0 : i32
    %scan3A_5 = arith.constant 0 : i32
    %scan3A_6 = arith.constant 625 : i32
    %scan3A_7 = arith.addi %scan3A_5, %scan3A_6 : i32
    %scan3A_8 = arith.constant 1 : i32
    %scan3A_9 = scf.for %scan3A_207 = %scan3A_5 to %scan3A_7 step %scan3A_8 iter_args(%scan3A_208 = %scan3A) -> (i32)  : i32 {
      %mul3A_209 = arith.constant 16 : i32
      %mul3A_210 = arith.muli %scan3A_207, %mul3A_209 : i32
      %get3A = arith.index_cast %mul3A_210 : i32 to index
      %get3A_211 = tpu.vector_load %arg6[%get3A] {strides = array<i32>} : memref<10000xi32, #tpu.memory_space<vmem>>, vector<16xi32>,
      %shift_right_arithmetic3A = arith.constant 16 : i32
      %shift_right_arithmetic3A_212 = vector.broadcast %shift_right_arithmetic3A : i32 to vector<16xi32>
      %shift_right_arithmetic3A_213 = arith.shrsi %get3A_211, %shift_right_arithmetic3A_212 : vector<16xi32>
      %mul3A_214 = arith.constant 16 : i32
      %mul3A_215 = arith.muli %scan3A_207, %mul3A_214 : i32
      %iota3A = tpu.iota {dimensions = array<i32: 0>} : vector<16xi32>
      %add3A_216 = vector.broadcast %mul3A_215 : i32 to vector<16xi32>
      %add3A_217 = arith.addi %add3A_216, %iota3A : vector<16xi32>
      %lt3A = arith.constant 5120 : i32
      %lt3A_218 = vector.broadcast %lt3A : i32 to vector<16xi32>
      %lt3A_219 = arith.cmpi slt, %shift_right_arithmetic3A_213, %lt3A_218 : vector<16xi32>
      %swap3A = arith.index_cast %scan3A_208 : i32 to index
      %swap3A_220 = tpu.vector_load %arg7[%swap3A] masked %lt3A_219 {strides = array<i32>} : memref<10016xi32, #tpu.memory_space<vmem>>, vector<16xi32>, vector<16xi1>
      tpu.vector_store %arg7[%swap3A], %add3A_217 masked %lt3A_219 {strides = array<i32>} : memref<10016xi32, #tpu.memory_space<vmem>>, vector<16xi32>, vector<16xi1>
      %all_reduce_population_count3A = tpu.all_reduce %lt3A_219 {dim = 0 : i64, kind = #tpu.reduction_kind<sum>} : vector<16xi1> -> vector<16xi32>
      %reduce_max3A = arith.constant true
      %reduce_max3A_221 = vector.broadcast %reduce_max3A : i1 to vector<16xi1>
      %reduce_max3A_222 = arith.constant -2147483648 : i32
      %reduce_max3A_223 = vector.broadcast %reduce_max3A_222 : i32 to vector<16xi32>
      %reduce_max3A_224 = arith.xori %all_reduce_population_count3A, %reduce_max3A_223 : vector<16xi32>
      %reduce_max3A_225 = tpu.scan <max>, %reduce_max3A_224 masked %reduce_max3A_221 : vector<16xi32>, vector<16xi1> -> vector<16xi32>
      %reduce_max3A_226 = arith.xori %reduce_max3A_225, %reduce_max3A_223 : vector<16xi32>
      %reduce_max3A_227 = vector.extract %reduce_max3A_226[15] : i32 from vector<16xi32>
      %add3A_228 = arith.addi %scan3A_208, %reduce_max3A_227 : i32
      scf.yield %add3A_228 : i32
    }
    %scan3A_10 = arith.constant 625 : i32
    %scan3A_11 = arith.constant 0 : i32
    %scan3A_12 = arith.constant 625 : i32
    %scan3A_13 = arith.addi %scan3A_11, %scan3A_12 : i32
    %scan3A_14 = arith.constant 1 : i32
    %scan3A_15 = scf.for %scan3A_207 = %scan3A_11 to %scan3A_13 step %scan3A_14 iter_args(%scan3A_208 = %scan3A_9) -> (i32)  : i32 {
      %mul3A_209 = arith.constant 16 : i32
      %mul3A_210 = arith.muli %scan3A_207, %mul3A_209 : i32
      %get3A = arith.index_cast %mul3A_210 : i32 to index
      %get3A_211 = tpu.vector_load %arg6[%get3A] {strides = array<i32>} : memref<10000xi32, #tpu.memory_space<vmem>>, vector<16xi32>,
      %shift_right_arithmetic3A = arith.constant 16 : i32
      %shift_right_arithmetic3A_212 = vector.broadcast %shift_right_arithmetic3A : i32 to vector<16xi32>
      %shift_right_arithmetic3A_213 = arith.shrsi %get3A_211, %shift_right_arithmetic3A_212 : vector<16xi32>
      %mul3A_214 = arith.constant 16 : i32
      %mul3A_215 = arith.muli %scan3A_207, %mul3A_214 : i32
      %iota3A = tpu.iota {dimensions = array<i32: 0>} : vector<16xi32>
      %add3A_216 = vector.broadcast %mul3A_215 : i32 to vector<16xi32>
      %add3A_217 = arith.addi %add3A_216, %iota3A : vector<16xi32>
      %ge3A = arith.constant 5120 : i32
      %ge3A_218 = vector.broadcast %ge3A : i32 to vector<16xi32>
      %ge3A_219 = arith.cmpi sge, %shift_right_arithmetic3A_213, %ge3A_218 : vector<16xi32>
      %swap3A = arith.index_cast %scan3A_208 : i32 to index
      %swap3A_220 = tpu.vector_load %arg7[%swap3A] masked %ge3A_219 {strides = array<i32>} : memref<10016xi32, #tpu.memory_space<vmem>>, vector<16xi32>, vector<16xi1>
      tpu.vector_store %arg7[%swap3A], %add3A_217 masked %ge3A_219 {strides = array<i32>} : memref<10016xi32, #tpu.memory_space<vmem>>, vector<16xi32>, vector<16xi1>
      %all_reduce_population_count3A = tpu.all_reduce %ge3A_219 {dim = 0 : i64, kind = #tpu.reduction_kind<sum>} : vector<16xi1> -> vector<16xi32>
      %reduce_max3A = arith.constant true
      %reduce_max3A_221 = vector.broadcast %reduce_max3A : i1 to vector<16xi1>
      %reduce_max3A_222 = arith.constant -2147483648 : i32
      %reduce_max3A_223 = vector.broadcast %reduce_max3A_222 : i32 to vector<16xi32>
      %reduce_max3A_224 = arith.xori %all_reduce_population_count3A, %reduce_max3A_223 : vector<16xi32>
      %reduce_max3A_225 = tpu.scan <max>, %reduce_max3A_224 masked %reduce_max3A_221 : vector<16xi32>, vector<16xi1> -> vector<16xi32>
      %reduce_max3A_226 = arith.xori %reduce_max3A_225, %reduce_max3A_223 : vector<16xi32>
      %reduce_max3A_227 = vector.extract %reduce_max3A_226[15] : i32 from vector<16xi32>
      %add3A_228 = arith.addi %scan3A_208, %reduce_max3A_227 : i32
      scf.yield %add3A_228 : i32
    }
    %scan3A_16 = arith.constant 625 : i32
    %add3A = arith.constant 80 : i32
    %add3A_17 = arith.addi %scan3A_9, %add3A : i32
    %sub3A = arith.constant 1 : i32
    %sub3A_18 = arith.subi %add3A_17, %sub3A : i32
    %jit3A = arith.constant 80 : i32
    %div3A = arith.divsi %sub3A_18, %jit3A : i32
    %sign3A = arith.constant 0 : i32
    %sign3A_19 = arith.cmpi sgt, %sub3A_18, %sign3A : i32
    %sign3A_20 = arith.extui %sign3A_19 : i1 to i32
    %sign3A_21 = arith.constant 0 : i32
    %sign3A_22 = arith.cmpi slt, %sub3A_18, %sign3A_21 : i32
    %sign3A_23 = arith.extui %sign3A_22 : i1 to i32
    %sign3A_24 = arith.subi %sign3A_20, %sign3A_23 : i32
    %sign3A_25 = arith.constant 0 : i32
    %sign3A_26 = arith.cmpi sgt, %jit3A, %sign3A_25 : i32
    %sign3A_27 = arith.extui %sign3A_26 : i1 to i32
    %sign3A_28 = arith.constant 0 : i32
    %sign3A_29 = arith.cmpi slt, %jit3A, %sign3A_28 : i32
    %sign3A_30 = arith.extui %sign3A_29 : i1 to i32
    %sign3A_31 = arith.subi %sign3A_27, %sign3A_30 : i32
    %ne3A = arith.cmpi ne, %sign3A_24, %sign3A_31 : i32
    %rem3A = arith.remsi %sub3A_18, %jit3A : i32
    %ne3A_32 = arith.constant 0 : i32
    %ne3A_33 = arith.cmpi ne, %rem3A, %ne3A_32 : i32
    %and3A = arith.andi %ne3A, %ne3A_33 : i1
    %sub3A_34 = arith.constant 1 : i32
    %sub3A_35 = arith.subi %div3A, %sub3A_34 : i32
    %select_n3A = arith.select %and3A, %sub3A_35, %div3A : i32
    %scan3A_36 = arith.constant 0 : i32
    %scan3A_37 = arith.constant 0 : i32
    %scan3A_38 = arith.constant 640 : i32
    %scan3A_39 = arith.addi %scan3A_37, %scan3A_38 : i32
    %scan3A_40 = arith.constant 1 : i32
    scf.for %scan3A_207 = %scan3A_37 to %scan3A_39 step %scan3A_40  : i32 {
      %jit3A_208 = arith.constant 8 : i32
      %div3A_209 = arith.divsi %scan3A_207, %jit3A_208 : i32
      %sign3A_210 = arith.constant 0 : i32
      %sign3A_211 = arith.cmpi sgt, %scan3A_207, %sign3A_210 : i32
      %sign3A_212 = arith.extui %sign3A_211 : i1 to i32
      %sign3A_213 = arith.constant 0 : i32
      %sign3A_214 = arith.cmpi slt, %scan3A_207, %sign3A_213 : i32
      %sign3A_215 = arith.extui %sign3A_214 : i1 to i32
      %sign3A_216 = arith.subi %sign3A_212, %sign3A_215 : i32
      %sign3A_217 = arith.constant 0 : i32
      %sign3A_218 = arith.cmpi sgt, %jit3A_208, %sign3A_217 : i32
      %sign3A_219 = arith.extui %sign3A_218 : i1 to i32
      %sign3A_220 = arith.constant 0 : i32
      %sign3A_221 = arith.cmpi slt, %jit3A_208, %sign3A_220 : i32
      %sign3A_222 = arith.extui %sign3A_221 : i1 to i32
      %sign3A_223 = arith.subi %sign3A_219, %sign3A_222 : i32
      %ne3A_224 = arith.cmpi ne, %sign3A_216, %sign3A_223 : i32
      %rem3A_225 = arith.remsi %scan3A_207, %jit3A_208 : i32
      %ne3A_226 = arith.constant 0 : i32
      %ne3A_227 = arith.cmpi ne, %rem3A_225, %ne3A_226 : i32
      %and3A_228 = arith.andi %ne3A_224, %ne3A_227 : i1
      %sub3A_229 = arith.constant 1 : i32
      %sub3A_230 = arith.subi %div3A_209, %sub3A_229 : i32
      %select_n3A_231 = arith.select %and3A_228, %sub3A_230, %div3A_209 : i32
      %jit3A_232 = arith.constant 8 : i32
      %eq3A_233 = arith.constant 0 : i32
      %eq3A_234 = arith.cmpi eq, %jit3A_232, %eq3A_233 : i32
      %jit3A_235 = arith.constant 1 : i32
      %select_n3A_236 = arith.select %eq3A_234, %jit3A_235, %jit3A_232 : i32
      %rem3A_237 = arith.remsi %scan3A_207, %select_n3A_236 : i32
      %ne3A_238 = arith.constant 0 : i32
      %ne3A_239 = arith.cmpi ne, %rem3A_237, %ne3A_238 : i32
      %lt3A = arith.constant 0 : i32
      %lt3A_240 = arith.cmpi slt, %rem3A_237, %lt3A : i32
      %lt3A_241 = arith.constant 0 : i32
      %lt3A_242 = arith.cmpi slt, %select_n3A_236, %lt3A_241 : i32
      %ne3A_243 = arith.xori %lt3A_240, %lt3A_242 : i1
      %and3A_244 = arith.andi %ne3A_243, %ne3A_239 : i1
      %add3A_245 = arith.addi %rem3A_237, %select_n3A_236 : i32
      %select_n3A_246 = arith.select %and3A_244, %add3A_245, %rem3A_237 : i32
      %mul3A_247 = arith.constant 16 : i32
      %mul3A_248 = arith.muli %select_n3A_246, %mul3A_247 : i32
      %broadcast_in_dim3A = arith.constant 0.000000e+00 : f32
      %broadcast_in_dim3A_249 = vector.broadcast %broadcast_in_dim3A : f32 to vector<16xf32>
      %swap3A = arith.index_cast %select_n3A_231 : i32 to index
      %swap3A_250 = arith.index_cast %mul3A_248 : i32 to index
      %swap3A_251 = tpu.vector_load %arg18[%swap3A, %swap3A_250] {strides = array<i32>} : memref<80x128xf32, #tpu.memory_space<vmem>>, vector<16xf32>,
      tpu.vector_store %arg18[%swap3A, %swap3A_250], %broadcast_in_dim3A_249 {strides = array<i32>} : memref<80x128xf32, #tpu.memory_space<vmem>>, vector<16xf32>,
    }
    %scan3A_41 = arith.constant 640 : i32
    %add3A_42 = arith.constant 0 : i32
    %add3A_43 = arith.addi %mul3A_2, %add3A_42 : i32
    "tpu.region"() ({
      %run_scoped3A = tpu.sem_alloc : memref<!tpu.dma_semaphore, #tpu.memory_space<semaphore_mem>>
      %dma_start3A = arith.constant 0 : i32
      %dma_start3A_207 = tpu.memref_slice %arg19[%add3A_43, %dma_start3A] : memref<5128x128xf32, #tpu.memory_space<vmem_shared>> -> memref<80x128xf32, #tpu.memory_space<vmem_shared>>
      %dma_start3A_208 = arith.constant 0 : i32
      %dma_start3A_209 = tpu.memref_slice %arg19[%add3A_43, %dma_start3A_208] : memref<5128x128xf32, #tpu.memory_space<vmem_shared>> -> memref<80x128xf32, #tpu.memory_space<vmem_shared>>
      tpu.enqueue_dma source(%arg18 : memref<80x128xf32, #tpu.memory_space<vmem>>) target(%dma_start3A_209 : memref<80x128xf32, #tpu.memory_space<vmem_shared>>) target_semaphore(%run_scoped3A : memref<!tpu.dma_semaphore, #tpu.memory_space<semaphore_mem>>)
      %dma_wait3A = arith.constant 0 : i32
      %dma_wait3A_210 = tpu.memref_slice %arg19[%add3A_43, %dma_wait3A] : memref<5128x128xf32, #tpu.memory_space<vmem_shared>> -> memref<80x128xf32, #tpu.memory_space<vmem_shared>>
      %dma_wait3A_211 = arith.constant 0 : i32
      %dma_wait3A_212 = tpu.memref_slice %arg19[%add3A_43, %dma_wait3A_211] : memref<5128x128xf32, #tpu.memory_space<vmem_shared>> -> memref<80x128xf32, #tpu.memory_space<vmem_shared>>
      tpu.wait_dma2 semaphore(%run_scoped3A : memref<!tpu.dma_semaphore, #tpu.memory_space<semaphore_mem>>) src(%arg18 : memref<80x128xf32, #tpu.memory_space<vmem>>) dst(%dma_wait3A_212 : memref<80x128xf32, #tpu.memory_space<vmem_shared>>)
      tpu.yield
    }) : () -> ()
    %add3A_44 = arith.constant 80 : i32
    %add3A_45 = arith.addi %mul3A_2, %add3A_44 : i32
    "tpu.region"() ({
      %run_scoped3A = tpu.sem_alloc : memref<!tpu.dma_semaphore, #tpu.memory_space<semaphore_mem>>
      %dma_start3A = arith.constant 0 : i32
      %dma_start3A_207 = tpu.memref_slice %arg19[%add3A_45, %dma_start3A] : memref<5128x128xf32, #tpu.memory_space<vmem_shared>> -> memref<80x128xf32, #tpu.memory_space<vmem_shared>>
      %dma_start3A_208 = arith.constant 0 : i32
      %dma_start3A_209 = tpu.memref_slice %arg19[%add3A_45, %dma_start3A_208] : memref<5128x128xf32, #tpu.memory_space<vmem_shared>> -> memref<80x128xf32, #tpu.memory_space<vmem_shared>>
      tpu.enqueue_dma source(%arg18 : memref<80x128xf32, #tpu.memory_space<vmem>>) target(%dma_start3A_209 : memref<80x128xf32, #tpu.memory_space<vmem_shared>>) target_semaphore(%run_scoped3A : memref<!tpu.dma_semaphore, #tpu.memory_space<semaphore_mem>>)
      %dma_wait3A = arith.constant 0 : i32
      %dma_wait3A_210 = tpu.memref_slice %arg19[%add3A_45, %dma_wait3A] : memref<5128x128xf32, #tpu.memory_space<vmem_shared>> -> memref<80x128xf32, #tpu.memory_space<vmem_shared>>
      %dma_wait3A_211 = arith.constant 0 : i32
      %dma_wait3A_212 = tpu.memref_slice %arg19[%add3A_45, %dma_wait3A_211] : memref<5128x128xf32, #tpu.memory_space<vmem_shared>> -> memref<80x128xf32, #tpu.memory_space<vmem_shared>>
      tpu.wait_dma2 semaphore(%run_scoped3A : memref<!tpu.dma_semaphore, #tpu.memory_space<semaphore_mem>>) src(%arg18 : memref<80x128xf32, #tpu.memory_space<vmem>>) dst(%dma_wait3A_212 : memref<80x128xf32, #tpu.memory_space<vmem_shared>>)
      tpu.yield
    }) : () -> ()
    %add3A_46 = arith.constant 160 : i32
    %add3A_47 = arith.addi %mul3A_2, %add3A_46 : i32
    "tpu.region"() ({
      %run_scoped3A = tpu.sem_alloc : memref<!tpu.dma_semaphore, #tpu.memory_space<semaphore_mem>>
      %dma_start3A = arith.constant 0 : i32
      %dma_start3A_207 = tpu.memref_slice %arg19[%add3A_47, %dma_start3A] : memref<5128x128xf32, #tpu.memory_space<vmem_shared>> -> memref<80x128xf32, #tpu.memory_space<vmem_shared>>
      %dma_start3A_208 = arith.constant 0 : i32
      %dma_start3A_209 = tpu.memref_slice %arg19[%add3A_47, %dma_start3A_208] : memref<5128x128xf32, #tpu.memory_space<vmem_shared>> -> memref<80x128xf32, #tpu.memory_space<vmem_shared>>
      tpu.enqueue_dma source(%arg18 : memref<80x128xf32, #tpu.memory_space<vmem>>) target(%dma_start3A_209 : memref<80x128xf32, #tpu.memory_space<vmem_shared>>) target_semaphore(%run_scoped3A : memref<!tpu.dma_semaphore, #tpu.memory_space<semaphore_mem>>)
      %dma_wait3A = arith.constant 0 : i32
      %dma_wait3A_210 = tpu.memref_slice %arg19[%add3A_47, %dma_wait3A] : memref<5128x128xf32, #tpu.memory_space<vmem_shared>> -> memref<80x128xf32, #tpu.memory_space<vmem_shared>>
      %dma_wait3A_211 = arith.constant 0 : i32
      %dma_wait3A_212 = tpu.memref_slice %arg19[%add3A_47, %dma_wait3A_211] : memref<5128x128xf32, #tpu.memory_space<vmem_shared>> -> memref<80x128xf32, #tpu.memory_space<vmem_shared>>
      tpu.wait_dma2 semaphore(%run_scoped3A : memref<!tpu.dma_semaphore, #tpu.memory_space<semaphore_mem>>) src(%arg18 : memref<80x128xf32, #tpu.memory_space<vmem>>) dst(%dma_wait3A_212 : memref<80x128xf32, #tpu.memory_space<vmem_shared>>)
      tpu.yield
    }) : () -> ()
    %add3A_48 = arith.constant 240 : i32
    %add3A_49 = arith.addi %mul3A_2, %add3A_48 : i32
    "tpu.region"() ({
      %run_scoped3A = tpu.sem_alloc : memref<!tpu.dma_semaphore, #tpu.memory_space<semaphore_mem>>
      %dma_start3A = arith.constant 0 : i32
      %dma_start3A_207 = tpu.memref_slice %arg19[%add3A_49, %dma_start3A] : memref<5128x128xf32, #tpu.memory_space<vmem_shared>> -> memref<80x128xf32, #tpu.memory_space<vmem_shared>>
      %dma_start3A_208 = arith.constant 0 : i32
      %dma_start3A_209 = tpu.memref_slice %arg19[%add3A_49, %dma_start3A_208] : memref<5128x128xf32, #tpu.memory_space<vmem_shared>> -> memref<80x128xf32, #tpu.memory_space<vmem_shared>>
      tpu.enqueue_dma source(%arg18 : memref<80x128xf32, #tpu.memory_space<vmem>>) target(%dma_start3A_209 : memref<80x128xf32, #tpu.memory_space<vmem_shared>>) target_semaphore(%run_scoped3A : memref<!tpu.dma_semaphore, #tpu.memory_space<semaphore_mem>>)
      %dma_wait3A = arith.constant 0 : i32
      %dma_wait3A_210 = tpu.memref_slice %arg19[%add3A_49, %dma_wait3A] : memref<5128x128xf32, #tpu.memory_space<vmem_shared>> -> memref<80x128xf32, #tpu.memory_space<vmem_shared>>
      %dma_wait3A_211 = arith.constant 0 : i32
      %dma_wait3A_212 = tpu.memref_slice %arg19[%add3A_49, %dma_wait3A_211] : memref<5128x128xf32, #tpu.memory_space<vmem_shared>> -> memref<80x128xf32, #tpu.memory_space<vmem_shared>>
      tpu.wait_dma2 semaphore(%run_scoped3A : memref<!tpu.dma_semaphore, #tpu.memory_space<semaphore_mem>>) src(%arg18 : memref<80x128xf32, #tpu.memory_space<vmem>>) dst(%dma_wait3A_212 : memref<80x128xf32, #tpu.memory_space<vmem_shared>>)
      tpu.yield
    }) : () -> ()
    %eq3A = arith.constant 0 : i32
    %eq3A_50 = arith.cmpi eq, %arg1, %eq3A : i32
    %convert_element_type3A = arith.extui %eq3A_50 : i1 to i32
    %cond3A = arith.constant 0 : i32
    %cond3A_51 = arith.cmpi ne, %convert_element_type3A, %cond3A : i32
    scf.if %cond3A_51 {
      "tpu.region"() ({
        %run_scoped3A = tpu.sem_alloc : memref<!tpu.dma_semaphore, #tpu.memory_space<semaphore_mem>>
        %dma_start3A = arith.constant 0 : i32
        %dma_start3A_207 = arith.constant 0 : i32
        %dma_start3A_208 = tpu.memref_slice %arg18[%dma_start3A, %dma_start3A_207] : memref<80x128xf32, #tpu.memory_space<vmem>> -> memref<8x128xf32, #tpu.memory_space<vmem>>
        %dma_start3A_209 = arith.constant 5120 : i32
        %dma_start3A_210 = arith.constant 0 : i32
        %dma_start3A_211 = tpu.memref_slice %arg19[%dma_start3A_209, %dma_start3A_210] : memref<5128x128xf32, #tpu.memory_space<vmem_shared>> -> memref<8x128xf32, #tpu.memory_space<vmem_shared>>
        %dma_start3A_212 = arith.constant 5120 : i32
        %dma_start3A_213 = arith.constant 0 : i32
        %dma_start3A_214 = tpu.memref_slice %arg19[%dma_start3A_212, %dma_start3A_213] : memref<5128x128xf32, #tpu.memory_space<vmem_shared>> -> memref<8x128xf32, #tpu.memory_space<vmem_shared>>
        %dma_start3A_215 = arith.constant 0 : i32
        %dma_start3A_216 = arith.constant 0 : i32
        %dma_start3A_217 = tpu.memref_slice %arg18[%dma_start3A_215, %dma_start3A_216] : memref<80x128xf32, #tpu.memory_space<vmem>> -> memref<8x128xf32, #tpu.memory_space<vmem>>
        tpu.enqueue_dma source(%dma_start3A_217 : memref<8x128xf32, #tpu.memory_space<vmem>>) target(%dma_start3A_214 : memref<8x128xf32, #tpu.memory_space<vmem_shared>>) target_semaphore(%run_scoped3A : memref<!tpu.dma_semaphore, #tpu.memory_space<semaphore_mem>>)
        %dma_wait3A = arith.constant 0 : i32
        %dma_wait3A_218 = arith.constant 0 : i32
        %dma_wait3A_219 = tpu.memref_slice %arg18[%dma_wait3A, %dma_wait3A_218] : memref<80x128xf32, #tpu.memory_space<vmem>> -> memref<8x128xf32, #tpu.memory_space<vmem>>
        %dma_wait3A_220 = arith.constant 5120 : i32
        %dma_wait3A_221 = arith.constant 0 : i32
        %dma_wait3A_222 = tpu.memref_slice %arg19[%dma_wait3A_220, %dma_wait3A_221] : memref<5128x128xf32, #tpu.memory_space<vmem_shared>> -> memref<8x128xf32, #tpu.memory_space<vmem_shared>>
        %dma_wait3A_223 = arith.constant 5120 : i32
        %dma_wait3A_224 = arith.constant 0 : i32
        %dma_wait3A_225 = tpu.memref_slice %arg19[%dma_wait3A_223, %dma_wait3A_224] : memref<5128x128xf32, #tpu.memory_space<vmem_shared>> -> memref<8x128xf32, #tpu.memory_space<vmem_shared>>
        %dma_wait3A_226 = arith.constant 0 : i32
        %dma_wait3A_227 = arith.constant 0 : i32
        %dma_wait3A_228 = tpu.memref_slice %arg18[%dma_wait3A_226, %dma_wait3A_227] : memref<80x128xf32, #tpu.memory_space<vmem>> -> memref<8x128xf32, #tpu.memory_space<vmem>>
        tpu.wait_dma2 semaphore(%run_scoped3A : memref<!tpu.dma_semaphore, #tpu.memory_space<semaphore_mem>>) src(%dma_wait3A_228 : memref<8x128xf32, #tpu.memory_space<vmem>>) dst(%dma_wait3A_225 : memref<8x128xf32, #tpu.memory_space<vmem_shared>>)
        tpu.yield
      }) : () -> ()
    } else {
    }
    %barrier3A = arith.constant 0 : index
    tpu.barrier barrier_id(%barrier3A)
    %gt3A = arith.constant 0 : i32
    %gt3A_52 = arith.cmpi sgt, %select_n3A, %gt3A : i32
    %convert_element_type3A_53 = arith.extui %gt3A_52 : i1 to i32
    %cond3A_54 = arith.constant 0 : i32
    %cond3A_55 = arith.cmpi ne, %convert_element_type3A_53, %cond3A_54 : i32
    scf.if %cond3A_55 {
      %sub3A_207 = arith.constant 1 : i32
      %sub3A_208 = arith.subi %scan3A_9, %sub3A_207 : i32
      %max3A = arith.constant 0 : i32
      %max3A_209 = arith.maxsi %sub3A_208, %max3A : i32
      %iota3A = tpu.iota {dimensions = array<i32: 0>} : vector<16xi32>
      %add3A_210 = arith.constant 0 : i32
      %add3A_211 = vector.broadcast %add3A_210 : i32 to vector<16xi32>
      %add3A_212 = arith.addi %add3A_211, %iota3A : vector<16xi32>
      %lt3A = vector.broadcast %scan3A_9 : i32 to vector<16xi32>
      %lt3A_213 = arith.cmpi slt, %add3A_212, %lt3A : vector<16xi32>
      %min3A = vector.broadcast %max3A_209 : i32 to vector<16xi32>
      %min3A_214 = arith.minsi %add3A_212, %min3A : vector<16xi32>
      %add3A_215 = arith.constant 0 : i32
      %add3A_216 = vector.broadcast %add3A_215 : i32 to vector<16xi32>
      %add3A_217 = arith.addi %min3A_214, %add3A_216 : vector<16xi32>
      %min3A_218 = arith.constant 9999 : i32
      %min3A_219 = vector.broadcast %min3A_218 : i32 to vector<16xi32>
      %min3A_220 = arith.minsi %add3A_217, %min3A_219 : vector<16xi32>
      %gather3A = tpu.vector_load_idx %arg7[%min3A_220] : memref<10016xi32, #tpu.memory_space<vmem>>[vector<16xi32>], vector<16xi32>,
      %gather3A_221 = tpu.vector_load_idx %arg6[%gather3A] : memref<10000xi32, #tpu.memory_space<vmem>>[vector<16xi32>], vector<16xi32>,
      %and3A_222 = arith.constant 65535 : i32
      %and3A_223 = vector.broadcast %and3A_222 : i32 to vector<16xi32>
      %and3A_224 = arith.andi %gather3A_221, %and3A_223 : vector<16xi32>
      %swap3A = arith.constant 0 : index
      %swap3A_225 = tpu.vector_load %arg8[%swap3A] {strides = array<i32>} : memref<80xi32, #tpu.memory_space<vmem>>, vector<16xi32>,
      tpu.vector_store %arg8[%swap3A], %and3A_224 {strides = array<i32>} : memref<80xi32, #tpu.memory_space<vmem>>, vector<16xi32>,
      %add3A_226 = vector.broadcast %mul3A_0 : i32 to vector<16xi32>
      %add3A_227 = arith.addi %add3A_226, %gather3A : vector<16xi32>
      %swap3A_228 = arith.constant 0 : index
      %swap3A_229 = tpu.vector_load %arg10[%swap3A_228] {strides = array<i32>} : memref<80xi32, #tpu.memory_space<vmem>>, vector<16xi32>,
      tpu.vector_store %arg10[%swap3A_228], %add3A_227 {strides = array<i32>} : memref<80xi32, #tpu.memory_space<vmem>>, vector<16xi32>,
      %shift_right_arithmetic3A = arith.constant 16 : i32
      %shift_right_arithmetic3A_230 = vector.broadcast %shift_right_arithmetic3A : i32 to vector<16xi32>
      %shift_right_arithmetic3A_231 = arith.shrsi %gather3A_221, %shift_right_arithmetic3A_230 : vector<16xi32>
      %sub3A_232 = arith.constant 0 : i32
      %sub3A_233 = vector.broadcast %sub3A_232 : i32 to vector<16xi32>
      %sub3A_234 = arith.subi %shift_right_arithmetic3A_231, %sub3A_233 : vector<16xi32>
      %jit3A_235 = arith.constant 5120 : i32
      %broadcast_in_dim3A = vector.broadcast %jit3A_235 : i32 to vector<16xi32>
      %select_n3A_236 = arith.select %lt3A_213, %sub3A_234, %broadcast_in_dim3A : vector<16xi1>, vector<16xi32>
      %swap3A_237 = arith.constant 0 : index
      %swap3A_238 = tpu.vector_load %arg12[%swap3A_237] {strides = array<i32>} : memref<80xi32, #tpu.memory_space<vmem>>, vector<16xi32>,
      tpu.vector_store %arg12[%swap3A_237], %select_n3A_236 {strides = array<i32>} : memref<80xi32, #tpu.memory_space<vmem>>, vector<16xi32>,
      %iota3A_239 = tpu.iota {dimensions = array<i32: 0>} : vector<16xi32>
      %add3A_240 = arith.constant 16 : i32
      %add3A_241 = vector.broadcast %add3A_240 : i32 to vector<16xi32>
      %add3A_242 = arith.addi %add3A_241, %iota3A_239 : vector<16xi32>
      %lt3A_243 = vector.broadcast %scan3A_9 : i32 to vector<16xi32>
      %lt3A_244 = arith.cmpi slt, %add3A_242, %lt3A_243 : vector<16xi32>
      %min3A_245 = vector.broadcast %max3A_209 : i32 to vector<16xi32>
      %min3A_246 = arith.minsi %add3A_242, %min3A_245 : vector<16xi32>
      %add3A_247 = arith.constant 0 : i32
      %add3A_248 = vector.broadcast %add3A_247 : i32 to vector<16xi32>
      %add3A_249 = arith.addi %min3A_246, %add3A_248 : vector<16xi32>
      %min3A_250 = arith.constant 9999 : i32
      %min3A_251 = vector.broadcast %min3A_250 : i32 to vector<16xi32>
      %min3A_252 = arith.minsi %add3A_249, %min3A_251 : vector<16xi32>
      %gather3A_253 = tpu.vector_load_idx %arg7[%min3A_252] : memref<10016xi32, #tpu.memory_space<vmem>>[vector<16xi32>], vector<16xi32>,
      %gather3A_254 = tpu.vector_load_idx %arg6[%gather3A_253] : memref<10000xi32, #tpu.memory_space<vmem>>[vector<16xi32>], vector<16xi32>,
      %and3A_255 = arith.constant 65535 : i32
      %and3A_256 = vector.broadcast %and3A_255 : i32 to vector<16xi32>
      %and3A_257 = arith.andi %gather3A_254, %and3A_256 : vector<16xi32>
      %swap3A_258 = arith.constant 16 : index
      %swap3A_259 = tpu.vector_load %arg8[%swap3A_258] {strides = array<i32>} : memref<80xi32, #tpu.memory_space<vmem>>, vector<16xi32>,
      tpu.vector_store %arg8[%swap3A_258], %and3A_257 {strides = array<i32>} : memref<80xi32, #tpu.memory_space<vmem>>, vector<16xi32>,
      %add3A_260 = vector.broadcast %mul3A_0 : i32 to vector<16xi32>
      %add3A_261 = arith.addi %add3A_260, %gather3A_253 : vector<16xi32>
      %swap3A_262 = arith.constant 16 : index
      %swap3A_263 = tpu.vector_load %arg10[%swap3A_262] {strides = array<i32>} : memref<80xi32, #tpu.memory_space<vmem>>, vector<16xi32>,
      tpu.vector_store %arg10[%swap3A_262], %add3A_261 {strides = array<i32>} : memref<80xi32, #tpu.memory_space<vmem>>, vector<16xi32>,
      %shift_right_arithmetic3A_264 = arith.constant 16 : i32
      %shift_right_arithmetic3A_265 = vector.broadcast %shift_right_arithmetic3A_264 : i32 to vector<16xi32>
      %shift_right_arithmetic3A_266 = arith.shrsi %gather3A_254, %shift_right_arithmetic3A_265 : vector<16xi32>
      %sub3A_267 = arith.constant 0 : i32
      %sub3A_268 = vector.broadcast %sub3A_267 : i32 to vector<16xi32>
      %sub3A_269 = arith.subi %shift_right_arithmetic3A_266, %sub3A_268 : vector<16xi32>
      %jit3A_270 = arith.constant 5120 : i32
      %broadcast_in_dim3A_271 = vector.broadcast %jit3A_270 : i32 to vector<16xi32>
      %select_n3A_272 = arith.select %lt3A_244, %sub3A_269, %broadcast_in_dim3A_271 : vector<16xi1>, vector<16xi32>
      %swap3A_273 = arith.constant 16 : index
      %swap3A_274 = tpu.vector_load %arg12[%swap3A_273] {strides = array<i32>} : memref<80xi32, #tpu.memory_space<vmem>>, vector<16xi32>,
      tpu.vector_store %arg12[%swap3A_273], %select_n3A_272 {strides = array<i32>} : memref<80xi32, #tpu.memory_space<vmem>>, vector<16xi32>,
      %iota3A_275 = tpu.iota {dimensions = array<i32: 0>} : vector<16xi32>
      %add3A_276 = arith.constant 32 : i32
      %add3A_277 = vector.broadcast %add3A_276 : i32 to vector<16xi32>
      %add3A_278 = arith.addi %add3A_277, %iota3A_275 : vector<16xi32>
      %lt3A_279 = vector.broadcast %scan3A_9 : i32 to vector<16xi32>
      %lt3A_280 = arith.cmpi slt, %add3A_278, %lt3A_279 : vector<16xi32>
      %min3A_281 = vector.broadcast %max3A_209 : i32 to vector<16xi32>
      %min3A_282 = arith.minsi %add3A_278, %min3A_281 : vector<16xi32>
      %add3A_283 = arith.constant 0 : i32
      %add3A_284 = vector.broadcast %add3A_283 : i32 to vector<16xi32>
      %add3A_285 = arith.addi %min3A_282, %add3A_284 : vector<16xi32>
      %min3A_286 = arith.constant 9999 : i32
      %min3A_287 = vector.broadcast %min3A_286 : i32 to vector<16xi32>
      %min3A_288 = arith.minsi %add3A_285, %min3A_287 : vector<16xi32>
      %gather3A_289 = tpu.vector_load_idx %arg7[%min3A_288] : memref<10016xi32, #tpu.memory_space<vmem>>[vector<16xi32>], vector<16xi32>,
      %gather3A_290 = tpu.vector_load_idx %arg6[%gather3A_289] : memref<10000xi32, #tpu.memory_space<vmem>>[vector<16xi32>], vector<16xi32>,
      %and3A_291 = arith.constant 65535 : i32
      %and3A_292 = vector.broadcast %and3A_291 : i32 to vector<16xi32>
      %and3A_293 = arith.andi %gather3A_290, %and3A_292 : vector<16xi32>
      %swap3A_294 = arith.constant 32 : index
      %swap3A_295 = tpu.vector_load %arg8[%swap3A_294] {strides = array<i32>} : memref<80xi32, #tpu.memory_space<vmem>>, vector<16xi32>,
      tpu.vector_store %arg8[%swap3A_294], %and3A_293 {strides = array<i32>} : memref<80xi32, #tpu.memory_space<vmem>>, vector<16xi32>,
      %add3A_296 = vector.broadcast %mul3A_0 : i32 to vector<16xi32>
      %add3A_297 = arith.addi %add3A_296, %gather3A_289 : vector<16xi32>
      %swap3A_298 = arith.constant 32 : index
      %swap3A_299 = tpu.vector_load %arg10[%swap3A_298] {strides = array<i32>} : memref<80xi32, #tpu.memory_space<vmem>>, vector<16xi32>,
      tpu.vector_store %arg10[%swap3A_298], %add3A_297 {strides = array<i32>} : memref<80xi32, #tpu.memory_space<vmem>>, vector<16xi32>,
      %shift_right_arithmetic3A_300 = arith.constant 16 : i32
      %shift_right_arithmetic3A_301 = vector.broadcast %shift_right_arithmetic3A_300 : i32 to vector<16xi32>
      %shift_right_arithmetic3A_302 = arith.shrsi %gather3A_290, %shift_right_arithmetic3A_301 : vector<16xi32>
      %sub3A_303 = arith.constant 0 : i32
      %sub3A_304 = vector.broadcast %sub3A_303 : i32 to vector<16xi32>
      %sub3A_305 = arith.subi %shift_right_arithmetic3A_302, %sub3A_304 : vector<16xi32>
      %jit3A_306 = arith.constant 5120 : i32
      %broadcast_in_dim3A_307 = vector.broadcast %jit3A_306 : i32 to vector<16xi32>
      %select_n3A_308 = arith.select %lt3A_280, %sub3A_305, %broadcast_in_dim3A_307 : vector<16xi1>, vector<16xi32>
      %swap3A_309 = arith.constant 32 : index
      %swap3A_310 = tpu.vector_load %arg12[%swap3A_309] {strides = array<i32>} : memref<80xi32, #tpu.memory_space<vmem>>, vector<16xi32>,
      tpu.vector_store %arg12[%swap3A_309], %select_n3A_308 {strides = array<i32>} : memref<80xi32, #tpu.memory_space<vmem>>, vector<16xi32>,
      %iota3A_311 = tpu.iota {dimensions = array<i32: 0>} : vector<16xi32>
      %add3A_312 = arith.constant 48 : i32
      %add3A_313 = vector.broadcast %add3A_312 : i32 to vector<16xi32>
      %add3A_314 = arith.addi %add3A_313, %iota3A_311 : vector<16xi32>
      %lt3A_315 = vector.broadcast %scan3A_9 : i32 to vector<16xi32>
      %lt3A_316 = arith.cmpi slt, %add3A_314, %lt3A_315 : vector<16xi32>
      %min3A_317 = vector.broadcast %max3A_209 : i32 to vector<16xi32>
      %min3A_318 = arith.minsi %add3A_314, %min3A_317 : vector<16xi32>
      %add3A_319 = arith.constant 0 : i32
      %add3A_320 = vector.broadcast %add3A_319 : i32 to vector<16xi32>
      %add3A_321 = arith.addi %min3A_318, %add3A_320 : vector<16xi32>
      %min3A_322 = arith.constant 9999 : i32
      %min3A_323 = vector.broadcast %min3A_322 : i32 to vector<16xi32>
      %min3A_324 = arith.minsi %add3A_321, %min3A_323 : vector<16xi32>
      %gather3A_325 = tpu.vector_load_idx %arg7[%min3A_324] : memref<10016xi32, #tpu.memory_space<vmem>>[vector<16xi32>], vector<16xi32>,
      %gather3A_326 = tpu.vector_load_idx %arg6[%gather3A_325] : memref<10000xi32, #tpu.memory_space<vmem>>[vector<16xi32>], vector<16xi32>,
      %and3A_327 = arith.constant 65535 : i32
      %and3A_328 = vector.broadcast %and3A_327 : i32 to vector<16xi32>
      %and3A_329 = arith.andi %gather3A_326, %and3A_328 : vector<16xi32>
      %swap3A_330 = arith.constant 48 : index
      %swap3A_331 = tpu.vector_load %arg8[%swap3A_330] {strides = array<i32>} : memref<80xi32, #tpu.memory_space<vmem>>, vector<16xi32>,
      tpu.vector_store %arg8[%swap3A_330], %and3A_329 {strides = array<i32>} : memref<80xi32, #tpu.memory_space<vmem>>, vector<16xi32>,
      %add3A_332 = vector.broadcast %mul3A_0 : i32 to vector<16xi32>
      %add3A_333 = arith.addi %add3A_332, %gather3A_325 : vector<16xi32>
      %swap3A_334 = arith.constant 48 : index
      %swap3A_335 = tpu.vector_load %arg10[%swap3A_334] {strides = array<i32>} : memref<80xi32, #tpu.memory_space<vmem>>, vector<16xi32>,
      tpu.vector_store %arg10[%swap3A_334], %add3A_333 {strides = array<i32>} : memref<80xi32, #tpu.memory_space<vmem>>, vector<16xi32>,
      %shift_right_arithmetic3A_336 = arith.constant 16 : i32
      %shift_right_arithmetic3A_337 = vector.broadcast %shift_right_arithmetic3A_336 : i32 to vector<16xi32>
      %shift_right_arithmetic3A_338 = arith.shrsi %gather3A_326, %shift_right_arithmetic3A_337 : vector<16xi32>
      %sub3A_339 = arith.constant 0 : i32
      %sub3A_340 = vector.broadcast %sub3A_339 : i32 to vector<16xi32>
      %sub3A_341 = arith.subi %shift_right_arithmetic3A_338, %sub3A_340 : vector<16xi32>
      %jit3A_342 = arith.constant 5120 : i32
      %broadcast_in_dim3A_343 = vector.broadcast %jit3A_342 : i32 to vector<16xi32>
      %select_n3A_344 = arith.select %lt3A_316, %sub3A_341, %broadcast_in_dim3A_343 : vector<16xi1>, vector<16xi32>
      %swap3A_345 = arith.constant 48 : index
      %swap3A_346 = tpu.vector_load %arg12[%swap3A_345] {strides = array<i32>} : memref<80xi32, #tpu.memory_space<vmem>>, vector<16xi32>,
      tpu.vector_store %arg12[%swap3A_345], %select_n3A_344 {strides = array<i32>} : memref<80xi32, #tpu.memory_space<vmem>>, vector<16xi32>,
      %iota3A_347 = tpu.iota {dimensions = array<i32: 0>} : vector<16xi32>
      %add3A_348 = arith.constant 64 : i32
      %add3A_349 = vector.broadcast %add3A_348 : i32 to vector<16xi32>
      %add3A_350 = arith.addi %add3A_349, %iota3A_347 : vector<16xi32>
      %lt3A_351 = vector.broadcast %scan3A_9 : i32 to vector<16xi32>
      %lt3A_352 = arith.cmpi slt, %add3A_350, %lt3A_351 : vector<16xi32>
      %min3A_353 = vector.broadcast %max3A_209 : i32 to vector<16xi32>
      %min3A_354 = arith.minsi %add3A_350, %min3A_353 : vector<16xi32>
      %add3A_355 = arith.constant 0 : i32
      %add3A_356 = vector.broadcast %add3A_355 : i32 to vector<16xi32>
      %add3A_357 = arith.addi %min3A_354, %add3A_356 : vector<16xi32>
      %min3A_358 = arith.constant 9999 : i32
      %min3A_359 = vector.broadcast %min3A_358 : i32 to vector<16xi32>
      %min3A_360 = arith.minsi %add3A_357, %min3A_359 : vector<16xi32>
      %gather3A_361 = tpu.vector_load_idx %arg7[%min3A_360] : memref<10016xi32, #tpu.memory_space<vmem>>[vector<16xi32>], vector<16xi32>,
      %gather3A_362 = tpu.vector_load_idx %arg6[%gather3A_361] : memref<10000xi32, #tpu.memory_space<vmem>>[vector<16xi32>], vector<16xi32>,
      %and3A_363 = arith.constant 65535 : i32
      %and3A_364 = vector.broadcast %and3A_363 : i32 to vector<16xi32>
      %and3A_365 = arith.andi %gather3A_362, %and3A_364 : vector<16xi32>
      %swap3A_366 = arith.constant 64 : index
      %swap3A_367 = tpu.vector_load %arg8[%swap3A_366] {strides = array<i32>} : memref<80xi32, #tpu.memory_space<vmem>>, vector<16xi32>,
      tpu.vector_store %arg8[%swap3A_366], %and3A_365 {strides = array<i32>} : memref<80xi32, #tpu.memory_space<vmem>>, vector<16xi32>,
      %add3A_368 = vector.broadcast %mul3A_0 : i32 to vector<16xi32>
      %add3A_369 = arith.addi %add3A_368, %gather3A_361 : vector<16xi32>
      %swap3A_370 = arith.constant 64 : index
      %swap3A_371 = tpu.vector_load %arg10[%swap3A_370] {strides = array<i32>} : memref<80xi32, #tpu.memory_space<vmem>>, vector<16xi32>,
      tpu.vector_store %arg10[%swap3A_370], %add3A_369 {strides = array<i32>} : memref<80xi32, #tpu.memory_space<vmem>>, vector<16xi32>,
      %shift_right_arithmetic3A_372 = arith.constant 16 : i32
      %shift_right_arithmetic3A_373 = vector.broadcast %shift_right_arithmetic3A_372 : i32 to vector<16xi32>
      %shift_right_arithmetic3A_374 = arith.shrsi %gather3A_362, %shift_right_arithmetic3A_373 : vector<16xi32>
      %sub3A_375 = arith.constant 0 : i32
      %sub3A_376 = vector.broadcast %sub3A_375 : i32 to vector<16xi32>
      %sub3A_377 = arith.subi %shift_right_arithmetic3A_374, %sub3A_376 : vector<16xi32>
      %jit3A_378 = arith.constant 5120 : i32
      %broadcast_in_dim3A_379 = vector.broadcast %jit3A_378 : i32 to vector<16xi32>
      %select_n3A_380 = arith.select %lt3A_352, %sub3A_377, %broadcast_in_dim3A_379 : vector<16xi1>, vector<16xi32>
      %swap3A_381 = arith.constant 64 : index
      %swap3A_382 = tpu.vector_load %arg12[%swap3A_381] {strides = array<i32>} : memref<80xi32, #tpu.memory_space<vmem>>, vector<16xi32>,
      tpu.vector_store %arg12[%swap3A_381], %select_n3A_380 {strides = array<i32>} : memref<80xi32, #tpu.memory_space<vmem>>, vector<16xi32>,
      %dma_start3A = arith.constant 0 : i32
      %dma_start3A_383 = arith.constant 0 : i32
      %dma_start3A_384 = tpu.memref_slice %arg2[%dma_start3A, %dma_start3A_383] : memref<10000x128xf32, #tpu.memory_space<hbm>> -> memref<10000x128xf32, #tpu.memory_space<hbm>>
      tpu.enqueue_indirect_dma source(%dma_start3A_384 : memref<10000x128xf32, #tpu.memory_space<hbm>>) target(%arg14 : memref<80x128xf32, #tpu.memory_space<vmem>>) offsets(%arg8 : memref<80xi32, #tpu.memory_space<vmem>>) semaphore(%arg20 : memref<!tpu.dma_semaphore, #tpu.memory_space<semaphore_mem>>)
      %dma_start3A_385 = arith.constant 0 : i32
      %dma_start3A_386 = arith.constant 0 : i32
      %dma_start3A_387 = tpu.memref_slice %arg4[%dma_start3A_385, %dma_start3A_386] : memref<160000x128xi32, #tpu.memory_space<hbm>> -> memref<160000x128xi32, #tpu.memory_space<hbm>>
      tpu.enqueue_indirect_dma source(%dma_start3A_387 : memref<160000x128xi32, #tpu.memory_space<hbm>>) target(%arg16 : memref<80x128xi32, #tpu.memory_space<vmem>>) offsets(%arg10 : memref<80xi32, #tpu.memory_space<vmem>>) semaphore(%arg20 : memref<!tpu.dma_semaphore, #tpu.memory_space<semaphore_mem>>)
    } else {
    }
    %gt3A_56 = arith.constant 1 : i32
    %gt3A_57 = arith.cmpi sgt, %select_n3A, %gt3A_56 : i32
    %convert_element_type3A_58 = arith.extui %gt3A_57 : i1 to i32
    %cond3A_59 = arith.constant 0 : i32
    %cond3A_60 = arith.cmpi ne, %convert_element_type3A_58, %cond3A_59 : i32
    scf.if %cond3A_60 {
      %sub3A_207 = arith.constant 1 : i32
      %sub3A_208 = arith.subi %scan3A_9, %sub3A_207 : i32
      %max3A = arith.constant 0 : i32
      %max3A_209 = arith.maxsi %sub3A_208, %max3A : i32
      %iota3A = tpu.iota {dimensions = array<i32: 0>} : vector<16xi32>
      %add3A_210 = arith.constant 80 : i32
      %add3A_211 = vector.broadcast %add3A_210 : i32 to vector<16xi32>
      %add3A_212 = arith.addi %add3A_211, %iota3A : vector<16xi32>
      %lt3A = vector.broadcast %scan3A_9 : i32 to vector<16xi32>
      %lt3A_213 = arith.cmpi slt, %add3A_212, %lt3A : vector<16xi32>
      %min3A = vector.broadcast %max3A_209 : i32 to vector<16xi32>
      %min3A_214 = arith.minsi %add3A_212, %min3A : vector<16xi32>
      %add3A_215 = arith.constant 0 : i32
      %add3A_216 = vector.broadcast %add3A_215 : i32 to vector<16xi32>
      %add3A_217 = arith.addi %min3A_214, %add3A_216 : vector<16xi32>
      %min3A_218 = arith.constant 9999 : i32
      %min3A_219 = vector.broadcast %min3A_218 : i32 to vector<16xi32>
      %min3A_220 = arith.minsi %add3A_217, %min3A_219 : vector<16xi32>
      %gather3A = tpu.vector_load_idx %arg7[%min3A_220] : memref<10016xi32, #tpu.memory_space<vmem>>[vector<16xi32>], vector<16xi32>,
      %gather3A_221 = tpu.vector_load_idx %arg6[%gather3A] : memref<10000xi32, #tpu.memory_space<vmem>>[vector<16xi32>], vector<16xi32>,
      %and3A_222 = arith.constant 65535 : i32
      %and3A_223 = vector.broadcast %and3A_222 : i32 to vector<16xi32>
      %and3A_224 = arith.andi %gather3A_221, %and3A_223 : vector<16xi32>
      %swap3A = arith.constant 0 : index
      %swap3A_225 = tpu.vector_load %arg9[%swap3A] {strides = array<i32>} : memref<80xi32, #tpu.memory_space<vmem>>, vector<16xi32>,
      tpu.vector_store %arg9[%swap3A], %and3A_224 {strides = array<i32>} : memref<80xi32, #tpu.memory_space<vmem>>, vector<16xi32>,
      %add3A_226 = vector.broadcast %mul3A_0 : i32 to vector<16xi32>
      %add3A_227 = arith.addi %add3A_226, %gather3A : vector<16xi32>
      %swap3A_228 = arith.constant 0 : index
      %swap3A_229 = tpu.vector_load %arg11[%swap3A_228] {strides = array<i32>} : memref<80xi32, #tpu.memory_space<vmem>>, vector<16xi32>,
      tpu.vector_store %arg11[%swap3A_228], %add3A_227 {strides = array<i32>} : memref<80xi32, #tpu.memory_space<vmem>>, vector<16xi32>,
      %shift_right_arithmetic3A = arith.constant 16 : i32
      %shift_right_arithmetic3A_230 = vector.broadcast %shift_right_arithmetic3A : i32 to vector<16xi32>
      %shift_right_arithmetic3A_231 = arith.shrsi %gather3A_221, %shift_right_arithmetic3A_230 : vector<16xi32>
      %sub3A_232 = arith.constant 0 : i32
      %sub3A_233 = vector.broadcast %sub3A_232 : i32 to vector<16xi32>
      %sub3A_234 = arith.subi %shift_right_arithmetic3A_231, %sub3A_233 : vector<16xi32>
      %jit3A_235 = arith.constant 5120 : i32
      %broadcast_in_dim3A = vector.broadcast %jit3A_235 : i32 to vector<16xi32>
      %select_n3A_236 = arith.select %lt3A_213, %sub3A_234, %broadcast_in_dim3A : vector<16xi1>, vector<16xi32>
      %swap3A_237 = arith.constant 0 : index
      %swap3A_238 = tpu.vector_load %arg13[%swap3A_237] {strides = array<i32>} : memref<80xi32, #tpu.memory_space<vmem>>, vector<16xi32>,
      tpu.vector_store %arg13[%swap3A_237], %select_n3A_236 {strides = array<i32>} : memref<80xi32, #tpu.memory_space<vmem>>, vector<16xi32>,
      %iota3A_239 = tpu.iota {dimensions = array<i32: 0>} : vector<16xi32>
      %add3A_240 = arith.constant 96 : i32
      %add3A_241 = vector.broadcast %add3A_240 : i32 to vector<16xi32>
      %add3A_242 = arith.addi %add3A_241, %iota3A_239 : vector<16xi32>
      %lt3A_243 = vector.broadcast %scan3A_9 : i32 to vector<16xi32>
      %lt3A_244 = arith.cmpi slt, %add3A_242, %lt3A_243 : vector<16xi32>
      %min3A_245 = vector.broadcast %max3A_209 : i32 to vector<16xi32>
      %min3A_246 = arith.minsi %add3A_242, %min3A_245 : vector<16xi32>
      %add3A_247 = arith.constant 0 : i32
      %add3A_248 = vector.broadcast %add3A_247 : i32 to vector<16xi32>
      %add3A_249 = arith.addi %min3A_246, %add3A_248 : vector<16xi32>
      %min3A_250 = arith.constant 9999 : i32
      %min3A_251 = vector.broadcast %min3A_250 : i32 to vector<16xi32>
      %min3A_252 = arith.minsi %add3A_249, %min3A_251 : vector<16xi32>
      %gather3A_253 = tpu.vector_load_idx %arg7[%min3A_252] : memref<10016xi32, #tpu.memory_space<vmem>>[vector<16xi32>], vector<16xi32>,
      %gather3A_254 = tpu.vector_load_idx %arg6[%gather3A_253] : memref<10000xi32, #tpu.memory_space<vmem>>[vector<16xi32>], vector<16xi32>,
      %and3A_255 = arith.constant 65535 : i32
      %and3A_256 = vector.broadcast %and3A_255 : i32 to vector<16xi32>
      %and3A_257 = arith.andi %gather3A_254, %and3A_256 : vector<16xi32>
      %swap3A_258 = arith.constant 16 : index
      %swap3A_259 = tpu.vector_load %arg9[%swap3A_258] {strides = array<i32>} : memref<80xi32, #tpu.memory_space<vmem>>, vector<16xi32>,
      tpu.vector_store %arg9[%swap3A_258], %and3A_257 {strides = array<i32>} : memref<80xi32, #tpu.memory_space<vmem>>, vector<16xi32>,
      %add3A_260 = vector.broadcast %mul3A_0 : i32 to vector<16xi32>
      %add3A_261 = arith.addi %add3A_260, %gather3A_253 : vector<16xi32>
      %swap3A_262 = arith.constant 16 : index
      %swap3A_263 = tpu.vector_load %arg11[%swap3A_262] {strides = array<i32>} : memref<80xi32, #tpu.memory_space<vmem>>, vector<16xi32>,
      tpu.vector_store %arg11[%swap3A_262], %add3A_261 {strides = array<i32>} : memref<80xi32, #tpu.memory_space<vmem>>, vector<16xi32>,
      %shift_right_arithmetic3A_264 = arith.constant 16 : i32
      %shift_right_arithmetic3A_265 = vector.broadcast %shift_right_arithmetic3A_264 : i32 to vector<16xi32>
      %shift_right_arithmetic3A_266 = arith.shrsi %gather3A_254, %shift_right_arithmetic3A_265 : vector<16xi32>
      %sub3A_267 = arith.constant 0 : i32
      %sub3A_268 = vector.broadcast %sub3A_267 : i32 to vector<16xi32>
      %sub3A_269 = arith.subi %shift_right_arithmetic3A_266, %sub3A_268 : vector<16xi32>
      %jit3A_270 = arith.constant 5120 : i32
      %broadcast_in_dim3A_271 = vector.broadcast %jit3A_270 : i32 to vector<16xi32>
      %select_n3A_272 = arith.select %lt3A_244, %sub3A_269, %broadcast_in_dim3A_271 : vector<16xi1>, vector<16xi32>
      %swap3A_273 = arith.constant 16 : index
      %swap3A_274 = tpu.vector_load %arg13[%swap3A_273] {strides = array<i32>} : memref<80xi32, #tpu.memory_space<vmem>>, vector<16xi32>,
      tpu.vector_store %arg13[%swap3A_273], %select_n3A_272 {strides = array<i32>} : memref<80xi32, #tpu.memory_space<vmem>>, vector<16xi32>,
      %iota3A_275 = tpu.iota {dimensions = array<i32: 0>} : vector<16xi32>
      %add3A_276 = arith.constant 112 : i32
      %add3A_277 = vector.broadcast %add3A_276 : i32 to vector<16xi32>
      %add3A_278 = arith.addi %add3A_277, %iota3A_275 : vector<16xi32>
      %lt3A_279 = vector.broadcast %scan3A_9 : i32 to vector<16xi32>
      %lt3A_280 = arith.cmpi slt, %add3A_278, %lt3A_279 : vector<16xi32>
      %min3A_281 = vector.broadcast %max3A_209 : i32 to vector<16xi32>
      %min3A_282 = arith.minsi %add3A_278, %min3A_281 : vector<16xi32>
      %add3A_283 = arith.constant 0 : i32
      %add3A_284 = vector.broadcast %add3A_283 : i32 to vector<16xi32>
      %add3A_285 = arith.addi %min3A_282, %add3A_284 : vector<16xi32>
      %min3A_286 = arith.constant 9999 : i32
      %min3A_287 = vector.broadcast %min3A_286 : i32 to vector<16xi32>
      %min3A_288 = arith.minsi %add3A_285, %min3A_287 : vector<16xi32>
      %gather3A_289 = tpu.vector_load_idx %arg7[%min3A_288] : memref<10016xi32, #tpu.memory_space<vmem>>[vector<16xi32>], vector<16xi32>,
      %gather3A_290 = tpu.vector_load_idx %arg6[%gather3A_289] : memref<10000xi32, #tpu.memory_space<vmem>>[vector<16xi32>], vector<16xi32>,
      %and3A_291 = arith.constant 65535 : i32
      %and3A_292 = vector.broadcast %and3A_291 : i32 to vector<16xi32>
      %and3A_293 = arith.andi %gather3A_290, %and3A_292 : vector<16xi32>
      %swap3A_294 = arith.constant 32 : index
      %swap3A_295 = tpu.vector_load %arg9[%swap3A_294] {strides = array<i32>} : memref<80xi32, #tpu.memory_space<vmem>>, vector<16xi32>,
      tpu.vector_store %arg9[%swap3A_294], %and3A_293 {strides = array<i32>} : memref<80xi32, #tpu.memory_space<vmem>>, vector<16xi32>,
      %add3A_296 = vector.broadcast %mul3A_0 : i32 to vector<16xi32>
      %add3A_297 = arith.addi %add3A_296, %gather3A_289 : vector<16xi32>
      %swap3A_298 = arith.constant 32 : index
      %swap3A_299 = tpu.vector_load %arg11[%swap3A_298] {strides = array<i32>} : memref<80xi32, #tpu.memory_space<vmem>>, vector<16xi32>,
      tpu.vector_store %arg11[%swap3A_298], %add3A_297 {strides = array<i32>} : memref<80xi32, #tpu.memory_space<vmem>>, vector<16xi32>,
      %shift_right_arithmetic3A_300 = arith.constant 16 : i32
      %shift_right_arithmetic3A_301 = vector.broadcast %shift_right_arithmetic3A_300 : i32 to vector<16xi32>
      %shift_right_arithmetic3A_302 = arith.shrsi %gather3A_290, %shift_right_arithmetic3A_301 : vector<16xi32>
      %sub3A_303 = arith.constant 0 : i32
      %sub3A_304 = vector.broadcast %sub3A_303 : i32 to vector<16xi32>
      %sub3A_305 = arith.subi %shift_right_arithmetic3A_302, %sub3A_304 : vector<16xi32>
      %jit3A_306 = arith.constant 5120 : i32
      %broadcast_in_dim3A_307 = vector.broadcast %jit3A_306 : i32 to vector<16xi32>
      %select_n3A_308 = arith.select %lt3A_280, %sub3A_305, %broadcast_in_dim3A_307 : vector<16xi1>, vector<16xi32>
      %swap3A_309 = arith.constant 32 : index
      %swap3A_310 = tpu.vector_load %arg13[%swap3A_309] {strides = array<i32>} : memref<80xi32, #tpu.memory_space<vmem>>, vector<16xi32>,
      tpu.vector_store %arg13[%swap3A_309], %select_n3A_308 {strides = array<i32>} : memref<80xi32, #tpu.memory_space<vmem>>, vector<16xi32>,
      %iota3A_311 = tpu.iota {dimensions = array<i32: 0>} : vector<16xi32>
      %add3A_312 = arith.constant 128 : i32
      %add3A_313 = vector.broadcast %add3A_312 : i32 to vector<16xi32>
      %add3A_314 = arith.addi %add3A_313, %iota3A_311 : vector<16xi32>
      %lt3A_315 = vector.broadcast %scan3A_9 : i32 to vector<16xi32>
      %lt3A_316 = arith.cmpi slt, %add3A_314, %lt3A_315 : vector<16xi32>
      %min3A_317 = vector.broadcast %max3A_209 : i32 to vector<16xi32>
      %min3A_318 = arith.minsi %add3A_314, %min3A_317 : vector<16xi32>
      %add3A_319 = arith.constant 0 : i32
      %add3A_320 = vector.broadcast %add3A_319 : i32 to vector<16xi32>
      %add3A_321 = arith.addi %min3A_318, %add3A_320 : vector<16xi32>
      %min3A_322 = arith.constant 9999 : i32
      %min3A_323 = vector.broadcast %min3A_322 : i32 to vector<16xi32>
      %min3A_324 = arith.minsi %add3A_321, %min3A_323 : vector<16xi32>
      %gather3A_325 = tpu.vector_load_idx %arg7[%min3A_324] : memref<10016xi32, #tpu.memory_space<vmem>>[vector<16xi32>], vector<16xi32>,
      %gather3A_326 = tpu.vector_load_idx %arg6[%gather3A_325] : memref<10000xi32, #tpu.memory_space<vmem>>[vector<16xi32>], vector<16xi32>,
      %and3A_327 = arith.constant 65535 : i32
      %and3A_328 = vector.broadcast %and3A_327 : i32 to vector<16xi32>
      %and3A_329 = arith.andi %gather3A_326, %and3A_328 : vector<16xi32>
      %swap3A_330 = arith.constant 48 : index
      %swap3A_331 = tpu.vector_load %arg9[%swap3A_330] {strides = array<i32>} : memref<80xi32, #tpu.memory_space<vmem>>, vector<16xi32>,
      tpu.vector_store %arg9[%swap3A_330], %and3A_329 {strides = array<i32>} : memref<80xi32, #tpu.memory_space<vmem>>, vector<16xi32>,
      %add3A_332 = vector.broadcast %mul3A_0 : i32 to vector<16xi32>
      %add3A_333 = arith.addi %add3A_332, %gather3A_325 : vector<16xi32>
      %swap3A_334 = arith.constant 48 : index
      %swap3A_335 = tpu.vector_load %arg11[%swap3A_334] {strides = array<i32>} : memref<80xi32, #tpu.memory_space<vmem>>, vector<16xi32>,
      tpu.vector_store %arg11[%swap3A_334], %add3A_333 {strides = array<i32>} : memref<80xi32, #tpu.memory_space<vmem>>, vector<16xi32>,
      %shift_right_arithmetic3A_336 = arith.constant 16 : i32
      %shift_right_arithmetic3A_337 = vector.broadcast %shift_right_arithmetic3A_336 : i32 to vector<16xi32>
      %shift_right_arithmetic3A_338 = arith.shrsi %gather3A_326, %shift_right_arithmetic3A_337 : vector<16xi32>
      %sub3A_339 = arith.constant 0 : i32
      %sub3A_340 = vector.broadcast %sub3A_339 : i32 to vector<16xi32>
      %sub3A_341 = arith.subi %shift_right_arithmetic3A_338, %sub3A_340 : vector<16xi32>
      %jit3A_342 = arith.constant 5120 : i32
      %broadcast_in_dim3A_343 = vector.broadcast %jit3A_342 : i32 to vector<16xi32>
      %select_n3A_344 = arith.select %lt3A_316, %sub3A_341, %broadcast_in_dim3A_343 : vector<16xi1>, vector<16xi32>
      %swap3A_345 = arith.constant 48 : index
      %swap3A_346 = tpu.vector_load %arg13[%swap3A_345] {strides = array<i32>} : memref<80xi32, #tpu.memory_space<vmem>>, vector<16xi32>,
      tpu.vector_store %arg13[%swap3A_345], %select_n3A_344 {strides = array<i32>} : memref<80xi32, #tpu.memory_space<vmem>>, vector<16xi32>,
      %iota3A_347 = tpu.iota {dimensions = array<i32: 0>} : vector<16xi32>
      %add3A_348 = arith.constant 144 : i32
      %add3A_349 = vector.broadcast %add3A_348 : i32 to vector<16xi32>
      %add3A_350 = arith.addi %add3A_349, %iota3A_347 : vector<16xi32>
      %lt3A_351 = vector.broadcast %scan3A_9 : i32 to vector<16xi32>
      %lt3A_352 = arith.cmpi slt, %add3A_350, %lt3A_351 : vector<16xi32>
      %min3A_353 = vector.broadcast %max3A_209 : i32 to vector<16xi32>
      %min3A_354 = arith.minsi %add3A_350, %min3A_353 : vector<16xi32>
      %add3A_355 = arith.constant 0 : i32
      %add3A_356 = vector.broadcast %add3A_355 : i32 to vector<16xi32>
      %add3A_357 = arith.addi %min3A_354, %add3A_356 : vector<16xi32>
      %min3A_358 = arith.constant 9999 : i32
      %min3A_359 = vector.broadcast %min3A_358 : i32 to vector<16xi32>
      %min3A_360 = arith.minsi %add3A_357, %min3A_359 : vector<16xi32>
      %gather3A_361 = tpu.vector_load_idx %arg7[%min3A_360] : memref<10016xi32, #tpu.memory_space<vmem>>[vector<16xi32>], vector<16xi32>,
      %gather3A_362 = tpu.vector_load_idx %arg6[%gather3A_361] : memref<10000xi32, #tpu.memory_space<vmem>>[vector<16xi32>], vector<16xi32>,
      %and3A_363 = arith.constant 65535 : i32
      %and3A_364 = vector.broadcast %and3A_363 : i32 to vector<16xi32>
      %and3A_365 = arith.andi %gather3A_362, %and3A_364 : vector<16xi32>
      %swap3A_366 = arith.constant 64 : index
      %swap3A_367 = tpu.vector_load %arg9[%swap3A_366] {strides = array<i32>} : memref<80xi32, #tpu.memory_space<vmem>>, vector<16xi32>,
      tpu.vector_store %arg9[%swap3A_366], %and3A_365 {strides = array<i32>} : memref<80xi32, #tpu.memory_space<vmem>>, vector<16xi32>,
      %add3A_368 = vector.broadcast %mul3A_0 : i32 to vector<16xi32>
      %add3A_369 = arith.addi %add3A_368, %gather3A_361 : vector<16xi32>
      %swap3A_370 = arith.constant 64 : index
      %swap3A_371 = tpu.vector_load %arg11[%swap3A_370] {strides = array<i32>} : memref<80xi32, #tpu.memory_space<vmem>>, vector<16xi32>,
      tpu.vector_store %arg11[%swap3A_370], %add3A_369 {strides = array<i32>} : memref<80xi32, #tpu.memory_space<vmem>>, vector<16xi32>,
      %shift_right_arithmetic3A_372 = arith.constant 16 : i32
      %shift_right_arithmetic3A_373 = vector.broadcast %shift_right_arithmetic3A_372 : i32 to vector<16xi32>
      %shift_right_arithmetic3A_374 = arith.shrsi %gather3A_362, %shift_right_arithmetic3A_373 : vector<16xi32>
      %sub3A_375 = arith.constant 0 : i32
      %sub3A_376 = vector.broadcast %sub3A_375 : i32 to vector<16xi32>
      %sub3A_377 = arith.subi %shift_right_arithmetic3A_374, %sub3A_376 : vector<16xi32>
      %jit3A_378 = arith.constant 5120 : i32
      %broadcast_in_dim3A_379 = vector.broadcast %jit3A_378 : i32 to vector<16xi32>
      %select_n3A_380 = arith.select %lt3A_352, %sub3A_377, %broadcast_in_dim3A_379 : vector<16xi1>, vector<16xi32>
      %swap3A_381 = arith.constant 64 : index
      %swap3A_382 = tpu.vector_load %arg13[%swap3A_381] {strides = array<i32>} : memref<80xi32, #tpu.memory_space<vmem>>, vector<16xi32>,
      tpu.vector_store %arg13[%swap3A_381], %select_n3A_380 {strides = array<i32>} : memref<80xi32, #tpu.memory_space<vmem>>, vector<16xi32>,
      %dma_start3A = arith.constant 0 : i32
      %dma_start3A_383 = arith.constant 0 : i32
      %dma_start3A_384 = tpu.memref_slice %arg2[%dma_start3A, %dma_start3A_383] : memref<10000x128xf32, #tpu.memory_space<hbm>> -> memref<10000x128xf32, #tpu.memory_space<hbm>>
      tpu.enqueue_indirect_dma source(%dma_start3A_384 : memref<10000x128xf32, #tpu.memory_space<hbm>>) target(%arg15 : memref<80x128xf32, #tpu.memory_space<vmem>>) offsets(%arg9 : memref<80xi32, #tpu.memory_space<vmem>>) semaphore(%arg21 : memref<!tpu.dma_semaphore, #tpu.memory_space<semaphore_mem>>)
      %dma_start3A_385 = arith.constant 0 : i32
      %dma_start3A_386 = arith.constant 0 : i32
      %dma_start3A_387 = tpu.memref_slice %arg4[%dma_start3A_385, %dma_start3A_386] : memref<160000x128xi32, #tpu.memory_space<hbm>> -> memref<160000x128xi32, #tpu.memory_space<hbm>>
      tpu.enqueue_indirect_dma source(%dma_start3A_387 : memref<160000x128xi32, #tpu.memory_space<hbm>>) target(%arg17 : memref<80x128xi32, #tpu.memory_space<vmem>>) offsets(%arg11 : memref<80xi32, #tpu.memory_space<vmem>>) semaphore(%arg21 : memref<!tpu.dma_semaphore, #tpu.memory_space<semaphore_mem>>)
    } else {
    }
    %add3A_61 = arith.constant 1 : i32
    %add3A_62 = arith.addi %select_n3A, %add3A_61 : i32
    %jit3A_63 = arith.constant 2 : i32
    %div3A_64 = arith.divsi %add3A_62, %jit3A_63 : i32
    %sign3A_65 = arith.constant 0 : i32
    %sign3A_66 = arith.cmpi sgt, %add3A_62, %sign3A_65 : i32
    %sign3A_67 = arith.extui %sign3A_66 : i1 to i32
    %sign3A_68 = arith.constant 0 : i32
    %sign3A_69 = arith.cmpi slt, %add3A_62, %sign3A_68 : i32
    %sign3A_70 = arith.extui %sign3A_69 : i1 to i32
    %sign3A_71 = arith.subi %sign3A_67, %sign3A_70 : i32
    %sign3A_72 = arith.constant 0 : i32
    %sign3A_73 = arith.cmpi sgt, %jit3A_63, %sign3A_72 : i32
    %sign3A_74 = arith.extui %sign3A_73 : i1 to i32
    %sign3A_75 = arith.constant 0 : i32
    %sign3A_76 = arith.cmpi slt, %jit3A_63, %sign3A_75 : i32
    %sign3A_77 = arith.extui %sign3A_76 : i1 to i32
    %sign3A_78 = arith.subi %sign3A_74, %sign3A_77 : i32
    %ne3A_79 = arith.cmpi ne, %sign3A_71, %sign3A_78 : i32
    %rem3A_80 = arith.remsi %add3A_62, %jit3A_63 : i32
    %ne3A_81 = arith.constant 0 : i32
    %ne3A_82 = arith.cmpi ne, %rem3A_80, %ne3A_81 : i32
    %and3A_83 = arith.andi %ne3A_79, %ne3A_82 : i1
    %sub3A_84 = arith.constant 1 : i32
    %sub3A_85 = arith.subi %div3A_64, %sub3A_84 : i32
    %select_n3A_86 = arith.select %and3A_83, %sub3A_85, %div3A_64 : i32
    %while3A = arith.constant 0 : i32
    %while3A_87 = arith.constant 0 : i32
    %while3A_88 = arith.subi %select_n3A_86, %while3A_87 : i32
    %while3A_89 = arith.addi %while3A_87, %while3A_88 : i32
    %while3A_90 = arith.constant 1 : i32
    %while3A_91 = arith.divsi %while3A_88, %while3A_90 : i32
    %while3A_92 = arith.muli %while3A_91, %while3A_90 : i32
    %while3A_93 = arith.addi %while3A_87, %while3A_92 : i32
    %while3A_94 = arith.constant 1 : i32
    scf.for %while3A_207 = %while3A_87 to %while3A_93 step %while3A_94  : i32 {
      %mul3A_208 = arith.constant 2 : i32
      %mul3A_209 = arith.muli %mul3A_208, %while3A_207 : i32
      %add3A_210 = arith.constant 0 : i32
      %add3A_211 = arith.addi %mul3A_209, %add3A_210 : i32
      %lt3A = arith.cmpi slt, %add3A_211, %select_n3A : i32
      %convert_element_type3A_212 = arith.extui %lt3A : i1 to i32
      %cond3A_213 = arith.constant 0 : i32
      %cond3A_214 = arith.cmpi ne, %convert_element_type3A_212, %cond3A_213 : i32
      scf.if %cond3A_214 {
        %dma_wait3A = arith.constant 0 : i32
        %dma_wait3A_221 = arith.constant 0 : i32
        %dma_wait3A_222 = tpu.memref_slice %arg2[%dma_wait3A, %dma_wait3A_221] : memref<10000x128xf32, #tpu.memory_space<hbm>> -> memref<10000x128xf32, #tpu.memory_space<hbm>>
        tpu.wait_indirect_dma semaphore(%arg20 : memref<!tpu.dma_semaphore, #tpu.memory_space<semaphore_mem>>) src(%dma_wait3A_222 : memref<10000x128xf32, #tpu.memory_space<hbm>>) dst(%arg14 : memref<80x128xf32, #tpu.memory_space<vmem>>)
        %dma_wait3A_223 = arith.constant 0 : i32
        %dma_wait3A_224 = arith.constant 0 : i32
        %dma_wait3A_225 = tpu.memref_slice %arg4[%dma_wait3A_223, %dma_wait3A_224] : memref<160000x128xi32, #tpu.memory_space<hbm>> -> memref<160000x128xi32, #tpu.memory_space<hbm>>
        tpu.wait_indirect_dma semaphore(%arg20 : memref<!tpu.dma_semaphore, #tpu.memory_space<semaphore_mem>>) src(%dma_wait3A_225 : memref<160000x128xi32, #tpu.memory_space<hbm>>) dst(%arg16 : memref<80x128xi32, #tpu.memory_space<vmem>>)
        %parallel_loop3A = arith.constant 0 : i32
        %parallel_loop3A_226 = arith.constant 80 : i32
        %parallel_loop3A_227 = arith.constant 1 : i32
        scf.for %parallel_loop3A_234 = %parallel_loop3A to %parallel_loop3A_226 step %parallel_loop3A_227  : i32 {
          %parallel_loop3A_235 = arith.constant 0 : i32
          %parallel_loop3A_236 = arith.addi %mul3A_4, %parallel_loop3A_235 : i32
          %parallel_loop3A_237 = arith.index_cast %parallel_loop3A_234 : i32 to index
          %parallel_loop3A_238 = arith.index_cast %parallel_loop3A_236 : i32 to index
          %parallel_loop3A_239 = tpu.vector_load %arg16[%parallel_loop3A_237, %parallel_loop3A_238] {strides = array<i32>} : memref<80x128xi32, #tpu.memory_space<vmem>>, vector<16xi32>,
          %parallel_loop3A_240 = vector.bitcast %parallel_loop3A_239 : vector<16xi32> to vector<32xbf16>
          %parallel_loop3A_241 = tpu.unpack_subelements %parallel_loop3A_240, 0 {pack_format = #tpu.pack_format<interleaved>} : vector<32xbf16> -> vector<16xf32>
          %parallel_loop3A_242 = tpu.unpack_subelements %parallel_loop3A_240, 1 {pack_format = #tpu.pack_format<interleaved>} : vector<32xbf16> -> vector<16xf32>
          %parallel_loop3A_243 = arith.index_cast %parallel_loop3A_234 : i32 to index
          %parallel_loop3A_244 = arith.constant 0 : index
          %parallel_loop3A_245 = tpu.vector_load %arg14[%parallel_loop3A_243, %parallel_loop3A_244] {strides = array<i32>} : memref<80x128xf32, #tpu.memory_space<vmem>>, vector<16xf32>,
          %parallel_loop3A_246 = arith.mulf %parallel_loop3A_245, %parallel_loop3A_241 : vector<16xf32>
          %parallel_loop3A_247 = arith.index_cast %parallel_loop3A_234 : i32 to index
          %parallel_loop3A_248 = arith.constant 0 : index
          %parallel_loop3A_249 = tpu.vector_load %arg18[%parallel_loop3A_247, %parallel_loop3A_248] {strides = array<i32>} : memref<80x128xf32, #tpu.memory_space<vmem>>, vector<16xf32>,
          tpu.vector_store %arg18[%parallel_loop3A_247, %parallel_loop3A_248], %parallel_loop3A_246 {strides = array<i32>} : memref<80x128xf32, #tpu.memory_space<vmem>>, vector<16xf32>,
          %parallel_loop3A_250 = arith.index_cast %parallel_loop3A_234 : i32 to index
          %parallel_loop3A_251 = arith.constant 64 : index
          %parallel_loop3A_252 = tpu.vector_load %arg14[%parallel_loop3A_250, %parallel_loop3A_251] {strides = array<i32>} : memref<80x128xf32, #tpu.memory_space<vmem>>, vector<16xf32>,
          %parallel_loop3A_253 = arith.mulf %parallel_loop3A_252, %parallel_loop3A_242 : vector<16xf32>
          %parallel_loop3A_254 = arith.index_cast %parallel_loop3A_234 : i32 to index
          %parallel_loop3A_255 = arith.constant 64 : index
          %parallel_loop3A_256 = tpu.vector_load %arg18[%parallel_loop3A_254, %parallel_loop3A_255] {strides = array<i32>} : memref<80x128xf32, #tpu.memory_space<vmem>>, vector<16xf32>,
          tpu.vector_store %arg18[%parallel_loop3A_254, %parallel_loop3A_255], %parallel_loop3A_253 {strides = array<i32>} : memref<80x128xf32, #tpu.memory_space<vmem>>, vector<16xf32>,
          %parallel_loop3A_257 = arith.constant 16 : i32
          %parallel_loop3A_258 = arith.addi %mul3A_4, %parallel_loop3A_257 : i32
          %parallel_loop3A_259 = arith.index_cast %parallel_loop3A_234 : i32 to index
          %parallel_loop3A_260 = arith.index_cast %parallel_loop3A_258 : i32 to index
          %parallel_loop3A_261 = tpu.vector_load %arg16[%parallel_loop3A_259, %parallel_loop3A_260] {strides = array<i32>} : memref<80x128xi32, #tpu.memory_space<vmem>>, vector<16xi32>,
          %parallel_loop3A_262 = vector.bitcast %parallel_loop3A_261 : vector<16xi32> to vector<32xbf16>
          %parallel_loop3A_263 = tpu.unpack_subelements %parallel_loop3A_262, 0 {pack_format = #tpu.pack_format<interleaved>} : vector<32xbf16> -> vector<16xf32>
          %parallel_loop3A_264 = tpu.unpack_subelements %parallel_loop3A_262, 1 {pack_format = #tpu.pack_format<interleaved>} : vector<32xbf16> -> vector<16xf32>
          %parallel_loop3A_265 = arith.index_cast %parallel_loop3A_234 : i32 to index
          %parallel_loop3A_266 = arith.constant 16 : index
          %parallel_loop3A_267 = tpu.vector_load %arg14[%parallel_loop3A_265, %parallel_loop3A_266] {strides = array<i32>} : memref<80x128xf32, #tpu.memory_space<vmem>>, vector<16xf32>,
          %parallel_loop3A_268 = arith.mulf %parallel_loop3A_267, %parallel_loop3A_263 : vector<16xf32>
          %parallel_loop3A_269 = arith.index_cast %parallel_loop3A_234 : i32 to index
          %parallel_loop3A_270 = arith.constant 16 : index
          %parallel_loop3A_271 = tpu.vector_load %arg18[%parallel_loop3A_269, %parallel_loop3A_270] {strides = array<i32>} : memref<80x128xf32, #tpu.memory_space<vmem>>, vector<16xf32>,
          tpu.vector_store %arg18[%parallel_loop3A_269, %parallel_loop3A_270], %parallel_loop3A_268 {strides = array<i32>} : memref<80x128xf32, #tpu.memory_space<vmem>>, vector<16xf32>,
          %parallel_loop3A_272 = arith.index_cast %parallel_loop3A_234 : i32 to index
          %parallel_loop3A_273 = arith.constant 80 : index
          %parallel_loop3A_274 = tpu.vector_load %arg14[%parallel_loop3A_272, %parallel_loop3A_273] {strides = array<i32>} : memref<80x128xf32, #tpu.memory_space<vmem>>, vector<16xf32>,
          %parallel_loop3A_275 = arith.mulf %parallel_loop3A_274, %parallel_loop3A_264 : vector<16xf32>
          %parallel_loop3A_276 = arith.index_cast %parallel_loop3A_234 : i32 to index
          %parallel_loop3A_277 = arith.constant 80 : index
          %parallel_loop3A_278 = tpu.vector_load %arg18[%parallel_loop3A_276, %parallel_loop3A_277] {strides = array<i32>} : memref<80x128xf32, #tpu.memory_space<vmem>>, vector<16xf32>,
          tpu.vector_store %arg18[%parallel_loop3A_276, %parallel_loop3A_277], %parallel_loop3A_275 {strides = array<i32>} : memref<80x128xf32, #tpu.memory_space<vmem>>, vector<16xf32>,
          %parallel_loop3A_279 = arith.constant 32 : i32
          %parallel_loop3A_280 = arith.addi %mul3A_4, %parallel_loop3A_279 : i32
          %parallel_loop3A_281 = arith.index_cast %parallel_loop3A_234 : i32 to index
          %parallel_loop3A_282 = arith.index_cast %parallel_loop3A_280 : i32 to index
          %parallel_loop3A_283 = tpu.vector_load %arg16[%parallel_loop3A_281, %parallel_loop3A_282] {strides = array<i32>} : memref<80x128xi32, #tpu.memory_space<vmem>>, vector<16xi32>,
          %parallel_loop3A_284 = vector.bitcast %parallel_loop3A_283 : vector<16xi32> to vector<32xbf16>
          %parallel_loop3A_285 = tpu.unpack_subelements %parallel_loop3A_284, 0 {pack_format = #tpu.pack_format<interleaved>} : vector<32xbf16> -> vector<16xf32>
          %parallel_loop3A_286 = tpu.unpack_subelements %parallel_loop3A_284, 1 {pack_format = #tpu.pack_format<interleaved>} : vector<32xbf16> -> vector<16xf32>
          %parallel_loop3A_287 = arith.index_cast %parallel_loop3A_234 : i32 to index
          %parallel_loop3A_288 = arith.constant 32 : index
          %parallel_loop3A_289 = tpu.vector_load %arg14[%parallel_loop3A_287, %parallel_loop3A_288] {strides = array<i32>} : memref<80x128xf32, #tpu.memory_space<vmem>>, vector<16xf32>,
          %parallel_loop3A_290 = arith.mulf %parallel_loop3A_289, %parallel_loop3A_285 : vector<16xf32>
          %parallel_loop3A_291 = arith.index_cast %parallel_loop3A_234 : i32 to index
          %parallel_loop3A_292 = arith.constant 32 : index
          %parallel_loop3A_293 = tpu.vector_load %arg18[%parallel_loop3A_291, %parallel_loop3A_292] {strides = array<i32>} : memref<80x128xf32, #tpu.memory_space<vmem>>, vector<16xf32>,
          tpu.vector_store %arg18[%parallel_loop3A_291, %parallel_loop3A_292], %parallel_loop3A_290 {strides = array<i32>} : memref<80x128xf32, #tpu.memory_space<vmem>>, vector<16xf32>,
          %parallel_loop3A_294 = arith.index_cast %parallel_loop3A_234 : i32 to index
          %parallel_loop3A_295 = arith.constant 96 : index
          %parallel_loop3A_296 = tpu.vector_load %arg14[%parallel_loop3A_294, %parallel_loop3A_295] {strides = array<i32>} : memref<80x128xf32, #tpu.memory_space<vmem>>, vector<16xf32>,
          %parallel_loop3A_297 = arith.mulf %parallel_loop3A_296, %parallel_loop3A_286 : vector<16xf32>
          %parallel_loop3A_298 = arith.index_cast %parallel_loop3A_234 : i32 to index
          %parallel_loop3A_299 = arith.constant 96 : index
          %parallel_loop3A_300 = tpu.vector_load %arg18[%parallel_loop3A_298, %parallel_loop3A_299] {strides = array<i32>} : memref<80x128xf32, #tpu.memory_space<vmem>>, vector<16xf32>,
          tpu.vector_store %arg18[%parallel_loop3A_298, %parallel_loop3A_299], %parallel_loop3A_297 {strides = array<i32>} : memref<80x128xf32, #tpu.memory_space<vmem>>, vector<16xf32>,
          %parallel_loop3A_301 = arith.constant 48 : i32
          %parallel_loop3A_302 = arith.addi %mul3A_4, %parallel_loop3A_301 : i32
          %parallel_loop3A_303 = arith.index_cast %parallel_loop3A_234 : i32 to index
          %parallel_loop3A_304 = arith.index_cast %parallel_loop3A_302 : i32 to index
          %parallel_loop3A_305 = tpu.vector_load %arg16[%parallel_loop3A_303, %parallel_loop3A_304] {strides = array<i32>} : memref<80x128xi32, #tpu.memory_space<vmem>>, vector<16xi32>,
          %parallel_loop3A_306 = vector.bitcast %parallel_loop3A_305 : vector<16xi32> to vector<32xbf16>
          %parallel_loop3A_307 = tpu.unpack_subelements %parallel_loop3A_306, 0 {pack_format = #tpu.pack_format<interleaved>} : vector<32xbf16> -> vector<16xf32>
          %parallel_loop3A_308 = tpu.unpack_subelements %parallel_loop3A_306, 1 {pack_format = #tpu.pack_format<interleaved>} : vector<32xbf16> -> vector<16xf32>
          %parallel_loop3A_309 = arith.index_cast %parallel_loop3A_234 : i32 to index
          %parallel_loop3A_310 = arith.constant 48 : index
          %parallel_loop3A_311 = tpu.vector_load %arg14[%parallel_loop3A_309, %parallel_loop3A_310] {strides = array<i32>} : memref<80x128xf32, #tpu.memory_space<vmem>>, vector<16xf32>,
          %parallel_loop3A_312 = arith.mulf %parallel_loop3A_311, %parallel_loop3A_307 : vector<16xf32>
          %parallel_loop3A_313 = arith.index_cast %parallel_loop3A_234 : i32 to index
          %parallel_loop3A_314 = arith.constant 48 : index
          %parallel_loop3A_315 = tpu.vector_load %arg18[%parallel_loop3A_313, %parallel_loop3A_314] {strides = array<i32>} : memref<80x128xf32, #tpu.memory_space<vmem>>, vector<16xf32>,
          tpu.vector_store %arg18[%parallel_loop3A_313, %parallel_loop3A_314], %parallel_loop3A_312 {strides = array<i32>} : memref<80x128xf32, #tpu.memory_space<vmem>>, vector<16xf32>,
          %parallel_loop3A_316 = arith.index_cast %parallel_loop3A_234 : i32 to index
          %parallel_loop3A_317 = arith.constant 112 : index
          %parallel_loop3A_318 = tpu.vector_load %arg14[%parallel_loop3A_316, %parallel_loop3A_317] {strides = array<i32>} : memref<80x128xf32, #tpu.memory_space<vmem>>, vector<16xf32>,
          %parallel_loop3A_319 = arith.mulf %parallel_loop3A_318, %parallel_loop3A_308 : vector<16xf32>
          %parallel_loop3A_320 = arith.index_cast %parallel_loop3A_234 : i32 to index
          %parallel_loop3A_321 = arith.constant 112 : index
          %parallel_loop3A_322 = tpu.vector_load %arg18[%parallel_loop3A_320, %parallel_loop3A_321] {strides = array<i32>} : memref<80x128xf32, #tpu.memory_space<vmem>>, vector<16xf32>,
          tpu.vector_store %arg18[%parallel_loop3A_320, %parallel_loop3A_321], %parallel_loop3A_319 {strides = array<i32>} : memref<80x128xf32, #tpu.memory_space<vmem>>, vector<16xf32>,
        } {sc.loop_unroll_factor = 4 : i64, sc.parallel_access}
        "tpu.region"() ({
          %run_scoped3A = tpu.sem_alloc : memref<!tpu.dma_semaphore, #tpu.memory_space<semaphore_mem>>
          %dma_start3A = arith.constant 0 : i32
          %dma_start3A_234 = arith.constant 0 : i32
          %dma_start3A_235 = tpu.memref_slice %arg19[%dma_start3A, %dma_start3A_234] : memref<5128x128xf32, #tpu.memory_space<vmem_shared>> -> memref<5128x128xf32, #tpu.memory_space<vmem_shared>>
          tpu.enqueue_indirect_dma source(%arg18 : memref<80x128xf32, #tpu.memory_space<vmem>>) target(%dma_start3A_235 : memref<5128x128xf32, #tpu.memory_space<vmem_shared>>) offsets(%arg12 : memref<80xi32, #tpu.memory_space<vmem>>) semaphore(%run_scoped3A : memref<!tpu.dma_semaphore, #tpu.memory_space<semaphore_mem>>) {add = true}
          %dma_wait3A_236 = arith.constant 0 : i32
          %dma_wait3A_237 = arith.constant 0 : i32
          %dma_wait3A_238 = tpu.memref_slice %arg19[%dma_wait3A_236, %dma_wait3A_237] : memref<5128x128xf32, #tpu.memory_space<vmem_shared>> -> memref<5128x128xf32, #tpu.memory_space<vmem_shared>>
          tpu.wait_indirect_dma semaphore(%run_scoped3A : memref<!tpu.dma_semaphore, #tpu.memory_space<semaphore_mem>>) src(%arg18 : memref<80x128xf32, #tpu.memory_space<vmem>>) dst(%dma_wait3A_238 : memref<5128x128xf32, #tpu.memory_space<vmem_shared>>)
          tpu.yield
        }) : () -> ()
        %add3A_228 = arith.constant 2 : i32
        %add3A_229 = arith.addi %add3A_211, %add3A_228 : i32
        %lt3A_230 = arith.cmpi slt, %add3A_229, %select_n3A : i32
        %convert_element_type3A_231 = arith.extui %lt3A_230 : i1 to i32
        %cond3A_232 = arith.constant 0 : i32
        %cond3A_233 = arith.cmpi ne, %convert_element_type3A_231, %cond3A_232 : i32
        scf.if %cond3A_233 {
          %add3A_234 = arith.constant 2 : i32
          %add3A_235 = arith.addi %add3A_211, %add3A_234 : i32
          %sub3A_236 = arith.constant 1 : i32
          %sub3A_237 = arith.subi %scan3A_9, %sub3A_236 : i32
          %max3A = arith.constant 0 : i32
          %max3A_238 = arith.maxsi %sub3A_237, %max3A : i32
          %mul3A_239 = arith.constant 80 : i32
          %mul3A_240 = arith.muli %add3A_235, %mul3A_239 : i32
          %add3A_241 = arith.constant 0 : i32
          %add3A_242 = arith.addi %mul3A_240, %add3A_241 : i32
          %iota3A = tpu.iota {dimensions = array<i32: 0>} : vector<16xi32>
          %add3A_243 = vector.broadcast %add3A_242 : i32 to vector<16xi32>
          %add3A_244 = arith.addi %add3A_243, %iota3A : vector<16xi32>
          %lt3A_245 = vector.broadcast %scan3A_9 : i32 to vector<16xi32>
          %lt3A_246 = arith.cmpi slt, %add3A_244, %lt3A_245 : vector<16xi32>
          %min3A = vector.broadcast %max3A_238 : i32 to vector<16xi32>
          %min3A_247 = arith.minsi %add3A_244, %min3A : vector<16xi32>
          %add3A_248 = arith.constant 0 : i32
          %add3A_249 = vector.broadcast %add3A_248 : i32 to vector<16xi32>
          %add3A_250 = arith.addi %min3A_247, %add3A_249 : vector<16xi32>
          %min3A_251 = arith.constant 9999 : i32
          %min3A_252 = vector.broadcast %min3A_251 : i32 to vector<16xi32>
          %min3A_253 = arith.minsi %add3A_250, %min3A_252 : vector<16xi32>
          %gather3A = tpu.vector_load_idx %arg7[%min3A_253] : memref<10016xi32, #tpu.memory_space<vmem>>[vector<16xi32>], vector<16xi32>,
          %gather3A_254 = tpu.vector_load_idx %arg6[%gather3A] : memref<10000xi32, #tpu.memory_space<vmem>>[vector<16xi32>], vector<16xi32>,
          %and3A_255 = arith.constant 65535 : i32
          %and3A_256 = vector.broadcast %and3A_255 : i32 to vector<16xi32>
          %and3A_257 = arith.andi %gather3A_254, %and3A_256 : vector<16xi32>
          %swap3A = arith.constant 0 : index
          %swap3A_258 = tpu.vector_load %arg8[%swap3A] {strides = array<i32>} : memref<80xi32, #tpu.memory_space<vmem>>, vector<16xi32>,
          tpu.vector_store %arg8[%swap3A], %and3A_257 {strides = array<i32>} : memref<80xi32, #tpu.memory_space<vmem>>, vector<16xi32>,
          %add3A_259 = vector.broadcast %mul3A_0 : i32 to vector<16xi32>
          %add3A_260 = arith.addi %add3A_259, %gather3A : vector<16xi32>
          %swap3A_261 = arith.constant 0 : index
          %swap3A_262 = tpu.vector_load %arg10[%swap3A_261] {strides = array<i32>} : memref<80xi32, #tpu.memory_space<vmem>>, vector<16xi32>,
          tpu.vector_store %arg10[%swap3A_261], %add3A_260 {strides = array<i32>} : memref<80xi32, #tpu.memory_space<vmem>>, vector<16xi32>,
          %shift_right_arithmetic3A = arith.constant 16 : i32
          %shift_right_arithmetic3A_263 = vector.broadcast %shift_right_arithmetic3A : i32 to vector<16xi32>
          %shift_right_arithmetic3A_264 = arith.shrsi %gather3A_254, %shift_right_arithmetic3A_263 : vector<16xi32>
          %sub3A_265 = arith.constant 0 : i32
          %sub3A_266 = vector.broadcast %sub3A_265 : i32 to vector<16xi32>
          %sub3A_267 = arith.subi %shift_right_arithmetic3A_264, %sub3A_266 : vector<16xi32>
          %jit3A_268 = arith.constant 5120 : i32
          %broadcast_in_dim3A = vector.broadcast %jit3A_268 : i32 to vector<16xi32>
          %select_n3A_269 = arith.select %lt3A_246, %sub3A_267, %broadcast_in_dim3A : vector<16xi1>, vector<16xi32>
          %swap3A_270 = arith.constant 0 : index
          %swap3A_271 = tpu.vector_load %arg12[%swap3A_270] {strides = array<i32>} : memref<80xi32, #tpu.memory_space<vmem>>, vector<16xi32>,
          tpu.vector_store %arg12[%swap3A_270], %select_n3A_269 {strides = array<i32>} : memref<80xi32, #tpu.memory_space<vmem>>, vector<16xi32>,
          %mul3A_272 = arith.constant 80 : i32
          %mul3A_273 = arith.muli %add3A_235, %mul3A_272 : i32
          %add3A_274 = arith.constant 16 : i32
          %add3A_275 = arith.addi %mul3A_273, %add3A_274 : i32
          %iota3A_276 = tpu.iota {dimensions = array<i32: 0>} : vector<16xi32>
          %add3A_277 = vector.broadcast %add3A_275 : i32 to vector<16xi32>
          %add3A_278 = arith.addi %add3A_277, %iota3A_276 : vector<16xi32>
          %lt3A_279 = vector.broadcast %scan3A_9 : i32 to vector<16xi32>
          %lt3A_280 = arith.cmpi slt, %add3A_278, %lt3A_279 : vector<16xi32>
          %min3A_281 = vector.broadcast %max3A_238 : i32 to vector<16xi32>
          %min3A_282 = arith.minsi %add3A_278, %min3A_281 : vector<16xi32>
          %add3A_283 = arith.constant 0 : i32
          %add3A_284 = vector.broadcast %add3A_283 : i32 to vector<16xi32>
          %add3A_285 = arith.addi %min3A_282, %add3A_284 : vector<16xi32>
          %min3A_286 = arith.constant 9999 : i32
          %min3A_287 = vector.broadcast %min3A_286 : i32 to vector<16xi32>
          %min3A_288 = arith.minsi %add3A_285, %min3A_287 : vector<16xi32>
          %gather3A_289 = tpu.vector_load_idx %arg7[%min3A_288] : memref<10016xi32, #tpu.memory_space<vmem>>[vector<16xi32>], vector<16xi32>,
          %gather3A_290 = tpu.vector_load_idx %arg6[%gather3A_289] : memref<10000xi32, #tpu.memory_space<vmem>>[vector<16xi32>], vector<16xi32>,
          %and3A_291 = arith.constant 65535 : i32
          %and3A_292 = vector.broadcast %and3A_291 : i32 to vector<16xi32>
          %and3A_293 = arith.andi %gather3A_290, %and3A_292 : vector<16xi32>
          %swap3A_294 = arith.constant 16 : index
          %swap3A_295 = tpu.vector_load %arg8[%swap3A_294] {strides = array<i32>} : memref<80xi32, #tpu.memory_space<vmem>>, vector<16xi32>,
          tpu.vector_store %arg8[%swap3A_294], %and3A_293 {strides = array<i32>} : memref<80xi32, #tpu.memory_space<vmem>>, vector<16xi32>,
          %add3A_296 = vector.broadcast %mul3A_0 : i32 to vector<16xi32>
          %add3A_297 = arith.addi %add3A_296, %gather3A_289 : vector<16xi32>
          %swap3A_298 = arith.constant 16 : index
          %swap3A_299 = tpu.vector_load %arg10[%swap3A_298] {strides = array<i32>} : memref<80xi32, #tpu.memory_space<vmem>>, vector<16xi32>,
          tpu.vector_store %arg10[%swap3A_298], %add3A_297 {strides = array<i32>} : memref<80xi32, #tpu.memory_space<vmem>>, vector<16xi32>,
          %shift_right_arithmetic3A_300 = arith.constant 16 : i32
          %shift_right_arithmetic3A_301 = vector.broadcast %shift_right_arithmetic3A_300 : i32 to vector<16xi32>
          %shift_right_arithmetic3A_302 = arith.shrsi %gather3A_290, %shift_right_arithmetic3A_301 : vector<16xi32>
          %sub3A_303 = arith.constant 0 : i32
          %sub3A_304 = vector.broadcast %sub3A_303 : i32 to vector<16xi32>
          %sub3A_305 = arith.subi %shift_right_arithmetic3A_302, %sub3A_304 : vector<16xi32>
          %jit3A_306 = arith.constant 5120 : i32
          %broadcast_in_dim3A_307 = vector.broadcast %jit3A_306 : i32 to vector<16xi32>
          %select_n3A_308 = arith.select %lt3A_280, %sub3A_305, %broadcast_in_dim3A_307 : vector<16xi1>, vector<16xi32>
          %swap3A_309 = arith.constant 16 : index
          %swap3A_310 = tpu.vector_load %arg12[%swap3A_309] {strides = array<i32>} : memref<80xi32, #tpu.memory_space<vmem>>, vector<16xi32>,
          tpu.vector_store %arg12[%swap3A_309], %select_n3A_308 {strides = array<i32>} : memref<80xi32, #tpu.memory_space<vmem>>, vector<16xi32>,
          %mul3A_311 = arith.constant 80 : i32
          %mul3A_312 = arith.muli %add3A_235, %mul3A_311 : i32
          %add3A_313 = arith.constant 32 : i32
          %add3A_314 = arith.addi %mul3A_312, %add3A_313 : i32
          %iota3A_315 = tpu.iota {dimensions = array<i32: 0>} : vector<16xi32>
          %add3A_316 = vector.broadcast %add3A_314 : i32 to vector<16xi32>
          %add3A_317 = arith.addi %add3A_316, %iota3A_315 : vector<16xi32>
          %lt3A_318 = vector.broadcast %scan3A_9 : i32 to vector<16xi32>
          %lt3A_319 = arith.cmpi slt, %add3A_317, %lt3A_318 : vector<16xi32>
          %min3A_320 = vector.broadcast %max3A_238 : i32 to vector<16xi32>
          %min3A_321 = arith.minsi %add3A_317, %min3A_320 : vector<16xi32>
          %add3A_322 = arith.constant 0 : i32
          %add3A_323 = vector.broadcast %add3A_322 : i32 to vector<16xi32>
          %add3A_324 = arith.addi %min3A_321, %add3A_323 : vector<16xi32>
          %min3A_325 = arith.constant 9999 : i32
          %min3A_326 = vector.broadcast %min3A_325 : i32 to vector<16xi32>
          %min3A_327 = arith.minsi %add3A_324, %min3A_326 : vector<16xi32>
          %gather3A_328 = tpu.vector_load_idx %arg7[%min3A_327] : memref<10016xi32, #tpu.memory_space<vmem>>[vector<16xi32>], vector<16xi32>,
          %gather3A_329 = tpu.vector_load_idx %arg6[%gather3A_328] : memref<10000xi32, #tpu.memory_space<vmem>>[vector<16xi32>], vector<16xi32>,
          %and3A_330 = arith.constant 65535 : i32
          %and3A_331 = vector.broadcast %and3A_330 : i32 to vector<16xi32>
          %and3A_332 = arith.andi %gather3A_329, %and3A_331 : vector<16xi32>
          %swap3A_333 = arith.constant 32 : index
          %swap3A_334 = tpu.vector_load %arg8[%swap3A_333] {strides = array<i32>} : memref<80xi32, #tpu.memory_space<vmem>>, vector<16xi32>,
          tpu.vector_store %arg8[%swap3A_333], %and3A_332 {strides = array<i32>} : memref<80xi32, #tpu.memory_space<vmem>>, vector<16xi32>,
          %add3A_335 = vector.broadcast %mul3A_0 : i32 to vector<16xi32>
          %add3A_336 = arith.addi %add3A_335, %gather3A_328 : vector<16xi32>
          %swap3A_337 = arith.constant 32 : index
          %swap3A_338 = tpu.vector_load %arg10[%swap3A_337] {strides = array<i32>} : memref<80xi32, #tpu.memory_space<vmem>>, vector<16xi32>,
          tpu.vector_store %arg10[%swap3A_337], %add3A_336 {strides = array<i32>} : memref<80xi32, #tpu.memory_space<vmem>>, vector<16xi32>,
          %shift_right_arithmetic3A_339 = arith.constant 16 : i32
          %shift_right_arithmetic3A_340 = vector.broadcast %shift_right_arithmetic3A_339 : i32 to vector<16xi32>
          %shift_right_arithmetic3A_341 = arith.shrsi %gather3A_329, %shift_right_arithmetic3A_340 : vector<16xi32>
          %sub3A_342 = arith.constant 0 : i32
          %sub3A_343 = vector.broadcast %sub3A_342 : i32 to vector<16xi32>
          %sub3A_344 = arith.subi %shift_right_arithmetic3A_341, %sub3A_343 : vector<16xi32>
          %jit3A_345 = arith.constant 5120 : i32
          %broadcast_in_dim3A_346 = vector.broadcast %jit3A_345 : i32 to vector<16xi32>
          %select_n3A_347 = arith.select %lt3A_319, %sub3A_344, %broadcast_in_dim3A_346 : vector<16xi1>, vector<16xi32>
          %swap3A_348 = arith.constant 32 : index
          %swap3A_349 = tpu.vector_load %arg12[%swap3A_348] {strides = array<i32>} : memref<80xi32, #tpu.memory_space<vmem>>, vector<16xi32>,
          tpu.vector_store %arg12[%swap3A_348], %select_n3A_347 {strides = array<i32>} : memref<80xi32, #tpu.memory_space<vmem>>, vector<16xi32>,
          %mul3A_350 = arith.constant 80 : i32
          %mul3A_351 = arith.muli %add3A_235, %mul3A_350 : i32
          %add3A_352 = arith.constant 48 : i32
          %add3A_353 = arith.addi %mul3A_351, %add3A_352 : i32
          %iota3A_354 = tpu.iota {dimensions = array<i32: 0>} : vector<16xi32>
          %add3A_355 = vector.broadcast %add3A_353 : i32 to vector<16xi32>
          %add3A_356 = arith.addi %add3A_355, %iota3A_354 : vector<16xi32>
          %lt3A_357 = vector.broadcast %scan3A_9 : i32 to vector<16xi32>
          %lt3A_358 = arith.cmpi slt, %add3A_356, %lt3A_357 : vector<16xi32>
          %min3A_359 = vector.broadcast %max3A_238 : i32 to vector<16xi32>
          %min3A_360 = arith.minsi %add3A_356, %min3A_359 : vector<16xi32>
          %add3A_361 = arith.constant 0 : i32
          %add3A_362 = vector.broadcast %add3A_361 : i32 to vector<16xi32>
          %add3A_363 = arith.addi %min3A_360, %add3A_362 : vector<16xi32>
          %min3A_364 = arith.constant 9999 : i32
          %min3A_365 = vector.broadcast %min3A_364 : i32 to vector<16xi32>
          %min3A_366 = arith.minsi %add3A_363, %min3A_365 : vector<16xi32>
          %gather3A_367 = tpu.vector_load_idx %arg7[%min3A_366] : memref<10016xi32, #tpu.memory_space<vmem>>[vector<16xi32>], vector<16xi32>,
          %gather3A_368 = tpu.vector_load_idx %arg6[%gather3A_367] : memref<10000xi32, #tpu.memory_space<vmem>>[vector<16xi32>], vector<16xi32>,
          %and3A_369 = arith.constant 65535 : i32
          %and3A_370 = vector.broadcast %and3A_369 : i32 to vector<16xi32>
          %and3A_371 = arith.andi %gather3A_368, %and3A_370 : vector<16xi32>
          %swap3A_372 = arith.constant 48 : index
          %swap3A_373 = tpu.vector_load %arg8[%swap3A_372] {strides = array<i32>} : memref<80xi32, #tpu.memory_space<vmem>>, vector<16xi32>,
          tpu.vector_store %arg8[%swap3A_372], %and3A_371 {strides = array<i32>} : memref<80xi32, #tpu.memory_space<vmem>>, vector<16xi32>,
          %add3A_374 = vector.broadcast %mul3A_0 : i32 to vector<16xi32>
          %add3A_375 = arith.addi %add3A_374, %gather3A_367 : vector<16xi32>
          %swap3A_376 = arith.constant 48 : index
          %swap3A_377 = tpu.vector_load %arg10[%swap3A_376] {strides = array<i32>} : memref<80xi32, #tpu.memory_space<vmem>>, vector<16xi32>,
          tpu.vector_store %arg10[%swap3A_376], %add3A_375 {strides = array<i32>} : memref<80xi32, #tpu.memory_space<vmem>>, vector<16xi32>,
          %shift_right_arithmetic3A_378 = arith.constant 16 : i32
          %shift_right_arithmetic3A_379 = vector.broadcast %shift_right_arithmetic3A_378 : i32 to vector<16xi32>
          %shift_right_arithmetic3A_380 = arith.shrsi %gather3A_368, %shift_right_arithmetic3A_379 : vector<16xi32>
          %sub3A_381 = arith.constant 0 : i32
          %sub3A_382 = vector.broadcast %sub3A_381 : i32 to vector<16xi32>
          %sub3A_383 = arith.subi %shift_right_arithmetic3A_380, %sub3A_382 : vector<16xi32>
          %jit3A_384 = arith.constant 5120 : i32
          %broadcast_in_dim3A_385 = vector.broadcast %jit3A_384 : i32 to vector<16xi32>
          %select_n3A_386 = arith.select %lt3A_358, %sub3A_383, %broadcast_in_dim3A_385 : vector<16xi1>, vector<16xi32>
          %swap3A_387 = arith.constant 48 : index
          %swap3A_388 = tpu.vector_load %arg12[%swap3A_387] {strides = array<i32>} : memref<80xi32, #tpu.memory_space<vmem>>, vector<16xi32>,
          tpu.vector_store %arg12[%swap3A_387], %select_n3A_386 {strides = array<i32>} : memref<80xi32, #tpu.memory_space<vmem>>, vector<16xi32>,
          %mul3A_389 = arith.constant 80 : i32
          %mul3A_390 = arith.muli %add3A_235, %mul3A_389 : i32
          %add3A_391 = arith.constant 64 : i32
          %add3A_392 = arith.addi %mul3A_390, %add3A_391 : i32
          %iota3A_393 = tpu.iota {dimensions = array<i32: 0>} : vector<16xi32>
          %add3A_394 = vector.broadcast %add3A_392 : i32 to vector<16xi32>
          %add3A_395 = arith.addi %add3A_394, %iota3A_393 : vector<16xi32>
          %lt3A_396 = vector.broadcast %scan3A_9 : i32 to vector<16xi32>
          %lt3A_397 = arith.cmpi slt, %add3A_395, %lt3A_396 : vector<16xi32>
          %min3A_398 = vector.broadcast %max3A_238 : i32 to vector<16xi32>
          %min3A_399 = arith.minsi %add3A_395, %min3A_398 : vector<16xi32>
          %add3A_400 = arith.constant 0 : i32
          %add3A_401 = vector.broadcast %add3A_400 : i32 to vector<16xi32>
          %add3A_402 = arith.addi %min3A_399, %add3A_401 : vector<16xi32>
          %min3A_403 = arith.constant 9999 : i32
          %min3A_404 = vector.broadcast %min3A_403 : i32 to vector<16xi32>
          %min3A_405 = arith.minsi %add3A_402, %min3A_404 : vector<16xi32>
          %gather3A_406 = tpu.vector_load_idx %arg7[%min3A_405] : memref<10016xi32, #tpu.memory_space<vmem>>[vector<16xi32>], vector<16xi32>,
          %gather3A_407 = tpu.vector_load_idx %arg6[%gather3A_406] : memref<10000xi32, #tpu.memory_space<vmem>>[vector<16xi32>], vector<16xi32>,
          %and3A_408 = arith.constant 65535 : i32
          %and3A_409 = vector.broadcast %and3A_408 : i32 to vector<16xi32>
          %and3A_410 = arith.andi %gather3A_407, %and3A_409 : vector<16xi32>
          %swap3A_411 = arith.constant 64 : index
          %swap3A_412 = tpu.vector_load %arg8[%swap3A_411] {strides = array<i32>} : memref<80xi32, #tpu.memory_space<vmem>>, vector<16xi32>,
          tpu.vector_store %arg8[%swap3A_411], %and3A_410 {strides = array<i32>} : memref<80xi32, #tpu.memory_space<vmem>>, vector<16xi32>,
          %add3A_413 = vector.broadcast %mul3A_0 : i32 to vector<16xi32>
          %add3A_414 = arith.addi %add3A_413, %gather3A_406 : vector<16xi32>
          %swap3A_415 = arith.constant 64 : index
          %swap3A_416 = tpu.vector_load %arg10[%swap3A_415] {strides = array<i32>} : memref<80xi32, #tpu.memory_space<vmem>>, vector<16xi32>,
          tpu.vector_store %arg10[%swap3A_415], %add3A_414 {strides = array<i32>} : memref<80xi32, #tpu.memory_space<vmem>>, vector<16xi32>,
          %shift_right_arithmetic3A_417 = arith.constant 16 : i32
          %shift_right_arithmetic3A_418 = vector.broadcast %shift_right_arithmetic3A_417 : i32 to vector<16xi32>
          %shift_right_arithmetic3A_419 = arith.shrsi %gather3A_407, %shift_right_arithmetic3A_418 : vector<16xi32>
          %sub3A_420 = arith.constant 0 : i32
          %sub3A_421 = vector.broadcast %sub3A_420 : i32 to vector<16xi32>
          %sub3A_422 = arith.subi %shift_right_arithmetic3A_419, %sub3A_421 : vector<16xi32>
          %jit3A_423 = arith.constant 5120 : i32
          %broadcast_in_dim3A_424 = vector.broadcast %jit3A_423 : i32 to vector<16xi32>
          %select_n3A_425 = arith.select %lt3A_397, %sub3A_422, %broadcast_in_dim3A_424 : vector<16xi1>, vector<16xi32>
          %swap3A_426 = arith.constant 64 : index
          %swap3A_427 = tpu.vector_load %arg12[%swap3A_426] {strides = array<i32>} : memref<80xi32, #tpu.memory_space<vmem>>, vector<16xi32>,
          tpu.vector_store %arg12[%swap3A_426], %select_n3A_425 {strides = array<i32>} : memref<80xi32, #tpu.memory_space<vmem>>, vector<16xi32>,
          %dma_start3A = arith.constant 0 : i32
          %dma_start3A_428 = arith.constant 0 : i32
          %dma_start3A_429 = tpu.memref_slice %arg2[%dma_start3A, %dma_start3A_428] : memref<10000x128xf32, #tpu.memory_space<hbm>> -> memref<10000x128xf32, #tpu.memory_space<hbm>>
          tpu.enqueue_indirect_dma source(%dma_start3A_429 : memref<10000x128xf32, #tpu.memory_space<hbm>>) target(%arg14 : memref<80x128xf32, #tpu.memory_space<vmem>>) offsets(%arg8 : memref<80xi32, #tpu.memory_space<vmem>>) semaphore(%arg20 : memref<!tpu.dma_semaphore, #tpu.memory_space<semaphore_mem>>)
          %dma_start3A_430 = arith.constant 0 : i32
          %dma_start3A_431 = arith.constant 0 : i32
          %dma_start3A_432 = tpu.memref_slice %arg4[%dma_start3A_430, %dma_start3A_431] : memref<160000x128xi32, #tpu.memory_space<hbm>> -> memref<160000x128xi32, #tpu.memory_space<hbm>>
          tpu.enqueue_indirect_dma source(%dma_start3A_432 : memref<160000x128xi32, #tpu.memory_space<hbm>>) target(%arg16 : memref<80x128xi32, #tpu.memory_space<vmem>>) offsets(%arg10 : memref<80xi32, #tpu.memory_space<vmem>>) semaphore(%arg20 : memref<!tpu.dma_semaphore, #tpu.memory_space<semaphore_mem>>)
        } else {
        }
      } else {
      }
      %add3A_215 = arith.constant 1 : i32
      %add3A_216 = arith.addi %mul3A_209, %add3A_215 : i32
      %lt3A_217 = arith.cmpi slt, %add3A_216, %select_n3A : i32
      %convert_element_type3A_218 = arith.extui %lt3A_217 : i1 to i32
      %cond3A_219 = arith.constant 0 : i32
      %cond3A_220 = arith.cmpi ne, %convert_element_type3A_218, %cond3A_219 : i32
      scf.if %cond3A_220 {
        %dma_wait3A = arith.constant 0 : i32
        %dma_wait3A_221 = arith.constant 0 : i32
        %dma_wait3A_222 = tpu.memref_slice %arg2[%dma_wait3A, %dma_wait3A_221] : memref<10000x128xf32, #tpu.memory_space<hbm>> -> memref<10000x128xf32, #tpu.memory_space<hbm>>
        tpu.wait_indirect_dma semaphore(%arg21 : memref<!tpu.dma_semaphore, #tpu.memory_space<semaphore_mem>>) src(%dma_wait3A_222 : memref<10000x128xf32, #tpu.memory_space<hbm>>) dst(%arg15 : memref<80x128xf32, #tpu.memory_space<vmem>>)
        %dma_wait3A_223 = arith.constant 0 : i32
        %dma_wait3A_224 = arith.constant 0 : i32
        %dma_wait3A_225 = tpu.memref_slice %arg4[%dma_wait3A_223, %dma_wait3A_224] : memref<160000x128xi32, #tpu.memory_space<hbm>> -> memref<160000x128xi32, #tpu.memory_space<hbm>>
        tpu.wait_indirect_dma semaphore(%arg21 : memref<!tpu.dma_semaphore, #tpu.memory_space<semaphore_mem>>) src(%dma_wait3A_225 : memref<160000x128xi32, #tpu.memory_space<hbm>>) dst(%arg17 : memref<80x128xi32, #tpu.memory_space<vmem>>)
        %parallel_loop3A = arith.constant 0 : i32
        %parallel_loop3A_226 = arith.constant 80 : i32
        %parallel_loop3A_227 = arith.constant 1 : i32
        scf.for %parallel_loop3A_234 = %parallel_loop3A to %parallel_loop3A_226 step %parallel_loop3A_227  : i32 {
          %parallel_loop3A_235 = arith.constant 0 : i32
          %parallel_loop3A_236 = arith.addi %mul3A_4, %parallel_loop3A_235 : i32
          %parallel_loop3A_237 = arith.index_cast %parallel_loop3A_234 : i32 to index
          %parallel_loop3A_238 = arith.index_cast %parallel_loop3A_236 : i32 to index
          %parallel_loop3A_239 = tpu.vector_load %arg17[%parallel_loop3A_237, %parallel_loop3A_238] {strides = array<i32>} : memref<80x128xi32, #tpu.memory_space<vmem>>, vector<16xi32>,
          %parallel_loop3A_240 = vector.bitcast %parallel_loop3A_239 : vector<16xi32> to vector<32xbf16>
          %parallel_loop3A_241 = tpu.unpack_subelements %parallel_loop3A_240, 0 {pack_format = #tpu.pack_format<interleaved>} : vector<32xbf16> -> vector<16xf32>
          %parallel_loop3A_242 = tpu.unpack_subelements %parallel_loop3A_240, 1 {pack_format = #tpu.pack_format<interleaved>} : vector<32xbf16> -> vector<16xf32>
          %parallel_loop3A_243 = arith.index_cast %parallel_loop3A_234 : i32 to index
          %parallel_loop3A_244 = arith.constant 0 : index
          %parallel_loop3A_245 = tpu.vector_load %arg15[%parallel_loop3A_243, %parallel_loop3A_244] {strides = array<i32>} : memref<80x128xf32, #tpu.memory_space<vmem>>, vector<16xf32>,
          %parallel_loop3A_246 = arith.mulf %parallel_loop3A_245, %parallel_loop3A_241 : vector<16xf32>
          %parallel_loop3A_247 = arith.index_cast %parallel_loop3A_234 : i32 to index
          %parallel_loop3A_248 = arith.constant 0 : index
          %parallel_loop3A_249 = tpu.vector_load %arg18[%parallel_loop3A_247, %parallel_loop3A_248] {strides = array<i32>} : memref<80x128xf32, #tpu.memory_space<vmem>>, vector<16xf32>,
          tpu.vector_store %arg18[%parallel_loop3A_247, %parallel_loop3A_248], %parallel_loop3A_246 {strides = array<i32>} : memref<80x128xf32, #tpu.memory_space<vmem>>, vector<16xf32>,
          %parallel_loop3A_250 = arith.index_cast %parallel_loop3A_234 : i32 to index
          %parallel_loop3A_251 = arith.constant 64 : index
          %parallel_loop3A_252 = tpu.vector_load %arg15[%parallel_loop3A_250, %parallel_loop3A_251] {strides = array<i32>} : memref<80x128xf32, #tpu.memory_space<vmem>>, vector<16xf32>,
          %parallel_loop3A_253 = arith.mulf %parallel_loop3A_252, %parallel_loop3A_242 : vector<16xf32>
          %parallel_loop3A_254 = arith.index_cast %parallel_loop3A_234 : i32 to index
          %parallel_loop3A_255 = arith.constant 64 : index
          %parallel_loop3A_256 = tpu.vector_load %arg18[%parallel_loop3A_254, %parallel_loop3A_255] {strides = array<i32>} : memref<80x128xf32, #tpu.memory_space<vmem>>, vector<16xf32>,
          tpu.vector_store %arg18[%parallel_loop3A_254, %parallel_loop3A_255], %parallel_loop3A_253 {strides = array<i32>} : memref<80x128xf32, #tpu.memory_space<vmem>>, vector<16xf32>,
          %parallel_loop3A_257 = arith.constant 16 : i32
          %parallel_loop3A_258 = arith.addi %mul3A_4, %parallel_loop3A_257 : i32
          %parallel_loop3A_259 = arith.index_cast %parallel_loop3A_234 : i32 to index
          %parallel_loop3A_260 = arith.index_cast %parallel_loop3A_258 : i32 to index
          %parallel_loop3A_261 = tpu.vector_load %arg17[%parallel_loop3A_259, %parallel_loop3A_260] {strides = array<i32>} : memref<80x128xi32, #tpu.memory_space<vmem>>, vector<16xi32>,
          %parallel_loop3A_262 = vector.bitcast %parallel_loop3A_261 : vector<16xi32> to vector<32xbf16>
          %parallel_loop3A_263 = tpu.unpack_subelements %parallel_loop3A_262, 0 {pack_format = #tpu.pack_format<interleaved>} : vector<32xbf16> -> vector<16xf32>
          %parallel_loop3A_264 = tpu.unpack_subelements %parallel_loop3A_262, 1 {pack_format = #tpu.pack_format<interleaved>} : vector<32xbf16> -> vector<16xf32>
          %parallel_loop3A_265 = arith.index_cast %parallel_loop3A_234 : i32 to index
          %parallel_loop3A_266 = arith.constant 16 : index
          %parallel_loop3A_267 = tpu.vector_load %arg15[%parallel_loop3A_265, %parallel_loop3A_266] {strides = array<i32>} : memref<80x128xf32, #tpu.memory_space<vmem>>, vector<16xf32>,
          %parallel_loop3A_268 = arith.mulf %parallel_loop3A_267, %parallel_loop3A_263 : vector<16xf32>
          %parallel_loop3A_269 = arith.index_cast %parallel_loop3A_234 : i32 to index
          %parallel_loop3A_270 = arith.constant 16 : index
          %parallel_loop3A_271 = tpu.vector_load %arg18[%parallel_loop3A_269, %parallel_loop3A_270] {strides = array<i32>} : memref<80x128xf32, #tpu.memory_space<vmem>>, vector<16xf32>,
          tpu.vector_store %arg18[%parallel_loop3A_269, %parallel_loop3A_270], %parallel_loop3A_268 {strides = array<i32>} : memref<80x128xf32, #tpu.memory_space<vmem>>, vector<16xf32>,
          %parallel_loop3A_272 = arith.index_cast %parallel_loop3A_234 : i32 to index
          %parallel_loop3A_273 = arith.constant 80 : index
          %parallel_loop3A_274 = tpu.vector_load %arg15[%parallel_loop3A_272, %parallel_loop3A_273] {strides = array<i32>} : memref<80x128xf32, #tpu.memory_space<vmem>>, vector<16xf32>,
          %parallel_loop3A_275 = arith.mulf %parallel_loop3A_274, %parallel_loop3A_264 : vector<16xf32>
          %parallel_loop3A_276 = arith.index_cast %parallel_loop3A_234 : i32 to index
          %parallel_loop3A_277 = arith.constant 80 : index
          %parallel_loop3A_278 = tpu.vector_load %arg18[%parallel_loop3A_276, %parallel_loop3A_277] {strides = array<i32>} : memref<80x128xf32, #tpu.memory_space<vmem>>, vector<16xf32>,
          tpu.vector_store %arg18[%parallel_loop3A_276, %parallel_loop3A_277], %parallel_loop3A_275 {strides = array<i32>} : memref<80x128xf32, #tpu.memory_space<vmem>>, vector<16xf32>,
          %parallel_loop3A_279 = arith.constant 32 : i32
          %parallel_loop3A_280 = arith.addi %mul3A_4, %parallel_loop3A_279 : i32
          %parallel_loop3A_281 = arith.index_cast %parallel_loop3A_234 : i32 to index
          %parallel_loop3A_282 = arith.index_cast %parallel_loop3A_280 : i32 to index
          %parallel_loop3A_283 = tpu.vector_load %arg17[%parallel_loop3A_281, %parallel_loop3A_282] {strides = array<i32>} : memref<80x128xi32, #tpu.memory_space<vmem>>, vector<16xi32>,
          %parallel_loop3A_284 = vector.bitcast %parallel_loop3A_283 : vector<16xi32> to vector<32xbf16>
          %parallel_loop3A_285 = tpu.unpack_subelements %parallel_loop3A_284, 0 {pack_format = #tpu.pack_format<interleaved>} : vector<32xbf16> -> vector<16xf32>
          %parallel_loop3A_286 = tpu.unpack_subelements %parallel_loop3A_284, 1 {pack_format = #tpu.pack_format<interleaved>} : vector<32xbf16> -> vector<16xf32>
          %parallel_loop3A_287 = arith.index_cast %parallel_loop3A_234 : i32 to index
          %parallel_loop3A_288 = arith.constant 32 : index
          %parallel_loop3A_289 = tpu.vector_load %arg15[%parallel_loop3A_287, %parallel_loop3A_288] {strides = array<i32>} : memref<80x128xf32, #tpu.memory_space<vmem>>, vector<16xf32>,
          %parallel_loop3A_290 = arith.mulf %parallel_loop3A_289, %parallel_loop3A_285 : vector<16xf32>
          %parallel_loop3A_291 = arith.index_cast %parallel_loop3A_234 : i32 to index
          %parallel_loop3A_292 = arith.constant 32 : index
          %parallel_loop3A_293 = tpu.vector_load %arg18[%parallel_loop3A_291, %parallel_loop3A_292] {strides = array<i32>} : memref<80x128xf32, #tpu.memory_space<vmem>>, vector<16xf32>,
          tpu.vector_store %arg18[%parallel_loop3A_291, %parallel_loop3A_292], %parallel_loop3A_290 {strides = array<i32>} : memref<80x128xf32, #tpu.memory_space<vmem>>, vector<16xf32>,
          %parallel_loop3A_294 = arith.index_cast %parallel_loop3A_234 : i32 to index
          %parallel_loop3A_295 = arith.constant 96 : index
          %parallel_loop3A_296 = tpu.vector_load %arg15[%parallel_loop3A_294, %parallel_loop3A_295] {strides = array<i32>} : memref<80x128xf32, #tpu.memory_space<vmem>>, vector<16xf32>,
          %parallel_loop3A_297 = arith.mulf %parallel_loop3A_296, %parallel_loop3A_286 : vector<16xf32>
          %parallel_loop3A_298 = arith.index_cast %parallel_loop3A_234 : i32 to index
          %parallel_loop3A_299 = arith.constant 96 : index
          %parallel_loop3A_300 = tpu.vector_load %arg18[%parallel_loop3A_298, %parallel_loop3A_299] {strides = array<i32>} : memref<80x128xf32, #tpu.memory_space<vmem>>, vector<16xf32>,
          tpu.vector_store %arg18[%parallel_loop3A_298, %parallel_loop3A_299], %parallel_loop3A_297 {strides = array<i32>} : memref<80x128xf32, #tpu.memory_space<vmem>>, vector<16xf32>,
          %parallel_loop3A_301 = arith.constant 48 : i32
          %parallel_loop3A_302 = arith.addi %mul3A_4, %parallel_loop3A_301 : i32
          %parallel_loop3A_303 = arith.index_cast %parallel_loop3A_234 : i32 to index
          %parallel_loop3A_304 = arith.index_cast %parallel_loop3A_302 : i32 to index
          %parallel_loop3A_305 = tpu.vector_load %arg17[%parallel_loop3A_303, %parallel_loop3A_304] {strides = array<i32>} : memref<80x128xi32, #tpu.memory_space<vmem>>, vector<16xi32>,
          %parallel_loop3A_306 = vector.bitcast %parallel_loop3A_305 : vector<16xi32> to vector<32xbf16>
          %parallel_loop3A_307 = tpu.unpack_subelements %parallel_loop3A_306, 0 {pack_format = #tpu.pack_format<interleaved>} : vector<32xbf16> -> vector<16xf32>
          %parallel_loop3A_308 = tpu.unpack_subelements %parallel_loop3A_306, 1 {pack_format = #tpu.pack_format<interleaved>} : vector<32xbf16> -> vector<16xf32>
          %parallel_loop3A_309 = arith.index_cast %parallel_loop3A_234 : i32 to index
          %parallel_loop3A_310 = arith.constant 48 : index
          %parallel_loop3A_311 = tpu.vector_load %arg15[%parallel_loop3A_309, %parallel_loop3A_310] {strides = array<i32>} : memref<80x128xf32, #tpu.memory_space<vmem>>, vector<16xf32>,
          %parallel_loop3A_312 = arith.mulf %parallel_loop3A_311, %parallel_loop3A_307 : vector<16xf32>
          %parallel_loop3A_313 = arith.index_cast %parallel_loop3A_234 : i32 to index
          %parallel_loop3A_314 = arith.constant 48 : index
          %parallel_loop3A_315 = tpu.vector_load %arg18[%parallel_loop3A_313, %parallel_loop3A_314] {strides = array<i32>} : memref<80x128xf32, #tpu.memory_space<vmem>>, vector<16xf32>,
          tpu.vector_store %arg18[%parallel_loop3A_313, %parallel_loop3A_314], %parallel_loop3A_312 {strides = array<i32>} : memref<80x128xf32, #tpu.memory_space<vmem>>, vector<16xf32>,
          %parallel_loop3A_316 = arith.index_cast %parallel_loop3A_234 : i32 to index
          %parallel_loop3A_317 = arith.constant 112 : index
          %parallel_loop3A_318 = tpu.vector_load %arg15[%parallel_loop3A_316, %parallel_loop3A_317] {strides = array<i32>} : memref<80x128xf32, #tpu.memory_space<vmem>>, vector<16xf32>,
          %parallel_loop3A_319 = arith.mulf %parallel_loop3A_318, %parallel_loop3A_308 : vector<16xf32>
          %parallel_loop3A_320 = arith.index_cast %parallel_loop3A_234 : i32 to index
          %parallel_loop3A_321 = arith.constant 112 : index
          %parallel_loop3A_322 = tpu.vector_load %arg18[%parallel_loop3A_320, %parallel_loop3A_321] {strides = array<i32>} : memref<80x128xf32, #tpu.memory_space<vmem>>, vector<16xf32>,
          tpu.vector_store %arg18[%parallel_loop3A_320, %parallel_loop3A_321], %parallel_loop3A_319 {strides = array<i32>} : memref<80x128xf32, #tpu.memory_space<vmem>>, vector<16xf32>,
        } {sc.loop_unroll_factor = 4 : i64, sc.parallel_access}
        "tpu.region"() ({
          %run_scoped3A = tpu.sem_alloc : memref<!tpu.dma_semaphore, #tpu.memory_space<semaphore_mem>>
          %dma_start3A = arith.constant 0 : i32
          %dma_start3A_234 = arith.constant 0 : i32
          %dma_start3A_235 = tpu.memref_slice %arg19[%dma_start3A, %dma_start3A_234] : memref<5128x128xf32, #tpu.memory_space<vmem_shared>> -> memref<5128x128xf32, #tpu.memory_space<vmem_shared>>
          tpu.enqueue_indirect_dma source(%arg18 : memref<80x128xf32, #tpu.memory_space<vmem>>) target(%dma_start3A_235 : memref<5128x128xf32, #tpu.memory_space<vmem_shared>>) offsets(%arg13 : memref<80xi32, #tpu.memory_space<vmem>>) semaphore(%run_scoped3A : memref<!tpu.dma_semaphore, #tpu.memory_space<semaphore_mem>>) {add = true}
          %dma_wait3A_236 = arith.constant 0 : i32
          %dma_wait3A_237 = arith.constant 0 : i32
          %dma_wait3A_238 = tpu.memref_slice %arg19[%dma_wait3A_236, %dma_wait3A_237] : memref<5128x128xf32, #tpu.memory_space<vmem_shared>> -> memref<5128x128xf32, #tpu.memory_space<vmem_shared>>
          tpu.wait_indirect_dma semaphore(%run_scoped3A : memref<!tpu.dma_semaphore, #tpu.memory_space<semaphore_mem>>) src(%arg18 : memref<80x128xf32, #tpu.memory_space<vmem>>) dst(%dma_wait3A_238 : memref<5128x128xf32, #tpu.memory_space<vmem_shared>>)
          tpu.yield
        }) : () -> ()
        %add3A_228 = arith.constant 2 : i32
        %add3A_229 = arith.addi %add3A_216, %add3A_228 : i32
        %lt3A_230 = arith.cmpi slt, %add3A_229, %select_n3A : i32
        %convert_element_type3A_231 = arith.extui %lt3A_230 : i1 to i32
        %cond3A_232 = arith.constant 0 : i32
        %cond3A_233 = arith.cmpi ne, %convert_element_type3A_231, %cond3A_232 : i32
        scf.if %cond3A_233 {
          %add3A_234 = arith.constant 2 : i32
          %add3A_235 = arith.addi %add3A_216, %add3A_234 : i32
          %sub3A_236 = arith.constant 1 : i32
          %sub3A_237 = arith.subi %scan3A_9, %sub3A_236 : i32
          %max3A = arith.constant 0 : i32
          %max3A_238 = arith.maxsi %sub3A_237, %max3A : i32
          %mul3A_239 = arith.constant 80 : i32
          %mul3A_240 = arith.muli %add3A_235, %mul3A_239 : i32
          %add3A_241 = arith.constant 0 : i32
          %add3A_242 = arith.addi %mul3A_240, %add3A_241 : i32
          %iota3A = tpu.iota {dimensions = array<i32: 0>} : vector<16xi32>
          %add3A_243 = vector.broadcast %add3A_242 : i32 to vector<16xi32>
          %add3A_244 = arith.addi %add3A_243, %iota3A : vector<16xi32>
          %lt3A_245 = vector.broadcast %scan3A_9 : i32 to vector<16xi32>
          %lt3A_246 = arith.cmpi slt, %add3A_244, %lt3A_245 : vector<16xi32>
          %min3A = vector.broadcast %max3A_238 : i32 to vector<16xi32>
          %min3A_247 = arith.minsi %add3A_244, %min3A : vector<16xi32>
          %add3A_248 = arith.constant 0 : i32
          %add3A_249 = vector.broadcast %add3A_248 : i32 to vector<16xi32>
          %add3A_250 = arith.addi %min3A_247, %add3A_249 : vector<16xi32>
          %min3A_251 = arith.constant 9999 : i32
          %min3A_252 = vector.broadcast %min3A_251 : i32 to vector<16xi32>
          %min3A_253 = arith.minsi %add3A_250, %min3A_252 : vector<16xi32>
          %gather3A = tpu.vector_load_idx %arg7[%min3A_253] : memref<10016xi32, #tpu.memory_space<vmem>>[vector<16xi32>], vector<16xi32>,
          %gather3A_254 = tpu.vector_load_idx %arg6[%gather3A] : memref<10000xi32, #tpu.memory_space<vmem>>[vector<16xi32>], vector<16xi32>,
          %and3A_255 = arith.constant 65535 : i32
          %and3A_256 = vector.broadcast %and3A_255 : i32 to vector<16xi32>
          %and3A_257 = arith.andi %gather3A_254, %and3A_256 : vector<16xi32>
          %swap3A = arith.constant 0 : index
          %swap3A_258 = tpu.vector_load %arg9[%swap3A] {strides = array<i32>} : memref<80xi32, #tpu.memory_space<vmem>>, vector<16xi32>,
          tpu.vector_store %arg9[%swap3A], %and3A_257 {strides = array<i32>} : memref<80xi32, #tpu.memory_space<vmem>>, vector<16xi32>,
          %add3A_259 = vector.broadcast %mul3A_0 : i32 to vector<16xi32>
          %add3A_260 = arith.addi %add3A_259, %gather3A : vector<16xi32>
          %swap3A_261 = arith.constant 0 : index
          %swap3A_262 = tpu.vector_load %arg11[%swap3A_261] {strides = array<i32>} : memref<80xi32, #tpu.memory_space<vmem>>, vector<16xi32>,
          tpu.vector_store %arg11[%swap3A_261], %add3A_260 {strides = array<i32>} : memref<80xi32, #tpu.memory_space<vmem>>, vector<16xi32>,
          %shift_right_arithmetic3A = arith.constant 16 : i32
          %shift_right_arithmetic3A_263 = vector.broadcast %shift_right_arithmetic3A : i32 to vector<16xi32>
          %shift_right_arithmetic3A_264 = arith.shrsi %gather3A_254, %shift_right_arithmetic3A_263 : vector<16xi32>
          %sub3A_265 = arith.constant 0 : i32
          %sub3A_266 = vector.broadcast %sub3A_265 : i32 to vector<16xi32>
          %sub3A_267 = arith.subi %shift_right_arithmetic3A_264, %sub3A_266 : vector<16xi32>
          %jit3A_268 = arith.constant 5120 : i32
          %broadcast_in_dim3A = vector.broadcast %jit3A_268 : i32 to vector<16xi32>
          %select_n3A_269 = arith.select %lt3A_246, %sub3A_267, %broadcast_in_dim3A : vector<16xi1>, vector<16xi32>
          %swap3A_270 = arith.constant 0 : index
          %swap3A_271 = tpu.vector_load %arg13[%swap3A_270] {strides = array<i32>} : memref<80xi32, #tpu.memory_space<vmem>>, vector<16xi32>,
          tpu.vector_store %arg13[%swap3A_270], %select_n3A_269 {strides = array<i32>} : memref<80xi32, #tpu.memory_space<vmem>>, vector<16xi32>,
          %mul3A_272 = arith.constant 80 : i32
          %mul3A_273 = arith.muli %add3A_235, %mul3A_272 : i32
          %add3A_274 = arith.constant 16 : i32
          %add3A_275 = arith.addi %mul3A_273, %add3A_274 : i32
          %iota3A_276 = tpu.iota {dimensions = array<i32: 0>} : vector<16xi32>
          %add3A_277 = vector.broadcast %add3A_275 : i32 to vector<16xi32>
          %add3A_278 = arith.addi %add3A_277, %iota3A_276 : vector<16xi32>
          %lt3A_279 = vector.broadcast %scan3A_9 : i32 to vector<16xi32>
          %lt3A_280 = arith.cmpi slt, %add3A_278, %lt3A_279 : vector<16xi32>
          %min3A_281 = vector.broadcast %max3A_238 : i32 to vector<16xi32>
          %min3A_282 = arith.minsi %add3A_278, %min3A_281 : vector<16xi32>
          %add3A_283 = arith.constant 0 : i32
          %add3A_284 = vector.broadcast %add3A_283 : i32 to vector<16xi32>
          %add3A_285 = arith.addi %min3A_282, %add3A_284 : vector<16xi32>
          %min3A_286 = arith.constant 9999 : i32
          %min3A_287 = vector.broadcast %min3A_286 : i32 to vector<16xi32>
          %min3A_288 = arith.minsi %add3A_285, %min3A_287 : vector<16xi32>
          %gather3A_289 = tpu.vector_load_idx %arg7[%min3A_288] : memref<10016xi32, #tpu.memory_space<vmem>>[vector<16xi32>], vector<16xi32>,
          %gather3A_290 = tpu.vector_load_idx %arg6[%gather3A_289] : memref<10000xi32, #tpu.memory_space<vmem>>[vector<16xi32>], vector<16xi32>,
          %and3A_291 = arith.constant 65535 : i32
          %and3A_292 = vector.broadcast %and3A_291 : i32 to vector<16xi32>
          %and3A_293 = arith.andi %gather3A_290, %and3A_292 : vector<16xi32>
          %swap3A_294 = arith.constant 16 : index
          %swap3A_295 = tpu.vector_load %arg9[%swap3A_294] {strides = array<i32>} : memref<80xi32, #tpu.memory_space<vmem>>, vector<16xi32>,
          tpu.vector_store %arg9[%swap3A_294], %and3A_293 {strides = array<i32>} : memref<80xi32, #tpu.memory_space<vmem>>, vector<16xi32>,
          %add3A_296 = vector.broadcast %mul3A_0 : i32 to vector<16xi32>
          %add3A_297 = arith.addi %add3A_296, %gather3A_289 : vector<16xi32>
          %swap3A_298 = arith.constant 16 : index
          %swap3A_299 = tpu.vector_load %arg11[%swap3A_298] {strides = array<i32>} : memref<80xi32, #tpu.memory_space<vmem>>, vector<16xi32>,
          tpu.vector_store %arg11[%swap3A_298], %add3A_297 {strides = array<i32>} : memref<80xi32, #tpu.memory_space<vmem>>, vector<16xi32>,
          %shift_right_arithmetic3A_300 = arith.constant 16 : i32
          %shift_right_arithmetic3A_301 = vector.broadcast %shift_right_arithmetic3A_300 : i32 to vector<16xi32>
          %shift_right_arithmetic3A_302 = arith.shrsi %gather3A_290, %shift_right_arithmetic3A_301 : vector<16xi32>
          %sub3A_303 = arith.constant 0 : i32
          %sub3A_304 = vector.broadcast %sub3A_303 : i32 to vector<16xi32>
          %sub3A_305 = arith.subi %shift_right_arithmetic3A_302, %sub3A_304 : vector<16xi32>
          %jit3A_306 = arith.constant 5120 : i32
          %broadcast_in_dim3A_307 = vector.broadcast %jit3A_306 : i32 to vector<16xi32>
          %select_n3A_308 = arith.select %lt3A_280, %sub3A_305, %broadcast_in_dim3A_307 : vector<16xi1>, vector<16xi32>
          %swap3A_309 = arith.constant 16 : index
          %swap3A_310 = tpu.vector_load %arg13[%swap3A_309] {strides = array<i32>} : memref<80xi32, #tpu.memory_space<vmem>>, vector<16xi32>,
          tpu.vector_store %arg13[%swap3A_309], %select_n3A_308 {strides = array<i32>} : memref<80xi32, #tpu.memory_space<vmem>>, vector<16xi32>,
          %mul3A_311 = arith.constant 80 : i32
          %mul3A_312 = arith.muli %add3A_235, %mul3A_311 : i32
          %add3A_313 = arith.constant 32 : i32
          %add3A_314 = arith.addi %mul3A_312, %add3A_313 : i32
          %iota3A_315 = tpu.iota {dimensions = array<i32: 0>} : vector<16xi32>
          %add3A_316 = vector.broadcast %add3A_314 : i32 to vector<16xi32>
          %add3A_317 = arith.addi %add3A_316, %iota3A_315 : vector<16xi32>
          %lt3A_318 = vector.broadcast %scan3A_9 : i32 to vector<16xi32>
          %lt3A_319 = arith.cmpi slt, %add3A_317, %lt3A_318 : vector<16xi32>
          %min3A_320 = vector.broadcast %max3A_238 : i32 to vector<16xi32>
          %min3A_321 = arith.minsi %add3A_317, %min3A_320 : vector<16xi32>
          %add3A_322 = arith.constant 0 : i32
          %add3A_323 = vector.broadcast %add3A_322 : i32 to vector<16xi32>
          %add3A_324 = arith.addi %min3A_321, %add3A_323 : vector<16xi32>
          %min3A_325 = arith.constant 9999 : i32
          %min3A_326 = vector.broadcast %min3A_325 : i32 to vector<16xi32>
          %min3A_327 = arith.minsi %add3A_324, %min3A_326 : vector<16xi32>
          %gather3A_328 = tpu.vector_load_idx %arg7[%min3A_327] : memref<10016xi32, #tpu.memory_space<vmem>>[vector<16xi32>], vector<16xi32>,
          %gather3A_329 = tpu.vector_load_idx %arg6[%gather3A_328] : memref<10000xi32, #tpu.memory_space<vmem>>[vector<16xi32>], vector<16xi32>,
          %and3A_330 = arith.constant 65535 : i32
          %and3A_331 = vector.broadcast %and3A_330 : i32 to vector<16xi32>
          %and3A_332 = arith.andi %gather3A_329, %and3A_331 : vector<16xi32>
          %swap3A_333 = arith.constant 32 : index
          %swap3A_334 = tpu.vector_load %arg9[%swap3A_333] {strides = array<i32>} : memref<80xi32, #tpu.memory_space<vmem>>, vector<16xi32>,
          tpu.vector_store %arg9[%swap3A_333], %and3A_332 {strides = array<i32>} : memref<80xi32, #tpu.memory_space<vmem>>, vector<16xi32>,
          %add3A_335 = vector.broadcast %mul3A_0 : i32 to vector<16xi32>
          %add3A_336 = arith.addi %add3A_335, %gather3A_328 : vector<16xi32>
          %swap3A_337 = arith.constant 32 : index
          %swap3A_338 = tpu.vector_load %arg11[%swap3A_337] {strides = array<i32>} : memref<80xi32, #tpu.memory_space<vmem>>, vector<16xi32>,
          tpu.vector_store %arg11[%swap3A_337], %add3A_336 {strides = array<i32>} : memref<80xi32, #tpu.memory_space<vmem>>, vector<16xi32>,
          %shift_right_arithmetic3A_339 = arith.constant 16 : i32
          %shift_right_arithmetic3A_340 = vector.broadcast %shift_right_arithmetic3A_339 : i32 to vector<16xi32>
          %shift_right_arithmetic3A_341 = arith.shrsi %gather3A_329, %shift_right_arithmetic3A_340 : vector<16xi32>
          %sub3A_342 = arith.constant 0 : i32
          %sub3A_343 = vector.broadcast %sub3A_342 : i32 to vector<16xi32>
          %sub3A_344 = arith.subi %shift_right_arithmetic3A_341, %sub3A_343 : vector<16xi32>
          %jit3A_345 = arith.constant 5120 : i32
          %broadcast_in_dim3A_346 = vector.broadcast %jit3A_345 : i32 to vector<16xi32>
          %select_n3A_347 = arith.select %lt3A_319, %sub3A_344, %broadcast_in_dim3A_346 : vector<16xi1>, vector<16xi32>
          %swap3A_348 = arith.constant 32 : index
          %swap3A_349 = tpu.vector_load %arg13[%swap3A_348] {strides = array<i32>} : memref<80xi32, #tpu.memory_space<vmem>>, vector<16xi32>,
          tpu.vector_store %arg13[%swap3A_348], %select_n3A_347 {strides = array<i32>} : memref<80xi32, #tpu.memory_space<vmem>>, vector<16xi32>,
          %mul3A_350 = arith.constant 80 : i32
          %mul3A_351 = arith.muli %add3A_235, %mul3A_350 : i32
          %add3A_352 = arith.constant 48 : i32
          %add3A_353 = arith.addi %mul3A_351, %add3A_352 : i32
          %iota3A_354 = tpu.iota {dimensions = array<i32: 0>} : vector<16xi32>
          %add3A_355 = vector.broadcast %add3A_353 : i32 to vector<16xi32>
          %add3A_356 = arith.addi %add3A_355, %iota3A_354 : vector<16xi32>
          %lt3A_357 = vector.broadcast %scan3A_9 : i32 to vector<16xi32>
          %lt3A_358 = arith.cmpi slt, %add3A_356, %lt3A_357 : vector<16xi32>
          %min3A_359 = vector.broadcast %max3A_238 : i32 to vector<16xi32>
          %min3A_360 = arith.minsi %add3A_356, %min3A_359 : vector<16xi32>
          %add3A_361 = arith.constant 0 : i32
          %add3A_362 = vector.broadcast %add3A_361 : i32 to vector<16xi32>
          %add3A_363 = arith.addi %min3A_360, %add3A_362 : vector<16xi32>
          %min3A_364 = arith.constant 9999 : i32
          %min3A_365 = vector.broadcast %min3A_364 : i32 to vector<16xi32>
          %min3A_366 = arith.minsi %add3A_363, %min3A_365 : vector<16xi32>
          %gather3A_367 = tpu.vector_load_idx %arg7[%min3A_366] : memref<10016xi32, #tpu.memory_space<vmem>>[vector<16xi32>], vector<16xi32>,
          %gather3A_368 = tpu.vector_load_idx %arg6[%gather3A_367] : memref<10000xi32, #tpu.memory_space<vmem>>[vector<16xi32>], vector<16xi32>,
          %and3A_369 = arith.constant 65535 : i32
          %and3A_370 = vector.broadcast %and3A_369 : i32 to vector<16xi32>
          %and3A_371 = arith.andi %gather3A_368, %and3A_370 : vector<16xi32>
          %swap3A_372 = arith.constant 48 : index
          %swap3A_373 = tpu.vector_load %arg9[%swap3A_372] {strides = array<i32>} : memref<80xi32, #tpu.memory_space<vmem>>, vector<16xi32>,
          tpu.vector_store %arg9[%swap3A_372], %and3A_371 {strides = array<i32>} : memref<80xi32, #tpu.memory_space<vmem>>, vector<16xi32>,
          %add3A_374 = vector.broadcast %mul3A_0 : i32 to vector<16xi32>
          %add3A_375 = arith.addi %add3A_374, %gather3A_367 : vector<16xi32>
          %swap3A_376 = arith.constant 48 : index
          %swap3A_377 = tpu.vector_load %arg11[%swap3A_376] {strides = array<i32>} : memref<80xi32, #tpu.memory_space<vmem>>, vector<16xi32>,
          tpu.vector_store %arg11[%swap3A_376], %add3A_375 {strides = array<i32>} : memref<80xi32, #tpu.memory_space<vmem>>, vector<16xi32>,
          %shift_right_arithmetic3A_378 = arith.constant 16 : i32
          %shift_right_arithmetic3A_379 = vector.broadcast %shift_right_arithmetic3A_378 : i32 to vector<16xi32>
          %shift_right_arithmetic3A_380 = arith.shrsi %gather3A_368, %shift_right_arithmetic3A_379 : vector<16xi32>
          %sub3A_381 = arith.constant 0 : i32
          %sub3A_382 = vector.broadcast %sub3A_381 : i32 to vector<16xi32>
          %sub3A_383 = arith.subi %shift_right_arithmetic3A_380, %sub3A_382 : vector<16xi32>
          %jit3A_384 = arith.constant 5120 : i32
          %broadcast_in_dim3A_385 = vector.broadcast %jit3A_384 : i32 to vector<16xi32>
          %select_n3A_386 = arith.select %lt3A_358, %sub3A_383, %broadcast_in_dim3A_385 : vector<16xi1>, vector<16xi32>
          %swap3A_387 = arith.constant 48 : index
          %swap3A_388 = tpu.vector_load %arg13[%swap3A_387] {strides = array<i32>} : memref<80xi32, #tpu.memory_space<vmem>>, vector<16xi32>,
          tpu.vector_store %arg13[%swap3A_387], %select_n3A_386 {strides = array<i32>} : memref<80xi32, #tpu.memory_space<vmem>>, vector<16xi32>,
          %mul3A_389 = arith.constant 80 : i32
          %mul3A_390 = arith.muli %add3A_235, %mul3A_389 : i32
          %add3A_391 = arith.constant 64 : i32
          %add3A_392 = arith.addi %mul3A_390, %add3A_391 : i32
          %iota3A_393 = tpu.iota {dimensions = array<i32: 0>} : vector<16xi32>
          %add3A_394 = vector.broadcast %add3A_392 : i32 to vector<16xi32>
          %add3A_395 = arith.addi %add3A_394, %iota3A_393 : vector<16xi32>
          %lt3A_396 = vector.broadcast %scan3A_9 : i32 to vector<16xi32>
          %lt3A_397 = arith.cmpi slt, %add3A_395, %lt3A_396 : vector<16xi32>
          %min3A_398 = vector.broadcast %max3A_238 : i32 to vector<16xi32>
          %min3A_399 = arith.minsi %add3A_395, %min3A_398 : vector<16xi32>
          %add3A_400 = arith.constant 0 : i32
          %add3A_401 = vector.broadcast %add3A_400 : i32 to vector<16xi32>
          %add3A_402 = arith.addi %min3A_399, %add3A_401 : vector<16xi32>
          %min3A_403 = arith.constant 9999 : i32
          %min3A_404 = vector.broadcast %min3A_403 : i32 to vector<16xi32>
          %min3A_405 = arith.minsi %add3A_402, %min3A_404 : vector<16xi32>
          %gather3A_406 = tpu.vector_load_idx %arg7[%min3A_405] : memref<10016xi32, #tpu.memory_space<vmem>>[vector<16xi32>], vector<16xi32>,
          %gather3A_407 = tpu.vector_load_idx %arg6[%gather3A_406] : memref<10000xi32, #tpu.memory_space<vmem>>[vector<16xi32>], vector<16xi32>,
          %and3A_408 = arith.constant 65535 : i32
          %and3A_409 = vector.broadcast %and3A_408 : i32 to vector<16xi32>
          %and3A_410 = arith.andi %gather3A_407, %and3A_409 : vector<16xi32>
          %swap3A_411 = arith.constant 64 : index
          %swap3A_412 = tpu.vector_load %arg9[%swap3A_411] {strides = array<i32>} : memref<80xi32, #tpu.memory_space<vmem>>, vector<16xi32>,
          tpu.vector_store %arg9[%swap3A_411], %and3A_410 {strides = array<i32>} : memref<80xi32, #tpu.memory_space<vmem>>, vector<16xi32>,
          %add3A_413 = vector.broadcast %mul3A_0 : i32 to vector<16xi32>
          %add3A_414 = arith.addi %add3A_413, %gather3A_406 : vector<16xi32>
          %swap3A_415 = arith.constant 64 : index
          %swap3A_416 = tpu.vector_load %arg11[%swap3A_415] {strides = array<i32>} : memref<80xi32, #tpu.memory_space<vmem>>, vector<16xi32>,
          tpu.vector_store %arg11[%swap3A_415], %add3A_414 {strides = array<i32>} : memref<80xi32, #tpu.memory_space<vmem>>, vector<16xi32>,
          %shift_right_arithmetic3A_417 = arith.constant 16 : i32
          %shift_right_arithmetic3A_418 = vector.broadcast %shift_right_arithmetic3A_417 : i32 to vector<16xi32>
          %shift_right_arithmetic3A_419 = arith.shrsi %gather3A_407, %shift_right_arithmetic3A_418 : vector<16xi32>
          %sub3A_420 = arith.constant 0 : i32
          %sub3A_421 = vector.broadcast %sub3A_420 : i32 to vector<16xi32>
          %sub3A_422 = arith.subi %shift_right_arithmetic3A_419, %sub3A_421 : vector<16xi32>
          %jit3A_423 = arith.constant 5120 : i32
          %broadcast_in_dim3A_424 = vector.broadcast %jit3A_423 : i32 to vector<16xi32>
          %select_n3A_425 = arith.select %lt3A_397, %sub3A_422, %broadcast_in_dim3A_424 : vector<16xi1>, vector<16xi32>
          %swap3A_426 = arith.constant 64 : index
          %swap3A_427 = tpu.vector_load %arg13[%swap3A_426] {strides = array<i32>} : memref<80xi32, #tpu.memory_space<vmem>>, vector<16xi32>,
          tpu.vector_store %arg13[%swap3A_426], %select_n3A_425 {strides = array<i32>} : memref<80xi32, #tpu.memory_space<vmem>>, vector<16xi32>,
          %dma_start3A = arith.constant 0 : i32
          %dma_start3A_428 = arith.constant 0 : i32
          %dma_start3A_429 = tpu.memref_slice %arg2[%dma_start3A, %dma_start3A_428] : memref<10000x128xf32, #tpu.memory_space<hbm>> -> memref<10000x128xf32, #tpu.memory_space<hbm>>
          tpu.enqueue_indirect_dma source(%dma_start3A_429 : memref<10000x128xf32, #tpu.memory_space<hbm>>) target(%arg15 : memref<80x128xf32, #tpu.memory_space<vmem>>) offsets(%arg9 : memref<80xi32, #tpu.memory_space<vmem>>) semaphore(%arg21 : memref<!tpu.dma_semaphore, #tpu.memory_space<semaphore_mem>>)
          %dma_start3A_430 = arith.constant 0 : i32
          %dma_start3A_431 = arith.constant 0 : i32
          %dma_start3A_432 = tpu.memref_slice %arg4[%dma_start3A_430, %dma_start3A_431] : memref<160000x128xi32, #tpu.memory_space<hbm>> -> memref<160000x128xi32, #tpu.memory_space<hbm>>
          tpu.enqueue_indirect_dma source(%dma_start3A_432 : memref<160000x128xi32, #tpu.memory_space<hbm>>) target(%arg17 : memref<80x128xi32, #tpu.memory_space<vmem>>) offsets(%arg11 : memref<80xi32, #tpu.memory_space<vmem>>) semaphore(%arg21 : memref<!tpu.dma_semaphore, #tpu.memory_space<semaphore_mem>>)
        } else {
        }
      } else {
      }
    }
    %while3A_95 = arith.constant 1 : i32
    scf.for %while3A_207 = %while3A_93 to %while3A_89 step %while3A_95  : i32 {
      %mul3A_208 = arith.constant 2 : i32
      %mul3A_209 = arith.muli %mul3A_208, %while3A_207 : i32
      %add3A_210 = arith.constant 0 : i32
      %add3A_211 = arith.addi %mul3A_209, %add3A_210 : i32
      %lt3A = arith.cmpi slt, %add3A_211, %select_n3A : i32
      %convert_element_type3A_212 = arith.extui %lt3A : i1 to i32
      %cond3A_213 = arith.constant 0 : i32
      %cond3A_214 = arith.cmpi ne, %convert_element_type3A_212, %cond3A_213 : i32
      scf.if %cond3A_214 {
        %dma_wait3A = arith.constant 0 : i32
        %dma_wait3A_221 = arith.constant 0 : i32
        %dma_wait3A_222 = tpu.memref_slice %arg2[%dma_wait3A, %dma_wait3A_221] : memref<10000x128xf32, #tpu.memory_space<hbm>> -> memref<10000x128xf32, #tpu.memory_space<hbm>>
        tpu.wait_indirect_dma semaphore(%arg20 : memref<!tpu.dma_semaphore, #tpu.memory_space<semaphore_mem>>) src(%dma_wait3A_222 : memref<10000x128xf32, #tpu.memory_space<hbm>>) dst(%arg14 : memref<80x128xf32, #tpu.memory_space<vmem>>)
        %dma_wait3A_223 = arith.constant 0 : i32
        %dma_wait3A_224 = arith.constant 0 : i32
        %dma_wait3A_225 = tpu.memref_slice %arg4[%dma_wait3A_223, %dma_wait3A_224] : memref<160000x128xi32, #tpu.memory_space<hbm>> -> memref<160000x128xi32, #tpu.memory_space<hbm>>
        tpu.wait_indirect_dma semaphore(%arg20 : memref<!tpu.dma_semaphore, #tpu.memory_space<semaphore_mem>>) src(%dma_wait3A_225 : memref<160000x128xi32, #tpu.memory_space<hbm>>) dst(%arg16 : memref<80x128xi32, #tpu.memory_space<vmem>>)
        %parallel_loop3A = arith.constant 0 : i32
        %parallel_loop3A_226 = arith.constant 80 : i32
        %parallel_loop3A_227 = arith.constant 1 : i32
        scf.for %parallel_loop3A_234 = %parallel_loop3A to %parallel_loop3A_226 step %parallel_loop3A_227  : i32 {
          %parallel_loop3A_235 = arith.constant 0 : i32
          %parallel_loop3A_236 = arith.addi %mul3A_4, %parallel_loop3A_235 : i32
          %parallel_loop3A_237 = arith.index_cast %parallel_loop3A_234 : i32 to index
          %parallel_loop3A_238 = arith.index_cast %parallel_loop3A_236 : i32 to index
          %parallel_loop3A_239 = tpu.vector_load %arg16[%parallel_loop3A_237, %parallel_loop3A_238] {strides = array<i32>} : memref<80x128xi32, #tpu.memory_space<vmem>>, vector<16xi32>,
          %parallel_loop3A_240 = vector.bitcast %parallel_loop3A_239 : vector<16xi32> to vector<32xbf16>
          %parallel_loop3A_241 = tpu.unpack_subelements %parallel_loop3A_240, 0 {pack_format = #tpu.pack_format<interleaved>} : vector<32xbf16> -> vector<16xf32>
          %parallel_loop3A_242 = tpu.unpack_subelements %parallel_loop3A_240, 1 {pack_format = #tpu.pack_format<interleaved>} : vector<32xbf16> -> vector<16xf32>
          %parallel_loop3A_243 = arith.index_cast %parallel_loop3A_234 : i32 to index
          %parallel_loop3A_244 = arith.constant 0 : index
          %parallel_loop3A_245 = tpu.vector_load %arg14[%parallel_loop3A_243, %parallel_loop3A_244] {strides = array<i32>} : memref<80x128xf32, #tpu.memory_space<vmem>>, vector<16xf32>,
          %parallel_loop3A_246 = arith.mulf %parallel_loop3A_245, %parallel_loop3A_241 : vector<16xf32>
          %parallel_loop3A_247 = arith.index_cast %parallel_loop3A_234 : i32 to index
          %parallel_loop3A_248 = arith.constant 0 : index
          %parallel_loop3A_249 = tpu.vector_load %arg18[%parallel_loop3A_247, %parallel_loop3A_248] {strides = array<i32>} : memref<80x128xf32, #tpu.memory_space<vmem>>, vector<16xf32>,
          tpu.vector_store %arg18[%parallel_loop3A_247, %parallel_loop3A_248], %parallel_loop3A_246 {strides = array<i32>} : memref<80x128xf32, #tpu.memory_space<vmem>>, vector<16xf32>,
          %parallel_loop3A_250 = arith.index_cast %parallel_loop3A_234 : i32 to index
          %parallel_loop3A_251 = arith.constant 64 : index
          %parallel_loop3A_252 = tpu.vector_load %arg14[%parallel_loop3A_250, %parallel_loop3A_251] {strides = array<i32>} : memref<80x128xf32, #tpu.memory_space<vmem>>, vector<16xf32>,
          %parallel_loop3A_253 = arith.mulf %parallel_loop3A_252, %parallel_loop3A_242 : vector<16xf32>
          %parallel_loop3A_254 = arith.index_cast %parallel_loop3A_234 : i32 to index
          %parallel_loop3A_255 = arith.constant 64 : index
          %parallel_loop3A_256 = tpu.vector_load %arg18[%parallel_loop3A_254, %parallel_loop3A_255] {strides = array<i32>} : memref<80x128xf32, #tpu.memory_space<vmem>>, vector<16xf32>,
          tpu.vector_store %arg18[%parallel_loop3A_254, %parallel_loop3A_255], %parallel_loop3A_253 {strides = array<i32>} : memref<80x128xf32, #tpu.memory_space<vmem>>, vector<16xf32>,
          %parallel_loop3A_257 = arith.constant 16 : i32
          %parallel_loop3A_258 = arith.addi %mul3A_4, %parallel_loop3A_257 : i32
          %parallel_loop3A_259 = arith.index_cast %parallel_loop3A_234 : i32 to index
          %parallel_loop3A_260 = arith.index_cast %parallel_loop3A_258 : i32 to index
          %parallel_loop3A_261 = tpu.vector_load %arg16[%parallel_loop3A_259, %parallel_loop3A_260] {strides = array<i32>} : memref<80x128xi32, #tpu.memory_space<vmem>>, vector<16xi32>,
          %parallel_loop3A_262 = vector.bitcast %parallel_loop3A_261 : vector<16xi32> to vector<32xbf16>
          %parallel_loop3A_263 = tpu.unpack_subelements %parallel_loop3A_262, 0 {pack_format = #tpu.pack_format<interleaved>} : vector<32xbf16> -> vector<16xf32>
          %parallel_loop3A_264 = tpu.unpack_subelements %parallel_loop3A_262, 1 {pack_format = #tpu.pack_format<interleaved>} : vector<32xbf16> -> vector<16xf32>
          %parallel_loop3A_265 = arith.index_cast %parallel_loop3A_234 : i32 to index
          %parallel_loop3A_266 = arith.constant 16 : index
          %parallel_loop3A_267 = tpu.vector_load %arg14[%parallel_loop3A_265, %parallel_loop3A_266] {strides = array<i32>} : memref<80x128xf32, #tpu.memory_space<vmem>>, vector<16xf32>,
          %parallel_loop3A_268 = arith.mulf %parallel_loop3A_267, %parallel_loop3A_263 : vector<16xf32>
          %parallel_loop3A_269 = arith.index_cast %parallel_loop3A_234 : i32 to index
          %parallel_loop3A_270 = arith.constant 16 : index
          %parallel_loop3A_271 = tpu.vector_load %arg18[%parallel_loop3A_269, %parallel_loop3A_270] {strides = array<i32>} : memref<80x128xf32, #tpu.memory_space<vmem>>, vector<16xf32>,
          tpu.vector_store %arg18[%parallel_loop3A_269, %parallel_loop3A_270], %parallel_loop3A_268 {strides = array<i32>} : memref<80x128xf32, #tpu.memory_space<vmem>>, vector<16xf32>,
          %parallel_loop3A_272 = arith.index_cast %parallel_loop3A_234 : i32 to index
          %parallel_loop3A_273 = arith.constant 80 : index
          %parallel_loop3A_274 = tpu.vector_load %arg14[%parallel_loop3A_272, %parallel_loop3A_273] {strides = array<i32>} : memref<80x128xf32, #tpu.memory_space<vmem>>, vector<16xf32>,
          %parallel_loop3A_275 = arith.mulf %parallel_loop3A_274, %parallel_loop3A_264 : vector<16xf32>
          %parallel_loop3A_276 = arith.index_cast %parallel_loop3A_234 : i32 to index
          %parallel_loop3A_277 = arith.constant 80 : index
          %parallel_loop3A_278 = tpu.vector_load %arg18[%parallel_loop3A_276, %parallel_loop3A_277] {strides = array<i32>} : memref<80x128xf32, #tpu.memory_space<vmem>>, vector<16xf32>,
          tpu.vector_store %arg18[%parallel_loop3A_276, %parallel_loop3A_277], %parallel_loop3A_275 {strides = array<i32>} : memref<80x128xf32, #tpu.memory_space<vmem>>, vector<16xf32>,
          %parallel_loop3A_279 = arith.constant 32 : i32
          %parallel_loop3A_280 = arith.addi %mul3A_4, %parallel_loop3A_279 : i32
          %parallel_loop3A_281 = arith.index_cast %parallel_loop3A_234 : i32 to index
          %parallel_loop3A_282 = arith.index_cast %parallel_loop3A_280 : i32 to index
          %parallel_loop3A_283 = tpu.vector_load %arg16[%parallel_loop3A_281, %parallel_loop3A_282] {strides = array<i32>} : memref<80x128xi32, #tpu.memory_space<vmem>>, vector<16xi32>,
          %parallel_loop3A_284 = vector.bitcast %parallel_loop3A_283 : vector<16xi32> to vector<32xbf16>
          %parallel_loop3A_285 = tpu.unpack_subelements %parallel_loop3A_284, 0 {pack_format = #tpu.pack_format<interleaved>} : vector<32xbf16> -> vector<16xf32>
          %parallel_loop3A_286 = tpu.unpack_subelements %parallel_loop3A_284, 1 {pack_format = #tpu.pack_format<interleaved>} : vector<32xbf16> -> vector<16xf32>
          %parallel_loop3A_287 = arith.index_cast %parallel_loop3A_234 : i32 to index
          %parallel_loop3A_288 = arith.constant 32 : index
          %parallel_loop3A_289 = tpu.vector_load %arg14[%parallel_loop3A_287, %parallel_loop3A_288] {strides = array<i32>} : memref<80x128xf32, #tpu.memory_space<vmem>>, vector<16xf32>,
          %parallel_loop3A_290 = arith.mulf %parallel_loop3A_289, %parallel_loop3A_285 : vector<16xf32>
          %parallel_loop3A_291 = arith.index_cast %parallel_loop3A_234 : i32 to index
          %parallel_loop3A_292 = arith.constant 32 : index
          %parallel_loop3A_293 = tpu.vector_load %arg18[%parallel_loop3A_291, %parallel_loop3A_292] {strides = array<i32>} : memref<80x128xf32, #tpu.memory_space<vmem>>, vector<16xf32>,
          tpu.vector_store %arg18[%parallel_loop3A_291, %parallel_loop3A_292], %parallel_loop3A_290 {strides = array<i32>} : memref<80x128xf32, #tpu.memory_space<vmem>>, vector<16xf32>,
          %parallel_loop3A_294 = arith.index_cast %parallel_loop3A_234 : i32 to index
          %parallel_loop3A_295 = arith.constant 96 : index
          %parallel_loop3A_296 = tpu.vector_load %arg14[%parallel_loop3A_294, %parallel_loop3A_295] {strides = array<i32>} : memref<80x128xf32, #tpu.memory_space<vmem>>, vector<16xf32>,
          %parallel_loop3A_297 = arith.mulf %parallel_loop3A_296, %parallel_loop3A_286 : vector<16xf32>
          %parallel_loop3A_298 = arith.index_cast %parallel_loop3A_234 : i32 to index
          %parallel_loop3A_299 = arith.constant 96 : index
          %parallel_loop3A_300 = tpu.vector_load %arg18[%parallel_loop3A_298, %parallel_loop3A_299] {strides = array<i32>} : memref<80x128xf32, #tpu.memory_space<vmem>>, vector<16xf32>,
          tpu.vector_store %arg18[%parallel_loop3A_298, %parallel_loop3A_299], %parallel_loop3A_297 {strides = array<i32>} : memref<80x128xf32, #tpu.memory_space<vmem>>, vector<16xf32>,
          %parallel_loop3A_301 = arith.constant 48 : i32
          %parallel_loop3A_302 = arith.addi %mul3A_4, %parallel_loop3A_301 : i32
          %parallel_loop3A_303 = arith.index_cast %parallel_loop3A_234 : i32 to index
          %parallel_loop3A_304 = arith.index_cast %parallel_loop3A_302 : i32 to index
          %parallel_loop3A_305 = tpu.vector_load %arg16[%parallel_loop3A_303, %parallel_loop3A_304] {strides = array<i32>} : memref<80x128xi32, #tpu.memory_space<vmem>>, vector<16xi32>,
          %parallel_loop3A_306 = vector.bitcast %parallel_loop3A_305 : vector<16xi32> to vector<32xbf16>
          %parallel_loop3A_307 = tpu.unpack_subelements %parallel_loop3A_306, 0 {pack_format = #tpu.pack_format<interleaved>} : vector<32xbf16> -> vector<16xf32>
          %parallel_loop3A_308 = tpu.unpack_subelements %parallel_loop3A_306, 1 {pack_format = #tpu.pack_format<interleaved>} : vector<32xbf16> -> vector<16xf32>
          %parallel_loop3A_309 = arith.index_cast %parallel_loop3A_234 : i32 to index
          %parallel_loop3A_310 = arith.constant 48 : index
          %parallel_loop3A_311 = tpu.vector_load %arg14[%parallel_loop3A_309, %parallel_loop3A_310] {strides = array<i32>} : memref<80x128xf32, #tpu.memory_space<vmem>>, vector<16xf32>,
          %parallel_loop3A_312 = arith.mulf %parallel_loop3A_311, %parallel_loop3A_307 : vector<16xf32>
          %parallel_loop3A_313 = arith.index_cast %parallel_loop3A_234 : i32 to index
          %parallel_loop3A_314 = arith.constant 48 : index
          %parallel_loop3A_315 = tpu.vector_load %arg18[%parallel_loop3A_313, %parallel_loop3A_314] {strides = array<i32>} : memref<80x128xf32, #tpu.memory_space<vmem>>, vector<16xf32>,
          tpu.vector_store %arg18[%parallel_loop3A_313, %parallel_loop3A_314], %parallel_loop3A_312 {strides = array<i32>} : memref<80x128xf32, #tpu.memory_space<vmem>>, vector<16xf32>,
          %parallel_loop3A_316 = arith.index_cast %parallel_loop3A_234 : i32 to index
          %parallel_loop3A_317 = arith.constant 112 : index
          %parallel_loop3A_318 = tpu.vector_load %arg14[%parallel_loop3A_316, %parallel_loop3A_317] {strides = array<i32>} : memref<80x128xf32, #tpu.memory_space<vmem>>, vector<16xf32>,
          %parallel_loop3A_319 = arith.mulf %parallel_loop3A_318, %parallel_loop3A_308 : vector<16xf32>
          %parallel_loop3A_320 = arith.index_cast %parallel_loop3A_234 : i32 to index
          %parallel_loop3A_321 = arith.constant 112 : index
          %parallel_loop3A_322 = tpu.vector_load %arg18[%parallel_loop3A_320, %parallel_loop3A_321] {strides = array<i32>} : memref<80x128xf32, #tpu.memory_space<vmem>>, vector<16xf32>,
          tpu.vector_store %arg18[%parallel_loop3A_320, %parallel_loop3A_321], %parallel_loop3A_319 {strides = array<i32>} : memref<80x128xf32, #tpu.memory_space<vmem>>, vector<16xf32>,
        } {sc.loop_unroll_factor = 4 : i64, sc.parallel_access}
        "tpu.region"() ({
          %run_scoped3A = tpu.sem_alloc : memref<!tpu.dma_semaphore, #tpu.memory_space<semaphore_mem>>
          %dma_start3A = arith.constant 0 : i32
          %dma_start3A_234 = arith.constant 0 : i32
          %dma_start3A_235 = tpu.memref_slice %arg19[%dma_start3A, %dma_start3A_234] : memref<5128x128xf32, #tpu.memory_space<vmem_shared>> -> memref<5128x128xf32, #tpu.memory_space<vmem_shared>>
          tpu.enqueue_indirect_dma source(%arg18 : memref<80x128xf32, #tpu.memory_space<vmem>>) target(%dma_start3A_235 : memref<5128x128xf32, #tpu.memory_space<vmem_shared>>) offsets(%arg12 : memref<80xi32, #tpu.memory_space<vmem>>) semaphore(%run_scoped3A : memref<!tpu.dma_semaphore, #tpu.memory_space<semaphore_mem>>) {add = true}
          %dma_wait3A_236 = arith.constant 0 : i32
          %dma_wait3A_237 = arith.constant 0 : i32
          %dma_wait3A_238 = tpu.memref_slice %arg19[%dma_wait3A_236, %dma_wait3A_237] : memref<5128x128xf32, #tpu.memory_space<vmem_shared>> -> memref<5128x128xf32, #tpu.memory_space<vmem_shared>>
          tpu.wait_indirect_dma semaphore(%run_scoped3A : memref<!tpu.dma_semaphore, #tpu.memory_space<semaphore_mem>>) src(%arg18 : memref<80x128xf32, #tpu.memory_space<vmem>>) dst(%dma_wait3A_238 : memref<5128x128xf32, #tpu.memory_space<vmem_shared>>)
          tpu.yield
        }) : () -> ()
        %add3A_228 = arith.constant 2 : i32
        %add3A_229 = arith.addi %add3A_211, %add3A_228 : i32
        %lt3A_230 = arith.cmpi slt, %add3A_229, %select_n3A : i32
        %convert_element_type3A_231 = arith.extui %lt3A_230 : i1 to i32
        %cond3A_232 = arith.constant 0 : i32
        %cond3A_233 = arith.cmpi ne, %convert_element_type3A_231, %cond3A_232 : i32
        scf.if %cond3A_233 {
          %add3A_234 = arith.constant 2 : i32
          %add3A_235 = arith.addi %add3A_211, %add3A_234 : i32
          %sub3A_236 = arith.constant 1 : i32
          %sub3A_237 = arith.subi %scan3A_9, %sub3A_236 : i32
          %max3A = arith.constant 0 : i32
          %max3A_238 = arith.maxsi %sub3A_237, %max3A : i32
          %mul3A_239 = arith.constant 80 : i32
          %mul3A_240 = arith.muli %add3A_235, %mul3A_239 : i32
          %add3A_241 = arith.constant 0 : i32
          %add3A_242 = arith.addi %mul3A_240, %add3A_241 : i32
          %iota3A = tpu.iota {dimensions = array<i32: 0>} : vector<16xi32>
          %add3A_243 = vector.broadcast %add3A_242 : i32 to vector<16xi32>
          %add3A_244 = arith.addi %add3A_243, %iota3A : vector<16xi32>
          %lt3A_245 = vector.broadcast %scan3A_9 : i32 to vector<16xi32>
          %lt3A_246 = arith.cmpi slt, %add3A_244, %lt3A_245 : vector<16xi32>
          %min3A = vector.broadcast %max3A_238 : i32 to vector<16xi32>
          %min3A_247 = arith.minsi %add3A_244, %min3A : vector<16xi32>
          %add3A_248 = arith.constant 0 : i32
          %add3A_249 = vector.broadcast %add3A_248 : i32 to vector<16xi32>
          %add3A_250 = arith.addi %min3A_247, %add3A_249 : vector<16xi32>
          %min3A_251 = arith.constant 9999 : i32
          %min3A_252 = vector.broadcast %min3A_251 : i32 to vector<16xi32>
          %min3A_253 = arith.minsi %add3A_250, %min3A_252 : vector<16xi32>
          %gather3A = tpu.vector_load_idx %arg7[%min3A_253] : memref<10016xi32, #tpu.memory_space<vmem>>[vector<16xi32>], vector<16xi32>,
          %gather3A_254 = tpu.vector_load_idx %arg6[%gather3A] : memref<10000xi32, #tpu.memory_space<vmem>>[vector<16xi32>], vector<16xi32>,
          %and3A_255 = arith.constant 65535 : i32
          %and3A_256 = vector.broadcast %and3A_255 : i32 to vector<16xi32>
          %and3A_257 = arith.andi %gather3A_254, %and3A_256 : vector<16xi32>
          %swap3A = arith.constant 0 : index
          %swap3A_258 = tpu.vector_load %arg8[%swap3A] {strides = array<i32>} : memref<80xi32, #tpu.memory_space<vmem>>, vector<16xi32>,
          tpu.vector_store %arg8[%swap3A], %and3A_257 {strides = array<i32>} : memref<80xi32, #tpu.memory_space<vmem>>, vector<16xi32>,
          %add3A_259 = vector.broadcast %mul3A_0 : i32 to vector<16xi32>
          %add3A_260 = arith.addi %add3A_259, %gather3A : vector<16xi32>
          %swap3A_261 = arith.constant 0 : index
          %swap3A_262 = tpu.vector_load %arg10[%swap3A_261] {strides = array<i32>} : memref<80xi32, #tpu.memory_space<vmem>>, vector<16xi32>,
          tpu.vector_store %arg10[%swap3A_261], %add3A_260 {strides = array<i32>} : memref<80xi32, #tpu.memory_space<vmem>>, vector<16xi32>,
          %shift_right_arithmetic3A = arith.constant 16 : i32
          %shift_right_arithmetic3A_263 = vector.broadcast %shift_right_arithmetic3A : i32 to vector<16xi32>
          %shift_right_arithmetic3A_264 = arith.shrsi %gather3A_254, %shift_right_arithmetic3A_263 : vector<16xi32>
          %sub3A_265 = arith.constant 0 : i32
          %sub3A_266 = vector.broadcast %sub3A_265 : i32 to vector<16xi32>
          %sub3A_267 = arith.subi %shift_right_arithmetic3A_264, %sub3A_266 : vector<16xi32>
          %jit3A_268 = arith.constant 5120 : i32
          %broadcast_in_dim3A = vector.broadcast %jit3A_268 : i32 to vector<16xi32>
          %select_n3A_269 = arith.select %lt3A_246, %sub3A_267, %broadcast_in_dim3A : vector<16xi1>, vector<16xi32>
          %swap3A_270 = arith.constant 0 : index
          %swap3A_271 = tpu.vector_load %arg12[%swap3A_270] {strides = array<i32>} : memref<80xi32, #tpu.memory_space<vmem>>, vector<16xi32>,
          tpu.vector_store %arg12[%swap3A_270], %select_n3A_269 {strides = array<i32>} : memref<80xi32, #tpu.memory_space<vmem>>, vector<16xi32>,
          %mul3A_272 = arith.constant 80 : i32
          %mul3A_273 = arith.muli %add3A_235, %mul3A_272 : i32
          %add3A_274 = arith.constant 16 : i32
          %add3A_275 = arith.addi %mul3A_273, %add3A_274 : i32
          %iota3A_276 = tpu.iota {dimensions = array<i32: 0>} : vector<16xi32>
          %add3A_277 = vector.broadcast %add3A_275 : i32 to vector<16xi32>
          %add3A_278 = arith.addi %add3A_277, %iota3A_276 : vector<16xi32>
          %lt3A_279 = vector.broadcast %scan3A_9 : i32 to vector<16xi32>
          %lt3A_280 = arith.cmpi slt, %add3A_278, %lt3A_279 : vector<16xi32>
          %min3A_281 = vector.broadcast %max3A_238 : i32 to vector<16xi32>
          %min3A_282 = arith.minsi %add3A_278, %min3A_281 : vector<16xi32>
          %add3A_283 = arith.constant 0 : i32
          %add3A_284 = vector.broadcast %add3A_283 : i32 to vector<16xi32>
          %add3A_285 = arith.addi %min3A_282, %add3A_284 : vector<16xi32>
          %min3A_286 = arith.constant 9999 : i32
          %min3A_287 = vector.broadcast %min3A_286 : i32 to vector<16xi32>
          %min3A_288 = arith.minsi %add3A_285, %min3A_287 : vector<16xi32>
          %gather3A_289 = tpu.vector_load_idx %arg7[%min3A_288] : memref<10016xi32, #tpu.memory_space<vmem>>[vector<16xi32>], vector<16xi32>,
          %gather3A_290 = tpu.vector_load_idx %arg6[%gather3A_289] : memref<10000xi32, #tpu.memory_space<vmem>>[vector<16xi32>], vector<16xi32>,
          %and3A_291 = arith.constant 65535 : i32
          %and3A_292 = vector.broadcast %and3A_291 : i32 to vector<16xi32>
          %and3A_293 = arith.andi %gather3A_290, %and3A_292 : vector<16xi32>
          %swap3A_294 = arith.constant 16 : index
          %swap3A_295 = tpu.vector_load %arg8[%swap3A_294] {strides = array<i32>} : memref<80xi32, #tpu.memory_space<vmem>>, vector<16xi32>,
          tpu.vector_store %arg8[%swap3A_294], %and3A_293 {strides = array<i32>} : memref<80xi32, #tpu.memory_space<vmem>>, vector<16xi32>,
          %add3A_296 = vector.broadcast %mul3A_0 : i32 to vector<16xi32>
          %add3A_297 = arith.addi %add3A_296, %gather3A_289 : vector<16xi32>
          %swap3A_298 = arith.constant 16 : index
          %swap3A_299 = tpu.vector_load %arg10[%swap3A_298] {strides = array<i32>} : memref<80xi32, #tpu.memory_space<vmem>>, vector<16xi32>,
          tpu.vector_store %arg10[%swap3A_298], %add3A_297 {strides = array<i32>} : memref<80xi32, #tpu.memory_space<vmem>>, vector<16xi32>,
          %shift_right_arithmetic3A_300 = arith.constant 16 : i32
          %shift_right_arithmetic3A_301 = vector.broadcast %shift_right_arithmetic3A_300 : i32 to vector<16xi32>
          %shift_right_arithmetic3A_302 = arith.shrsi %gather3A_290, %shift_right_arithmetic3A_301 : vector<16xi32>
          %sub3A_303 = arith.constant 0 : i32
          %sub3A_304 = vector.broadcast %sub3A_303 : i32 to vector<16xi32>
          %sub3A_305 = arith.subi %shift_right_arithmetic3A_302, %sub3A_304 : vector<16xi32>
          %jit3A_306 = arith.constant 5120 : i32
          %broadcast_in_dim3A_307 = vector.broadcast %jit3A_306 : i32 to vector<16xi32>
          %select_n3A_308 = arith.select %lt3A_280, %sub3A_305, %broadcast_in_dim3A_307 : vector<16xi1>, vector<16xi32>
          %swap3A_309 = arith.constant 16 : index
          %swap3A_310 = tpu.vector_load %arg12[%swap3A_309] {strides = array<i32>} : memref<80xi32, #tpu.memory_space<vmem>>, vector<16xi32>,
          tpu.vector_store %arg12[%swap3A_309], %select_n3A_308 {strides = array<i32>} : memref<80xi32, #tpu.memory_space<vmem>>, vector<16xi32>,
          %mul3A_311 = arith.constant 80 : i32
          %mul3A_312 = arith.muli %add3A_235, %mul3A_311 : i32
          %add3A_313 = arith.constant 32 : i32
          %add3A_314 = arith.addi %mul3A_312, %add3A_313 : i32
          %iota3A_315 = tpu.iota {dimensions = array<i32: 0>} : vector<16xi32>
          %add3A_316 = vector.broadcast %add3A_314 : i32 to vector<16xi32>
          %add3A_317 = arith.addi %add3A_316, %iota3A_315 : vector<16xi32>
          %lt3A_318 = vector.broadcast %scan3A_9 : i32 to vector<16xi32>
          %lt3A_319 = arith.cmpi slt, %add3A_317, %lt3A_318 : vector<16xi32>
          %min3A_320 = vector.broadcast %max3A_238 : i32 to vector<16xi32>
          %min3A_321 = arith.minsi %add3A_317, %min3A_320 : vector<16xi32>
          %add3A_322 = arith.constant 0 : i32
          %add3A_323 = vector.broadcast %add3A_322 : i32 to vector<16xi32>
          %add3A_324 = arith.addi %min3A_321, %add3A_323 : vector<16xi32>
          %min3A_325 = arith.constant 9999 : i32
          %min3A_326 = vector.broadcast %min3A_325 : i32 to vector<16xi32>
          %min3A_327 = arith.minsi %add3A_324, %min3A_326 : vector<16xi32>
          %gather3A_328 = tpu.vector_load_idx %arg7[%min3A_327] : memref<10016xi32, #tpu.memory_space<vmem>>[vector<16xi32>], vector<16xi32>,
          %gather3A_329 = tpu.vector_load_idx %arg6[%gather3A_328] : memref<10000xi32, #tpu.memory_space<vmem>>[vector<16xi32>], vector<16xi32>,
          %and3A_330 = arith.constant 65535 : i32
          %and3A_331 = vector.broadcast %and3A_330 : i32 to vector<16xi32>
          %and3A_332 = arith.andi %gather3A_329, %and3A_331 : vector<16xi32>
          %swap3A_333 = arith.constant 32 : index
          %swap3A_334 = tpu.vector_load %arg8[%swap3A_333] {strides = array<i32>} : memref<80xi32, #tpu.memory_space<vmem>>, vector<16xi32>,
          tpu.vector_store %arg8[%swap3A_333], %and3A_332 {strides = array<i32>} : memref<80xi32, #tpu.memory_space<vmem>>, vector<16xi32>,
          %add3A_335 = vector.broadcast %mul3A_0 : i32 to vector<16xi32>
          %add3A_336 = arith.addi %add3A_335, %gather3A_328 : vector<16xi32>
          %swap3A_337 = arith.constant 32 : index
          %swap3A_338 = tpu.vector_load %arg10[%swap3A_337] {strides = array<i32>} : memref<80xi32, #tpu.memory_space<vmem>>, vector<16xi32>,
          tpu.vector_store %arg10[%swap3A_337], %add3A_336 {strides = array<i32>} : memref<80xi32, #tpu.memory_space<vmem>>, vector<16xi32>,
          %shift_right_arithmetic3A_339 = arith.constant 16 : i32
          %shift_right_arithmetic3A_340 = vector.broadcast %shift_right_arithmetic3A_339 : i32 to vector<16xi32>
          %shift_right_arithmetic3A_341 = arith.shrsi %gather3A_329, %shift_right_arithmetic3A_340 : vector<16xi32>
          %sub3A_342 = arith.constant 0 : i32
          %sub3A_343 = vector.broadcast %sub3A_342 : i32 to vector<16xi32>
          %sub3A_344 = arith.subi %shift_right_arithmetic3A_341, %sub3A_343 : vector<16xi32>
          %jit3A_345 = arith.constant 5120 : i32
          %broadcast_in_dim3A_346 = vector.broadcast %jit3A_345 : i32 to vector<16xi32>
          %select_n3A_347 = arith.select %lt3A_319, %sub3A_344, %broadcast_in_dim3A_346 : vector<16xi1>, vector<16xi32>
          %swap3A_348 = arith.constant 32 : index
          %swap3A_349 = tpu.vector_load %arg12[%swap3A_348] {strides = array<i32>} : memref<80xi32, #tpu.memory_space<vmem>>, vector<16xi32>,
          tpu.vector_store %arg12[%swap3A_348], %select_n3A_347 {strides = array<i32>} : memref<80xi32, #tpu.memory_space<vmem>>, vector<16xi32>,
          %mul3A_350 = arith.constant 80 : i32
          %mul3A_351 = arith.muli %add3A_235, %mul3A_350 : i32
          %add3A_352 = arith.constant 48 : i32
          %add3A_353 = arith.addi %mul3A_351, %add3A_352 : i32
          %iota3A_354 = tpu.iota {dimensions = array<i32: 0>} : vector<16xi32>
          %add3A_355 = vector.broadcast %add3A_353 : i32 to vector<16xi32>
          %add3A_356 = arith.addi %add3A_355, %iota3A_354 : vector<16xi32>
          %lt3A_357 = vector.broadcast %scan3A_9 : i32 to vector<16xi32>
          %lt3A_358 = arith.cmpi slt, %add3A_356, %lt3A_357 : vector<16xi32>
          %min3A_359 = vector.broadcast %max3A_238 : i32 to vector<16xi32>
          %min3A_360 = arith.minsi %add3A_356, %min3A_359 : vector<16xi32>
          %add3A_361 = arith.constant 0 : i32
          %add3A_362 = vector.broadcast %add3A_361 : i32 to vector<16xi32>
          %add3A_363 = arith.addi %min3A_360, %add3A_362 : vector<16xi32>
          %min3A_364 = arith.constant 9999 : i32
          %min3A_365 = vector.broadcast %min3A_364 : i32 to vector<16xi32>
          %min3A_366 = arith.minsi %add3A_363, %min3A_365 : vector<16xi32>
          %gather3A_367 = tpu.vector_load_idx %arg7[%min3A_366] : memref<10016xi32, #tpu.memory_space<vmem>>[vector<16xi32>], vector<16xi32>,
          %gather3A_368 = tpu.vector_load_idx %arg6[%gather3A_367] : memref<10000xi32, #tpu.memory_space<vmem>>[vector<16xi32>], vector<16xi32>,
          %and3A_369 = arith.constant 65535 : i32
          %and3A_370 = vector.broadcast %and3A_369 : i32 to vector<16xi32>
          %and3A_371 = arith.andi %gather3A_368, %and3A_370 : vector<16xi32>
          %swap3A_372 = arith.constant 48 : index
          %swap3A_373 = tpu.vector_load %arg8[%swap3A_372] {strides = array<i32>} : memref<80xi32, #tpu.memory_space<vmem>>, vector<16xi32>,
          tpu.vector_store %arg8[%swap3A_372], %and3A_371 {strides = array<i32>} : memref<80xi32, #tpu.memory_space<vmem>>, vector<16xi32>,
          %add3A_374 = vector.broadcast %mul3A_0 : i32 to vector<16xi32>
          %add3A_375 = arith.addi %add3A_374, %gather3A_367 : vector<16xi32>
          %swap3A_376 = arith.constant 48 : index
          %swap3A_377 = tpu.vector_load %arg10[%swap3A_376] {strides = array<i32>} : memref<80xi32, #tpu.memory_space<vmem>>, vector<16xi32>,
          tpu.vector_store %arg10[%swap3A_376], %add3A_375 {strides = array<i32>} : memref<80xi32, #tpu.memory_space<vmem>>, vector<16xi32>,
          %shift_right_arithmetic3A_378 = arith.constant 16 : i32
          %shift_right_arithmetic3A_379 = vector.broadcast %shift_right_arithmetic3A_378 : i32 to vector<16xi32>
          %shift_right_arithmetic3A_380 = arith.shrsi %gather3A_368, %shift_right_arithmetic3A_379 : vector<16xi32>
          %sub3A_381 = arith.constant 0 : i32
          %sub3A_382 = vector.broadcast %sub3A_381 : i32 to vector<16xi32>
          %sub3A_383 = arith.subi %shift_right_arithmetic3A_380, %sub3A_382 : vector<16xi32>
          %jit3A_384 = arith.constant 5120 : i32
          %broadcast_in_dim3A_385 = vector.broadcast %jit3A_384 : i32 to vector<16xi32>
          %select_n3A_386 = arith.select %lt3A_358, %sub3A_383, %broadcast_in_dim3A_385 : vector<16xi1>, vector<16xi32>
          %swap3A_387 = arith.constant 48 : index
          %swap3A_388 = tpu.vector_load %arg12[%swap3A_387] {strides = array<i32>} : memref<80xi32, #tpu.memory_space<vmem>>, vector<16xi32>,
          tpu.vector_store %arg12[%swap3A_387], %select_n3A_386 {strides = array<i32>} : memref<80xi32, #tpu.memory_space<vmem>>, vector<16xi32>,
          %mul3A_389 = arith.constant 80 : i32
          %mul3A_390 = arith.muli %add3A_235, %mul3A_389 : i32
          %add3A_391 = arith.constant 64 : i32
          %add3A_392 = arith.addi %mul3A_390, %add3A_391 : i32
          %iota3A_393 = tpu.iota {dimensions = array<i32: 0>} : vector<16xi32>
          %add3A_394 = vector.broadcast %add3A_392 : i32 to vector<16xi32>
          %add3A_395 = arith.addi %add3A_394, %iota3A_393 : vector<16xi32>
          %lt3A_396 = vector.broadcast %scan3A_9 : i32 to vector<16xi32>
          %lt3A_397 = arith.cmpi slt, %add3A_395, %lt3A_396 : vector<16xi32>
          %min3A_398 = vector.broadcast %max3A_238 : i32 to vector<16xi32>
          %min3A_399 = arith.minsi %add3A_395, %min3A_398 : vector<16xi32>
          %add3A_400 = arith.constant 0 : i32
          %add3A_401 = vector.broadcast %add3A_400 : i32 to vector<16xi32>
          %add3A_402 = arith.addi %min3A_399, %add3A_401 : vector<16xi32>
          %min3A_403 = arith.constant 9999 : i32
          %min3A_404 = vector.broadcast %min3A_403 : i32 to vector<16xi32>
          %min3A_405 = arith.minsi %add3A_402, %min3A_404 : vector<16xi32>
          %gather3A_406 = tpu.vector_load_idx %arg7[%min3A_405] : memref<10016xi32, #tpu.memory_space<vmem>>[vector<16xi32>], vector<16xi32>,
          %gather3A_407 = tpu.vector_load_idx %arg6[%gather3A_406] : memref<10000xi32, #tpu.memory_space<vmem>>[vector<16xi32>], vector<16xi32>,
          %and3A_408 = arith.constant 65535 : i32
          %and3A_409 = vector.broadcast %and3A_408 : i32 to vector<16xi32>
          %and3A_410 = arith.andi %gather3A_407, %and3A_409 : vector<16xi32>
          %swap3A_411 = arith.constant 64 : index
          %swap3A_412 = tpu.vector_load %arg8[%swap3A_411] {strides = array<i32>} : memref<80xi32, #tpu.memory_space<vmem>>, vector<16xi32>,
          tpu.vector_store %arg8[%swap3A_411], %and3A_410 {strides = array<i32>} : memref<80xi32, #tpu.memory_space<vmem>>, vector<16xi32>,
          %add3A_413 = vector.broadcast %mul3A_0 : i32 to vector<16xi32>
          %add3A_414 = arith.addi %add3A_413, %gather3A_406 : vector<16xi32>
          %swap3A_415 = arith.constant 64 : index
          %swap3A_416 = tpu.vector_load %arg10[%swap3A_415] {strides = array<i32>} : memref<80xi32, #tpu.memory_space<vmem>>, vector<16xi32>,
          tpu.vector_store %arg10[%swap3A_415], %add3A_414 {strides = array<i32>} : memref<80xi32, #tpu.memory_space<vmem>>, vector<16xi32>,
          %shift_right_arithmetic3A_417 = arith.constant 16 : i32
          %shift_right_arithmetic3A_418 = vector.broadcast %shift_right_arithmetic3A_417 : i32 to vector<16xi32>
          %shift_right_arithmetic3A_419 = arith.shrsi %gather3A_407, %shift_right_arithmetic3A_418 : vector<16xi32>
          %sub3A_420 = arith.constant 0 : i32
          %sub3A_421 = vector.broadcast %sub3A_420 : i32 to vector<16xi32>
          %sub3A_422 = arith.subi %shift_right_arithmetic3A_419, %sub3A_421 : vector<16xi32>
          %jit3A_423 = arith.constant 5120 : i32
          %broadcast_in_dim3A_424 = vector.broadcast %jit3A_423 : i32 to vector<16xi32>
          %select_n3A_425 = arith.select %lt3A_397, %sub3A_422, %broadcast_in_dim3A_424 : vector<16xi1>, vector<16xi32>
          %swap3A_426 = arith.constant 64 : index
          %swap3A_427 = tpu.vector_load %arg12[%swap3A_426] {strides = array<i32>} : memref<80xi32, #tpu.memory_space<vmem>>, vector<16xi32>,
          tpu.vector_store %arg12[%swap3A_426], %select_n3A_425 {strides = array<i32>} : memref<80xi32, #tpu.memory_space<vmem>>, vector<16xi32>,
          %dma_start3A = arith.constant 0 : i32
          %dma_start3A_428 = arith.constant 0 : i32
          %dma_start3A_429 = tpu.memref_slice %arg2[%dma_start3A, %dma_start3A_428] : memref<10000x128xf32, #tpu.memory_space<hbm>> -> memref<10000x128xf32, #tpu.memory_space<hbm>>
          tpu.enqueue_indirect_dma source(%dma_start3A_429 : memref<10000x128xf32, #tpu.memory_space<hbm>>) target(%arg14 : memref<80x128xf32, #tpu.memory_space<vmem>>) offsets(%arg8 : memref<80xi32, #tpu.memory_space<vmem>>) semaphore(%arg20 : memref<!tpu.dma_semaphore, #tpu.memory_space<semaphore_mem>>)
          %dma_start3A_430 = arith.constant 0 : i32
          %dma_start3A_431 = arith.constant 0 : i32
          %dma_start3A_432 = tpu.memref_slice %arg4[%dma_start3A_430, %dma_start3A_431] : memref<160000x128xi32, #tpu.memory_space<hbm>> -> memref<160000x128xi32, #tpu.memory_space<hbm>>
          tpu.enqueue_indirect_dma source(%dma_start3A_432 : memref<160000x128xi32, #tpu.memory_space<hbm>>) target(%arg16 : memref<80x128xi32, #tpu.memory_space<vmem>>) offsets(%arg10 : memref<80xi32, #tpu.memory_space<vmem>>) semaphore(%arg20 : memref<!tpu.dma_semaphore, #tpu.memory_space<semaphore_mem>>)
        } else {
        }
      } else {
      }
      %add3A_215 = arith.constant 1 : i32
      %add3A_216 = arith.addi %mul3A_209, %add3A_215 : i32
      %lt3A_217 = arith.cmpi slt, %add3A_216, %select_n3A : i32
      %convert_element_type3A_218 = arith.extui %lt3A_217 : i1 to i32
      %cond3A_219 = arith.constant 0 : i32
      %cond3A_220 = arith.cmpi ne, %convert_element_type3A_218, %cond3A_219 : i32
      scf.if %cond3A_220 {
        %dma_wait3A = arith.constant 0 : i32
        %dma_wait3A_221 = arith.constant 0 : i32
        %dma_wait3A_222 = tpu.memref_slice %arg2[%dma_wait3A, %dma_wait3A_221] : memref<10000x128xf32, #tpu.memory_space<hbm>> -> memref<10000x128xf32, #tpu.memory_space<hbm>>
        tpu.wait_indirect_dma semaphore(%arg21 : memref<!tpu.dma_semaphore, #tpu.memory_space<semaphore_mem>>) src(%dma_wait3A_222 : memref<10000x128xf32, #tpu.memory_space<hbm>>) dst(%arg15 : memref<80x128xf32, #tpu.memory_space<vmem>>)
        %dma_wait3A_223 = arith.constant 0 : i32
        %dma_wait3A_224 = arith.constant 0 : i32
        %dma_wait3A_225 = tpu.memref_slice %arg4[%dma_wait3A_223, %dma_wait3A_224] : memref<160000x128xi32, #tpu.memory_space<hbm>> -> memref<160000x128xi32, #tpu.memory_space<hbm>>
        tpu.wait_indirect_dma semaphore(%arg21 : memref<!tpu.dma_semaphore, #tpu.memory_space<semaphore_mem>>) src(%dma_wait3A_225 : memref<160000x128xi32, #tpu.memory_space<hbm>>) dst(%arg17 : memref<80x128xi32, #tpu.memory_space<vmem>>)
        %parallel_loop3A = arith.constant 0 : i32
        %parallel_loop3A_226 = arith.constant 80 : i32
        %parallel_loop3A_227 = arith.constant 1 : i32
        scf.for %parallel_loop3A_234 = %parallel_loop3A to %parallel_loop3A_226 step %parallel_loop3A_227  : i32 {
          %parallel_loop3A_235 = arith.constant 0 : i32
          %parallel_loop3A_236 = arith.addi %mul3A_4, %parallel_loop3A_235 : i32
          %parallel_loop3A_237 = arith.index_cast %parallel_loop3A_234 : i32 to index
          %parallel_loop3A_238 = arith.index_cast %parallel_loop3A_236 : i32 to index
          %parallel_loop3A_239 = tpu.vector_load %arg17[%parallel_loop3A_237, %parallel_loop3A_238] {strides = array<i32>} : memref<80x128xi32, #tpu.memory_space<vmem>>, vector<16xi32>,
          %parallel_loop3A_240 = vector.bitcast %parallel_loop3A_239 : vector<16xi32> to vector<32xbf16>
          %parallel_loop3A_241 = tpu.unpack_subelements %parallel_loop3A_240, 0 {pack_format = #tpu.pack_format<interleaved>} : vector<32xbf16> -> vector<16xf32>
          %parallel_loop3A_242 = tpu.unpack_subelements %parallel_loop3A_240, 1 {pack_format = #tpu.pack_format<interleaved>} : vector<32xbf16> -> vector<16xf32>
          %parallel_loop3A_243 = arith.index_cast %parallel_loop3A_234 : i32 to index
          %parallel_loop3A_244 = arith.constant 0 : index
          %parallel_loop3A_245 = tpu.vector_load %arg15[%parallel_loop3A_243, %parallel_loop3A_244] {strides = array<i32>} : memref<80x128xf32, #tpu.memory_space<vmem>>, vector<16xf32>,
          %parallel_loop3A_246 = arith.mulf %parallel_loop3A_245, %parallel_loop3A_241 : vector<16xf32>
          %parallel_loop3A_247 = arith.index_cast %parallel_loop3A_234 : i32 to index
          %parallel_loop3A_248 = arith.constant 0 : index
          %parallel_loop3A_249 = tpu.vector_load %arg18[%parallel_loop3A_247, %parallel_loop3A_248] {strides = array<i32>} : memref<80x128xf32, #tpu.memory_space<vmem>>, vector<16xf32>,
          tpu.vector_store %arg18[%parallel_loop3A_247, %parallel_loop3A_248], %parallel_loop3A_246 {strides = array<i32>} : memref<80x128xf32, #tpu.memory_space<vmem>>, vector<16xf32>,
          %parallel_loop3A_250 = arith.index_cast %parallel_loop3A_234 : i32 to index
          %parallel_loop3A_251 = arith.constant 64 : index
          %parallel_loop3A_252 = tpu.vector_load %arg15[%parallel_loop3A_250, %parallel_loop3A_251] {strides = array<i32>} : memref<80x128xf32, #tpu.memory_space<vmem>>, vector<16xf32>,
          %parallel_loop3A_253 = arith.mulf %parallel_loop3A_252, %parallel_loop3A_242 : vector<16xf32>
          %parallel_loop3A_254 = arith.index_cast %parallel_loop3A_234 : i32 to index
          %parallel_loop3A_255 = arith.constant 64 : index
          %parallel_loop3A_256 = tpu.vector_load %arg18[%parallel_loop3A_254, %parallel_loop3A_255] {strides = array<i32>} : memref<80x128xf32, #tpu.memory_space<vmem>>, vector<16xf32>,
          tpu.vector_store %arg18[%parallel_loop3A_254, %parallel_loop3A_255], %parallel_loop3A_253 {strides = array<i32>} : memref<80x128xf32, #tpu.memory_space<vmem>>, vector<16xf32>,
          %parallel_loop3A_257 = arith.constant 16 : i32
          %parallel_loop3A_258 = arith.addi %mul3A_4, %parallel_loop3A_257 : i32
          %parallel_loop3A_259 = arith.index_cast %parallel_loop3A_234 : i32 to index
          %parallel_loop3A_260 = arith.index_cast %parallel_loop3A_258 : i32 to index
          %parallel_loop3A_261 = tpu.vector_load %arg17[%parallel_loop3A_259, %parallel_loop3A_260] {strides = array<i32>} : memref<80x128xi32, #tpu.memory_space<vmem>>, vector<16xi32>,
          %parallel_loop3A_262 = vector.bitcast %parallel_loop3A_261 : vector<16xi32> to vector<32xbf16>
          %parallel_loop3A_263 = tpu.unpack_subelements %parallel_loop3A_262, 0 {pack_format = #tpu.pack_format<interleaved>} : vector<32xbf16> -> vector<16xf32>
          %parallel_loop3A_264 = tpu.unpack_subelements %parallel_loop3A_262, 1 {pack_format = #tpu.pack_format<interleaved>} : vector<32xbf16> -> vector<16xf32>
          %parallel_loop3A_265 = arith.index_cast %parallel_loop3A_234 : i32 to index
          %parallel_loop3A_266 = arith.constant 16 : index
          %parallel_loop3A_267 = tpu.vector_load %arg15[%parallel_loop3A_265, %parallel_loop3A_266] {strides = array<i32>} : memref<80x128xf32, #tpu.memory_space<vmem>>, vector<16xf32>,
          %parallel_loop3A_268 = arith.mulf %parallel_loop3A_267, %parallel_loop3A_263 : vector<16xf32>
          %parallel_loop3A_269 = arith.index_cast %parallel_loop3A_234 : i32 to index
          %parallel_loop3A_270 = arith.constant 16 : index
          %parallel_loop3A_271 = tpu.vector_load %arg18[%parallel_loop3A_269, %parallel_loop3A_270] {strides = array<i32>} : memref<80x128xf32, #tpu.memory_space<vmem>>, vector<16xf32>,
          tpu.vector_store %arg18[%parallel_loop3A_269, %parallel_loop3A_270], %parallel_loop3A_268 {strides = array<i32>} : memref<80x128xf32, #tpu.memory_space<vmem>>, vector<16xf32>,
          %parallel_loop3A_272 = arith.index_cast %parallel_loop3A_234 : i32 to index
          %parallel_loop3A_273 = arith.constant 80 : index
          %parallel_loop3A_274 = tpu.vector_load %arg15[%parallel_loop3A_272, %parallel_loop3A_273] {strides = array<i32>} : memref<80x128xf32, #tpu.memory_space<vmem>>, vector<16xf32>,
          %parallel_loop3A_275 = arith.mulf %parallel_loop3A_274, %parallel_loop3A_264 : vector<16xf32>
          %parallel_loop3A_276 = arith.index_cast %parallel_loop3A_234 : i32 to index
          %parallel_loop3A_277 = arith.constant 80 : index
          %parallel_loop3A_278 = tpu.vector_load %arg18[%parallel_loop3A_276, %parallel_loop3A_277] {strides = array<i32>} : memref<80x128xf32, #tpu.memory_space<vmem>>, vector<16xf32>,
          tpu.vector_store %arg18[%parallel_loop3A_276, %parallel_loop3A_277], %parallel_loop3A_275 {strides = array<i32>} : memref<80x128xf32, #tpu.memory_space<vmem>>, vector<16xf32>,
          %parallel_loop3A_279 = arith.constant 32 : i32
          %parallel_loop3A_280 = arith.addi %mul3A_4, %parallel_loop3A_279 : i32
          %parallel_loop3A_281 = arith.index_cast %parallel_loop3A_234 : i32 to index
          %parallel_loop3A_282 = arith.index_cast %parallel_loop3A_280 : i32 to index
          %parallel_loop3A_283 = tpu.vector_load %arg17[%parallel_loop3A_281, %parallel_loop3A_282] {strides = array<i32>} : memref<80x128xi32, #tpu.memory_space<vmem>>, vector<16xi32>,
          %parallel_loop3A_284 = vector.bitcast %parallel_loop3A_283 : vector<16xi32> to vector<32xbf16>
          %parallel_loop3A_285 = tpu.unpack_subelements %parallel_loop3A_284, 0 {pack_format = #tpu.pack_format<interleaved>} : vector<32xbf16> -> vector<16xf32>
          %parallel_loop3A_286 = tpu.unpack_subelements %parallel_loop3A_284, 1 {pack_format = #tpu.pack_format<interleaved>} : vector<32xbf16> -> vector<16xf32>
          %parallel_loop3A_287 = arith.index_cast %parallel_loop3A_234 : i32 to index
          %parallel_loop3A_288 = arith.constant 32 : index
          %parallel_loop3A_289 = tpu.vector_load %arg15[%parallel_loop3A_287, %parallel_loop3A_288] {strides = array<i32>} : memref<80x128xf32, #tpu.memory_space<vmem>>, vector<16xf32>,
          %parallel_loop3A_290 = arith.mulf %parallel_loop3A_289, %parallel_loop3A_285 : vector<16xf32>
          %parallel_loop3A_291 = arith.index_cast %parallel_loop3A_234 : i32 to index
          %parallel_loop3A_292 = arith.constant 32 : index
          %parallel_loop3A_293 = tpu.vector_load %arg18[%parallel_loop3A_291, %parallel_loop3A_292] {strides = array<i32>} : memref<80x128xf32, #tpu.memory_space<vmem>>, vector<16xf32>,
          tpu.vector_store %arg18[%parallel_loop3A_291, %parallel_loop3A_292], %parallel_loop3A_290 {strides = array<i32>} : memref<80x128xf32, #tpu.memory_space<vmem>>, vector<16xf32>,
          %parallel_loop3A_294 = arith.index_cast %parallel_loop3A_234 : i32 to index
          %parallel_loop3A_295 = arith.constant 96 : index
          %parallel_loop3A_296 = tpu.vector_load %arg15[%parallel_loop3A_294, %parallel_loop3A_295] {strides = array<i32>} : memref<80x128xf32, #tpu.memory_space<vmem>>, vector<16xf32>,
          %parallel_loop3A_297 = arith.mulf %parallel_loop3A_296, %parallel_loop3A_286 : vector<16xf32>
          %parallel_loop3A_298 = arith.index_cast %parallel_loop3A_234 : i32 to index
          %parallel_loop3A_299 = arith.constant 96 : index
          %parallel_loop3A_300 = tpu.vector_load %arg18[%parallel_loop3A_298, %parallel_loop3A_299] {strides = array<i32>} : memref<80x128xf32, #tpu.memory_space<vmem>>, vector<16xf32>,
          tpu.vector_store %arg18[%parallel_loop3A_298, %parallel_loop3A_299], %parallel_loop3A_297 {strides = array<i32>} : memref<80x128xf32, #tpu.memory_space<vmem>>, vector<16xf32>,
          %parallel_loop3A_301 = arith.constant 48 : i32
          %parallel_loop3A_302 = arith.addi %mul3A_4, %parallel_loop3A_301 : i32
          %parallel_loop3A_303 = arith.index_cast %parallel_loop3A_234 : i32 to index
          %parallel_loop3A_304 = arith.index_cast %parallel_loop3A_302 : i32 to index
          %parallel_loop3A_305 = tpu.vector_load %arg17[%parallel_loop3A_303, %parallel_loop3A_304] {strides = array<i32>} : memref<80x128xi32, #tpu.memory_space<vmem>>, vector<16xi32>,
          %parallel_loop3A_306 = vector.bitcast %parallel_loop3A_305 : vector<16xi32> to vector<32xbf16>
          %parallel_loop3A_307 = tpu.unpack_subelements %parallel_loop3A_306, 0 {pack_format = #tpu.pack_format<interleaved>} : vector<32xbf16> -> vector<16xf32>
          %parallel_loop3A_308 = tpu.unpack_subelements %parallel_loop3A_306, 1 {pack_format = #tpu.pack_format<interleaved>} : vector<32xbf16> -> vector<16xf32>
          %parallel_loop3A_309 = arith.index_cast %parallel_loop3A_234 : i32 to index
          %parallel_loop3A_310 = arith.constant 48 : index
          %parallel_loop3A_311 = tpu.vector_load %arg15[%parallel_loop3A_309, %parallel_loop3A_310] {strides = array<i32>} : memref<80x128xf32, #tpu.memory_space<vmem>>, vector<16xf32>,
          %parallel_loop3A_312 = arith.mulf %parallel_loop3A_311, %parallel_loop3A_307 : vector<16xf32>
          %parallel_loop3A_313 = arith.index_cast %parallel_loop3A_234 : i32 to index
          %parallel_loop3A_314 = arith.constant 48 : index
          %parallel_loop3A_315 = tpu.vector_load %arg18[%parallel_loop3A_313, %parallel_loop3A_314] {strides = array<i32>} : memref<80x128xf32, #tpu.memory_space<vmem>>, vector<16xf32>,
          tpu.vector_store %arg18[%parallel_loop3A_313, %parallel_loop3A_314], %parallel_loop3A_312 {strides = array<i32>} : memref<80x128xf32, #tpu.memory_space<vmem>>, vector<16xf32>,
          %parallel_loop3A_316 = arith.index_cast %parallel_loop3A_234 : i32 to index
          %parallel_loop3A_317 = arith.constant 112 : index
          %parallel_loop3A_318 = tpu.vector_load %arg15[%parallel_loop3A_316, %parallel_loop3A_317] {strides = array<i32>} : memref<80x128xf32, #tpu.memory_space<vmem>>, vector<16xf32>,
          %parallel_loop3A_319 = arith.mulf %parallel_loop3A_318, %parallel_loop3A_308 : vector<16xf32>
          %parallel_loop3A_320 = arith.index_cast %parallel_loop3A_234 : i32 to index
          %parallel_loop3A_321 = arith.constant 112 : index
          %parallel_loop3A_322 = tpu.vector_load %arg18[%parallel_loop3A_320, %parallel_loop3A_321] {strides = array<i32>} : memref<80x128xf32, #tpu.memory_space<vmem>>, vector<16xf32>,
          tpu.vector_store %arg18[%parallel_loop3A_320, %parallel_loop3A_321], %parallel_loop3A_319 {strides = array<i32>} : memref<80x128xf32, #tpu.memory_space<vmem>>, vector<16xf32>,
        } {sc.loop_unroll_factor = 4 : i64, sc.parallel_access}
        "tpu.region"() ({
          %run_scoped3A = tpu.sem_alloc : memref<!tpu.dma_semaphore, #tpu.memory_space<semaphore_mem>>
          %dma_start3A = arith.constant 0 : i32
          %dma_start3A_234 = arith.constant 0 : i32
          %dma_start3A_235 = tpu.memref_slice %arg19[%dma_start3A, %dma_start3A_234] : memref<5128x128xf32, #tpu.memory_space<vmem_shared>> -> memref<5128x128xf32, #tpu.memory_space<vmem_shared>>
          tpu.enqueue_indirect_dma source(%arg18 : memref<80x128xf32, #tpu.memory_space<vmem>>) target(%dma_start3A_235 : memref<5128x128xf32, #tpu.memory_space<vmem_shared>>) offsets(%arg13 : memref<80xi32, #tpu.memory_space<vmem>>) semaphore(%run_scoped3A : memref<!tpu.dma_semaphore, #tpu.memory_space<semaphore_mem>>) {add = true}
          %dma_wait3A_236 = arith.constant 0 : i32
          %dma_wait3A_237 = arith.constant 0 : i32
          %dma_wait3A_238 = tpu.memref_slice %arg19[%dma_wait3A_236, %dma_wait3A_237] : memref<5128x128xf32, #tpu.memory_space<vmem_shared>> -> memref<5128x128xf32, #tpu.memory_space<vmem_shared>>
          tpu.wait_indirect_dma semaphore(%run_scoped3A : memref<!tpu.dma_semaphore, #tpu.memory_space<semaphore_mem>>) src(%arg18 : memref<80x128xf32, #tpu.memory_space<vmem>>) dst(%dma_wait3A_238 : memref<5128x128xf32, #tpu.memory_space<vmem_shared>>)
          tpu.yield
        }) : () -> ()
        %add3A_228 = arith.constant 2 : i32
        %add3A_229 = arith.addi %add3A_216, %add3A_228 : i32
        %lt3A_230 = arith.cmpi slt, %add3A_229, %select_n3A : i32
        %convert_element_type3A_231 = arith.extui %lt3A_230 : i1 to i32
        %cond3A_232 = arith.constant 0 : i32
        %cond3A_233 = arith.cmpi ne, %convert_element_type3A_231, %cond3A_232 : i32
        scf.if %cond3A_233 {
          %add3A_234 = arith.constant 2 : i32
          %add3A_235 = arith.addi %add3A_216, %add3A_234 : i32
          %sub3A_236 = arith.constant 1 : i32
          %sub3A_237 = arith.subi %scan3A_9, %sub3A_236 : i32
          %max3A = arith.constant 0 : i32
          %max3A_238 = arith.maxsi %sub3A_237, %max3A : i32
          %mul3A_239 = arith.constant 80 : i32
          %mul3A_240 = arith.muli %add3A_235, %mul3A_239 : i32
          %add3A_241 = arith.constant 0 : i32
          %add3A_242 = arith.addi %mul3A_240, %add3A_241 : i32
          %iota3A = tpu.iota {dimensions = array<i32: 0>} : vector<16xi32>
          %add3A_243 = vector.broadcast %add3A_242 : i32 to vector<16xi32>
          %add3A_244 = arith.addi %add3A_243, %iota3A : vector<16xi32>
          %lt3A_245 = vector.broadcast %scan3A_9 : i32 to vector<16xi32>
          %lt3A_246 = arith.cmpi slt, %add3A_244, %lt3A_245 : vector<16xi32>
          %min3A = vector.broadcast %max3A_238 : i32 to vector<16xi32>
          %min3A_247 = arith.minsi %add3A_244, %min3A : vector<16xi32>
          %add3A_248 = arith.constant 0 : i32
          %add3A_249 = vector.broadcast %add3A_248 : i32 to vector<16xi32>
          %add3A_250 = arith.addi %min3A_247, %add3A_249 : vector<16xi32>
          %min3A_251 = arith.constant 9999 : i32
          %min3A_252 = vector.broadcast %min3A_251 : i32 to vector<16xi32>
          %min3A_253 = arith.minsi %add3A_250, %min3A_252 : vector<16xi32>
          %gather3A = tpu.vector_load_idx %arg7[%min3A_253] : memref<10016xi32, #tpu.memory_space<vmem>>[vector<16xi32>], vector<16xi32>,
          %gather3A_254 = tpu.vector_load_idx %arg6[%gather3A] : memref<10000xi32, #tpu.memory_space<vmem>>[vector<16xi32>], vector<16xi32>,
          %and3A_255 = arith.constant 65535 : i32
          %and3A_256 = vector.broadcast %and3A_255 : i32 to vector<16xi32>
          %and3A_257 = arith.andi %gather3A_254, %and3A_256 : vector<16xi32>
          %swap3A = arith.constant 0 : index
          %swap3A_258 = tpu.vector_load %arg9[%swap3A] {strides = array<i32>} : memref<80xi32, #tpu.memory_space<vmem>>, vector<16xi32>,
          tpu.vector_store %arg9[%swap3A], %and3A_257 {strides = array<i32>} : memref<80xi32, #tpu.memory_space<vmem>>, vector<16xi32>,
          %add3A_259 = vector.broadcast %mul3A_0 : i32 to vector<16xi32>
          %add3A_260 = arith.addi %add3A_259, %gather3A : vector<16xi32>
          %swap3A_261 = arith.constant 0 : index
          %swap3A_262 = tpu.vector_load %arg11[%swap3A_261] {strides = array<i32>} : memref<80xi32, #tpu.memory_space<vmem>>, vector<16xi32>,
          tpu.vector_store %arg11[%swap3A_261], %add3A_260 {strides = array<i32>} : memref<80xi32, #tpu.memory_space<vmem>>, vector<16xi32>,
          %shift_right_arithmetic3A = arith.constant 16 : i32
          %shift_right_arithmetic3A_263 = vector.broadcast %shift_right_arithmetic3A : i32 to vector<16xi32>
          %shift_right_arithmetic3A_264 = arith.shrsi %gather3A_254, %shift_right_arithmetic3A_263 : vector<16xi32>
          %sub3A_265 = arith.constant 0 : i32
          %sub3A_266 = vector.broadcast %sub3A_265 : i32 to vector<16xi32>
          %sub3A_267 = arith.subi %shift_right_arithmetic3A_264, %sub3A_266 : vector<16xi32>
          %jit3A_268 = arith.constant 5120 : i32
          %broadcast_in_dim3A = vector.broadcast %jit3A_268 : i32 to vector<16xi32>
          %select_n3A_269 = arith.select %lt3A_246, %sub3A_267, %broadcast_in_dim3A : vector<16xi1>, vector<16xi32>
          %swap3A_270 = arith.constant 0 : index
          %swap3A_271 = tpu.vector_load %arg13[%swap3A_270] {strides = array<i32>} : memref<80xi32, #tpu.memory_space<vmem>>, vector<16xi32>,
          tpu.vector_store %arg13[%swap3A_270], %select_n3A_269 {strides = array<i32>} : memref<80xi32, #tpu.memory_space<vmem>>, vector<16xi32>,
          %mul3A_272 = arith.constant 80 : i32
          %mul3A_273 = arith.muli %add3A_235, %mul3A_272 : i32
          %add3A_274 = arith.constant 16 : i32
          %add3A_275 = arith.addi %mul3A_273, %add3A_274 : i32
          %iota3A_276 = tpu.iota {dimensions = array<i32: 0>} : vector<16xi32>
          %add3A_277 = vector.broadcast %add3A_275 : i32 to vector<16xi32>
          %add3A_278 = arith.addi %add3A_277, %iota3A_276 : vector<16xi32>
          %lt3A_279 = vector.broadcast %scan3A_9 : i32 to vector<16xi32>
          %lt3A_280 = arith.cmpi slt, %add3A_278, %lt3A_279 : vector<16xi32>
          %min3A_281 = vector.broadcast %max3A_238 : i32 to vector<16xi32>
          %min3A_282 = arith.minsi %add3A_278, %min3A_281 : vector<16xi32>
          %add3A_283 = arith.constant 0 : i32
          %add3A_284 = vector.broadcast %add3A_283 : i32 to vector<16xi32>
          %add3A_285 = arith.addi %min3A_282, %add3A_284 : vector<16xi32>
          %min3A_286 = arith.constant 9999 : i32
          %min3A_287 = vector.broadcast %min3A_286 : i32 to vector<16xi32>
          %min3A_288 = arith.minsi %add3A_285, %min3A_287 : vector<16xi32>
          %gather3A_289 = tpu.vector_load_idx %arg7[%min3A_288] : memref<10016xi32, #tpu.memory_space<vmem>>[vector<16xi32>], vector<16xi32>,
          %gather3A_290 = tpu.vector_load_idx %arg6[%gather3A_289] : memref<10000xi32, #tpu.memory_space<vmem>>[vector<16xi32>], vector<16xi32>,
          %and3A_291 = arith.constant 65535 : i32
          %and3A_292 = vector.broadcast %and3A_291 : i32 to vector<16xi32>
          %and3A_293 = arith.andi %gather3A_290, %and3A_292 : vector<16xi32>
          %swap3A_294 = arith.constant 16 : index
          %swap3A_295 = tpu.vector_load %arg9[%swap3A_294] {strides = array<i32>} : memref<80xi32, #tpu.memory_space<vmem>>, vector<16xi32>,
          tpu.vector_store %arg9[%swap3A_294], %and3A_293 {strides = array<i32>} : memref<80xi32, #tpu.memory_space<vmem>>, vector<16xi32>,
          %add3A_296 = vector.broadcast %mul3A_0 : i32 to vector<16xi32>
          %add3A_297 = arith.addi %add3A_296, %gather3A_289 : vector<16xi32>
          %swap3A_298 = arith.constant 16 : index
          %swap3A_299 = tpu.vector_load %arg11[%swap3A_298] {strides = array<i32>} : memref<80xi32, #tpu.memory_space<vmem>>, vector<16xi32>,
          tpu.vector_store %arg11[%swap3A_298], %add3A_297 {strides = array<i32>} : memref<80xi32, #tpu.memory_space<vmem>>, vector<16xi32>,
          %shift_right_arithmetic3A_300 = arith.constant 16 : i32
          %shift_right_arithmetic3A_301 = vector.broadcast %shift_right_arithmetic3A_300 : i32 to vector<16xi32>
          %shift_right_arithmetic3A_302 = arith.shrsi %gather3A_290, %shift_right_arithmetic3A_301 : vector<16xi32>
          %sub3A_303 = arith.constant 0 : i32
          %sub3A_304 = vector.broadcast %sub3A_303 : i32 to vector<16xi32>
          %sub3A_305 = arith.subi %shift_right_arithmetic3A_302, %sub3A_304 : vector<16xi32>
          %jit3A_306 = arith.constant 5120 : i32
          %broadcast_in_dim3A_307 = vector.broadcast %jit3A_306 : i32 to vector<16xi32>
          %select_n3A_308 = arith.select %lt3A_280, %sub3A_305, %broadcast_in_dim3A_307 : vector<16xi1>, vector<16xi32>
          %swap3A_309 = arith.constant 16 : index
          %swap3A_310 = tpu.vector_load %arg13[%swap3A_309] {strides = array<i32>} : memref<80xi32, #tpu.memory_space<vmem>>, vector<16xi32>,
          tpu.vector_store %arg13[%swap3A_309], %select_n3A_308 {strides = array<i32>} : memref<80xi32, #tpu.memory_space<vmem>>, vector<16xi32>,
          %mul3A_311 = arith.constant 80 : i32
          %mul3A_312 = arith.muli %add3A_235, %mul3A_311 : i32
          %add3A_313 = arith.constant 32 : i32
          %add3A_314 = arith.addi %mul3A_312, %add3A_313 : i32
          %iota3A_315 = tpu.iota {dimensions = array<i32: 0>} : vector<16xi32>
          %add3A_316 = vector.broadcast %add3A_314 : i32 to vector<16xi32>
          %add3A_317 = arith.addi %add3A_316, %iota3A_315 : vector<16xi32>
          %lt3A_318 = vector.broadcast %scan3A_9 : i32 to vector<16xi32>
          %lt3A_319 = arith.cmpi slt, %add3A_317, %lt3A_318 : vector<16xi32>
          %min3A_320 = vector.broadcast %max3A_238 : i32 to vector<16xi32>
          %min3A_321 = arith.minsi %add3A_317, %min3A_320 : vector<16xi32>
          %add3A_322 = arith.constant 0 : i32
          %add3A_323 = vector.broadcast %add3A_322 : i32 to vector<16xi32>
          %add3A_324 = arith.addi %min3A_321, %add3A_323 : vector<16xi32>
          %min3A_325 = arith.constant 9999 : i32
          %min3A_326 = vector.broadcast %min3A_325 : i32 to vector<16xi32>
          %min3A_327 = arith.minsi %add3A_324, %min3A_326 : vector<16xi32>
          %gather3A_328 = tpu.vector_load_idx %arg7[%min3A_327] : memref<10016xi32, #tpu.memory_space<vmem>>[vector<16xi32>], vector<16xi32>,
          %gather3A_329 = tpu.vector_load_idx %arg6[%gather3A_328] : memref<10000xi32, #tpu.memory_space<vmem>>[vector<16xi32>], vector<16xi32>,
          %and3A_330 = arith.constant 65535 : i32
          %and3A_331 = vector.broadcast %and3A_330 : i32 to vector<16xi32>
          %and3A_332 = arith.andi %gather3A_329, %and3A_331 : vector<16xi32>
          %swap3A_333 = arith.constant 32 : index
          %swap3A_334 = tpu.vector_load %arg9[%swap3A_333] {strides = array<i32>} : memref<80xi32, #tpu.memory_space<vmem>>, vector<16xi32>,
          tpu.vector_store %arg9[%swap3A_333], %and3A_332 {strides = array<i32>} : memref<80xi32, #tpu.memory_space<vmem>>, vector<16xi32>,
          %add3A_335 = vector.broadcast %mul3A_0 : i32 to vector<16xi32>
          %add3A_336 = arith.addi %add3A_335, %gather3A_328 : vector<16xi32>
          %swap3A_337 = arith.constant 32 : index
          %swap3A_338 = tpu.vector_load %arg11[%swap3A_337] {strides = array<i32>} : memref<80xi32, #tpu.memory_space<vmem>>, vector<16xi32>,
          tpu.vector_store %arg11[%swap3A_337], %add3A_336 {strides = array<i32>} : memref<80xi32, #tpu.memory_space<vmem>>, vector<16xi32>,
          %shift_right_arithmetic3A_339 = arith.constant 16 : i32
          %shift_right_arithmetic3A_340 = vector.broadcast %shift_right_arithmetic3A_339 : i32 to vector<16xi32>
          %shift_right_arithmetic3A_341 = arith.shrsi %gather3A_329, %shift_right_arithmetic3A_340 : vector<16xi32>
          %sub3A_342 = arith.constant 0 : i32
          %sub3A_343 = vector.broadcast %sub3A_342 : i32 to vector<16xi32>
          %sub3A_344 = arith.subi %shift_right_arithmetic3A_341, %sub3A_343 : vector<16xi32>
          %jit3A_345 = arith.constant 5120 : i32
          %broadcast_in_dim3A_346 = vector.broadcast %jit3A_345 : i32 to vector<16xi32>
          %select_n3A_347 = arith.select %lt3A_319, %sub3A_344, %broadcast_in_dim3A_346 : vector<16xi1>, vector<16xi32>
          %swap3A_348 = arith.constant 32 : index
          %swap3A_349 = tpu.vector_load %arg13[%swap3A_348] {strides = array<i32>} : memref<80xi32, #tpu.memory_space<vmem>>, vector<16xi32>,
          tpu.vector_store %arg13[%swap3A_348], %select_n3A_347 {strides = array<i32>} : memref<80xi32, #tpu.memory_space<vmem>>, vector<16xi32>,
          %mul3A_350 = arith.constant 80 : i32
          %mul3A_351 = arith.muli %add3A_235, %mul3A_350 : i32
          %add3A_352 = arith.constant 48 : i32
          %add3A_353 = arith.addi %mul3A_351, %add3A_352 : i32
          %iota3A_354 = tpu.iota {dimensions = array<i32: 0>} : vector<16xi32>
          %add3A_355 = vector.broadcast %add3A_353 : i32 to vector<16xi32>
          %add3A_356 = arith.addi %add3A_355, %iota3A_354 : vector<16xi32>
          %lt3A_357 = vector.broadcast %scan3A_9 : i32 to vector<16xi32>
          %lt3A_358 = arith.cmpi slt, %add3A_356, %lt3A_357 : vector<16xi32>
          %min3A_359 = vector.broadcast %max3A_238 : i32 to vector<16xi32>
          %min3A_360 = arith.minsi %add3A_356, %min3A_359 : vector<16xi32>
          %add3A_361 = arith.constant 0 : i32
          %add3A_362 = vector.broadcast %add3A_361 : i32 to vector<16xi32>
          %add3A_363 = arith.addi %min3A_360, %add3A_362 : vector<16xi32>
          %min3A_364 = arith.constant 9999 : i32
          %min3A_365 = vector.broadcast %min3A_364 : i32 to vector<16xi32>
          %min3A_366 = arith.minsi %add3A_363, %min3A_365 : vector<16xi32>
          %gather3A_367 = tpu.vector_load_idx %arg7[%min3A_366] : memref<10016xi32, #tpu.memory_space<vmem>>[vector<16xi32>], vector<16xi32>,
          %gather3A_368 = tpu.vector_load_idx %arg6[%gather3A_367] : memref<10000xi32, #tpu.memory_space<vmem>>[vector<16xi32>], vector<16xi32>,
          %and3A_369 = arith.constant 65535 : i32
          %and3A_370 = vector.broadcast %and3A_369 : i32 to vector<16xi32>
          %and3A_371 = arith.andi %gather3A_368, %and3A_370 : vector<16xi32>
          %swap3A_372 = arith.constant 48 : index
          %swap3A_373 = tpu.vector_load %arg9[%swap3A_372] {strides = array<i32>} : memref<80xi32, #tpu.memory_space<vmem>>, vector<16xi32>,
          tpu.vector_store %arg9[%swap3A_372], %and3A_371 {strides = array<i32>} : memref<80xi32, #tpu.memory_space<vmem>>, vector<16xi32>,
          %add3A_374 = vector.broadcast %mul3A_0 : i32 to vector<16xi32>
          %add3A_375 = arith.addi %add3A_374, %gather3A_367 : vector<16xi32>
          %swap3A_376 = arith.constant 48 : index
          %swap3A_377 = tpu.vector_load %arg11[%swap3A_376] {strides = array<i32>} : memref<80xi32, #tpu.memory_space<vmem>>, vector<16xi32>,
          tpu.vector_store %arg11[%swap3A_376], %add3A_375 {strides = array<i32>} : memref<80xi32, #tpu.memory_space<vmem>>, vector<16xi32>,
          %shift_right_arithmetic3A_378 = arith.constant 16 : i32
          %shift_right_arithmetic3A_379 = vector.broadcast %shift_right_arithmetic3A_378 : i32 to vector<16xi32>
          %shift_right_arithmetic3A_380 = arith.shrsi %gather3A_368, %shift_right_arithmetic3A_379 : vector<16xi32>
          %sub3A_381 = arith.constant 0 : i32
          %sub3A_382 = vector.broadcast %sub3A_381 : i32 to vector<16xi32>
          %sub3A_383 = arith.subi %shift_right_arithmetic3A_380, %sub3A_382 : vector<16xi32>
          %jit3A_384 = arith.constant 5120 : i32
          %broadcast_in_dim3A_385 = vector.broadcast %jit3A_384 : i32 to vector<16xi32>
          %select_n3A_386 = arith.select %lt3A_358, %sub3A_383, %broadcast_in_dim3A_385 : vector<16xi1>, vector<16xi32>
          %swap3A_387 = arith.constant 48 : index
          %swap3A_388 = tpu.vector_load %arg13[%swap3A_387] {strides = array<i32>} : memref<80xi32, #tpu.memory_space<vmem>>, vector<16xi32>,
          tpu.vector_store %arg13[%swap3A_387], %select_n3A_386 {strides = array<i32>} : memref<80xi32, #tpu.memory_space<vmem>>, vector<16xi32>,
          %mul3A_389 = arith.constant 80 : i32
          %mul3A_390 = arith.muli %add3A_235, %mul3A_389 : i32
          %add3A_391 = arith.constant 64 : i32
          %add3A_392 = arith.addi %mul3A_390, %add3A_391 : i32
          %iota3A_393 = tpu.iota {dimensions = array<i32: 0>} : vector<16xi32>
          %add3A_394 = vector.broadcast %add3A_392 : i32 to vector<16xi32>
          %add3A_395 = arith.addi %add3A_394, %iota3A_393 : vector<16xi32>
          %lt3A_396 = vector.broadcast %scan3A_9 : i32 to vector<16xi32>
          %lt3A_397 = arith.cmpi slt, %add3A_395, %lt3A_396 : vector<16xi32>
          %min3A_398 = vector.broadcast %max3A_238 : i32 to vector<16xi32>
          %min3A_399 = arith.minsi %add3A_395, %min3A_398 : vector<16xi32>
          %add3A_400 = arith.constant 0 : i32
          %add3A_401 = vector.broadcast %add3A_400 : i32 to vector<16xi32>
          %add3A_402 = arith.addi %min3A_399, %add3A_401 : vector<16xi32>
          %min3A_403 = arith.constant 9999 : i32
          %min3A_404 = vector.broadcast %min3A_403 : i32 to vector<16xi32>
          %min3A_405 = arith.minsi %add3A_402, %min3A_404 : vector<16xi32>
          %gather3A_406 = tpu.vector_load_idx %arg7[%min3A_405] : memref<10016xi32, #tpu.memory_space<vmem>>[vector<16xi32>], vector<16xi32>,
          %gather3A_407 = tpu.vector_load_idx %arg6[%gather3A_406] : memref<10000xi32, #tpu.memory_space<vmem>>[vector<16xi32>], vector<16xi32>,
          %and3A_408 = arith.constant 65535 : i32
          %and3A_409 = vector.broadcast %and3A_408 : i32 to vector<16xi32>
          %and3A_410 = arith.andi %gather3A_407, %and3A_409 : vector<16xi32>
          %swap3A_411 = arith.constant 64 : index
          %swap3A_412 = tpu.vector_load %arg9[%swap3A_411] {strides = array<i32>} : memref<80xi32, #tpu.memory_space<vmem>>, vector<16xi32>,
          tpu.vector_store %arg9[%swap3A_411], %and3A_410 {strides = array<i32>} : memref<80xi32, #tpu.memory_space<vmem>>, vector<16xi32>,
          %add3A_413 = vector.broadcast %mul3A_0 : i32 to vector<16xi32>
          %add3A_414 = arith.addi %add3A_413, %gather3A_406 : vector<16xi32>
          %swap3A_415 = arith.constant 64 : index
          %swap3A_416 = tpu.vector_load %arg11[%swap3A_415] {strides = array<i32>} : memref<80xi32, #tpu.memory_space<vmem>>, vector<16xi32>,
          tpu.vector_store %arg11[%swap3A_415], %add3A_414 {strides = array<i32>} : memref<80xi32, #tpu.memory_space<vmem>>, vector<16xi32>,
          %shift_right_arithmetic3A_417 = arith.constant 16 : i32
          %shift_right_arithmetic3A_418 = vector.broadcast %shift_right_arithmetic3A_417 : i32 to vector<16xi32>
          %shift_right_arithmetic3A_419 = arith.shrsi %gather3A_407, %shift_right_arithmetic3A_418 : vector<16xi32>
          %sub3A_420 = arith.constant 0 : i32
          %sub3A_421 = vector.broadcast %sub3A_420 : i32 to vector<16xi32>
          %sub3A_422 = arith.subi %shift_right_arithmetic3A_419, %sub3A_421 : vector<16xi32>
          %jit3A_423 = arith.constant 5120 : i32
          %broadcast_in_dim3A_424 = vector.broadcast %jit3A_423 : i32 to vector<16xi32>
          %select_n3A_425 = arith.select %lt3A_397, %sub3A_422, %broadcast_in_dim3A_424 : vector<16xi1>, vector<16xi32>
          %swap3A_426 = arith.constant 64 : index
          %swap3A_427 = tpu.vector_load %arg13[%swap3A_426] {strides = array<i32>} : memref<80xi32, #tpu.memory_space<vmem>>, vector<16xi32>,
          tpu.vector_store %arg13[%swap3A_426], %select_n3A_425 {strides = array<i32>} : memref<80xi32, #tpu.memory_space<vmem>>, vector<16xi32>,
          %dma_start3A = arith.constant 0 : i32
          %dma_start3A_428 = arith.constant 0 : i32
          %dma_start3A_429 = tpu.memref_slice %arg2[%dma_start3A, %dma_start3A_428] : memref<10000x128xf32, #tpu.memory_space<hbm>> -> memref<10000x128xf32, #tpu.memory_space<hbm>>
          tpu.enqueue_indirect_dma source(%dma_start3A_429 : memref<10000x128xf32, #tpu.memory_space<hbm>>) target(%arg15 : memref<80x128xf32, #tpu.memory_space<vmem>>) offsets(%arg9 : memref<80xi32, #tpu.memory_space<vmem>>) semaphore(%arg21 : memref<!tpu.dma_semaphore, #tpu.memory_space<semaphore_mem>>)
          %dma_start3A_430 = arith.constant 0 : i32
          %dma_start3A_431 = arith.constant 0 : i32
          %dma_start3A_432 = tpu.memref_slice %arg4[%dma_start3A_430, %dma_start3A_431] : memref<160000x128xi32, #tpu.memory_space<hbm>> -> memref<160000x128xi32, #tpu.memory_space<hbm>>
          tpu.enqueue_indirect_dma source(%dma_start3A_432 : memref<160000x128xi32, #tpu.memory_space<hbm>>) target(%arg17 : memref<80x128xi32, #tpu.memory_space<vmem>>) offsets(%arg11 : memref<80xi32, #tpu.memory_space<vmem>>) semaphore(%arg21 : memref<!tpu.dma_semaphore, #tpu.memory_space<semaphore_mem>>)
        } else {
        }
      } else {
      }
    }
    %barrier3A_96 = arith.constant 0 : index
    tpu.barrier barrier_id(%barrier3A_96)
    %scan3A_97 = arith.constant 0 : i32
    %scan3A_98 = arith.constant 0 : i32
    %scan3A_99 = arith.constant 4 : i32
    %scan3A_100 = arith.addi %scan3A_98, %scan3A_99 : i32
    %scan3A_101 = arith.constant 1 : i32
    scf.for %scan3A_207 = %scan3A_98 to %scan3A_100 step %scan3A_101  : i32 {
      %mul3A_208 = arith.constant 80 : i32
      %mul3A_209 = arith.muli %scan3A_207, %mul3A_208 : i32
      %add3A_210 = arith.addi %mul3A_2, %mul3A_209 : i32
      "tpu.region"() ({
        %run_scoped3A = tpu.sem_alloc : memref<!tpu.dma_semaphore, #tpu.memory_space<semaphore_mem>>
        %dma_start3A = arith.constant 0 : i32
        %dma_start3A_216 = tpu.memref_slice %arg19[%add3A_210, %dma_start3A] : memref<5128x128xf32, #tpu.memory_space<vmem_shared>> -> memref<80x128xf32, #tpu.memory_space<vmem_shared>>
        %dma_start3A_217 = arith.constant 0 : i32
        %dma_start3A_218 = tpu.memref_slice %arg19[%add3A_210, %dma_start3A_217] : memref<5128x128xf32, #tpu.memory_space<vmem_shared>> -> memref<80x128xf32, #tpu.memory_space<vmem_shared>>
        tpu.enqueue_dma source(%dma_start3A_218 : memref<80x128xf32, #tpu.memory_space<vmem_shared>>) target(%arg18 : memref<80x128xf32, #tpu.memory_space<vmem>>) target_semaphore(%run_scoped3A : memref<!tpu.dma_semaphore, #tpu.memory_space<semaphore_mem>>)
        %dma_wait3A = arith.constant 0 : i32
        %dma_wait3A_219 = tpu.memref_slice %arg19[%add3A_210, %dma_wait3A] : memref<5128x128xf32, #tpu.memory_space<vmem_shared>> -> memref<80x128xf32, #tpu.memory_space<vmem_shared>>
        %dma_wait3A_220 = arith.constant 0 : i32
        %dma_wait3A_221 = tpu.memref_slice %arg19[%add3A_210, %dma_wait3A_220] : memref<5128x128xf32, #tpu.memory_space<vmem_shared>> -> memref<80x128xf32, #tpu.memory_space<vmem_shared>>
        tpu.wait_dma2 semaphore(%run_scoped3A : memref<!tpu.dma_semaphore, #tpu.memory_space<semaphore_mem>>) src(%dma_wait3A_221 : memref<80x128xf32, #tpu.memory_space<vmem_shared>>) dst(%arg18 : memref<80x128xf32, #tpu.memory_space<vmem>>)
        tpu.yield
      }) : () -> ()
      %add3A_211 = arith.constant 0 : i32
      %add3A_212 = arith.addi %add3A_211, %mul3A_2 : i32
      %mul3A_213 = arith.constant 80 : i32
      %mul3A_214 = arith.muli %scan3A_207, %mul3A_213 : i32
      %add3A_215 = arith.addi %add3A_212, %mul3A_214 : i32
      "tpu.region"() ({
        %run_scoped3A = tpu.sem_alloc : memref<!tpu.dma_semaphore, #tpu.memory_space<semaphore_mem>>
        %dma_start3A = arith.constant 0 : i32
        %dma_start3A_216 = tpu.memref_slice %arg5[%arg0, %add3A_215, %dma_start3A] : memref<2x10240x128xf32, #tpu.memory_space<hbm>> -> memref<1x80x128xf32, #tpu.memory_space<hbm>>
        %dma_start3A_217 = tpu.memref_squeeze %dma_start3A_216 : memref<1x80x128xf32, #tpu.memory_space<hbm>> -> memref<80x128xf32, #tpu.memory_space<hbm>>
        %dma_start3A_218 = arith.constant 0 : i32
        %dma_start3A_219 = tpu.memref_slice %arg5[%arg0, %add3A_215, %dma_start3A_218] : memref<2x10240x128xf32, #tpu.memory_space<hbm>> -> memref<1x80x128xf32, #tpu.memory_space<hbm>>
        %dma_start3A_220 = tpu.memref_squeeze %dma_start3A_219 : memref<1x80x128xf32, #tpu.memory_space<hbm>> -> memref<80x128xf32, #tpu.memory_space<hbm>>
        tpu.enqueue_dma source(%arg18 : memref<80x128xf32, #tpu.memory_space<vmem>>) target(%dma_start3A_220 : memref<80x128xf32, #tpu.memory_space<hbm>>) target_semaphore(%run_scoped3A : memref<!tpu.dma_semaphore, #tpu.memory_space<semaphore_mem>>)
        %dma_wait3A = arith.constant 0 : i32
        %dma_wait3A_221 = tpu.memref_slice %arg5[%arg0, %add3A_215, %dma_wait3A] : memref<2x10240x128xf32, #tpu.memory_space<hbm>> -> memref<1x80x128xf32, #tpu.memory_space<hbm>>
        %dma_wait3A_222 = tpu.memref_squeeze %dma_wait3A_221 : memref<1x80x128xf32, #tpu.memory_space<hbm>> -> memref<80x128xf32, #tpu.memory_space<hbm>>
        %dma_wait3A_223 = arith.constant 0 : i32
        %dma_wait3A_224 = tpu.memref_slice %arg5[%arg0, %add3A_215, %dma_wait3A_223] : memref<2x10240x128xf32, #tpu.memory_space<hbm>> -> memref<1x80x128xf32, #tpu.memory_space<hbm>>
        %dma_wait3A_225 = tpu.memref_squeeze %dma_wait3A_224 : memref<1x80x128xf32, #tpu.memory_space<hbm>> -> memref<80x128xf32, #tpu.memory_space<hbm>>
        tpu.wait_dma2 semaphore(%run_scoped3A : memref<!tpu.dma_semaphore, #tpu.memory_space<semaphore_mem>>) src(%arg18 : memref<80x128xf32, #tpu.memory_space<vmem>>) dst(%dma_wait3A_225 : memref<80x128xf32, #tpu.memory_space<hbm>>)
        tpu.yield
      }) : () -> ()
    }
    %scan3A_102 = arith.constant 4 : i32
    %barrier3A_103 = arith.constant 0 : index
    tpu.barrier barrier_id(%barrier3A_103)
    %sub3A_104 = arith.constant 10000 : i32
    %sub3A_105 = arith.subi %sub3A_104, %scan3A_9 : i32
    %add3A_106 = arith.constant 80 : i32
    %add3A_107 = arith.addi %sub3A_105, %add3A_106 : i32
    %sub3A_108 = arith.constant 1 : i32
    %sub3A_109 = arith.subi %add3A_107, %sub3A_108 : i32
    %jit3A_110 = arith.constant 80 : i32
    %div3A_111 = arith.divsi %sub3A_109, %jit3A_110 : i32
    %sign3A_112 = arith.constant 0 : i32
    %sign3A_113 = arith.cmpi sgt, %sub3A_109, %sign3A_112 : i32
    %sign3A_114 = arith.extui %sign3A_113 : i1 to i32
    %sign3A_115 = arith.constant 0 : i32
    %sign3A_116 = arith.cmpi slt, %sub3A_109, %sign3A_115 : i32
    %sign3A_117 = arith.extui %sign3A_116 : i1 to i32
    %sign3A_118 = arith.subi %sign3A_114, %sign3A_117 : i32
    %sign3A_119 = arith.constant 0 : i32
    %sign3A_120 = arith.cmpi sgt, %jit3A_110, %sign3A_119 : i32
    %sign3A_121 = arith.extui %sign3A_120 : i1 to i32
    %sign3A_122 = arith.constant 0 : i32
    %sign3A_123 = arith.cmpi slt, %jit3A_110, %sign3A_122 : i32
    %sign3A_124 = arith.extui %sign3A_123 : i1 to i32
    %sign3A_125 = arith.subi %sign3A_121, %sign3A_124 : i32
    %ne3A_126 = arith.cmpi ne, %sign3A_118, %sign3A_125 : i32
    %rem3A_127 = arith.remsi %sub3A_109, %jit3A_110 : i32
    %ne3A_128 = arith.constant 0 : i32
    %ne3A_129 = arith.cmpi ne, %rem3A_127, %ne3A_128 : i32
    %and3A_130 = arith.andi %ne3A_126, %ne3A_129 : i1
    %sub3A_131 = arith.constant 1 : i32
    %sub3A_132 = arith.subi %div3A_111, %sub3A_131 : i32
    %select_n3A_133 = arith.select %and3A_130, %sub3A_132, %div3A_111 : i32
    %scan3A_134 = arith.constant 0 : i32
    %scan3A_135 = arith.constant 0 : i32
    %scan3A_136 = arith.constant 640 : i32
    %scan3A_137 = arith.addi %scan3A_135, %scan3A_136 : i32
    %scan3A_138 = arith.constant 1 : i32
    scf.for %scan3A_207 = %scan3A_135 to %scan3A_137 step %scan3A_138  : i32 {
      %jit3A_208 = arith.constant 8 : i32
      %div3A_209 = arith.divsi %scan3A_207, %jit3A_208 : i32
      %sign3A_210 = arith.constant 0 : i32
      %sign3A_211 = arith.cmpi sgt, %scan3A_207, %sign3A_210 : i32
      %sign3A_212 = arith.extui %sign3A_211 : i1 to i32
      %sign3A_213 = arith.constant 0 : i32
      %sign3A_214 = arith.cmpi slt, %scan3A_207, %sign3A_213 : i32
      %sign3A_215 = arith.extui %sign3A_214 : i1 to i32
      %sign3A_216 = arith.subi %sign3A_212, %sign3A_215 : i32
      %sign3A_217 = arith.constant 0 : i32
      %sign3A_218 = arith.cmpi sgt, %jit3A_208, %sign3A_217 : i32
      %sign3A_219 = arith.extui %sign3A_218 : i1 to i32
      %sign3A_220 = arith.constant 0 : i32
      %sign3A_221 = arith.cmpi slt, %jit3A_208, %sign3A_220 : i32
      %sign3A_222 = arith.extui %sign3A_221 : i1 to i32
      %sign3A_223 = arith.subi %sign3A_219, %sign3A_222 : i32
      %ne3A_224 = arith.cmpi ne, %sign3A_216, %sign3A_223 : i32
      %rem3A_225 = arith.remsi %scan3A_207, %jit3A_208 : i32
      %ne3A_226 = arith.constant 0 : i32
      %ne3A_227 = arith.cmpi ne, %rem3A_225, %ne3A_226 : i32
      %and3A_228 = arith.andi %ne3A_224, %ne3A_227 : i1
      %sub3A_229 = arith.constant 1 : i32
      %sub3A_230 = arith.subi %div3A_209, %sub3A_229 : i32
      %select_n3A_231 = arith.select %and3A_228, %sub3A_230, %div3A_209 : i32
      %jit3A_232 = arith.constant 8 : i32
      %eq3A_233 = arith.constant 0 : i32
      %eq3A_234 = arith.cmpi eq, %jit3A_232, %eq3A_233 : i32
      %jit3A_235 = arith.constant 1 : i32
      %select_n3A_236 = arith.select %eq3A_234, %jit3A_235, %jit3A_232 : i32
      %rem3A_237 = arith.remsi %scan3A_207, %select_n3A_236 : i32
      %ne3A_238 = arith.constant 0 : i32
      %ne3A_239 = arith.cmpi ne, %rem3A_237, %ne3A_238 : i32
      %lt3A = arith.constant 0 : i32
      %lt3A_240 = arith.cmpi slt, %rem3A_237, %lt3A : i32
      %lt3A_241 = arith.constant 0 : i32
      %lt3A_242 = arith.cmpi slt, %select_n3A_236, %lt3A_241 : i32
      %ne3A_243 = arith.xori %lt3A_240, %lt3A_242 : i1
      %and3A_244 = arith.andi %ne3A_243, %ne3A_239 : i1
      %add3A_245 = arith.addi %rem3A_237, %select_n3A_236 : i32
      %select_n3A_246 = arith.select %and3A_244, %add3A_245, %rem3A_237 : i32
      %mul3A_247 = arith.constant 16 : i32
      %mul3A_248 = arith.muli %select_n3A_246, %mul3A_247 : i32
      %broadcast_in_dim3A = arith.constant 0.000000e+00 : f32
      %broadcast_in_dim3A_249 = vector.broadcast %broadcast_in_dim3A : f32 to vector<16xf32>
      %swap3A = arith.index_cast %select_n3A_231 : i32 to index
      %swap3A_250 = arith.index_cast %mul3A_248 : i32 to index
      %swap3A_251 = tpu.vector_load %arg18[%swap3A, %swap3A_250] {strides = array<i32>} : memref<80x128xf32, #tpu.memory_space<vmem>>, vector<16xf32>,
      tpu.vector_store %arg18[%swap3A, %swap3A_250], %broadcast_in_dim3A_249 {strides = array<i32>} : memref<80x128xf32, #tpu.memory_space<vmem>>, vector<16xf32>,
    }
    %scan3A_139 = arith.constant 640 : i32
    %add3A_140 = arith.constant 0 : i32
    %add3A_141 = arith.addi %mul3A_2, %add3A_140 : i32
    "tpu.region"() ({
      %run_scoped3A = tpu.sem_alloc : memref<!tpu.dma_semaphore, #tpu.memory_space<semaphore_mem>>
      %dma_start3A = arith.constant 0 : i32
      %dma_start3A_207 = tpu.memref_slice %arg19[%add3A_141, %dma_start3A] : memref<5128x128xf32, #tpu.memory_space<vmem_shared>> -> memref<80x128xf32, #tpu.memory_space<vmem_shared>>
      %dma_start3A_208 = arith.constant 0 : i32
      %dma_start3A_209 = tpu.memref_slice %arg19[%add3A_141, %dma_start3A_208] : memref<5128x128xf32, #tpu.memory_space<vmem_shared>> -> memref<80x128xf32, #tpu.memory_space<vmem_shared>>
      tpu.enqueue_dma source(%arg18 : memref<80x128xf32, #tpu.memory_space<vmem>>) target(%dma_start3A_209 : memref<80x128xf32, #tpu.memory_space<vmem_shared>>) target_semaphore(%run_scoped3A : memref<!tpu.dma_semaphore, #tpu.memory_space<semaphore_mem>>)
      %dma_wait3A = arith.constant 0 : i32
      %dma_wait3A_210 = tpu.memref_slice %arg19[%add3A_141, %dma_wait3A] : memref<5128x128xf32, #tpu.memory_space<vmem_shared>> -> memref<80x128xf32, #tpu.memory_space<vmem_shared>>
      %dma_wait3A_211 = arith.constant 0 : i32
      %dma_wait3A_212 = tpu.memref_slice %arg19[%add3A_141, %dma_wait3A_211] : memref<5128x128xf32, #tpu.memory_space<vmem_shared>> -> memref<80x128xf32, #tpu.memory_space<vmem_shared>>
      tpu.wait_dma2 semaphore(%run_scoped3A : memref<!tpu.dma_semaphore, #tpu.memory_space<semaphore_mem>>) src(%arg18 : memref<80x128xf32, #tpu.memory_space<vmem>>) dst(%dma_wait3A_212 : memref<80x128xf32, #tpu.memory_space<vmem_shared>>)
      tpu.yield
    }) : () -> ()
    %add3A_142 = arith.constant 80 : i32
    %add3A_143 = arith.addi %mul3A_2, %add3A_142 : i32
    "tpu.region"() ({
      %run_scoped3A = tpu.sem_alloc : memref<!tpu.dma_semaphore, #tpu.memory_space<semaphore_mem>>
      %dma_start3A = arith.constant 0 : i32
      %dma_start3A_207 = tpu.memref_slice %arg19[%add3A_143, %dma_start3A] : memref<5128x128xf32, #tpu.memory_space<vmem_shared>> -> memref<80x128xf32, #tpu.memory_space<vmem_shared>>
      %dma_start3A_208 = arith.constant 0 : i32
      %dma_start3A_209 = tpu.memref_slice %arg19[%add3A_143, %dma_start3A_208] : memref<5128x128xf32, #tpu.memory_space<vmem_shared>> -> memref<80x128xf32, #tpu.memory_space<vmem_shared>>
      tpu.enqueue_dma source(%arg18 : memref<80x128xf32, #tpu.memory_space<vmem>>) target(%dma_start3A_209 : memref<80x128xf32, #tpu.memory_space<vmem_shared>>) target_semaphore(%run_scoped3A : memref<!tpu.dma_semaphore, #tpu.memory_space<semaphore_mem>>)
      %dma_wait3A = arith.constant 0 : i32
      %dma_wait3A_210 = tpu.memref_slice %arg19[%add3A_143, %dma_wait3A] : memref<5128x128xf32, #tpu.memory_space<vmem_shared>> -> memref<80x128xf32, #tpu.memory_space<vmem_shared>>
      %dma_wait3A_211 = arith.constant 0 : i32
      %dma_wait3A_212 = tpu.memref_slice %arg19[%add3A_143, %dma_wait3A_211] : memref<5128x128xf32, #tpu.memory_space<vmem_shared>> -> memref<80x128xf32, #tpu.memory_space<vmem_shared>>
      tpu.wait_dma2 semaphore(%run_scoped3A : memref<!tpu.dma_semaphore, #tpu.memory_space<semaphore_mem>>) src(%arg18 : memref<80x128xf32, #tpu.memory_space<vmem>>) dst(%dma_wait3A_212 : memref<80x128xf32, #tpu.memory_space<vmem_shared>>)
      tpu.yield
    }) : () -> ()
    %add3A_144 = arith.constant 160 : i32
    %add3A_145 = arith.addi %mul3A_2, %add3A_144 : i32
    "tpu.region"() ({
      %run_scoped3A = tpu.sem_alloc : memref<!tpu.dma_semaphore, #tpu.memory_space<semaphore_mem>>
      %dma_start3A = arith.constant 0 : i32
      %dma_start3A_207 = tpu.memref_slice %arg19[%add3A_145, %dma_start3A] : memref<5128x128xf32, #tpu.memory_space<vmem_shared>> -> memref<80x128xf32, #tpu.memory_space<vmem_shared>>
      %dma_start3A_208 = arith.constant 0 : i32
      %dma_start3A_209 = tpu.memref_slice %arg19[%add3A_145, %dma_start3A_208] : memref<5128x128xf32, #tpu.memory_space<vmem_shared>> -> memref<80x128xf32, #tpu.memory_space<vmem_shared>>
      tpu.enqueue_dma source(%arg18 : memref<80x128xf32, #tpu.memory_space<vmem>>) target(%dma_start3A_209 : memref<80x128xf32, #tpu.memory_space<vmem_shared>>) target_semaphore(%run_scoped3A : memref<!tpu.dma_semaphore, #tpu.memory_space<semaphore_mem>>)
      %dma_wait3A = arith.constant 0 : i32
      %dma_wait3A_210 = tpu.memref_slice %arg19[%add3A_145, %dma_wait3A] : memref<5128x128xf32, #tpu.memory_space<vmem_shared>> -> memref<80x128xf32, #tpu.memory_space<vmem_shared>>
      %dma_wait3A_211 = arith.constant 0 : i32
      %dma_wait3A_212 = tpu.memref_slice %arg19[%add3A_145, %dma_wait3A_211] : memref<5128x128xf32, #tpu.memory_space<vmem_shared>> -> memref<80x128xf32, #tpu.memory_space<vmem_shared>>
      tpu.wait_dma2 semaphore(%run_scoped3A : memref<!tpu.dma_semaphore, #tpu.memory_space<semaphore_mem>>) src(%arg18 : memref<80x128xf32, #tpu.memory_space<vmem>>) dst(%dma_wait3A_212 : memref<80x128xf32, #tpu.memory_space<vmem_shared>>)
      tpu.yield
    }) : () -> ()
    %add3A_146 = arith.constant 240 : i32
    %add3A_147 = arith.addi %mul3A_2, %add3A_146 : i32
    "tpu.region"() ({
      %run_scoped3A = tpu.sem_alloc : memref<!tpu.dma_semaphore, #tpu.memory_space<semaphore_mem>>
      %dma_start3A = arith.constant 0 : i32
      %dma_start3A_207 = tpu.memref_slice %arg19[%add3A_147, %dma_start3A] : memref<5128x128xf32, #tpu.memory_space<vmem_shared>> -> memref<80x128xf32, #tpu.memory_space<vmem_shared>>
      %dma_start3A_208 = arith.constant 0 : i32
      %dma_start3A_209 = tpu.memref_slice %arg19[%add3A_147, %dma_start3A_208] : memref<5128x128xf32, #tpu.memory_space<vmem_shared>> -> memref<80x128xf32, #tpu.memory_space<vmem_shared>>
      tpu.enqueue_dma source(%arg18 : memref<80x128xf32, #tpu.memory_space<vmem>>) target(%dma_start3A_209 : memref<80x128xf32, #tpu.memory_space<vmem_shared>>) target_semaphore(%run_scoped3A : memref<!tpu.dma_semaphore, #tpu.memory_space<semaphore_mem>>)
      %dma_wait3A = arith.constant 0 : i32
      %dma_wait3A_210 = tpu.memref_slice %arg19[%add3A_147, %dma_wait3A] : memref<5128x128xf32, #tpu.memory_space<vmem_shared>> -> memref<80x128xf32, #tpu.memory_space<vmem_shared>>
      %dma_wait3A_211 = arith.constant 0 : i32
      %dma_wait3A_212 = tpu.memref_slice %arg19[%add3A_147, %dma_wait3A_211] : memref<5128x128xf32, #tpu.memory_space<vmem_shared>> -> memref<80x128xf32, #tpu.memory_space<vmem_shared>>
      tpu.wait_dma2 semaphore(%run_scoped3A : memref<!tpu.dma_semaphore, #tpu.memory_space<semaphore_mem>>) src(%arg18 : memref<80x128xf32, #tpu.memory_space<vmem>>) dst(%dma_wait3A_212 : memref<80x128xf32, #tpu.memory_space<vmem_shared>>)
      tpu.yield
    }) : () -> ()
    %eq3A_148 = arith.constant 0 : i32
    %eq3A_149 = arith.cmpi eq, %arg1, %eq3A_148 : i32
    %convert_element_type3A_150 = arith.extui %eq3A_149 : i1 to i32
    %cond3A_151 = arith.constant 0 : i32
    %cond3A_152 = arith.cmpi ne, %convert_element_type3A_150, %cond3A_151 : i32
    scf.if %cond3A_152 {
      "tpu.region"() ({
        %run_scoped3A = tpu.sem_alloc : memref<!tpu.dma_semaphore, #tpu.memory_space<semaphore_mem>>
        %dma_start3A = arith.constant 0 : i32
        %dma_start3A_207 = arith.constant 0 : i32
        %dma_start3A_208 = tpu.memref_slice %arg18[%dma_start3A, %dma_start3A_207] : memref<80x128xf32, #tpu.memory_space<vmem>> -> memref<8x128xf32, #tpu.memory_space<vmem>>
        %dma_start3A_209 = arith.constant 5120 : i32
        %dma_start3A_210 = arith.constant 0 : i32
        %dma_start3A_211 = tpu.memref_slice %arg19[%dma_start3A_209, %dma_start3A_210] : memref<5128x128xf32, #tpu.memory_space<vmem_shared>> -> memref<8x128xf32, #tpu.memory_space<vmem_shared>>
        %dma_start3A_212 = arith.constant 5120 : i32
        %dma_start3A_213 = arith.constant 0 : i32
        %dma_start3A_214 = tpu.memref_slice %arg19[%dma_start3A_212, %dma_start3A_213] : memref<5128x128xf32, #tpu.memory_space<vmem_shared>> -> memref<8x128xf32, #tpu.memory_space<vmem_shared>>
        %dma_start3A_215 = arith.constant 0 : i32
        %dma_start3A_216 = arith.constant 0 : i32
        %dma_start3A_217 = tpu.memref_slice %arg18[%dma_start3A_215, %dma_start3A_216] : memref<80x128xf32, #tpu.memory_space<vmem>> -> memref<8x128xf32, #tpu.memory_space<vmem>>
        tpu.enqueue_dma source(%dma_start3A_217 : memref<8x128xf32, #tpu.memory_space<vmem>>) target(%dma_start3A_214 : memref<8x128xf32, #tpu.memory_space<vmem_shared>>) target_semaphore(%run_scoped3A : memref<!tpu.dma_semaphore, #tpu.memory_space<semaphore_mem>>)
        %dma_wait3A = arith.constant 0 : i32
        %dma_wait3A_218 = arith.constant 0 : i32
        %dma_wait3A_219 = tpu.memref_slice %arg18[%dma_wait3A, %dma_wait3A_218] : memref<80x128xf32, #tpu.memory_space<vmem>> -> memref<8x128xf32, #tpu.memory_space<vmem>>
        %dma_wait3A_220 = arith.constant 5120 : i32
        %dma_wait3A_221 = arith.constant 0 : i32
        %dma_wait3A_222 = tpu.memref_slice %arg19[%dma_wait3A_220, %dma_wait3A_221] : memref<5128x128xf32, #tpu.memory_space<vmem_shared>> -> memref<8x128xf32, #tpu.memory_space<vmem_shared>>
        %dma_wait3A_223 = arith.constant 5120 : i32
        %dma_wait3A_224 = arith.constant 0 : i32
        %dma_wait3A_225 = tpu.memref_slice %arg19[%dma_wait3A_223, %dma_wait3A_224] : memref<5128x128xf32, #tpu.memory_space<vmem_shared>> -> memref<8x128xf32, #tpu.memory_space<vmem_shared>>
        %dma_wait3A_226 = arith.constant 0 : i32
        %dma_wait3A_227 = arith.constant 0 : i32
        %dma_wait3A_228 = tpu.memref_slice %arg18[%dma_wait3A_226, %dma_wait3A_227] : memref<80x128xf32, #tpu.memory_space<vmem>> -> memref<8x128xf32, #tpu.memory_space<vmem>>
        tpu.wait_dma2 semaphore(%run_scoped3A : memref<!tpu.dma_semaphore, #tpu.memory_space<semaphore_mem>>) src(%dma_wait3A_228 : memref<8x128xf32, #tpu.memory_space<vmem>>) dst(%dma_wait3A_225 : memref<8x128xf32, #tpu.memory_space<vmem_shared>>)
        tpu.yield
      }) : () -> ()
    } else {
    }
    %barrier3A_153 = arith.constant 0 : index
    tpu.barrier barrier_id(%barrier3A_153)
    %gt3A_154 = arith.constant 0 : i32
    %gt3A_155 = arith.cmpi sgt, %select_n3A_133, %gt3A_154 : i32
    %convert_element_type3A_156 = arith.extui %gt3A_155 : i1 to i32
    %cond3A_157 = arith.constant 0 : i32
    %cond3A_158 = arith.cmpi ne, %convert_element_type3A_156, %cond3A_157 : i32
    scf.if %cond3A_158 {
      %sub3A_207 = arith.constant 1 : i32
      %sub3A_208 = arith.subi %sub3A_105, %sub3A_207 : i32
      %max3A = arith.constant 0 : i32
      %max3A_209 = arith.maxsi %sub3A_208, %max3A : i32
      %iota3A = tpu.iota {dimensions = array<i32: 0>} : vector<16xi32>
      %add3A_210 = arith.constant 0 : i32
      %add3A_211 = vector.broadcast %add3A_210 : i32 to vector<16xi32>
      %add3A_212 = arith.addi %add3A_211, %iota3A : vector<16xi32>
      %lt3A = vector.broadcast %sub3A_105 : i32 to vector<16xi32>
      %lt3A_213 = arith.cmpi slt, %add3A_212, %lt3A : vector<16xi32>
      %min3A = vector.broadcast %max3A_209 : i32 to vector<16xi32>
      %min3A_214 = arith.minsi %add3A_212, %min3A : vector<16xi32>
      %add3A_215 = vector.broadcast %scan3A_9 : i32 to vector<16xi32>
      %add3A_216 = arith.addi %min3A_214, %add3A_215 : vector<16xi32>
      %min3A_217 = arith.constant 9999 : i32
      %min3A_218 = vector.broadcast %min3A_217 : i32 to vector<16xi32>
      %min3A_219 = arith.minsi %add3A_216, %min3A_218 : vector<16xi32>
      %gather3A = tpu.vector_load_idx %arg7[%min3A_219] : memref<10016xi32, #tpu.memory_space<vmem>>[vector<16xi32>], vector<16xi32>,
      %gather3A_220 = tpu.vector_load_idx %arg6[%gather3A] : memref<10000xi32, #tpu.memory_space<vmem>>[vector<16xi32>], vector<16xi32>,
      %and3A_221 = arith.constant 65535 : i32
      %and3A_222 = vector.broadcast %and3A_221 : i32 to vector<16xi32>
      %and3A_223 = arith.andi %gather3A_220, %and3A_222 : vector<16xi32>
      %swap3A = arith.constant 0 : index
      %swap3A_224 = tpu.vector_load %arg8[%swap3A] {strides = array<i32>} : memref<80xi32, #tpu.memory_space<vmem>>, vector<16xi32>,
      tpu.vector_store %arg8[%swap3A], %and3A_223 {strides = array<i32>} : memref<80xi32, #tpu.memory_space<vmem>>, vector<16xi32>,
      %add3A_225 = vector.broadcast %mul3A_0 : i32 to vector<16xi32>
      %add3A_226 = arith.addi %add3A_225, %gather3A : vector<16xi32>
      %swap3A_227 = arith.constant 0 : index
      %swap3A_228 = tpu.vector_load %arg10[%swap3A_227] {strides = array<i32>} : memref<80xi32, #tpu.memory_space<vmem>>, vector<16xi32>,
      tpu.vector_store %arg10[%swap3A_227], %add3A_226 {strides = array<i32>} : memref<80xi32, #tpu.memory_space<vmem>>, vector<16xi32>,
      %shift_right_arithmetic3A = arith.constant 16 : i32
      %shift_right_arithmetic3A_229 = vector.broadcast %shift_right_arithmetic3A : i32 to vector<16xi32>
      %shift_right_arithmetic3A_230 = arith.shrsi %gather3A_220, %shift_right_arithmetic3A_229 : vector<16xi32>
      %sub3A_231 = arith.constant 5120 : i32
      %sub3A_232 = vector.broadcast %sub3A_231 : i32 to vector<16xi32>
      %sub3A_233 = arith.subi %shift_right_arithmetic3A_230, %sub3A_232 : vector<16xi32>
      %jit3A_234 = arith.constant 5120 : i32
      %broadcast_in_dim3A = vector.broadcast %jit3A_234 : i32 to vector<16xi32>
      %select_n3A_235 = arith.select %lt3A_213, %sub3A_233, %broadcast_in_dim3A : vector<16xi1>, vector<16xi32>
      %swap3A_236 = arith.constant 0 : index
      %swap3A_237 = tpu.vector_load %arg12[%swap3A_236] {strides = array<i32>} : memref<80xi32, #tpu.memory_space<vmem>>, vector<16xi32>,
      tpu.vector_store %arg12[%swap3A_236], %select_n3A_235 {strides = array<i32>} : memref<80xi32, #tpu.memory_space<vmem>>, vector<16xi32>,
      %iota3A_238 = tpu.iota {dimensions = array<i32: 0>} : vector<16xi32>
      %add3A_239 = arith.constant 16 : i32
      %add3A_240 = vector.broadcast %add3A_239 : i32 to vector<16xi32>
      %add3A_241 = arith.addi %add3A_240, %iota3A_238 : vector<16xi32>
      %lt3A_242 = vector.broadcast %sub3A_105 : i32 to vector<16xi32>
      %lt3A_243 = arith.cmpi slt, %add3A_241, %lt3A_242 : vector<16xi32>
      %min3A_244 = vector.broadcast %max3A_209 : i32 to vector<16xi32>
      %min3A_245 = arith.minsi %add3A_241, %min3A_244 : vector<16xi32>
      %add3A_246 = vector.broadcast %scan3A_9 : i32 to vector<16xi32>
      %add3A_247 = arith.addi %min3A_245, %add3A_246 : vector<16xi32>
      %min3A_248 = arith.constant 9999 : i32
      %min3A_249 = vector.broadcast %min3A_248 : i32 to vector<16xi32>
      %min3A_250 = arith.minsi %add3A_247, %min3A_249 : vector<16xi32>
      %gather3A_251 = tpu.vector_load_idx %arg7[%min3A_250] : memref<10016xi32, #tpu.memory_space<vmem>>[vector<16xi32>], vector<16xi32>,
      %gather3A_252 = tpu.vector_load_idx %arg6[%gather3A_251] : memref<10000xi32, #tpu.memory_space<vmem>>[vector<16xi32>], vector<16xi32>,
      %and3A_253 = arith.constant 65535 : i32
      %and3A_254 = vector.broadcast %and3A_253 : i32 to vector<16xi32>
      %and3A_255 = arith.andi %gather3A_252, %and3A_254 : vector<16xi32>
      %swap3A_256 = arith.constant 16 : index
      %swap3A_257 = tpu.vector_load %arg8[%swap3A_256] {strides = array<i32>} : memref<80xi32, #tpu.memory_space<vmem>>, vector<16xi32>,
      tpu.vector_store %arg8[%swap3A_256], %and3A_255 {strides = array<i32>} : memref<80xi32, #tpu.memory_space<vmem>>, vector<16xi32>,
      %add3A_258 = vector.broadcast %mul3A_0 : i32 to vector<16xi32>
      %add3A_259 = arith.addi %add3A_258, %gather3A_251 : vector<16xi32>
      %swap3A_260 = arith.constant 16 : index
      %swap3A_261 = tpu.vector_load %arg10[%swap3A_260] {strides = array<i32>} : memref<80xi32, #tpu.memory_space<vmem>>, vector<16xi32>,
      tpu.vector_store %arg10[%swap3A_260], %add3A_259 {strides = array<i32>} : memref<80xi32, #tpu.memory_space<vmem>>, vector<16xi32>,
      %shift_right_arithmetic3A_262 = arith.constant 16 : i32
      %shift_right_arithmetic3A_263 = vector.broadcast %shift_right_arithmetic3A_262 : i32 to vector<16xi32>
      %shift_right_arithmetic3A_264 = arith.shrsi %gather3A_252, %shift_right_arithmetic3A_263 : vector<16xi32>
      %sub3A_265 = arith.constant 5120 : i32
      %sub3A_266 = vector.broadcast %sub3A_265 : i32 to vector<16xi32>
      %sub3A_267 = arith.subi %shift_right_arithmetic3A_264, %sub3A_266 : vector<16xi32>
      %jit3A_268 = arith.constant 5120 : i32
      %broadcast_in_dim3A_269 = vector.broadcast %jit3A_268 : i32 to vector<16xi32>
      %select_n3A_270 = arith.select %lt3A_243, %sub3A_267, %broadcast_in_dim3A_269 : vector<16xi1>, vector<16xi32>
      %swap3A_271 = arith.constant 16 : index
      %swap3A_272 = tpu.vector_load %arg12[%swap3A_271] {strides = array<i32>} : memref<80xi32, #tpu.memory_space<vmem>>, vector<16xi32>,
      tpu.vector_store %arg12[%swap3A_271], %select_n3A_270 {strides = array<i32>} : memref<80xi32, #tpu.memory_space<vmem>>, vector<16xi32>,
      %iota3A_273 = tpu.iota {dimensions = array<i32: 0>} : vector<16xi32>
      %add3A_274 = arith.constant 32 : i32
      %add3A_275 = vector.broadcast %add3A_274 : i32 to vector<16xi32>
      %add3A_276 = arith.addi %add3A_275, %iota3A_273 : vector<16xi32>
      %lt3A_277 = vector.broadcast %sub3A_105 : i32 to vector<16xi32>
      %lt3A_278 = arith.cmpi slt, %add3A_276, %lt3A_277 : vector<16xi32>
      %min3A_279 = vector.broadcast %max3A_209 : i32 to vector<16xi32>
      %min3A_280 = arith.minsi %add3A_276, %min3A_279 : vector<16xi32>
      %add3A_281 = vector.broadcast %scan3A_9 : i32 to vector<16xi32>
      %add3A_282 = arith.addi %min3A_280, %add3A_281 : vector<16xi32>
      %min3A_283 = arith.constant 9999 : i32
      %min3A_284 = vector.broadcast %min3A_283 : i32 to vector<16xi32>
      %min3A_285 = arith.minsi %add3A_282, %min3A_284 : vector<16xi32>
      %gather3A_286 = tpu.vector_load_idx %arg7[%min3A_285] : memref<10016xi32, #tpu.memory_space<vmem>>[vector<16xi32>], vector<16xi32>,
      %gather3A_287 = tpu.vector_load_idx %arg6[%gather3A_286] : memref<10000xi32, #tpu.memory_space<vmem>>[vector<16xi32>], vector<16xi32>,
      %and3A_288 = arith.constant 65535 : i32
      %and3A_289 = vector.broadcast %and3A_288 : i32 to vector<16xi32>
      %and3A_290 = arith.andi %gather3A_287, %and3A_289 : vector<16xi32>
      %swap3A_291 = arith.constant 32 : index
      %swap3A_292 = tpu.vector_load %arg8[%swap3A_291] {strides = array<i32>} : memref<80xi32, #tpu.memory_space<vmem>>, vector<16xi32>,
      tpu.vector_store %arg8[%swap3A_291], %and3A_290 {strides = array<i32>} : memref<80xi32, #tpu.memory_space<vmem>>, vector<16xi32>,
      %add3A_293 = vector.broadcast %mul3A_0 : i32 to vector<16xi32>
      %add3A_294 = arith.addi %add3A_293, %gather3A_286 : vector<16xi32>
      %swap3A_295 = arith.constant 32 : index
      %swap3A_296 = tpu.vector_load %arg10[%swap3A_295] {strides = array<i32>} : memref<80xi32, #tpu.memory_space<vmem>>, vector<16xi32>,
      tpu.vector_store %arg10[%swap3A_295], %add3A_294 {strides = array<i32>} : memref<80xi32, #tpu.memory_space<vmem>>, vector<16xi32>,
      %shift_right_arithmetic3A_297 = arith.constant 16 : i32
      %shift_right_arithmetic3A_298 = vector.broadcast %shift_right_arithmetic3A_297 : i32 to vector<16xi32>
      %shift_right_arithmetic3A_299 = arith.shrsi %gather3A_287, %shift_right_arithmetic3A_298 : vector<16xi32>
      %sub3A_300 = arith.constant 5120 : i32
      %sub3A_301 = vector.broadcast %sub3A_300 : i32 to vector<16xi32>
      %sub3A_302 = arith.subi %shift_right_arithmetic3A_299, %sub3A_301 : vector<16xi32>
      %jit3A_303 = arith.constant 5120 : i32
      %broadcast_in_dim3A_304 = vector.broadcast %jit3A_303 : i32 to vector<16xi32>
      %select_n3A_305 = arith.select %lt3A_278, %sub3A_302, %broadcast_in_dim3A_304 : vector<16xi1>, vector<16xi32>
      %swap3A_306 = arith.constant 32 : index
      %swap3A_307 = tpu.vector_load %arg12[%swap3A_306] {strides = array<i32>} : memref<80xi32, #tpu.memory_space<vmem>>, vector<16xi32>,
      tpu.vector_store %arg12[%swap3A_306], %select_n3A_305 {strides = array<i32>} : memref<80xi32, #tpu.memory_space<vmem>>, vector<16xi32>,
      %iota3A_308 = tpu.iota {dimensions = array<i32: 0>} : vector<16xi32>
      %add3A_309 = arith.constant 48 : i32
      %add3A_310 = vector.broadcast %add3A_309 : i32 to vector<16xi32>
      %add3A_311 = arith.addi %add3A_310, %iota3A_308 : vector<16xi32>
      %lt3A_312 = vector.broadcast %sub3A_105 : i32 to vector<16xi32>
      %lt3A_313 = arith.cmpi slt, %add3A_311, %lt3A_312 : vector<16xi32>
      %min3A_314 = vector.broadcast %max3A_209 : i32 to vector<16xi32>
      %min3A_315 = arith.minsi %add3A_311, %min3A_314 : vector<16xi32>
      %add3A_316 = vector.broadcast %scan3A_9 : i32 to vector<16xi32>
      %add3A_317 = arith.addi %min3A_315, %add3A_316 : vector<16xi32>
      %min3A_318 = arith.constant 9999 : i32
      %min3A_319 = vector.broadcast %min3A_318 : i32 to vector<16xi32>
      %min3A_320 = arith.minsi %add3A_317, %min3A_319 : vector<16xi32>
      %gather3A_321 = tpu.vector_load_idx %arg7[%min3A_320] : memref<10016xi32, #tpu.memory_space<vmem>>[vector<16xi32>], vector<16xi32>,
      %gather3A_322 = tpu.vector_load_idx %arg6[%gather3A_321] : memref<10000xi32, #tpu.memory_space<vmem>>[vector<16xi32>], vector<16xi32>,
      %and3A_323 = arith.constant 65535 : i32
      %and3A_324 = vector.broadcast %and3A_323 : i32 to vector<16xi32>
      %and3A_325 = arith.andi %gather3A_322, %and3A_324 : vector<16xi32>
      %swap3A_326 = arith.constant 48 : index
      %swap3A_327 = tpu.vector_load %arg8[%swap3A_326] {strides = array<i32>} : memref<80xi32, #tpu.memory_space<vmem>>, vector<16xi32>,
      tpu.vector_store %arg8[%swap3A_326], %and3A_325 {strides = array<i32>} : memref<80xi32, #tpu.memory_space<vmem>>, vector<16xi32>,
      %add3A_328 = vector.broadcast %mul3A_0 : i32 to vector<16xi32>
      %add3A_329 = arith.addi %add3A_328, %gather3A_321 : vector<16xi32>
      %swap3A_330 = arith.constant 48 : index
      %swap3A_331 = tpu.vector_load %arg10[%swap3A_330] {strides = array<i32>} : memref<80xi32, #tpu.memory_space<vmem>>, vector<16xi32>,
      tpu.vector_store %arg10[%swap3A_330], %add3A_329 {strides = array<i32>} : memref<80xi32, #tpu.memory_space<vmem>>, vector<16xi32>,
      %shift_right_arithmetic3A_332 = arith.constant 16 : i32
      %shift_right_arithmetic3A_333 = vector.broadcast %shift_right_arithmetic3A_332 : i32 to vector<16xi32>
      %shift_right_arithmetic3A_334 = arith.shrsi %gather3A_322, %shift_right_arithmetic3A_333 : vector<16xi32>
      %sub3A_335 = arith.constant 5120 : i32
      %sub3A_336 = vector.broadcast %sub3A_335 : i32 to vector<16xi32>
      %sub3A_337 = arith.subi %shift_right_arithmetic3A_334, %sub3A_336 : vector<16xi32>
      %jit3A_338 = arith.constant 5120 : i32
      %broadcast_in_dim3A_339 = vector.broadcast %jit3A_338 : i32 to vector<16xi32>
      %select_n3A_340 = arith.select %lt3A_313, %sub3A_337, %broadcast_in_dim3A_339 : vector<16xi1>, vector<16xi32>
      %swap3A_341 = arith.constant 48 : index
      %swap3A_342 = tpu.vector_load %arg12[%swap3A_341] {strides = array<i32>} : memref<80xi32, #tpu.memory_space<vmem>>, vector<16xi32>,
      tpu.vector_store %arg12[%swap3A_341], %select_n3A_340 {strides = array<i32>} : memref<80xi32, #tpu.memory_space<vmem>>, vector<16xi32>,
      %iota3A_343 = tpu.iota {dimensions = array<i32: 0>} : vector<16xi32>
      %add3A_344 = arith.constant 64 : i32
      %add3A_345 = vector.broadcast %add3A_344 : i32 to vector<16xi32>
      %add3A_346 = arith.addi %add3A_345, %iota3A_343 : vector<16xi32>
      %lt3A_347 = vector.broadcast %sub3A_105 : i32 to vector<16xi32>
      %lt3A_348 = arith.cmpi slt, %add3A_346, %lt3A_347 : vector<16xi32>
      %min3A_349 = vector.broadcast %max3A_209 : i32 to vector<16xi32>
      %min3A_350 = arith.minsi %add3A_346, %min3A_349 : vector<16xi32>
      %add3A_351 = vector.broadcast %scan3A_9 : i32 to vector<16xi32>
      %add3A_352 = arith.addi %min3A_350, %add3A_351 : vector<16xi32>
      %min3A_353 = arith.constant 9999 : i32
      %min3A_354 = vector.broadcast %min3A_353 : i32 to vector<16xi32>
      %min3A_355 = arith.minsi %add3A_352, %min3A_354 : vector<16xi32>
      %gather3A_356 = tpu.vector_load_idx %arg7[%min3A_355] : memref<10016xi32, #tpu.memory_space<vmem>>[vector<16xi32>], vector<16xi32>,
      %gather3A_357 = tpu.vector_load_idx %arg6[%gather3A_356] : memref<10000xi32, #tpu.memory_space<vmem>>[vector<16xi32>], vector<16xi32>,
      %and3A_358 = arith.constant 65535 : i32
      %and3A_359 = vector.broadcast %and3A_358 : i32 to vector<16xi32>
      %and3A_360 = arith.andi %gather3A_357, %and3A_359 : vector<16xi32>
      %swap3A_361 = arith.constant 64 : index
      %swap3A_362 = tpu.vector_load %arg8[%swap3A_361] {strides = array<i32>} : memref<80xi32, #tpu.memory_space<vmem>>, vector<16xi32>,
      tpu.vector_store %arg8[%swap3A_361], %and3A_360 {strides = array<i32>} : memref<80xi32, #tpu.memory_space<vmem>>, vector<16xi32>,
      %add3A_363 = vector.broadcast %mul3A_0 : i32 to vector<16xi32>
      %add3A_364 = arith.addi %add3A_363, %gather3A_356 : vector<16xi32>
      %swap3A_365 = arith.constant 64 : index
      %swap3A_366 = tpu.vector_load %arg10[%swap3A_365] {strides = array<i32>} : memref<80xi32, #tpu.memory_space<vmem>>, vector<16xi32>,
      tpu.vector_store %arg10[%swap3A_365], %add3A_364 {strides = array<i32>} : memref<80xi32, #tpu.memory_space<vmem>>, vector<16xi32>,
      %shift_right_arithmetic3A_367 = arith.constant 16 : i32
      %shift_right_arithmetic3A_368 = vector.broadcast %shift_right_arithmetic3A_367 : i32 to vector<16xi32>
      %shift_right_arithmetic3A_369 = arith.shrsi %gather3A_357, %shift_right_arithmetic3A_368 : vector<16xi32>
      %sub3A_370 = arith.constant 5120 : i32
      %sub3A_371 = vector.broadcast %sub3A_370 : i32 to vector<16xi32>
      %sub3A_372 = arith.subi %shift_right_arithmetic3A_369, %sub3A_371 : vector<16xi32>
      %jit3A_373 = arith.constant 5120 : i32
      %broadcast_in_dim3A_374 = vector.broadcast %jit3A_373 : i32 to vector<16xi32>
      %select_n3A_375 = arith.select %lt3A_348, %sub3A_372, %broadcast_in_dim3A_374 : vector<16xi1>, vector<16xi32>
      %swap3A_376 = arith.constant 64 : index
      %swap3A_377 = tpu.vector_load %arg12[%swap3A_376] {strides = array<i32>} : memref<80xi32, #tpu.memory_space<vmem>>, vector<16xi32>,
      tpu.vector_store %arg12[%swap3A_376], %select_n3A_375 {strides = array<i32>} : memref<80xi32, #tpu.memory_space<vmem>>, vector<16xi32>,
      %dma_start3A = arith.constant 0 : i32
      %dma_start3A_378 = arith.constant 0 : i32
      %dma_start3A_379 = tpu.memref_slice %arg2[%dma_start3A, %dma_start3A_378] : memref<10000x128xf32, #tpu.memory_space<hbm>> -> memref<10000x128xf32, #tpu.memory_space<hbm>>
      tpu.enqueue_indirect_dma source(%dma_start3A_379 : memref<10000x128xf32, #tpu.memory_space<hbm>>) target(%arg14 : memref<80x128xf32, #tpu.memory_space<vmem>>) offsets(%arg8 : memref<80xi32, #tpu.memory_space<vmem>>) semaphore(%arg20 : memref<!tpu.dma_semaphore, #tpu.memory_space<semaphore_mem>>)
      %dma_start3A_380 = arith.constant 0 : i32
      %dma_start3A_381 = arith.constant 0 : i32
      %dma_start3A_382 = tpu.memref_slice %arg4[%dma_start3A_380, %dma_start3A_381] : memref<160000x128xi32, #tpu.memory_space<hbm>> -> memref<160000x128xi32, #tpu.memory_space<hbm>>
      tpu.enqueue_indirect_dma source(%dma_start3A_382 : memref<160000x128xi32, #tpu.memory_space<hbm>>) target(%arg16 : memref<80x128xi32, #tpu.memory_space<vmem>>) offsets(%arg10 : memref<80xi32, #tpu.memory_space<vmem>>) semaphore(%arg20 : memref<!tpu.dma_semaphore, #tpu.memory_space<semaphore_mem>>)
    } else {
    }
    %gt3A_159 = arith.constant 1 : i32
    %gt3A_160 = arith.cmpi sgt, %select_n3A_133, %gt3A_159 : i32
    %convert_element_type3A_161 = arith.extui %gt3A_160 : i1 to i32
    %cond3A_162 = arith.constant 0 : i32
    %cond3A_163 = arith.cmpi ne, %convert_element_type3A_161, %cond3A_162 : i32
    scf.if %cond3A_163 {
      %sub3A_207 = arith.constant 1 : i32
      %sub3A_208 = arith.subi %sub3A_105, %sub3A_207 : i32
      %max3A = arith.constant 0 : i32
      %max3A_209 = arith.maxsi %sub3A_208, %max3A : i32
      %iota3A = tpu.iota {dimensions = array<i32: 0>} : vector<16xi32>
      %add3A_210 = arith.constant 80 : i32
      %add3A_211 = vector.broadcast %add3A_210 : i32 to vector<16xi32>
      %add3A_212 = arith.addi %add3A_211, %iota3A : vector<16xi32>
      %lt3A = vector.broadcast %sub3A_105 : i32 to vector<16xi32>
      %lt3A_213 = arith.cmpi slt, %add3A_212, %lt3A : vector<16xi32>
      %min3A = vector.broadcast %max3A_209 : i32 to vector<16xi32>
      %min3A_214 = arith.minsi %add3A_212, %min3A : vector<16xi32>
      %add3A_215 = vector.broadcast %scan3A_9 : i32 to vector<16xi32>
      %add3A_216 = arith.addi %min3A_214, %add3A_215 : vector<16xi32>
      %min3A_217 = arith.constant 9999 : i32
      %min3A_218 = vector.broadcast %min3A_217 : i32 to vector<16xi32>
      %min3A_219 = arith.minsi %add3A_216, %min3A_218 : vector<16xi32>
      %gather3A = tpu.vector_load_idx %arg7[%min3A_219] : memref<10016xi32, #tpu.memory_space<vmem>>[vector<16xi32>], vector<16xi32>,
      %gather3A_220 = tpu.vector_load_idx %arg6[%gather3A] : memref<10000xi32, #tpu.memory_space<vmem>>[vector<16xi32>], vector<16xi32>,
      %and3A_221 = arith.constant 65535 : i32
      %and3A_222 = vector.broadcast %and3A_221 : i32 to vector<16xi32>
      %and3A_223 = arith.andi %gather3A_220, %and3A_222 : vector<16xi32>
      %swap3A = arith.constant 0 : index
      %swap3A_224 = tpu.vector_load %arg9[%swap3A] {strides = array<i32>} : memref<80xi32, #tpu.memory_space<vmem>>, vector<16xi32>,
      tpu.vector_store %arg9[%swap3A], %and3A_223 {strides = array<i32>} : memref<80xi32, #tpu.memory_space<vmem>>, vector<16xi32>,
      %add3A_225 = vector.broadcast %mul3A_0 : i32 to vector<16xi32>
      %add3A_226 = arith.addi %add3A_225, %gather3A : vector<16xi32>
      %swap3A_227 = arith.constant 0 : index
      %swap3A_228 = tpu.vector_load %arg11[%swap3A_227] {strides = array<i32>} : memref<80xi32, #tpu.memory_space<vmem>>, vector<16xi32>,
      tpu.vector_store %arg11[%swap3A_227], %add3A_226 {strides = array<i32>} : memref<80xi32, #tpu.memory_space<vmem>>, vector<16xi32>,
      %shift_right_arithmetic3A = arith.constant 16 : i32
      %shift_right_arithmetic3A_229 = vector.broadcast %shift_right_arithmetic3A : i32 to vector<16xi32>
      %shift_right_arithmetic3A_230 = arith.shrsi %gather3A_220, %shift_right_arithmetic3A_229 : vector<16xi32>
      %sub3A_231 = arith.constant 5120 : i32
      %sub3A_232 = vector.broadcast %sub3A_231 : i32 to vector<16xi32>
      %sub3A_233 = arith.subi %shift_right_arithmetic3A_230, %sub3A_232 : vector<16xi32>
      %jit3A_234 = arith.constant 5120 : i32
      %broadcast_in_dim3A = vector.broadcast %jit3A_234 : i32 to vector<16xi32>
      %select_n3A_235 = arith.select %lt3A_213, %sub3A_233, %broadcast_in_dim3A : vector<16xi1>, vector<16xi32>
      %swap3A_236 = arith.constant 0 : index
      %swap3A_237 = tpu.vector_load %arg13[%swap3A_236] {strides = array<i32>} : memref<80xi32, #tpu.memory_space<vmem>>, vector<16xi32>,
      tpu.vector_store %arg13[%swap3A_236], %select_n3A_235 {strides = array<i32>} : memref<80xi32, #tpu.memory_space<vmem>>, vector<16xi32>,
      %iota3A_238 = tpu.iota {dimensions = array<i32: 0>} : vector<16xi32>
      %add3A_239 = arith.constant 96 : i32
      %add3A_240 = vector.broadcast %add3A_239 : i32 to vector<16xi32>
      %add3A_241 = arith.addi %add3A_240, %iota3A_238 : vector<16xi32>
      %lt3A_242 = vector.broadcast %sub3A_105 : i32 to vector<16xi32>
      %lt3A_243 = arith.cmpi slt, %add3A_241, %lt3A_242 : vector<16xi32>
      %min3A_244 = vector.broadcast %max3A_209 : i32 to vector<16xi32>
      %min3A_245 = arith.minsi %add3A_241, %min3A_244 : vector<16xi32>
      %add3A_246 = vector.broadcast %scan3A_9 : i32 to vector<16xi32>
      %add3A_247 = arith.addi %min3A_245, %add3A_246 : vector<16xi32>
      %min3A_248 = arith.constant 9999 : i32
      %min3A_249 = vector.broadcast %min3A_248 : i32 to vector<16xi32>
      %min3A_250 = arith.minsi %add3A_247, %min3A_249 : vector<16xi32>
      %gather3A_251 = tpu.vector_load_idx %arg7[%min3A_250] : memref<10016xi32, #tpu.memory_space<vmem>>[vector<16xi32>], vector<16xi32>,
      %gather3A_252 = tpu.vector_load_idx %arg6[%gather3A_251] : memref<10000xi32, #tpu.memory_space<vmem>>[vector<16xi32>], vector<16xi32>,
      %and3A_253 = arith.constant 65535 : i32
      %and3A_254 = vector.broadcast %and3A_253 : i32 to vector<16xi32>
      %and3A_255 = arith.andi %gather3A_252, %and3A_254 : vector<16xi32>
      %swap3A_256 = arith.constant 16 : index
      %swap3A_257 = tpu.vector_load %arg9[%swap3A_256] {strides = array<i32>} : memref<80xi32, #tpu.memory_space<vmem>>, vector<16xi32>,
      tpu.vector_store %arg9[%swap3A_256], %and3A_255 {strides = array<i32>} : memref<80xi32, #tpu.memory_space<vmem>>, vector<16xi32>,
      %add3A_258 = vector.broadcast %mul3A_0 : i32 to vector<16xi32>
      %add3A_259 = arith.addi %add3A_258, %gather3A_251 : vector<16xi32>
      %swap3A_260 = arith.constant 16 : index
      %swap3A_261 = tpu.vector_load %arg11[%swap3A_260] {strides = array<i32>} : memref<80xi32, #tpu.memory_space<vmem>>, vector<16xi32>,
      tpu.vector_store %arg11[%swap3A_260], %add3A_259 {strides = array<i32>} : memref<80xi32, #tpu.memory_space<vmem>>, vector<16xi32>,
      %shift_right_arithmetic3A_262 = arith.constant 16 : i32
      %shift_right_arithmetic3A_263 = vector.broadcast %shift_right_arithmetic3A_262 : i32 to vector<16xi32>
      %shift_right_arithmetic3A_264 = arith.shrsi %gather3A_252, %shift_right_arithmetic3A_263 : vector<16xi32>
      %sub3A_265 = arith.constant 5120 : i32
      %sub3A_266 = vector.broadcast %sub3A_265 : i32 to vector<16xi32>
      %sub3A_267 = arith.subi %shift_right_arithmetic3A_264, %sub3A_266 : vector<16xi32>
      %jit3A_268 = arith.constant 5120 : i32
      %broadcast_in_dim3A_269 = vector.broadcast %jit3A_268 : i32 to vector<16xi32>
      %select_n3A_270 = arith.select %lt3A_243, %sub3A_267, %broadcast_in_dim3A_269 : vector<16xi1>, vector<16xi32>
      %swap3A_271 = arith.constant 16 : index
      %swap3A_272 = tpu.vector_load %arg13[%swap3A_271] {strides = array<i32>} : memref<80xi32, #tpu.memory_space<vmem>>, vector<16xi32>,
      tpu.vector_store %arg13[%swap3A_271], %select_n3A_270 {strides = array<i32>} : memref<80xi32, #tpu.memory_space<vmem>>, vector<16xi32>,
      %iota3A_273 = tpu.iota {dimensions = array<i32: 0>} : vector<16xi32>
      %add3A_274 = arith.constant 112 : i32
      %add3A_275 = vector.broadcast %add3A_274 : i32 to vector<16xi32>
      %add3A_276 = arith.addi %add3A_275, %iota3A_273 : vector<16xi32>
      %lt3A_277 = vector.broadcast %sub3A_105 : i32 to vector<16xi32>
      %lt3A_278 = arith.cmpi slt, %add3A_276, %lt3A_277 : vector<16xi32>
      %min3A_279 = vector.broadcast %max3A_209 : i32 to vector<16xi32>
      %min3A_280 = arith.minsi %add3A_276, %min3A_279 : vector<16xi32>
      %add3A_281 = vector.broadcast %scan3A_9 : i32 to vector<16xi32>
      %add3A_282 = arith.addi %min3A_280, %add3A_281 : vector<16xi32>
      %min3A_283 = arith.constant 9999 : i32
      %min3A_284 = vector.broadcast %min3A_283 : i32 to vector<16xi32>
      %min3A_285 = arith.minsi %add3A_282, %min3A_284 : vector<16xi32>
      %gather3A_286 = tpu.vector_load_idx %arg7[%min3A_285] : memref<10016xi32, #tpu.memory_space<vmem>>[vector<16xi32>], vector<16xi32>,
      %gather3A_287 = tpu.vector_load_idx %arg6[%gather3A_286] : memref<10000xi32, #tpu.memory_space<vmem>>[vector<16xi32>], vector<16xi32>,
      %and3A_288 = arith.constant 65535 : i32
      %and3A_289 = vector.broadcast %and3A_288 : i32 to vector<16xi32>
      %and3A_290 = arith.andi %gather3A_287, %and3A_289 : vector<16xi32>
      %swap3A_291 = arith.constant 32 : index
      %swap3A_292 = tpu.vector_load %arg9[%swap3A_291] {strides = array<i32>} : memref<80xi32, #tpu.memory_space<vmem>>, vector<16xi32>,
      tpu.vector_store %arg9[%swap3A_291], %and3A_290 {strides = array<i32>} : memref<80xi32, #tpu.memory_space<vmem>>, vector<16xi32>,
      %add3A_293 = vector.broadcast %mul3A_0 : i32 to vector<16xi32>
      %add3A_294 = arith.addi %add3A_293, %gather3A_286 : vector<16xi32>
      %swap3A_295 = arith.constant 32 : index
      %swap3A_296 = tpu.vector_load %arg11[%swap3A_295] {strides = array<i32>} : memref<80xi32, #tpu.memory_space<vmem>>, vector<16xi32>,
      tpu.vector_store %arg11[%swap3A_295], %add3A_294 {strides = array<i32>} : memref<80xi32, #tpu.memory_space<vmem>>, vector<16xi32>,
      %shift_right_arithmetic3A_297 = arith.constant 16 : i32
      %shift_right_arithmetic3A_298 = vector.broadcast %shift_right_arithmetic3A_297 : i32 to vector<16xi32>
      %shift_right_arithmetic3A_299 = arith.shrsi %gather3A_287, %shift_right_arithmetic3A_298 : vector<16xi32>
      %sub3A_300 = arith.constant 5120 : i32
      %sub3A_301 = vector.broadcast %sub3A_300 : i32 to vector<16xi32>
      %sub3A_302 = arith.subi %shift_right_arithmetic3A_299, %sub3A_301 : vector<16xi32>
      %jit3A_303 = arith.constant 5120 : i32
      %broadcast_in_dim3A_304 = vector.broadcast %jit3A_303 : i32 to vector<16xi32>
      %select_n3A_305 = arith.select %lt3A_278, %sub3A_302, %broadcast_in_dim3A_304 : vector<16xi1>, vector<16xi32>
      %swap3A_306 = arith.constant 32 : index
      %swap3A_307 = tpu.vector_load %arg13[%swap3A_306] {strides = array<i32>} : memref<80xi32, #tpu.memory_space<vmem>>, vector<16xi32>,
      tpu.vector_store %arg13[%swap3A_306], %select_n3A_305 {strides = array<i32>} : memref<80xi32, #tpu.memory_space<vmem>>, vector<16xi32>,
      %iota3A_308 = tpu.iota {dimensions = array<i32: 0>} : vector<16xi32>
      %add3A_309 = arith.constant 128 : i32
      %add3A_310 = vector.broadcast %add3A_309 : i32 to vector<16xi32>
      %add3A_311 = arith.addi %add3A_310, %iota3A_308 : vector<16xi32>
      %lt3A_312 = vector.broadcast %sub3A_105 : i32 to vector<16xi32>
      %lt3A_313 = arith.cmpi slt, %add3A_311, %lt3A_312 : vector<16xi32>
      %min3A_314 = vector.broadcast %max3A_209 : i32 to vector<16xi32>
      %min3A_315 = arith.minsi %add3A_311, %min3A_314 : vector<16xi32>
      %add3A_316 = vector.broadcast %scan3A_9 : i32 to vector<16xi32>
      %add3A_317 = arith.addi %min3A_315, %add3A_316 : vector<16xi32>
      %min3A_318 = arith.constant 9999 : i32
      %min3A_319 = vector.broadcast %min3A_318 : i32 to vector<16xi32>
      %min3A_320 = arith.minsi %add3A_317, %min3A_319 : vector<16xi32>
      %gather3A_321 = tpu.vector_load_idx %arg7[%min3A_320] : memref<10016xi32, #tpu.memory_space<vmem>>[vector<16xi32>], vector<16xi32>,
      %gather3A_322 = tpu.vector_load_idx %arg6[%gather3A_321] : memref<10000xi32, #tpu.memory_space<vmem>>[vector<16xi32>], vector<16xi32>,
      %and3A_323 = arith.constant 65535 : i32
      %and3A_324 = vector.broadcast %and3A_323 : i32 to vector<16xi32>
      %and3A_325 = arith.andi %gather3A_322, %and3A_324 : vector<16xi32>
      %swap3A_326 = arith.constant 48 : index
      %swap3A_327 = tpu.vector_load %arg9[%swap3A_326] {strides = array<i32>} : memref<80xi32, #tpu.memory_space<vmem>>, vector<16xi32>,
      tpu.vector_store %arg9[%swap3A_326], %and3A_325 {strides = array<i32>} : memref<80xi32, #tpu.memory_space<vmem>>, vector<16xi32>,
      %add3A_328 = vector.broadcast %mul3A_0 : i32 to vector<16xi32>
      %add3A_329 = arith.addi %add3A_328, %gather3A_321 : vector<16xi32>
      %swap3A_330 = arith.constant 48 : index
      %swap3A_331 = tpu.vector_load %arg11[%swap3A_330] {strides = array<i32>} : memref<80xi32, #tpu.memory_space<vmem>>, vector<16xi32>,
      tpu.vector_store %arg11[%swap3A_330], %add3A_329 {strides = array<i32>} : memref<80xi32, #tpu.memory_space<vmem>>, vector<16xi32>,
      %shift_right_arithmetic3A_332 = arith.constant 16 : i32
      %shift_right_arithmetic3A_333 = vector.broadcast %shift_right_arithmetic3A_332 : i32 to vector<16xi32>
      %shift_right_arithmetic3A_334 = arith.shrsi %gather3A_322, %shift_right_arithmetic3A_333 : vector<16xi32>
      %sub3A_335 = arith.constant 5120 : i32
      %sub3A_336 = vector.broadcast %sub3A_335 : i32 to vector<16xi32>
      %sub3A_337 = arith.subi %shift_right_arithmetic3A_334, %sub3A_336 : vector<16xi32>
      %jit3A_338 = arith.constant 5120 : i32
      %broadcast_in_dim3A_339 = vector.broadcast %jit3A_338 : i32 to vector<16xi32>
      %select_n3A_340 = arith.select %lt3A_313, %sub3A_337, %broadcast_in_dim3A_339 : vector<16xi1>, vector<16xi32>
      %swap3A_341 = arith.constant 48 : index
      %swap3A_342 = tpu.vector_load %arg13[%swap3A_341] {strides = array<i32>} : memref<80xi32, #tpu.memory_space<vmem>>, vector<16xi32>,
      tpu.vector_store %arg13[%swap3A_341], %select_n3A_340 {strides = array<i32>} : memref<80xi32, #tpu.memory_space<vmem>>, vector<16xi32>,
      %iota3A_343 = tpu.iota {dimensions = array<i32: 0>} : vector<16xi32>
      %add3A_344 = arith.constant 144 : i32
      %add3A_345 = vector.broadcast %add3A_344 : i32 to vector<16xi32>
      %add3A_346 = arith.addi %add3A_345, %iota3A_343 : vector<16xi32>
      %lt3A_347 = vector.broadcast %sub3A_105 : i32 to vector<16xi32>
      %lt3A_348 = arith.cmpi slt, %add3A_346, %lt3A_347 : vector<16xi32>
      %min3A_349 = vector.broadcast %max3A_209 : i32 to vector<16xi32>
      %min3A_350 = arith.minsi %add3A_346, %min3A_349 : vector<16xi32>
      %add3A_351 = vector.broadcast %scan3A_9 : i32 to vector<16xi32>
      %add3A_352 = arith.addi %min3A_350, %add3A_351 : vector<16xi32>
      %min3A_353 = arith.constant 9999 : i32
      %min3A_354 = vector.broadcast %min3A_353 : i32 to vector<16xi32>
      %min3A_355 = arith.minsi %add3A_352, %min3A_354 : vector<16xi32>
      %gather3A_356 = tpu.vector_load_idx %arg7[%min3A_355] : memref<10016xi32, #tpu.memory_space<vmem>>[vector<16xi32>], vector<16xi32>,
      %gather3A_357 = tpu.vector_load_idx %arg6[%gather3A_356] : memref<10000xi32, #tpu.memory_space<vmem>>[vector<16xi32>], vector<16xi32>,
      %and3A_358 = arith.constant 65535 : i32
      %and3A_359 = vector.broadcast %and3A_358 : i32 to vector<16xi32>
      %and3A_360 = arith.andi %gather3A_357, %and3A_359 : vector<16xi32>
      %swap3A_361 = arith.constant 64 : index
      %swap3A_362 = tpu.vector_load %arg9[%swap3A_361] {strides = array<i32>} : memref<80xi32, #tpu.memory_space<vmem>>, vector<16xi32>,
      tpu.vector_store %arg9[%swap3A_361], %and3A_360 {strides = array<i32>} : memref<80xi32, #tpu.memory_space<vmem>>, vector<16xi32>,
      %add3A_363 = vector.broadcast %mul3A_0 : i32 to vector<16xi32>
      %add3A_364 = arith.addi %add3A_363, %gather3A_356 : vector<16xi32>
      %swap3A_365 = arith.constant 64 : index
      %swap3A_366 = tpu.vector_load %arg11[%swap3A_365] {strides = array<i32>} : memref<80xi32, #tpu.memory_space<vmem>>, vector<16xi32>,
      tpu.vector_store %arg11[%swap3A_365], %add3A_364 {strides = array<i32>} : memref<80xi32, #tpu.memory_space<vmem>>, vector<16xi32>,
      %shift_right_arithmetic3A_367 = arith.constant 16 : i32
      %shift_right_arithmetic3A_368 = vector.broadcast %shift_right_arithmetic3A_367 : i32 to vector<16xi32>
      %shift_right_arithmetic3A_369 = arith.shrsi %gather3A_357, %shift_right_arithmetic3A_368 : vector<16xi32>
      %sub3A_370 = arith.constant 5120 : i32
      %sub3A_371 = vector.broadcast %sub3A_370 : i32 to vector<16xi32>
      %sub3A_372 = arith.subi %shift_right_arithmetic3A_369, %sub3A_371 : vector<16xi32>
      %jit3A_373 = arith.constant 5120 : i32
      %broadcast_in_dim3A_374 = vector.broadcast %jit3A_373 : i32 to vector<16xi32>
      %select_n3A_375 = arith.select %lt3A_348, %sub3A_372, %broadcast_in_dim3A_374 : vector<16xi1>, vector<16xi32>
      %swap3A_376 = arith.constant 64 : index
      %swap3A_377 = tpu.vector_load %arg13[%swap3A_376] {strides = array<i32>} : memref<80xi32, #tpu.memory_space<vmem>>, vector<16xi32>,
      tpu.vector_store %arg13[%swap3A_376], %select_n3A_375 {strides = array<i32>} : memref<80xi32, #tpu.memory_space<vmem>>, vector<16xi32>,
      %dma_start3A = arith.constant 0 : i32
      %dma_start3A_378 = arith.constant 0 : i32
      %dma_start3A_379 = tpu.memref_slice %arg2[%dma_start3A, %dma_start3A_378] : memref<10000x128xf32, #tpu.memory_space<hbm>> -> memref<10000x128xf32, #tpu.memory_space<hbm>>
      tpu.enqueue_indirect_dma source(%dma_start3A_379 : memref<10000x128xf32, #tpu.memory_space<hbm>>) target(%arg15 : memref<80x128xf32, #tpu.memory_space<vmem>>) offsets(%arg9 : memref<80xi32, #tpu.memory_space<vmem>>) semaphore(%arg21 : memref<!tpu.dma_semaphore, #tpu.memory_space<semaphore_mem>>)
      %dma_start3A_380 = arith.constant 0 : i32
      %dma_start3A_381 = arith.constant 0 : i32
      %dma_start3A_382 = tpu.memref_slice %arg4[%dma_start3A_380, %dma_start3A_381] : memref<160000x128xi32, #tpu.memory_space<hbm>> -> memref<160000x128xi32, #tpu.memory_space<hbm>>
      tpu.enqueue_indirect_dma source(%dma_start3A_382 : memref<160000x128xi32, #tpu.memory_space<hbm>>) target(%arg17 : memref<80x128xi32, #tpu.memory_space<vmem>>) offsets(%arg11 : memref<80xi32, #tpu.memory_space<vmem>>) semaphore(%arg21 : memref<!tpu.dma_semaphore, #tpu.memory_space<semaphore_mem>>)
    } else {
    }
    %add3A_164 = arith.constant 1 : i32
    %add3A_165 = arith.addi %select_n3A_133, %add3A_164 : i32
    %jit3A_166 = arith.constant 2 : i32
    %div3A_167 = arith.divsi %add3A_165, %jit3A_166 : i32
    %sign3A_168 = arith.constant 0 : i32
    %sign3A_169 = arith.cmpi sgt, %add3A_165, %sign3A_168 : i32
    %sign3A_170 = arith.extui %sign3A_169 : i1 to i32
    %sign3A_171 = arith.constant 0 : i32
    %sign3A_172 = arith.cmpi slt, %add3A_165, %sign3A_171 : i32
    %sign3A_173 = arith.extui %sign3A_172 : i1 to i32
    %sign3A_174 = arith.subi %sign3A_170, %sign3A_173 : i32
    %sign3A_175 = arith.constant 0 : i32
    %sign3A_176 = arith.cmpi sgt, %jit3A_166, %sign3A_175 : i32
    %sign3A_177 = arith.extui %sign3A_176 : i1 to i32
    %sign3A_178 = arith.constant 0 : i32
    %sign3A_179 = arith.cmpi slt, %jit3A_166, %sign3A_178 : i32
    %sign3A_180 = arith.extui %sign3A_179 : i1 to i32
    %sign3A_181 = arith.subi %sign3A_177, %sign3A_180 : i32
    %ne3A_182 = arith.cmpi ne, %sign3A_174, %sign3A_181 : i32
    %rem3A_183 = arith.remsi %add3A_165, %jit3A_166 : i32
    %ne3A_184 = arith.constant 0 : i32
    %ne3A_185 = arith.cmpi ne, %rem3A_183, %ne3A_184 : i32
    %and3A_186 = arith.andi %ne3A_182, %ne3A_185 : i1
    %sub3A_187 = arith.constant 1 : i32
    %sub3A_188 = arith.subi %div3A_167, %sub3A_187 : i32
    %select_n3A_189 = arith.select %and3A_186, %sub3A_188, %div3A_167 : i32
    %while3A_190 = arith.constant 0 : i32
    %while3A_191 = arith.constant 0 : i32
    %while3A_192 = arith.subi %select_n3A_189, %while3A_191 : i32
    %while3A_193 = arith.addi %while3A_191, %while3A_192 : i32
    %while3A_194 = arith.constant 1 : i32
    %while3A_195 = arith.divsi %while3A_192, %while3A_194 : i32
    %while3A_196 = arith.muli %while3A_195, %while3A_194 : i32
    %while3A_197 = arith.addi %while3A_191, %while3A_196 : i32
    %while3A_198 = arith.constant 1 : i32
    scf.for %while3A_207 = %while3A_191 to %while3A_197 step %while3A_198  : i32 {
      %mul3A_208 = arith.constant 2 : i32
      %mul3A_209 = arith.muli %mul3A_208, %while3A_207 : i32
      %add3A_210 = arith.constant 0 : i32
      %add3A_211 = arith.addi %mul3A_209, %add3A_210 : i32
      %lt3A = arith.cmpi slt, %add3A_211, %select_n3A_133 : i32
      %convert_element_type3A_212 = arith.extui %lt3A : i1 to i32
      %cond3A_213 = arith.constant 0 : i32
      %cond3A_214 = arith.cmpi ne, %convert_element_type3A_212, %cond3A_213 : i32
      scf.if %cond3A_214 {
        %dma_wait3A = arith.constant 0 : i32
        %dma_wait3A_221 = arith.constant 0 : i32
        %dma_wait3A_222 = tpu.memref_slice %arg2[%dma_wait3A, %dma_wait3A_221] : memref<10000x128xf32, #tpu.memory_space<hbm>> -> memref<10000x128xf32, #tpu.memory_space<hbm>>
        tpu.wait_indirect_dma semaphore(%arg20 : memref<!tpu.dma_semaphore, #tpu.memory_space<semaphore_mem>>) src(%dma_wait3A_222 : memref<10000x128xf32, #tpu.memory_space<hbm>>) dst(%arg14 : memref<80x128xf32, #tpu.memory_space<vmem>>)
        %dma_wait3A_223 = arith.constant 0 : i32
        %dma_wait3A_224 = arith.constant 0 : i32
        %dma_wait3A_225 = tpu.memref_slice %arg4[%dma_wait3A_223, %dma_wait3A_224] : memref<160000x128xi32, #tpu.memory_space<hbm>> -> memref<160000x128xi32, #tpu.memory_space<hbm>>
        tpu.wait_indirect_dma semaphore(%arg20 : memref<!tpu.dma_semaphore, #tpu.memory_space<semaphore_mem>>) src(%dma_wait3A_225 : memref<160000x128xi32, #tpu.memory_space<hbm>>) dst(%arg16 : memref<80x128xi32, #tpu.memory_space<vmem>>)
        %parallel_loop3A = arith.constant 0 : i32
        %parallel_loop3A_226 = arith.constant 80 : i32
        %parallel_loop3A_227 = arith.constant 1 : i32
        scf.for %parallel_loop3A_234 = %parallel_loop3A to %parallel_loop3A_226 step %parallel_loop3A_227  : i32 {
          %parallel_loop3A_235 = arith.constant 0 : i32
          %parallel_loop3A_236 = arith.addi %mul3A_4, %parallel_loop3A_235 : i32
          %parallel_loop3A_237 = arith.index_cast %parallel_loop3A_234 : i32 to index
          %parallel_loop3A_238 = arith.index_cast %parallel_loop3A_236 : i32 to index
          %parallel_loop3A_239 = tpu.vector_load %arg16[%parallel_loop3A_237, %parallel_loop3A_238] {strides = array<i32>} : memref<80x128xi32, #tpu.memory_space<vmem>>, vector<16xi32>,
          %parallel_loop3A_240 = vector.bitcast %parallel_loop3A_239 : vector<16xi32> to vector<32xbf16>
          %parallel_loop3A_241 = tpu.unpack_subelements %parallel_loop3A_240, 0 {pack_format = #tpu.pack_format<interleaved>} : vector<32xbf16> -> vector<16xf32>
          %parallel_loop3A_242 = tpu.unpack_subelements %parallel_loop3A_240, 1 {pack_format = #tpu.pack_format<interleaved>} : vector<32xbf16> -> vector<16xf32>
          %parallel_loop3A_243 = arith.index_cast %parallel_loop3A_234 : i32 to index
          %parallel_loop3A_244 = arith.constant 0 : index
          %parallel_loop3A_245 = tpu.vector_load %arg14[%parallel_loop3A_243, %parallel_loop3A_244] {strides = array<i32>} : memref<80x128xf32, #tpu.memory_space<vmem>>, vector<16xf32>,
          %parallel_loop3A_246 = arith.mulf %parallel_loop3A_245, %parallel_loop3A_241 : vector<16xf32>
          %parallel_loop3A_247 = arith.index_cast %parallel_loop3A_234 : i32 to index
          %parallel_loop3A_248 = arith.constant 0 : index
          %parallel_loop3A_249 = tpu.vector_load %arg18[%parallel_loop3A_247, %parallel_loop3A_248] {strides = array<i32>} : memref<80x128xf32, #tpu.memory_space<vmem>>, vector<16xf32>,
          tpu.vector_store %arg18[%parallel_loop3A_247, %parallel_loop3A_248], %parallel_loop3A_246 {strides = array<i32>} : memref<80x128xf32, #tpu.memory_space<vmem>>, vector<16xf32>,
          %parallel_loop3A_250 = arith.index_cast %parallel_loop3A_234 : i32 to index
          %parallel_loop3A_251 = arith.constant 64 : index
          %parallel_loop3A_252 = tpu.vector_load %arg14[%parallel_loop3A_250, %parallel_loop3A_251] {strides = array<i32>} : memref<80x128xf32, #tpu.memory_space<vmem>>, vector<16xf32>,
          %parallel_loop3A_253 = arith.mulf %parallel_loop3A_252, %parallel_loop3A_242 : vector<16xf32>
          %parallel_loop3A_254 = arith.index_cast %parallel_loop3A_234 : i32 to index
          %parallel_loop3A_255 = arith.constant 64 : index
          %parallel_loop3A_256 = tpu.vector_load %arg18[%parallel_loop3A_254, %parallel_loop3A_255] {strides = array<i32>} : memref<80x128xf32, #tpu.memory_space<vmem>>, vector<16xf32>,
          tpu.vector_store %arg18[%parallel_loop3A_254, %parallel_loop3A_255], %parallel_loop3A_253 {strides = array<i32>} : memref<80x128xf32, #tpu.memory_space<vmem>>, vector<16xf32>,
          %parallel_loop3A_257 = arith.constant 16 : i32
          %parallel_loop3A_258 = arith.addi %mul3A_4, %parallel_loop3A_257 : i32
          %parallel_loop3A_259 = arith.index_cast %parallel_loop3A_234 : i32 to index
          %parallel_loop3A_260 = arith.index_cast %parallel_loop3A_258 : i32 to index
          %parallel_loop3A_261 = tpu.vector_load %arg16[%parallel_loop3A_259, %parallel_loop3A_260] {strides = array<i32>} : memref<80x128xi32, #tpu.memory_space<vmem>>, vector<16xi32>,
          %parallel_loop3A_262 = vector.bitcast %parallel_loop3A_261 : vector<16xi32> to vector<32xbf16>
          %parallel_loop3A_263 = tpu.unpack_subelements %parallel_loop3A_262, 0 {pack_format = #tpu.pack_format<interleaved>} : vector<32xbf16> -> vector<16xf32>
          %parallel_loop3A_264 = tpu.unpack_subelements %parallel_loop3A_262, 1 {pack_format = #tpu.pack_format<interleaved>} : vector<32xbf16> -> vector<16xf32>
          %parallel_loop3A_265 = arith.index_cast %parallel_loop3A_234 : i32 to index
          %parallel_loop3A_266 = arith.constant 16 : index
          %parallel_loop3A_267 = tpu.vector_load %arg14[%parallel_loop3A_265, %parallel_loop3A_266] {strides = array<i32>} : memref<80x128xf32, #tpu.memory_space<vmem>>, vector<16xf32>,
          %parallel_loop3A_268 = arith.mulf %parallel_loop3A_267, %parallel_loop3A_263 : vector<16xf32>
          %parallel_loop3A_269 = arith.index_cast %parallel_loop3A_234 : i32 to index
          %parallel_loop3A_270 = arith.constant 16 : index
          %parallel_loop3A_271 = tpu.vector_load %arg18[%parallel_loop3A_269, %parallel_loop3A_270] {strides = array<i32>} : memref<80x128xf32, #tpu.memory_space<vmem>>, vector<16xf32>,
          tpu.vector_store %arg18[%parallel_loop3A_269, %parallel_loop3A_270], %parallel_loop3A_268 {strides = array<i32>} : memref<80x128xf32, #tpu.memory_space<vmem>>, vector<16xf32>,
          %parallel_loop3A_272 = arith.index_cast %parallel_loop3A_234 : i32 to index
          %parallel_loop3A_273 = arith.constant 80 : index
          %parallel_loop3A_274 = tpu.vector_load %arg14[%parallel_loop3A_272, %parallel_loop3A_273] {strides = array<i32>} : memref<80x128xf32, #tpu.memory_space<vmem>>, vector<16xf32>,
          %parallel_loop3A_275 = arith.mulf %parallel_loop3A_274, %parallel_loop3A_264 : vector<16xf32>
          %parallel_loop3A_276 = arith.index_cast %parallel_loop3A_234 : i32 to index
          %parallel_loop3A_277 = arith.constant 80 : index
          %parallel_loop3A_278 = tpu.vector_load %arg18[%parallel_loop3A_276, %parallel_loop3A_277] {strides = array<i32>} : memref<80x128xf32, #tpu.memory_space<vmem>>, vector<16xf32>,
          tpu.vector_store %arg18[%parallel_loop3A_276, %parallel_loop3A_277], %parallel_loop3A_275 {strides = array<i32>} : memref<80x128xf32, #tpu.memory_space<vmem>>, vector<16xf32>,
          %parallel_loop3A_279 = arith.constant 32 : i32
          %parallel_loop3A_280 = arith.addi %mul3A_4, %parallel_loop3A_279 : i32
          %parallel_loop3A_281 = arith.index_cast %parallel_loop3A_234 : i32 to index
          %parallel_loop3A_282 = arith.index_cast %parallel_loop3A_280 : i32 to index
          %parallel_loop3A_283 = tpu.vector_load %arg16[%parallel_loop3A_281, %parallel_loop3A_282] {strides = array<i32>} : memref<80x128xi32, #tpu.memory_space<vmem>>, vector<16xi32>,
          %parallel_loop3A_284 = vector.bitcast %parallel_loop3A_283 : vector<16xi32> to vector<32xbf16>
          %parallel_loop3A_285 = tpu.unpack_subelements %parallel_loop3A_284, 0 {pack_format = #tpu.pack_format<interleaved>} : vector<32xbf16> -> vector<16xf32>
          %parallel_loop3A_286 = tpu.unpack_subelements %parallel_loop3A_284, 1 {pack_format = #tpu.pack_format<interleaved>} : vector<32xbf16> -> vector<16xf32>
          %parallel_loop3A_287 = arith.index_cast %parallel_loop3A_234 : i32 to index
          %parallel_loop3A_288 = arith.constant 32 : index
          %parallel_loop3A_289 = tpu.vector_load %arg14[%parallel_loop3A_287, %parallel_loop3A_288] {strides = array<i32>} : memref<80x128xf32, #tpu.memory_space<vmem>>, vector<16xf32>,
          %parallel_loop3A_290 = arith.mulf %parallel_loop3A_289, %parallel_loop3A_285 : vector<16xf32>
          %parallel_loop3A_291 = arith.index_cast %parallel_loop3A_234 : i32 to index
          %parallel_loop3A_292 = arith.constant 32 : index
          %parallel_loop3A_293 = tpu.vector_load %arg18[%parallel_loop3A_291, %parallel_loop3A_292] {strides = array<i32>} : memref<80x128xf32, #tpu.memory_space<vmem>>, vector<16xf32>,
          tpu.vector_store %arg18[%parallel_loop3A_291, %parallel_loop3A_292], %parallel_loop3A_290 {strides = array<i32>} : memref<80x128xf32, #tpu.memory_space<vmem>>, vector<16xf32>,
          %parallel_loop3A_294 = arith.index_cast %parallel_loop3A_234 : i32 to index
          %parallel_loop3A_295 = arith.constant 96 : index
          %parallel_loop3A_296 = tpu.vector_load %arg14[%parallel_loop3A_294, %parallel_loop3A_295] {strides = array<i32>} : memref<80x128xf32, #tpu.memory_space<vmem>>, vector<16xf32>,
          %parallel_loop3A_297 = arith.mulf %parallel_loop3A_296, %parallel_loop3A_286 : vector<16xf32>
          %parallel_loop3A_298 = arith.index_cast %parallel_loop3A_234 : i32 to index
          %parallel_loop3A_299 = arith.constant 96 : index
          %parallel_loop3A_300 = tpu.vector_load %arg18[%parallel_loop3A_298, %parallel_loop3A_299] {strides = array<i32>} : memref<80x128xf32, #tpu.memory_space<vmem>>, vector<16xf32>,
          tpu.vector_store %arg18[%parallel_loop3A_298, %parallel_loop3A_299], %parallel_loop3A_297 {strides = array<i32>} : memref<80x128xf32, #tpu.memory_space<vmem>>, vector<16xf32>,
          %parallel_loop3A_301 = arith.constant 48 : i32
          %parallel_loop3A_302 = arith.addi %mul3A_4, %parallel_loop3A_301 : i32
          %parallel_loop3A_303 = arith.index_cast %parallel_loop3A_234 : i32 to index
          %parallel_loop3A_304 = arith.index_cast %parallel_loop3A_302 : i32 to index
          %parallel_loop3A_305 = tpu.vector_load %arg16[%parallel_loop3A_303, %parallel_loop3A_304] {strides = array<i32>} : memref<80x128xi32, #tpu.memory_space<vmem>>, vector<16xi32>,
          %parallel_loop3A_306 = vector.bitcast %parallel_loop3A_305 : vector<16xi32> to vector<32xbf16>
          %parallel_loop3A_307 = tpu.unpack_subelements %parallel_loop3A_306, 0 {pack_format = #tpu.pack_format<interleaved>} : vector<32xbf16> -> vector<16xf32>
          %parallel_loop3A_308 = tpu.unpack_subelements %parallel_loop3A_306, 1 {pack_format = #tpu.pack_format<interleaved>} : vector<32xbf16> -> vector<16xf32>
          %parallel_loop3A_309 = arith.index_cast %parallel_loop3A_234 : i32 to index
          %parallel_loop3A_310 = arith.constant 48 : index
          %parallel_loop3A_311 = tpu.vector_load %arg14[%parallel_loop3A_309, %parallel_loop3A_310] {strides = array<i32>} : memref<80x128xf32, #tpu.memory_space<vmem>>, vector<16xf32>,
          %parallel_loop3A_312 = arith.mulf %parallel_loop3A_311, %parallel_loop3A_307 : vector<16xf32>
          %parallel_loop3A_313 = arith.index_cast %parallel_loop3A_234 : i32 to index
          %parallel_loop3A_314 = arith.constant 48 : index
          %parallel_loop3A_315 = tpu.vector_load %arg18[%parallel_loop3A_313, %parallel_loop3A_314] {strides = array<i32>} : memref<80x128xf32, #tpu.memory_space<vmem>>, vector<16xf32>,
          tpu.vector_store %arg18[%parallel_loop3A_313, %parallel_loop3A_314], %parallel_loop3A_312 {strides = array<i32>} : memref<80x128xf32, #tpu.memory_space<vmem>>, vector<16xf32>,
          %parallel_loop3A_316 = arith.index_cast %parallel_loop3A_234 : i32 to index
          %parallel_loop3A_317 = arith.constant 112 : index
          %parallel_loop3A_318 = tpu.vector_load %arg14[%parallel_loop3A_316, %parallel_loop3A_317] {strides = array<i32>} : memref<80x128xf32, #tpu.memory_space<vmem>>, vector<16xf32>,
          %parallel_loop3A_319 = arith.mulf %parallel_loop3A_318, %parallel_loop3A_308 : vector<16xf32>
          %parallel_loop3A_320 = arith.index_cast %parallel_loop3A_234 : i32 to index
          %parallel_loop3A_321 = arith.constant 112 : index
          %parallel_loop3A_322 = tpu.vector_load %arg18[%parallel_loop3A_320, %parallel_loop3A_321] {strides = array<i32>} : memref<80x128xf32, #tpu.memory_space<vmem>>, vector<16xf32>,
          tpu.vector_store %arg18[%parallel_loop3A_320, %parallel_loop3A_321], %parallel_loop3A_319 {strides = array<i32>} : memref<80x128xf32, #tpu.memory_space<vmem>>, vector<16xf32>,
        } {sc.loop_unroll_factor = 4 : i64, sc.parallel_access}
        "tpu.region"() ({
          %run_scoped3A = tpu.sem_alloc : memref<!tpu.dma_semaphore, #tpu.memory_space<semaphore_mem>>
          %dma_start3A = arith.constant 0 : i32
          %dma_start3A_234 = arith.constant 0 : i32
          %dma_start3A_235 = tpu.memref_slice %arg19[%dma_start3A, %dma_start3A_234] : memref<5128x128xf32, #tpu.memory_space<vmem_shared>> -> memref<5128x128xf32, #tpu.memory_space<vmem_shared>>
          tpu.enqueue_indirect_dma source(%arg18 : memref<80x128xf32, #tpu.memory_space<vmem>>) target(%dma_start3A_235 : memref<5128x128xf32, #tpu.memory_space<vmem_shared>>) offsets(%arg12 : memref<80xi32, #tpu.memory_space<vmem>>) semaphore(%run_scoped3A : memref<!tpu.dma_semaphore, #tpu.memory_space<semaphore_mem>>) {add = true}
          %dma_wait3A_236 = arith.constant 0 : i32
          %dma_wait3A_237 = arith.constant 0 : i32
          %dma_wait3A_238 = tpu.memref_slice %arg19[%dma_wait3A_236, %dma_wait3A_237] : memref<5128x128xf32, #tpu.memory_space<vmem_shared>> -> memref<5128x128xf32, #tpu.memory_space<vmem_shared>>
          tpu.wait_indirect_dma semaphore(%run_scoped3A : memref<!tpu.dma_semaphore, #tpu.memory_space<semaphore_mem>>) src(%arg18 : memref<80x128xf32, #tpu.memory_space<vmem>>) dst(%dma_wait3A_238 : memref<5128x128xf32, #tpu.memory_space<vmem_shared>>)
          tpu.yield
        }) : () -> ()
        %add3A_228 = arith.constant 2 : i32
        %add3A_229 = arith.addi %add3A_211, %add3A_228 : i32
        %lt3A_230 = arith.cmpi slt, %add3A_229, %select_n3A_133 : i32
        %convert_element_type3A_231 = arith.extui %lt3A_230 : i1 to i32
        %cond3A_232 = arith.constant 0 : i32
        %cond3A_233 = arith.cmpi ne, %convert_element_type3A_231, %cond3A_232 : i32
        scf.if %cond3A_233 {
          %add3A_234 = arith.constant 2 : i32
          %add3A_235 = arith.addi %add3A_211, %add3A_234 : i32
          %sub3A_236 = arith.constant 1 : i32
          %sub3A_237 = arith.subi %sub3A_105, %sub3A_236 : i32
          %max3A = arith.constant 0 : i32
          %max3A_238 = arith.maxsi %sub3A_237, %max3A : i32
          %mul3A_239 = arith.constant 80 : i32
          %mul3A_240 = arith.muli %add3A_235, %mul3A_239 : i32
          %add3A_241 = arith.constant 0 : i32
          %add3A_242 = arith.addi %mul3A_240, %add3A_241 : i32
          %iota3A = tpu.iota {dimensions = array<i32: 0>} : vector<16xi32>
          %add3A_243 = vector.broadcast %add3A_242 : i32 to vector<16xi32>
          %add3A_244 = arith.addi %add3A_243, %iota3A : vector<16xi32>
          %lt3A_245 = vector.broadcast %sub3A_105 : i32 to vector<16xi32>
          %lt3A_246 = arith.cmpi slt, %add3A_244, %lt3A_245 : vector<16xi32>
          %min3A = vector.broadcast %max3A_238 : i32 to vector<16xi32>
          %min3A_247 = arith.minsi %add3A_244, %min3A : vector<16xi32>
          %add3A_248 = vector.broadcast %scan3A_9 : i32 to vector<16xi32>
          %add3A_249 = arith.addi %min3A_247, %add3A_248 : vector<16xi32>
          %min3A_250 = arith.constant 9999 : i32
          %min3A_251 = vector.broadcast %min3A_250 : i32 to vector<16xi32>
          %min3A_252 = arith.minsi %add3A_249, %min3A_251 : vector<16xi32>
          %gather3A = tpu.vector_load_idx %arg7[%min3A_252] : memref<10016xi32, #tpu.memory_space<vmem>>[vector<16xi32>], vector<16xi32>,
          %gather3A_253 = tpu.vector_load_idx %arg6[%gather3A] : memref<10000xi32, #tpu.memory_space<vmem>>[vector<16xi32>], vector<16xi32>,
          %and3A_254 = arith.constant 65535 : i32
          %and3A_255 = vector.broadcast %and3A_254 : i32 to vector<16xi32>
          %and3A_256 = arith.andi %gather3A_253, %and3A_255 : vector<16xi32>
          %swap3A = arith.constant 0 : index
          %swap3A_257 = tpu.vector_load %arg8[%swap3A] {strides = array<i32>} : memref<80xi32, #tpu.memory_space<vmem>>, vector<16xi32>,
          tpu.vector_store %arg8[%swap3A], %and3A_256 {strides = array<i32>} : memref<80xi32, #tpu.memory_space<vmem>>, vector<16xi32>,
          %add3A_258 = vector.broadcast %mul3A_0 : i32 to vector<16xi32>
          %add3A_259 = arith.addi %add3A_258, %gather3A : vector<16xi32>
          %swap3A_260 = arith.constant 0 : index
          %swap3A_261 = tpu.vector_load %arg10[%swap3A_260] {strides = array<i32>} : memref<80xi32, #tpu.memory_space<vmem>>, vector<16xi32>,
          tpu.vector_store %arg10[%swap3A_260], %add3A_259 {strides = array<i32>} : memref<80xi32, #tpu.memory_space<vmem>>, vector<16xi32>,
          %shift_right_arithmetic3A = arith.constant 16 : i32
          %shift_right_arithmetic3A_262 = vector.broadcast %shift_right_arithmetic3A : i32 to vector<16xi32>
          %shift_right_arithmetic3A_263 = arith.shrsi %gather3A_253, %shift_right_arithmetic3A_262 : vector<16xi32>
          %sub3A_264 = arith.constant 5120 : i32
          %sub3A_265 = vector.broadcast %sub3A_264 : i32 to vector<16xi32>
          %sub3A_266 = arith.subi %shift_right_arithmetic3A_263, %sub3A_265 : vector<16xi32>
          %jit3A_267 = arith.constant 5120 : i32
          %broadcast_in_dim3A = vector.broadcast %jit3A_267 : i32 to vector<16xi32>
          %select_n3A_268 = arith.select %lt3A_246, %sub3A_266, %broadcast_in_dim3A : vector<16xi1>, vector<16xi32>
          %swap3A_269 = arith.constant 0 : index
          %swap3A_270 = tpu.vector_load %arg12[%swap3A_269] {strides = array<i32>} : memref<80xi32, #tpu.memory_space<vmem>>, vector<16xi32>,
          tpu.vector_store %arg12[%swap3A_269], %select_n3A_268 {strides = array<i32>} : memref<80xi32, #tpu.memory_space<vmem>>, vector<16xi32>,
          %mul3A_271 = arith.constant 80 : i32
          %mul3A_272 = arith.muli %add3A_235, %mul3A_271 : i32
          %add3A_273 = arith.constant 16 : i32
          %add3A_274 = arith.addi %mul3A_272, %add3A_273 : i32
          %iota3A_275 = tpu.iota {dimensions = array<i32: 0>} : vector<16xi32>
          %add3A_276 = vector.broadcast %add3A_274 : i32 to vector<16xi32>
          %add3A_277 = arith.addi %add3A_276, %iota3A_275 : vector<16xi32>
          %lt3A_278 = vector.broadcast %sub3A_105 : i32 to vector<16xi32>
          %lt3A_279 = arith.cmpi slt, %add3A_277, %lt3A_278 : vector<16xi32>
          %min3A_280 = vector.broadcast %max3A_238 : i32 to vector<16xi32>
          %min3A_281 = arith.minsi %add3A_277, %min3A_280 : vector<16xi32>
          %add3A_282 = vector.broadcast %scan3A_9 : i32 to vector<16xi32>
          %add3A_283 = arith.addi %min3A_281, %add3A_282 : vector<16xi32>
          %min3A_284 = arith.constant 9999 : i32
          %min3A_285 = vector.broadcast %min3A_284 : i32 to vector<16xi32>
          %min3A_286 = arith.minsi %add3A_283, %min3A_285 : vector<16xi32>
          %gather3A_287 = tpu.vector_load_idx %arg7[%min3A_286] : memref<10016xi32, #tpu.memory_space<vmem>>[vector<16xi32>], vector<16xi32>,
          %gather3A_288 = tpu.vector_load_idx %arg6[%gather3A_287] : memref<10000xi32, #tpu.memory_space<vmem>>[vector<16xi32>], vector<16xi32>,
          %and3A_289 = arith.constant 65535 : i32
          %and3A_290 = vector.broadcast %and3A_289 : i32 to vector<16xi32>
          %and3A_291 = arith.andi %gather3A_288, %and3A_290 : vector<16xi32>
          %swap3A_292 = arith.constant 16 : index
          %swap3A_293 = tpu.vector_load %arg8[%swap3A_292] {strides = array<i32>} : memref<80xi32, #tpu.memory_space<vmem>>, vector<16xi32>,
          tpu.vector_store %arg8[%swap3A_292], %and3A_291 {strides = array<i32>} : memref<80xi32, #tpu.memory_space<vmem>>, vector<16xi32>,
          %add3A_294 = vector.broadcast %mul3A_0 : i32 to vector<16xi32>
          %add3A_295 = arith.addi %add3A_294, %gather3A_287 : vector<16xi32>
          %swap3A_296 = arith.constant 16 : index
          %swap3A_297 = tpu.vector_load %arg10[%swap3A_296] {strides = array<i32>} : memref<80xi32, #tpu.memory_space<vmem>>, vector<16xi32>,
          tpu.vector_store %arg10[%swap3A_296], %add3A_295 {strides = array<i32>} : memref<80xi32, #tpu.memory_space<vmem>>, vector<16xi32>,
          %shift_right_arithmetic3A_298 = arith.constant 16 : i32
          %shift_right_arithmetic3A_299 = vector.broadcast %shift_right_arithmetic3A_298 : i32 to vector<16xi32>
          %shift_right_arithmetic3A_300 = arith.shrsi %gather3A_288, %shift_right_arithmetic3A_299 : vector<16xi32>
          %sub3A_301 = arith.constant 5120 : i32
          %sub3A_302 = vector.broadcast %sub3A_301 : i32 to vector<16xi32>
          %sub3A_303 = arith.subi %shift_right_arithmetic3A_300, %sub3A_302 : vector<16xi32>
          %jit3A_304 = arith.constant 5120 : i32
          %broadcast_in_dim3A_305 = vector.broadcast %jit3A_304 : i32 to vector<16xi32>
          %select_n3A_306 = arith.select %lt3A_279, %sub3A_303, %broadcast_in_dim3A_305 : vector<16xi1>, vector<16xi32>
          %swap3A_307 = arith.constant 16 : index
          %swap3A_308 = tpu.vector_load %arg12[%swap3A_307] {strides = array<i32>} : memref<80xi32, #tpu.memory_space<vmem>>, vector<16xi32>,
          tpu.vector_store %arg12[%swap3A_307], %select_n3A_306 {strides = array<i32>} : memref<80xi32, #tpu.memory_space<vmem>>, vector<16xi32>,
          %mul3A_309 = arith.constant 80 : i32
          %mul3A_310 = arith.muli %add3A_235, %mul3A_309 : i32
          %add3A_311 = arith.constant 32 : i32
          %add3A_312 = arith.addi %mul3A_310, %add3A_311 : i32
          %iota3A_313 = tpu.iota {dimensions = array<i32: 0>} : vector<16xi32>
          %add3A_314 = vector.broadcast %add3A_312 : i32 to vector<16xi32>
          %add3A_315 = arith.addi %add3A_314, %iota3A_313 : vector<16xi32>
          %lt3A_316 = vector.broadcast %sub3A_105 : i32 to vector<16xi32>
          %lt3A_317 = arith.cmpi slt, %add3A_315, %lt3A_316 : vector<16xi32>
          %min3A_318 = vector.broadcast %max3A_238 : i32 to vector<16xi32>
          %min3A_319 = arith.minsi %add3A_315, %min3A_318 : vector<16xi32>
          %add3A_320 = vector.broadcast %scan3A_9 : i32 to vector<16xi32>
          %add3A_321 = arith.addi %min3A_319, %add3A_320 : vector<16xi32>
          %min3A_322 = arith.constant 9999 : i32
          %min3A_323 = vector.broadcast %min3A_322 : i32 to vector<16xi32>
          %min3A_324 = arith.minsi %add3A_321, %min3A_323 : vector<16xi32>
          %gather3A_325 = tpu.vector_load_idx %arg7[%min3A_324] : memref<10016xi32, #tpu.memory_space<vmem>>[vector<16xi32>], vector<16xi32>,
          %gather3A_326 = tpu.vector_load_idx %arg6[%gather3A_325] : memref<10000xi32, #tpu.memory_space<vmem>>[vector<16xi32>], vector<16xi32>,
          %and3A_327 = arith.constant 65535 : i32
          %and3A_328 = vector.broadcast %and3A_327 : i32 to vector<16xi32>
          %and3A_329 = arith.andi %gather3A_326, %and3A_328 : vector<16xi32>
          %swap3A_330 = arith.constant 32 : index
          %swap3A_331 = tpu.vector_load %arg8[%swap3A_330] {strides = array<i32>} : memref<80xi32, #tpu.memory_space<vmem>>, vector<16xi32>,
          tpu.vector_store %arg8[%swap3A_330], %and3A_329 {strides = array<i32>} : memref<80xi32, #tpu.memory_space<vmem>>, vector<16xi32>,
          %add3A_332 = vector.broadcast %mul3A_0 : i32 to vector<16xi32>
          %add3A_333 = arith.addi %add3A_332, %gather3A_325 : vector<16xi32>
          %swap3A_334 = arith.constant 32 : index
          %swap3A_335 = tpu.vector_load %arg10[%swap3A_334] {strides = array<i32>} : memref<80xi32, #tpu.memory_space<vmem>>, vector<16xi32>,
          tpu.vector_store %arg10[%swap3A_334], %add3A_333 {strides = array<i32>} : memref<80xi32, #tpu.memory_space<vmem>>, vector<16xi32>,
          %shift_right_arithmetic3A_336 = arith.constant 16 : i32
          %shift_right_arithmetic3A_337 = vector.broadcast %shift_right_arithmetic3A_336 : i32 to vector<16xi32>
          %shift_right_arithmetic3A_338 = arith.shrsi %gather3A_326, %shift_right_arithmetic3A_337 : vector<16xi32>
          %sub3A_339 = arith.constant 5120 : i32
          %sub3A_340 = vector.broadcast %sub3A_339 : i32 to vector<16xi32>
          %sub3A_341 = arith.subi %shift_right_arithmetic3A_338, %sub3A_340 : vector<16xi32>
          %jit3A_342 = arith.constant 5120 : i32
          %broadcast_in_dim3A_343 = vector.broadcast %jit3A_342 : i32 to vector<16xi32>
          %select_n3A_344 = arith.select %lt3A_317, %sub3A_341, %broadcast_in_dim3A_343 : vector<16xi1>, vector<16xi32>
          %swap3A_345 = arith.constant 32 : index
          %swap3A_346 = tpu.vector_load %arg12[%swap3A_345] {strides = array<i32>} : memref<80xi32, #tpu.memory_space<vmem>>, vector<16xi32>,
          tpu.vector_store %arg12[%swap3A_345], %select_n3A_344 {strides = array<i32>} : memref<80xi32, #tpu.memory_space<vmem>>, vector<16xi32>,
          %mul3A_347 = arith.constant 80 : i32
          %mul3A_348 = arith.muli %add3A_235, %mul3A_347 : i32
          %add3A_349 = arith.constant 48 : i32
          %add3A_350 = arith.addi %mul3A_348, %add3A_349 : i32
          %iota3A_351 = tpu.iota {dimensions = array<i32: 0>} : vector<16xi32>
          %add3A_352 = vector.broadcast %add3A_350 : i32 to vector<16xi32>
          %add3A_353 = arith.addi %add3A_352, %iota3A_351 : vector<16xi32>
          %lt3A_354 = vector.broadcast %sub3A_105 : i32 to vector<16xi32>
          %lt3A_355 = arith.cmpi slt, %add3A_353, %lt3A_354 : vector<16xi32>
          %min3A_356 = vector.broadcast %max3A_238 : i32 to vector<16xi32>
          %min3A_357 = arith.minsi %add3A_353, %min3A_356 : vector<16xi32>
          %add3A_358 = vector.broadcast %scan3A_9 : i32 to vector<16xi32>
          %add3A_359 = arith.addi %min3A_357, %add3A_358 : vector<16xi32>
          %min3A_360 = arith.constant 9999 : i32
          %min3A_361 = vector.broadcast %min3A_360 : i32 to vector<16xi32>
          %min3A_362 = arith.minsi %add3A_359, %min3A_361 : vector<16xi32>
          %gather3A_363 = tpu.vector_load_idx %arg7[%min3A_362] : memref<10016xi32, #tpu.memory_space<vmem>>[vector<16xi32>], vector<16xi32>,
          %gather3A_364 = tpu.vector_load_idx %arg6[%gather3A_363] : memref<10000xi32, #tpu.memory_space<vmem>>[vector<16xi32>], vector<16xi32>,
          %and3A_365 = arith.constant 65535 : i32
          %and3A_366 = vector.broadcast %and3A_365 : i32 to vector<16xi32>
          %and3A_367 = arith.andi %gather3A_364, %and3A_366 : vector<16xi32>
          %swap3A_368 = arith.constant 48 : index
          %swap3A_369 = tpu.vector_load %arg8[%swap3A_368] {strides = array<i32>} : memref<80xi32, #tpu.memory_space<vmem>>, vector<16xi32>,
          tpu.vector_store %arg8[%swap3A_368], %and3A_367 {strides = array<i32>} : memref<80xi32, #tpu.memory_space<vmem>>, vector<16xi32>,
          %add3A_370 = vector.broadcast %mul3A_0 : i32 to vector<16xi32>
          %add3A_371 = arith.addi %add3A_370, %gather3A_363 : vector<16xi32>
          %swap3A_372 = arith.constant 48 : index
          %swap3A_373 = tpu.vector_load %arg10[%swap3A_372] {strides = array<i32>} : memref<80xi32, #tpu.memory_space<vmem>>, vector<16xi32>,
          tpu.vector_store %arg10[%swap3A_372], %add3A_371 {strides = array<i32>} : memref<80xi32, #tpu.memory_space<vmem>>, vector<16xi32>,
          %shift_right_arithmetic3A_374 = arith.constant 16 : i32
          %shift_right_arithmetic3A_375 = vector.broadcast %shift_right_arithmetic3A_374 : i32 to vector<16xi32>
          %shift_right_arithmetic3A_376 = arith.shrsi %gather3A_364, %shift_right_arithmetic3A_375 : vector<16xi32>
          %sub3A_377 = arith.constant 5120 : i32
          %sub3A_378 = vector.broadcast %sub3A_377 : i32 to vector<16xi32>
          %sub3A_379 = arith.subi %shift_right_arithmetic3A_376, %sub3A_378 : vector<16xi32>
          %jit3A_380 = arith.constant 5120 : i32
          %broadcast_in_dim3A_381 = vector.broadcast %jit3A_380 : i32 to vector<16xi32>
          %select_n3A_382 = arith.select %lt3A_355, %sub3A_379, %broadcast_in_dim3A_381 : vector<16xi1>, vector<16xi32>
          %swap3A_383 = arith.constant 48 : index
          %swap3A_384 = tpu.vector_load %arg12[%swap3A_383] {strides = array<i32>} : memref<80xi32, #tpu.memory_space<vmem>>, vector<16xi32>,
          tpu.vector_store %arg12[%swap3A_383], %select_n3A_382 {strides = array<i32>} : memref<80xi32, #tpu.memory_space<vmem>>, vector<16xi32>,
          %mul3A_385 = arith.constant 80 : i32
          %mul3A_386 = arith.muli %add3A_235, %mul3A_385 : i32
          %add3A_387 = arith.constant 64 : i32
          %add3A_388 = arith.addi %mul3A_386, %add3A_387 : i32
          %iota3A_389 = tpu.iota {dimensions = array<i32: 0>} : vector<16xi32>
          %add3A_390 = vector.broadcast %add3A_388 : i32 to vector<16xi32>
          %add3A_391 = arith.addi %add3A_390, %iota3A_389 : vector<16xi32>
          %lt3A_392 = vector.broadcast %sub3A_105 : i32 to vector<16xi32>
          %lt3A_393 = arith.cmpi slt, %add3A_391, %lt3A_392 : vector<16xi32>
          %min3A_394 = vector.broadcast %max3A_238 : i32 to vector<16xi32>
          %min3A_395 = arith.minsi %add3A_391, %min3A_394 : vector<16xi32>
          %add3A_396 = vector.broadcast %scan3A_9 : i32 to vector<16xi32>
          %add3A_397 = arith.addi %min3A_395, %add3A_396 : vector<16xi32>
          %min3A_398 = arith.constant 9999 : i32
          %min3A_399 = vector.broadcast %min3A_398 : i32 to vector<16xi32>
          %min3A_400 = arith.minsi %add3A_397, %min3A_399 : vector<16xi32>
          %gather3A_401 = tpu.vector_load_idx %arg7[%min3A_400] : memref<10016xi32, #tpu.memory_space<vmem>>[vector<16xi32>], vector<16xi32>,
          %gather3A_402 = tpu.vector_load_idx %arg6[%gather3A_401] : memref<10000xi32, #tpu.memory_space<vmem>>[vector<16xi32>], vector<16xi32>,
          %and3A_403 = arith.constant 65535 : i32
          %and3A_404 = vector.broadcast %and3A_403 : i32 to vector<16xi32>
          %and3A_405 = arith.andi %gather3A_402, %and3A_404 : vector<16xi32>
          %swap3A_406 = arith.constant 64 : index
          %swap3A_407 = tpu.vector_load %arg8[%swap3A_406] {strides = array<i32>} : memref<80xi32, #tpu.memory_space<vmem>>, vector<16xi32>,
          tpu.vector_store %arg8[%swap3A_406], %and3A_405 {strides = array<i32>} : memref<80xi32, #tpu.memory_space<vmem>>, vector<16xi32>,
          %add3A_408 = vector.broadcast %mul3A_0 : i32 to vector<16xi32>
          %add3A_409 = arith.addi %add3A_408, %gather3A_401 : vector<16xi32>
          %swap3A_410 = arith.constant 64 : index
          %swap3A_411 = tpu.vector_load %arg10[%swap3A_410] {strides = array<i32>} : memref<80xi32, #tpu.memory_space<vmem>>, vector<16xi32>,
          tpu.vector_store %arg10[%swap3A_410], %add3A_409 {strides = array<i32>} : memref<80xi32, #tpu.memory_space<vmem>>, vector<16xi32>,
          %shift_right_arithmetic3A_412 = arith.constant 16 : i32
          %shift_right_arithmetic3A_413 = vector.broadcast %shift_right_arithmetic3A_412 : i32 to vector<16xi32>
          %shift_right_arithmetic3A_414 = arith.shrsi %gather3A_402, %shift_right_arithmetic3A_413 : vector<16xi32>
          %sub3A_415 = arith.constant 5120 : i32
          %sub3A_416 = vector.broadcast %sub3A_415 : i32 to vector<16xi32>
          %sub3A_417 = arith.subi %shift_right_arithmetic3A_414, %sub3A_416 : vector<16xi32>
          %jit3A_418 = arith.constant 5120 : i32
          %broadcast_in_dim3A_419 = vector.broadcast %jit3A_418 : i32 to vector<16xi32>
          %select_n3A_420 = arith.select %lt3A_393, %sub3A_417, %broadcast_in_dim3A_419 : vector<16xi1>, vector<16xi32>
          %swap3A_421 = arith.constant 64 : index
          %swap3A_422 = tpu.vector_load %arg12[%swap3A_421] {strides = array<i32>} : memref<80xi32, #tpu.memory_space<vmem>>, vector<16xi32>,
          tpu.vector_store %arg12[%swap3A_421], %select_n3A_420 {strides = array<i32>} : memref<80xi32, #tpu.memory_space<vmem>>, vector<16xi32>,
          %dma_start3A = arith.constant 0 : i32
          %dma_start3A_423 = arith.constant 0 : i32
          %dma_start3A_424 = tpu.memref_slice %arg2[%dma_start3A, %dma_start3A_423] : memref<10000x128xf32, #tpu.memory_space<hbm>> -> memref<10000x128xf32, #tpu.memory_space<hbm>>
          tpu.enqueue_indirect_dma source(%dma_start3A_424 : memref<10000x128xf32, #tpu.memory_space<hbm>>) target(%arg14 : memref<80x128xf32, #tpu.memory_space<vmem>>) offsets(%arg8 : memref<80xi32, #tpu.memory_space<vmem>>) semaphore(%arg20 : memref<!tpu.dma_semaphore, #tpu.memory_space<semaphore_mem>>)
          %dma_start3A_425 = arith.constant 0 : i32
          %dma_start3A_426 = arith.constant 0 : i32
          %dma_start3A_427 = tpu.memref_slice %arg4[%dma_start3A_425, %dma_start3A_426] : memref<160000x128xi32, #tpu.memory_space<hbm>> -> memref<160000x128xi32, #tpu.memory_space<hbm>>
          tpu.enqueue_indirect_dma source(%dma_start3A_427 : memref<160000x128xi32, #tpu.memory_space<hbm>>) target(%arg16 : memref<80x128xi32, #tpu.memory_space<vmem>>) offsets(%arg10 : memref<80xi32, #tpu.memory_space<vmem>>) semaphore(%arg20 : memref<!tpu.dma_semaphore, #tpu.memory_space<semaphore_mem>>)
        } else {
        }
      } else {
      }
      %add3A_215 = arith.constant 1 : i32
      %add3A_216 = arith.addi %mul3A_209, %add3A_215 : i32
      %lt3A_217 = arith.cmpi slt, %add3A_216, %select_n3A_133 : i32
      %convert_element_type3A_218 = arith.extui %lt3A_217 : i1 to i32
      %cond3A_219 = arith.constant 0 : i32
      %cond3A_220 = arith.cmpi ne, %convert_element_type3A_218, %cond3A_219 : i32
      scf.if %cond3A_220 {
        %dma_wait3A = arith.constant 0 : i32
        %dma_wait3A_221 = arith.constant 0 : i32
        %dma_wait3A_222 = tpu.memref_slice %arg2[%dma_wait3A, %dma_wait3A_221] : memref<10000x128xf32, #tpu.memory_space<hbm>> -> memref<10000x128xf32, #tpu.memory_space<hbm>>
        tpu.wait_indirect_dma semaphore(%arg21 : memref<!tpu.dma_semaphore, #tpu.memory_space<semaphore_mem>>) src(%dma_wait3A_222 : memref<10000x128xf32, #tpu.memory_space<hbm>>) dst(%arg15 : memref<80x128xf32, #tpu.memory_space<vmem>>)
        %dma_wait3A_223 = arith.constant 0 : i32
        %dma_wait3A_224 = arith.constant 0 : i32
        %dma_wait3A_225 = tpu.memref_slice %arg4[%dma_wait3A_223, %dma_wait3A_224] : memref<160000x128xi32, #tpu.memory_space<hbm>> -> memref<160000x128xi32, #tpu.memory_space<hbm>>
        tpu.wait_indirect_dma semaphore(%arg21 : memref<!tpu.dma_semaphore, #tpu.memory_space<semaphore_mem>>) src(%dma_wait3A_225 : memref<160000x128xi32, #tpu.memory_space<hbm>>) dst(%arg17 : memref<80x128xi32, #tpu.memory_space<vmem>>)
        %parallel_loop3A = arith.constant 0 : i32
        %parallel_loop3A_226 = arith.constant 80 : i32
        %parallel_loop3A_227 = arith.constant 1 : i32
        scf.for %parallel_loop3A_234 = %parallel_loop3A to %parallel_loop3A_226 step %parallel_loop3A_227  : i32 {
          %parallel_loop3A_235 = arith.constant 0 : i32
          %parallel_loop3A_236 = arith.addi %mul3A_4, %parallel_loop3A_235 : i32
          %parallel_loop3A_237 = arith.index_cast %parallel_loop3A_234 : i32 to index
          %parallel_loop3A_238 = arith.index_cast %parallel_loop3A_236 : i32 to index
          %parallel_loop3A_239 = tpu.vector_load %arg17[%parallel_loop3A_237, %parallel_loop3A_238] {strides = array<i32>} : memref<80x128xi32, #tpu.memory_space<vmem>>, vector<16xi32>,
          %parallel_loop3A_240 = vector.bitcast %parallel_loop3A_239 : vector<16xi32> to vector<32xbf16>
          %parallel_loop3A_241 = tpu.unpack_subelements %parallel_loop3A_240, 0 {pack_format = #tpu.pack_format<interleaved>} : vector<32xbf16> -> vector<16xf32>
          %parallel_loop3A_242 = tpu.unpack_subelements %parallel_loop3A_240, 1 {pack_format = #tpu.pack_format<interleaved>} : vector<32xbf16> -> vector<16xf32>
          %parallel_loop3A_243 = arith.index_cast %parallel_loop3A_234 : i32 to index
          %parallel_loop3A_244 = arith.constant 0 : index
          %parallel_loop3A_245 = tpu.vector_load %arg15[%parallel_loop3A_243, %parallel_loop3A_244] {strides = array<i32>} : memref<80x128xf32, #tpu.memory_space<vmem>>, vector<16xf32>,
          %parallel_loop3A_246 = arith.mulf %parallel_loop3A_245, %parallel_loop3A_241 : vector<16xf32>
          %parallel_loop3A_247 = arith.index_cast %parallel_loop3A_234 : i32 to index
          %parallel_loop3A_248 = arith.constant 0 : index
          %parallel_loop3A_249 = tpu.vector_load %arg18[%parallel_loop3A_247, %parallel_loop3A_248] {strides = array<i32>} : memref<80x128xf32, #tpu.memory_space<vmem>>, vector<16xf32>,
          tpu.vector_store %arg18[%parallel_loop3A_247, %parallel_loop3A_248], %parallel_loop3A_246 {strides = array<i32>} : memref<80x128xf32, #tpu.memory_space<vmem>>, vector<16xf32>,
          %parallel_loop3A_250 = arith.index_cast %parallel_loop3A_234 : i32 to index
          %parallel_loop3A_251 = arith.constant 64 : index
          %parallel_loop3A_252 = tpu.vector_load %arg15[%parallel_loop3A_250, %parallel_loop3A_251] {strides = array<i32>} : memref<80x128xf32, #tpu.memory_space<vmem>>, vector<16xf32>,
          %parallel_loop3A_253 = arith.mulf %parallel_loop3A_252, %parallel_loop3A_242 : vector<16xf32>
          %parallel_loop3A_254 = arith.index_cast %parallel_loop3A_234 : i32 to index
          %parallel_loop3A_255 = arith.constant 64 : index
          %parallel_loop3A_256 = tpu.vector_load %arg18[%parallel_loop3A_254, %parallel_loop3A_255] {strides = array<i32>} : memref<80x128xf32, #tpu.memory_space<vmem>>, vector<16xf32>,
          tpu.vector_store %arg18[%parallel_loop3A_254, %parallel_loop3A_255], %parallel_loop3A_253 {strides = array<i32>} : memref<80x128xf32, #tpu.memory_space<vmem>>, vector<16xf32>,
          %parallel_loop3A_257 = arith.constant 16 : i32
          %parallel_loop3A_258 = arith.addi %mul3A_4, %parallel_loop3A_257 : i32
          %parallel_loop3A_259 = arith.index_cast %parallel_loop3A_234 : i32 to index
          %parallel_loop3A_260 = arith.index_cast %parallel_loop3A_258 : i32 to index
          %parallel_loop3A_261 = tpu.vector_load %arg17[%parallel_loop3A_259, %parallel_loop3A_260] {strides = array<i32>} : memref<80x128xi32, #tpu.memory_space<vmem>>, vector<16xi32>,
          %parallel_loop3A_262 = vector.bitcast %parallel_loop3A_261 : vector<16xi32> to vector<32xbf16>
          %parallel_loop3A_263 = tpu.unpack_subelements %parallel_loop3A_262, 0 {pack_format = #tpu.pack_format<interleaved>} : vector<32xbf16> -> vector<16xf32>
          %parallel_loop3A_264 = tpu.unpack_subelements %parallel_loop3A_262, 1 {pack_format = #tpu.pack_format<interleaved>} : vector<32xbf16> -> vector<16xf32>
          %parallel_loop3A_265 = arith.index_cast %parallel_loop3A_234 : i32 to index
          %parallel_loop3A_266 = arith.constant 16 : index
          %parallel_loop3A_267 = tpu.vector_load %arg15[%parallel_loop3A_265, %parallel_loop3A_266] {strides = array<i32>} : memref<80x128xf32, #tpu.memory_space<vmem>>, vector<16xf32>,
          %parallel_loop3A_268 = arith.mulf %parallel_loop3A_267, %parallel_loop3A_263 : vector<16xf32>
          %parallel_loop3A_269 = arith.index_cast %parallel_loop3A_234 : i32 to index
          %parallel_loop3A_270 = arith.constant 16 : index
          %parallel_loop3A_271 = tpu.vector_load %arg18[%parallel_loop3A_269, %parallel_loop3A_270] {strides = array<i32>} : memref<80x128xf32, #tpu.memory_space<vmem>>, vector<16xf32>,
          tpu.vector_store %arg18[%parallel_loop3A_269, %parallel_loop3A_270], %parallel_loop3A_268 {strides = array<i32>} : memref<80x128xf32, #tpu.memory_space<vmem>>, vector<16xf32>,
          %parallel_loop3A_272 = arith.index_cast %parallel_loop3A_234 : i32 to index
          %parallel_loop3A_273 = arith.constant 80 : index
          %parallel_loop3A_274 = tpu.vector_load %arg15[%parallel_loop3A_272, %parallel_loop3A_273] {strides = array<i32>} : memref<80x128xf32, #tpu.memory_space<vmem>>, vector<16xf32>,
          %parallel_loop3A_275 = arith.mulf %parallel_loop3A_274, %parallel_loop3A_264 : vector<16xf32>
          %parallel_loop3A_276 = arith.index_cast %parallel_loop3A_234 : i32 to index
          %parallel_loop3A_277 = arith.constant 80 : index
          %parallel_loop3A_278 = tpu.vector_load %arg18[%parallel_loop3A_276, %parallel_loop3A_277] {strides = array<i32>} : memref<80x128xf32, #tpu.memory_space<vmem>>, vector<16xf32>,
          tpu.vector_store %arg18[%parallel_loop3A_276, %parallel_loop3A_277], %parallel_loop3A_275 {strides = array<i32>} : memref<80x128xf32, #tpu.memory_space<vmem>>, vector<16xf32>,
          %parallel_loop3A_279 = arith.constant 32 : i32
          %parallel_loop3A_280 = arith.addi %mul3A_4, %parallel_loop3A_279 : i32
          %parallel_loop3A_281 = arith.index_cast %parallel_loop3A_234 : i32 to index
          %parallel_loop3A_282 = arith.index_cast %parallel_loop3A_280 : i32 to index
          %parallel_loop3A_283 = tpu.vector_load %arg17[%parallel_loop3A_281, %parallel_loop3A_282] {strides = array<i32>} : memref<80x128xi32, #tpu.memory_space<vmem>>, vector<16xi32>,
          %parallel_loop3A_284 = vector.bitcast %parallel_loop3A_283 : vector<16xi32> to vector<32xbf16>
          %parallel_loop3A_285 = tpu.unpack_subelements %parallel_loop3A_284, 0 {pack_format = #tpu.pack_format<interleaved>} : vector<32xbf16> -> vector<16xf32>
          %parallel_loop3A_286 = tpu.unpack_subelements %parallel_loop3A_284, 1 {pack_format = #tpu.pack_format<interleaved>} : vector<32xbf16> -> vector<16xf32>
          %parallel_loop3A_287 = arith.index_cast %parallel_loop3A_234 : i32 to index
          %parallel_loop3A_288 = arith.constant 32 : index
          %parallel_loop3A_289 = tpu.vector_load %arg15[%parallel_loop3A_287, %parallel_loop3A_288] {strides = array<i32>} : memref<80x128xf32, #tpu.memory_space<vmem>>, vector<16xf32>,
          %parallel_loop3A_290 = arith.mulf %parallel_loop3A_289, %parallel_loop3A_285 : vector<16xf32>
          %parallel_loop3A_291 = arith.index_cast %parallel_loop3A_234 : i32 to index
          %parallel_loop3A_292 = arith.constant 32 : index
          %parallel_loop3A_293 = tpu.vector_load %arg18[%parallel_loop3A_291, %parallel_loop3A_292] {strides = array<i32>} : memref<80x128xf32, #tpu.memory_space<vmem>>, vector<16xf32>,
          tpu.vector_store %arg18[%parallel_loop3A_291, %parallel_loop3A_292], %parallel_loop3A_290 {strides = array<i32>} : memref<80x128xf32, #tpu.memory_space<vmem>>, vector<16xf32>,
          %parallel_loop3A_294 = arith.index_cast %parallel_loop3A_234 : i32 to index
          %parallel_loop3A_295 = arith.constant 96 : index
          %parallel_loop3A_296 = tpu.vector_load %arg15[%parallel_loop3A_294, %parallel_loop3A_295] {strides = array<i32>} : memref<80x128xf32, #tpu.memory_space<vmem>>, vector<16xf32>,
          %parallel_loop3A_297 = arith.mulf %parallel_loop3A_296, %parallel_loop3A_286 : vector<16xf32>
          %parallel_loop3A_298 = arith.index_cast %parallel_loop3A_234 : i32 to index
          %parallel_loop3A_299 = arith.constant 96 : index
          %parallel_loop3A_300 = tpu.vector_load %arg18[%parallel_loop3A_298, %parallel_loop3A_299] {strides = array<i32>} : memref<80x128xf32, #tpu.memory_space<vmem>>, vector<16xf32>,
          tpu.vector_store %arg18[%parallel_loop3A_298, %parallel_loop3A_299], %parallel_loop3A_297 {strides = array<i32>} : memref<80x128xf32, #tpu.memory_space<vmem>>, vector<16xf32>,
          %parallel_loop3A_301 = arith.constant 48 : i32
          %parallel_loop3A_302 = arith.addi %mul3A_4, %parallel_loop3A_301 : i32
          %parallel_loop3A_303 = arith.index_cast %parallel_loop3A_234 : i32 to index
          %parallel_loop3A_304 = arith.index_cast %parallel_loop3A_302 : i32 to index
          %parallel_loop3A_305 = tpu.vector_load %arg17[%parallel_loop3A_303, %parallel_loop3A_304] {strides = array<i32>} : memref<80x128xi32, #tpu.memory_space<vmem>>, vector<16xi32>,
          %parallel_loop3A_306 = vector.bitcast %parallel_loop3A_305 : vector<16xi32> to vector<32xbf16>
          %parallel_loop3A_307 = tpu.unpack_subelements %parallel_loop3A_306, 0 {pack_format = #tpu.pack_format<interleaved>} : vector<32xbf16> -> vector<16xf32>
          %parallel_loop3A_308 = tpu.unpack_subelements %parallel_loop3A_306, 1 {pack_format = #tpu.pack_format<interleaved>} : vector<32xbf16> -> vector<16xf32>
          %parallel_loop3A_309 = arith.index_cast %parallel_loop3A_234 : i32 to index
          %parallel_loop3A_310 = arith.constant 48 : index
          %parallel_loop3A_311 = tpu.vector_load %arg15[%parallel_loop3A_309, %parallel_loop3A_310] {strides = array<i32>} : memref<80x128xf32, #tpu.memory_space<vmem>>, vector<16xf32>,
          %parallel_loop3A_312 = arith.mulf %parallel_loop3A_311, %parallel_loop3A_307 : vector<16xf32>
          %parallel_loop3A_313 = arith.index_cast %parallel_loop3A_234 : i32 to index
          %parallel_loop3A_314 = arith.constant 48 : index
          %parallel_loop3A_315 = tpu.vector_load %arg18[%parallel_loop3A_313, %parallel_loop3A_314] {strides = array<i32>} : memref<80x128xf32, #tpu.memory_space<vmem>>, vector<16xf32>,
          tpu.vector_store %arg18[%parallel_loop3A_313, %parallel_loop3A_314], %parallel_loop3A_312 {strides = array<i32>} : memref<80x128xf32, #tpu.memory_space<vmem>>, vector<16xf32>,
          %parallel_loop3A_316 = arith.index_cast %parallel_loop3A_234 : i32 to index
          %parallel_loop3A_317 = arith.constant 112 : index
          %parallel_loop3A_318 = tpu.vector_load %arg15[%parallel_loop3A_316, %parallel_loop3A_317] {strides = array<i32>} : memref<80x128xf32, #tpu.memory_space<vmem>>, vector<16xf32>,
          %parallel_loop3A_319 = arith.mulf %parallel_loop3A_318, %parallel_loop3A_308 : vector<16xf32>
          %parallel_loop3A_320 = arith.index_cast %parallel_loop3A_234 : i32 to index
          %parallel_loop3A_321 = arith.constant 112 : index
          %parallel_loop3A_322 = tpu.vector_load %arg18[%parallel_loop3A_320, %parallel_loop3A_321] {strides = array<i32>} : memref<80x128xf32, #tpu.memory_space<vmem>>, vector<16xf32>,
          tpu.vector_store %arg18[%parallel_loop3A_320, %parallel_loop3A_321], %parallel_loop3A_319 {strides = array<i32>} : memref<80x128xf32, #tpu.memory_space<vmem>>, vector<16xf32>,
        } {sc.loop_unroll_factor = 4 : i64, sc.parallel_access}
        "tpu.region"() ({
          %run_scoped3A = tpu.sem_alloc : memref<!tpu.dma_semaphore, #tpu.memory_space<semaphore_mem>>
          %dma_start3A = arith.constant 0 : i32
          %dma_start3A_234 = arith.constant 0 : i32
          %dma_start3A_235 = tpu.memref_slice %arg19[%dma_start3A, %dma_start3A_234] : memref<5128x128xf32, #tpu.memory_space<vmem_shared>> -> memref<5128x128xf32, #tpu.memory_space<vmem_shared>>
          tpu.enqueue_indirect_dma source(%arg18 : memref<80x128xf32, #tpu.memory_space<vmem>>) target(%dma_start3A_235 : memref<5128x128xf32, #tpu.memory_space<vmem_shared>>) offsets(%arg13 : memref<80xi32, #tpu.memory_space<vmem>>) semaphore(%run_scoped3A : memref<!tpu.dma_semaphore, #tpu.memory_space<semaphore_mem>>) {add = true}
          %dma_wait3A_236 = arith.constant 0 : i32
          %dma_wait3A_237 = arith.constant 0 : i32
          %dma_wait3A_238 = tpu.memref_slice %arg19[%dma_wait3A_236, %dma_wait3A_237] : memref<5128x128xf32, #tpu.memory_space<vmem_shared>> -> memref<5128x128xf32, #tpu.memory_space<vmem_shared>>
          tpu.wait_indirect_dma semaphore(%run_scoped3A : memref<!tpu.dma_semaphore, #tpu.memory_space<semaphore_mem>>) src(%arg18 : memref<80x128xf32, #tpu.memory_space<vmem>>) dst(%dma_wait3A_238 : memref<5128x128xf32, #tpu.memory_space<vmem_shared>>)
          tpu.yield
        }) : () -> ()
        %add3A_228 = arith.constant 2 : i32
        %add3A_229 = arith.addi %add3A_216, %add3A_228 : i32
        %lt3A_230 = arith.cmpi slt, %add3A_229, %select_n3A_133 : i32
        %convert_element_type3A_231 = arith.extui %lt3A_230 : i1 to i32
        %cond3A_232 = arith.constant 0 : i32
        %cond3A_233 = arith.cmpi ne, %convert_element_type3A_231, %cond3A_232 : i32
        scf.if %cond3A_233 {
          %add3A_234 = arith.constant 2 : i32
          %add3A_235 = arith.addi %add3A_216, %add3A_234 : i32
          %sub3A_236 = arith.constant 1 : i32
          %sub3A_237 = arith.subi %sub3A_105, %sub3A_236 : i32
          %max3A = arith.constant 0 : i32
          %max3A_238 = arith.maxsi %sub3A_237, %max3A : i32
          %mul3A_239 = arith.constant 80 : i32
          %mul3A_240 = arith.muli %add3A_235, %mul3A_239 : i32
          %add3A_241 = arith.constant 0 : i32
          %add3A_242 = arith.addi %mul3A_240, %add3A_241 : i32
          %iota3A = tpu.iota {dimensions = array<i32: 0>} : vector<16xi32>
          %add3A_243 = vector.broadcast %add3A_242 : i32 to vector<16xi32>
          %add3A_244 = arith.addi %add3A_243, %iota3A : vector<16xi32>
          %lt3A_245 = vector.broadcast %sub3A_105 : i32 to vector<16xi32>
          %lt3A_246 = arith.cmpi slt, %add3A_244, %lt3A_245 : vector<16xi32>
          %min3A = vector.broadcast %max3A_238 : i32 to vector<16xi32>
          %min3A_247 = arith.minsi %add3A_244, %min3A : vector<16xi32>
          %add3A_248 = vector.broadcast %scan3A_9 : i32 to vector<16xi32>
          %add3A_249 = arith.addi %min3A_247, %add3A_248 : vector<16xi32>
          %min3A_250 = arith.constant 9999 : i32
          %min3A_251 = vector.broadcast %min3A_250 : i32 to vector<16xi32>
          %min3A_252 = arith.minsi %add3A_249, %min3A_251 : vector<16xi32>
          %gather3A = tpu.vector_load_idx %arg7[%min3A_252] : memref<10016xi32, #tpu.memory_space<vmem>>[vector<16xi32>], vector<16xi32>,
          %gather3A_253 = tpu.vector_load_idx %arg6[%gather3A] : memref<10000xi32, #tpu.memory_space<vmem>>[vector<16xi32>], vector<16xi32>,
          %and3A_254 = arith.constant 65535 : i32
          %and3A_255 = vector.broadcast %and3A_254 : i32 to vector<16xi32>
          %and3A_256 = arith.andi %gather3A_253, %and3A_255 : vector<16xi32>
          %swap3A = arith.constant 0 : index
          %swap3A_257 = tpu.vector_load %arg9[%swap3A] {strides = array<i32>} : memref<80xi32, #tpu.memory_space<vmem>>, vector<16xi32>,
          tpu.vector_store %arg9[%swap3A], %and3A_256 {strides = array<i32>} : memref<80xi32, #tpu.memory_space<vmem>>, vector<16xi32>,
          %add3A_258 = vector.broadcast %mul3A_0 : i32 to vector<16xi32>
          %add3A_259 = arith.addi %add3A_258, %gather3A : vector<16xi32>
          %swap3A_260 = arith.constant 0 : index
          %swap3A_261 = tpu.vector_load %arg11[%swap3A_260] {strides = array<i32>} : memref<80xi32, #tpu.memory_space<vmem>>, vector<16xi32>,
          tpu.vector_store %arg11[%swap3A_260], %add3A_259 {strides = array<i32>} : memref<80xi32, #tpu.memory_space<vmem>>, vector<16xi32>,
          %shift_right_arithmetic3A = arith.constant 16 : i32
          %shift_right_arithmetic3A_262 = vector.broadcast %shift_right_arithmetic3A : i32 to vector<16xi32>
          %shift_right_arithmetic3A_263 = arith.shrsi %gather3A_253, %shift_right_arithmetic3A_262 : vector<16xi32>
          %sub3A_264 = arith.constant 5120 : i32
          %sub3A_265 = vector.broadcast %sub3A_264 : i32 to vector<16xi32>
          %sub3A_266 = arith.subi %shift_right_arithmetic3A_263, %sub3A_265 : vector<16xi32>
          %jit3A_267 = arith.constant 5120 : i32
          %broadcast_in_dim3A = vector.broadcast %jit3A_267 : i32 to vector<16xi32>
          %select_n3A_268 = arith.select %lt3A_246, %sub3A_266, %broadcast_in_dim3A : vector<16xi1>, vector<16xi32>
          %swap3A_269 = arith.constant 0 : index
          %swap3A_270 = tpu.vector_load %arg13[%swap3A_269] {strides = array<i32>} : memref<80xi32, #tpu.memory_space<vmem>>, vector<16xi32>,
          tpu.vector_store %arg13[%swap3A_269], %select_n3A_268 {strides = array<i32>} : memref<80xi32, #tpu.memory_space<vmem>>, vector<16xi32>,
          %mul3A_271 = arith.constant 80 : i32
          %mul3A_272 = arith.muli %add3A_235, %mul3A_271 : i32
          %add3A_273 = arith.constant 16 : i32
          %add3A_274 = arith.addi %mul3A_272, %add3A_273 : i32
          %iota3A_275 = tpu.iota {dimensions = array<i32: 0>} : vector<16xi32>
          %add3A_276 = vector.broadcast %add3A_274 : i32 to vector<16xi32>
          %add3A_277 = arith.addi %add3A_276, %iota3A_275 : vector<16xi32>
          %lt3A_278 = vector.broadcast %sub3A_105 : i32 to vector<16xi32>
          %lt3A_279 = arith.cmpi slt, %add3A_277, %lt3A_278 : vector<16xi32>
          %min3A_280 = vector.broadcast %max3A_238 : i32 to vector<16xi32>
          %min3A_281 = arith.minsi %add3A_277, %min3A_280 : vector<16xi32>
          %add3A_282 = vector.broadcast %scan3A_9 : i32 to vector<16xi32>
          %add3A_283 = arith.addi %min3A_281, %add3A_282 : vector<16xi32>
          %min3A_284 = arith.constant 9999 : i32
          %min3A_285 = vector.broadcast %min3A_284 : i32 to vector<16xi32>
          %min3A_286 = arith.minsi %add3A_283, %min3A_285 : vector<16xi32>
          %gather3A_287 = tpu.vector_load_idx %arg7[%min3A_286] : memref<10016xi32, #tpu.memory_space<vmem>>[vector<16xi32>], vector<16xi32>,
          %gather3A_288 = tpu.vector_load_idx %arg6[%gather3A_287] : memref<10000xi32, #tpu.memory_space<vmem>>[vector<16xi32>], vector<16xi32>,
          %and3A_289 = arith.constant 65535 : i32
          %and3A_290 = vector.broadcast %and3A_289 : i32 to vector<16xi32>
          %and3A_291 = arith.andi %gather3A_288, %and3A_290 : vector<16xi32>
          %swap3A_292 = arith.constant 16 : index
          %swap3A_293 = tpu.vector_load %arg9[%swap3A_292] {strides = array<i32>} : memref<80xi32, #tpu.memory_space<vmem>>, vector<16xi32>,
          tpu.vector_store %arg9[%swap3A_292], %and3A_291 {strides = array<i32>} : memref<80xi32, #tpu.memory_space<vmem>>, vector<16xi32>,
          %add3A_294 = vector.broadcast %mul3A_0 : i32 to vector<16xi32>
          %add3A_295 = arith.addi %add3A_294, %gather3A_287 : vector<16xi32>
          %swap3A_296 = arith.constant 16 : index
          %swap3A_297 = tpu.vector_load %arg11[%swap3A_296] {strides = array<i32>} : memref<80xi32, #tpu.memory_space<vmem>>, vector<16xi32>,
          tpu.vector_store %arg11[%swap3A_296], %add3A_295 {strides = array<i32>} : memref<80xi32, #tpu.memory_space<vmem>>, vector<16xi32>,
          %shift_right_arithmetic3A_298 = arith.constant 16 : i32
          %shift_right_arithmetic3A_299 = vector.broadcast %shift_right_arithmetic3A_298 : i32 to vector<16xi32>
          %shift_right_arithmetic3A_300 = arith.shrsi %gather3A_288, %shift_right_arithmetic3A_299 : vector<16xi32>
          %sub3A_301 = arith.constant 5120 : i32
          %sub3A_302 = vector.broadcast %sub3A_301 : i32 to vector<16xi32>
          %sub3A_303 = arith.subi %shift_right_arithmetic3A_300, %sub3A_302 : vector<16xi32>
          %jit3A_304 = arith.constant 5120 : i32
          %broadcast_in_dim3A_305 = vector.broadcast %jit3A_304 : i32 to vector<16xi32>
          %select_n3A_306 = arith.select %lt3A_279, %sub3A_303, %broadcast_in_dim3A_305 : vector<16xi1>, vector<16xi32>
          %swap3A_307 = arith.constant 16 : index
          %swap3A_308 = tpu.vector_load %arg13[%swap3A_307] {strides = array<i32>} : memref<80xi32, #tpu.memory_space<vmem>>, vector<16xi32>,
          tpu.vector_store %arg13[%swap3A_307], %select_n3A_306 {strides = array<i32>} : memref<80xi32, #tpu.memory_space<vmem>>, vector<16xi32>,
          %mul3A_309 = arith.constant 80 : i32
          %mul3A_310 = arith.muli %add3A_235, %mul3A_309 : i32
          %add3A_311 = arith.constant 32 : i32
          %add3A_312 = arith.addi %mul3A_310, %add3A_311 : i32
          %iota3A_313 = tpu.iota {dimensions = array<i32: 0>} : vector<16xi32>
          %add3A_314 = vector.broadcast %add3A_312 : i32 to vector<16xi32>
          %add3A_315 = arith.addi %add3A_314, %iota3A_313 : vector<16xi32>
          %lt3A_316 = vector.broadcast %sub3A_105 : i32 to vector<16xi32>
          %lt3A_317 = arith.cmpi slt, %add3A_315, %lt3A_316 : vector<16xi32>
          %min3A_318 = vector.broadcast %max3A_238 : i32 to vector<16xi32>
          %min3A_319 = arith.minsi %add3A_315, %min3A_318 : vector<16xi32>
          %add3A_320 = vector.broadcast %scan3A_9 : i32 to vector<16xi32>
          %add3A_321 = arith.addi %min3A_319, %add3A_320 : vector<16xi32>
          %min3A_322 = arith.constant 9999 : i32
          %min3A_323 = vector.broadcast %min3A_322 : i32 to vector<16xi32>
          %min3A_324 = arith.minsi %add3A_321, %min3A_323 : vector<16xi32>
          %gather3A_325 = tpu.vector_load_idx %arg7[%min3A_324] : memref<10016xi32, #tpu.memory_space<vmem>>[vector<16xi32>], vector<16xi32>,
          %gather3A_326 = tpu.vector_load_idx %arg6[%gather3A_325] : memref<10000xi32, #tpu.memory_space<vmem>>[vector<16xi32>], vector<16xi32>,
          %and3A_327 = arith.constant 65535 : i32
          %and3A_328 = vector.broadcast %and3A_327 : i32 to vector<16xi32>
          %and3A_329 = arith.andi %gather3A_326, %and3A_328 : vector<16xi32>
          %swap3A_330 = arith.constant 32 : index
          %swap3A_331 = tpu.vector_load %arg9[%swap3A_330] {strides = array<i32>} : memref<80xi32, #tpu.memory_space<vmem>>, vector<16xi32>,
          tpu.vector_store %arg9[%swap3A_330], %and3A_329 {strides = array<i32>} : memref<80xi32, #tpu.memory_space<vmem>>, vector<16xi32>,
          %add3A_332 = vector.broadcast %mul3A_0 : i32 to vector<16xi32>
          %add3A_333 = arith.addi %add3A_332, %gather3A_325 : vector<16xi32>
          %swap3A_334 = arith.constant 32 : index
          %swap3A_335 = tpu.vector_load %arg11[%swap3A_334] {strides = array<i32>} : memref<80xi32, #tpu.memory_space<vmem>>, vector<16xi32>,
          tpu.vector_store %arg11[%swap3A_334], %add3A_333 {strides = array<i32>} : memref<80xi32, #tpu.memory_space<vmem>>, vector<16xi32>,
          %shift_right_arithmetic3A_336 = arith.constant 16 : i32
          %shift_right_arithmetic3A_337 = vector.broadcast %shift_right_arithmetic3A_336 : i32 to vector<16xi32>
          %shift_right_arithmetic3A_338 = arith.shrsi %gather3A_326, %shift_right_arithmetic3A_337 : vector<16xi32>
          %sub3A_339 = arith.constant 5120 : i32
          %sub3A_340 = vector.broadcast %sub3A_339 : i32 to vector<16xi32>
          %sub3A_341 = arith.subi %shift_right_arithmetic3A_338, %sub3A_340 : vector<16xi32>
          %jit3A_342 = arith.constant 5120 : i32
          %broadcast_in_dim3A_343 = vector.broadcast %jit3A_342 : i32 to vector<16xi32>
          %select_n3A_344 = arith.select %lt3A_317, %sub3A_341, %broadcast_in_dim3A_343 : vector<16xi1>, vector<16xi32>
          %swap3A_345 = arith.constant 32 : index
          %swap3A_346 = tpu.vector_load %arg13[%swap3A_345] {strides = array<i32>} : memref<80xi32, #tpu.memory_space<vmem>>, vector<16xi32>,
          tpu.vector_store %arg13[%swap3A_345], %select_n3A_344 {strides = array<i32>} : memref<80xi32, #tpu.memory_space<vmem>>, vector<16xi32>,
          %mul3A_347 = arith.constant 80 : i32
          %mul3A_348 = arith.muli %add3A_235, %mul3A_347 : i32
          %add3A_349 = arith.constant 48 : i32
          %add3A_350 = arith.addi %mul3A_348, %add3A_349 : i32
          %iota3A_351 = tpu.iota {dimensions = array<i32: 0>} : vector<16xi32>
          %add3A_352 = vector.broadcast %add3A_350 : i32 to vector<16xi32>
          %add3A_353 = arith.addi %add3A_352, %iota3A_351 : vector<16xi32>
          %lt3A_354 = vector.broadcast %sub3A_105 : i32 to vector<16xi32>
          %lt3A_355 = arith.cmpi slt, %add3A_353, %lt3A_354 : vector<16xi32>
          %min3A_356 = vector.broadcast %max3A_238 : i32 to vector<16xi32>
          %min3A_357 = arith.minsi %add3A_353, %min3A_356 : vector<16xi32>
          %add3A_358 = vector.broadcast %scan3A_9 : i32 to vector<16xi32>
          %add3A_359 = arith.addi %min3A_357, %add3A_358 : vector<16xi32>
          %min3A_360 = arith.constant 9999 : i32
          %min3A_361 = vector.broadcast %min3A_360 : i32 to vector<16xi32>
          %min3A_362 = arith.minsi %add3A_359, %min3A_361 : vector<16xi32>
          %gather3A_363 = tpu.vector_load_idx %arg7[%min3A_362] : memref<10016xi32, #tpu.memory_space<vmem>>[vector<16xi32>], vector<16xi32>,
          %gather3A_364 = tpu.vector_load_idx %arg6[%gather3A_363] : memref<10000xi32, #tpu.memory_space<vmem>>[vector<16xi32>], vector<16xi32>,
          %and3A_365 = arith.constant 65535 : i32
          %and3A_366 = vector.broadcast %and3A_365 : i32 to vector<16xi32>
          %and3A_367 = arith.andi %gather3A_364, %and3A_366 : vector<16xi32>
          %swap3A_368 = arith.constant 48 : index
          %swap3A_369 = tpu.vector_load %arg9[%swap3A_368] {strides = array<i32>} : memref<80xi32, #tpu.memory_space<vmem>>, vector<16xi32>,
          tpu.vector_store %arg9[%swap3A_368], %and3A_367 {strides = array<i32>} : memref<80xi32, #tpu.memory_space<vmem>>, vector<16xi32>,
          %add3A_370 = vector.broadcast %mul3A_0 : i32 to vector<16xi32>
          %add3A_371 = arith.addi %add3A_370, %gather3A_363 : vector<16xi32>
          %swap3A_372 = arith.constant 48 : index
          %swap3A_373 = tpu.vector_load %arg11[%swap3A_372] {strides = array<i32>} : memref<80xi32, #tpu.memory_space<vmem>>, vector<16xi32>,
          tpu.vector_store %arg11[%swap3A_372], %add3A_371 {strides = array<i32>} : memref<80xi32, #tpu.memory_space<vmem>>, vector<16xi32>,
          %shift_right_arithmetic3A_374 = arith.constant 16 : i32
          %shift_right_arithmetic3A_375 = vector.broadcast %shift_right_arithmetic3A_374 : i32 to vector<16xi32>
          %shift_right_arithmetic3A_376 = arith.shrsi %gather3A_364, %shift_right_arithmetic3A_375 : vector<16xi32>
          %sub3A_377 = arith.constant 5120 : i32
          %sub3A_378 = vector.broadcast %sub3A_377 : i32 to vector<16xi32>
          %sub3A_379 = arith.subi %shift_right_arithmetic3A_376, %sub3A_378 : vector<16xi32>
          %jit3A_380 = arith.constant 5120 : i32
          %broadcast_in_dim3A_381 = vector.broadcast %jit3A_380 : i32 to vector<16xi32>
          %select_n3A_382 = arith.select %lt3A_355, %sub3A_379, %broadcast_in_dim3A_381 : vector<16xi1>, vector<16xi32>
          %swap3A_383 = arith.constant 48 : index
          %swap3A_384 = tpu.vector_load %arg13[%swap3A_383] {strides = array<i32>} : memref<80xi32, #tpu.memory_space<vmem>>, vector<16xi32>,
          tpu.vector_store %arg13[%swap3A_383], %select_n3A_382 {strides = array<i32>} : memref<80xi32, #tpu.memory_space<vmem>>, vector<16xi32>,
          %mul3A_385 = arith.constant 80 : i32
          %mul3A_386 = arith.muli %add3A_235, %mul3A_385 : i32
          %add3A_387 = arith.constant 64 : i32
          %add3A_388 = arith.addi %mul3A_386, %add3A_387 : i32
          %iota3A_389 = tpu.iota {dimensions = array<i32: 0>} : vector<16xi32>
          %add3A_390 = vector.broadcast %add3A_388 : i32 to vector<16xi32>
          %add3A_391 = arith.addi %add3A_390, %iota3A_389 : vector<16xi32>
          %lt3A_392 = vector.broadcast %sub3A_105 : i32 to vector<16xi32>
          %lt3A_393 = arith.cmpi slt, %add3A_391, %lt3A_392 : vector<16xi32>
          %min3A_394 = vector.broadcast %max3A_238 : i32 to vector<16xi32>
          %min3A_395 = arith.minsi %add3A_391, %min3A_394 : vector<16xi32>
          %add3A_396 = vector.broadcast %scan3A_9 : i32 to vector<16xi32>
          %add3A_397 = arith.addi %min3A_395, %add3A_396 : vector<16xi32>
          %min3A_398 = arith.constant 9999 : i32
          %min3A_399 = vector.broadcast %min3A_398 : i32 to vector<16xi32>
          %min3A_400 = arith.minsi %add3A_397, %min3A_399 : vector<16xi32>
          %gather3A_401 = tpu.vector_load_idx %arg7[%min3A_400] : memref<10016xi32, #tpu.memory_space<vmem>>[vector<16xi32>], vector<16xi32>,
          %gather3A_402 = tpu.vector_load_idx %arg6[%gather3A_401] : memref<10000xi32, #tpu.memory_space<vmem>>[vector<16xi32>], vector<16xi32>,
          %and3A_403 = arith.constant 65535 : i32
          %and3A_404 = vector.broadcast %and3A_403 : i32 to vector<16xi32>
          %and3A_405 = arith.andi %gather3A_402, %and3A_404 : vector<16xi32>
          %swap3A_406 = arith.constant 64 : index
          %swap3A_407 = tpu.vector_load %arg9[%swap3A_406] {strides = array<i32>} : memref<80xi32, #tpu.memory_space<vmem>>, vector<16xi32>,
          tpu.vector_store %arg9[%swap3A_406], %and3A_405 {strides = array<i32>} : memref<80xi32, #tpu.memory_space<vmem>>, vector<16xi32>,
          %add3A_408 = vector.broadcast %mul3A_0 : i32 to vector<16xi32>
          %add3A_409 = arith.addi %add3A_408, %gather3A_401 : vector<16xi32>
          %swap3A_410 = arith.constant 64 : index
          %swap3A_411 = tpu.vector_load %arg11[%swap3A_410] {strides = array<i32>} : memref<80xi32, #tpu.memory_space<vmem>>, vector<16xi32>,
          tpu.vector_store %arg11[%swap3A_410], %add3A_409 {strides = array<i32>} : memref<80xi32, #tpu.memory_space<vmem>>, vector<16xi32>,
          %shift_right_arithmetic3A_412 = arith.constant 16 : i32
          %shift_right_arithmetic3A_413 = vector.broadcast %shift_right_arithmetic3A_412 : i32 to vector<16xi32>
          %shift_right_arithmetic3A_414 = arith.shrsi %gather3A_402, %shift_right_arithmetic3A_413 : vector<16xi32>
          %sub3A_415 = arith.constant 5120 : i32
          %sub3A_416 = vector.broadcast %sub3A_415 : i32 to vector<16xi32>
          %sub3A_417 = arith.subi %shift_right_arithmetic3A_414, %sub3A_416 : vector<16xi32>
          %jit3A_418 = arith.constant 5120 : i32
          %broadcast_in_dim3A_419 = vector.broadcast %jit3A_418 : i32 to vector<16xi32>
          %select_n3A_420 = arith.select %lt3A_393, %sub3A_417, %broadcast_in_dim3A_419 : vector<16xi1>, vector<16xi32>
          %swap3A_421 = arith.constant 64 : index
          %swap3A_422 = tpu.vector_load %arg13[%swap3A_421] {strides = array<i32>} : memref<80xi32, #tpu.memory_space<vmem>>, vector<16xi32>,
          tpu.vector_store %arg13[%swap3A_421], %select_n3A_420 {strides = array<i32>} : memref<80xi32, #tpu.memory_space<vmem>>, vector<16xi32>,
          %dma_start3A = arith.constant 0 : i32
          %dma_start3A_423 = arith.constant 0 : i32
          %dma_start3A_424 = tpu.memref_slice %arg2[%dma_start3A, %dma_start3A_423] : memref<10000x128xf32, #tpu.memory_space<hbm>> -> memref<10000x128xf32, #tpu.memory_space<hbm>>
          tpu.enqueue_indirect_dma source(%dma_start3A_424 : memref<10000x128xf32, #tpu.memory_space<hbm>>) target(%arg15 : memref<80x128xf32, #tpu.memory_space<vmem>>) offsets(%arg9 : memref<80xi32, #tpu.memory_space<vmem>>) semaphore(%arg21 : memref<!tpu.dma_semaphore, #tpu.memory_space<semaphore_mem>>)
          %dma_start3A_425 = arith.constant 0 : i32
          %dma_start3A_426 = arith.constant 0 : i32
          %dma_start3A_427 = tpu.memref_slice %arg4[%dma_start3A_425, %dma_start3A_426] : memref<160000x128xi32, #tpu.memory_space<hbm>> -> memref<160000x128xi32, #tpu.memory_space<hbm>>
          tpu.enqueue_indirect_dma source(%dma_start3A_427 : memref<160000x128xi32, #tpu.memory_space<hbm>>) target(%arg17 : memref<80x128xi32, #tpu.memory_space<vmem>>) offsets(%arg11 : memref<80xi32, #tpu.memory_space<vmem>>) semaphore(%arg21 : memref<!tpu.dma_semaphore, #tpu.memory_space<semaphore_mem>>)
        } else {
        }
      } else {
      }
    }
    %while3A_199 = arith.constant 1 : i32
    scf.for %while3A_207 = %while3A_197 to %while3A_193 step %while3A_199  : i32 {
      %mul3A_208 = arith.constant 2 : i32
      %mul3A_209 = arith.muli %mul3A_208, %while3A_207 : i32
      %add3A_210 = arith.constant 0 : i32
      %add3A_211 = arith.addi %mul3A_209, %add3A_210 : i32
      %lt3A = arith.cmpi slt, %add3A_211, %select_n3A_133 : i32
      %convert_element_type3A_212 = arith.extui %lt3A : i1 to i32
      %cond3A_213 = arith.constant 0 : i32
      %cond3A_214 = arith.cmpi ne, %convert_element_type3A_212, %cond3A_213 : i32
      scf.if %cond3A_214 {
        %dma_wait3A = arith.constant 0 : i32
        %dma_wait3A_221 = arith.constant 0 : i32
        %dma_wait3A_222 = tpu.memref_slice %arg2[%dma_wait3A, %dma_wait3A_221] : memref<10000x128xf32, #tpu.memory_space<hbm>> -> memref<10000x128xf32, #tpu.memory_space<hbm>>
        tpu.wait_indirect_dma semaphore(%arg20 : memref<!tpu.dma_semaphore, #tpu.memory_space<semaphore_mem>>) src(%dma_wait3A_222 : memref<10000x128xf32, #tpu.memory_space<hbm>>) dst(%arg14 : memref<80x128xf32, #tpu.memory_space<vmem>>)
        %dma_wait3A_223 = arith.constant 0 : i32
        %dma_wait3A_224 = arith.constant 0 : i32
        %dma_wait3A_225 = tpu.memref_slice %arg4[%dma_wait3A_223, %dma_wait3A_224] : memref<160000x128xi32, #tpu.memory_space<hbm>> -> memref<160000x128xi32, #tpu.memory_space<hbm>>
        tpu.wait_indirect_dma semaphore(%arg20 : memref<!tpu.dma_semaphore, #tpu.memory_space<semaphore_mem>>) src(%dma_wait3A_225 : memref<160000x128xi32, #tpu.memory_space<hbm>>) dst(%arg16 : memref<80x128xi32, #tpu.memory_space<vmem>>)
        %parallel_loop3A = arith.constant 0 : i32
        %parallel_loop3A_226 = arith.constant 80 : i32
        %parallel_loop3A_227 = arith.constant 1 : i32
        scf.for %parallel_loop3A_234 = %parallel_loop3A to %parallel_loop3A_226 step %parallel_loop3A_227  : i32 {
          %parallel_loop3A_235 = arith.constant 0 : i32
          %parallel_loop3A_236 = arith.addi %mul3A_4, %parallel_loop3A_235 : i32
          %parallel_loop3A_237 = arith.index_cast %parallel_loop3A_234 : i32 to index
          %parallel_loop3A_238 = arith.index_cast %parallel_loop3A_236 : i32 to index
          %parallel_loop3A_239 = tpu.vector_load %arg16[%parallel_loop3A_237, %parallel_loop3A_238] {strides = array<i32>} : memref<80x128xi32, #tpu.memory_space<vmem>>, vector<16xi32>,
          %parallel_loop3A_240 = vector.bitcast %parallel_loop3A_239 : vector<16xi32> to vector<32xbf16>
          %parallel_loop3A_241 = tpu.unpack_subelements %parallel_loop3A_240, 0 {pack_format = #tpu.pack_format<interleaved>} : vector<32xbf16> -> vector<16xf32>
          %parallel_loop3A_242 = tpu.unpack_subelements %parallel_loop3A_240, 1 {pack_format = #tpu.pack_format<interleaved>} : vector<32xbf16> -> vector<16xf32>
          %parallel_loop3A_243 = arith.index_cast %parallel_loop3A_234 : i32 to index
          %parallel_loop3A_244 = arith.constant 0 : index
          %parallel_loop3A_245 = tpu.vector_load %arg14[%parallel_loop3A_243, %parallel_loop3A_244] {strides = array<i32>} : memref<80x128xf32, #tpu.memory_space<vmem>>, vector<16xf32>,
          %parallel_loop3A_246 = arith.mulf %parallel_loop3A_245, %parallel_loop3A_241 : vector<16xf32>
          %parallel_loop3A_247 = arith.index_cast %parallel_loop3A_234 : i32 to index
          %parallel_loop3A_248 = arith.constant 0 : index
          %parallel_loop3A_249 = tpu.vector_load %arg18[%parallel_loop3A_247, %parallel_loop3A_248] {strides = array<i32>} : memref<80x128xf32, #tpu.memory_space<vmem>>, vector<16xf32>,
          tpu.vector_store %arg18[%parallel_loop3A_247, %parallel_loop3A_248], %parallel_loop3A_246 {strides = array<i32>} : memref<80x128xf32, #tpu.memory_space<vmem>>, vector<16xf32>,
          %parallel_loop3A_250 = arith.index_cast %parallel_loop3A_234 : i32 to index
          %parallel_loop3A_251 = arith.constant 64 : index
          %parallel_loop3A_252 = tpu.vector_load %arg14[%parallel_loop3A_250, %parallel_loop3A_251] {strides = array<i32>} : memref<80x128xf32, #tpu.memory_space<vmem>>, vector<16xf32>,
          %parallel_loop3A_253 = arith.mulf %parallel_loop3A_252, %parallel_loop3A_242 : vector<16xf32>
          %parallel_loop3A_254 = arith.index_cast %parallel_loop3A_234 : i32 to index
          %parallel_loop3A_255 = arith.constant 64 : index
          %parallel_loop3A_256 = tpu.vector_load %arg18[%parallel_loop3A_254, %parallel_loop3A_255] {strides = array<i32>} : memref<80x128xf32, #tpu.memory_space<vmem>>, vector<16xf32>,
          tpu.vector_store %arg18[%parallel_loop3A_254, %parallel_loop3A_255], %parallel_loop3A_253 {strides = array<i32>} : memref<80x128xf32, #tpu.memory_space<vmem>>, vector<16xf32>,
          %parallel_loop3A_257 = arith.constant 16 : i32
          %parallel_loop3A_258 = arith.addi %mul3A_4, %parallel_loop3A_257 : i32
          %parallel_loop3A_259 = arith.index_cast %parallel_loop3A_234 : i32 to index
          %parallel_loop3A_260 = arith.index_cast %parallel_loop3A_258 : i32 to index
          %parallel_loop3A_261 = tpu.vector_load %arg16[%parallel_loop3A_259, %parallel_loop3A_260] {strides = array<i32>} : memref<80x128xi32, #tpu.memory_space<vmem>>, vector<16xi32>,
          %parallel_loop3A_262 = vector.bitcast %parallel_loop3A_261 : vector<16xi32> to vector<32xbf16>
          %parallel_loop3A_263 = tpu.unpack_subelements %parallel_loop3A_262, 0 {pack_format = #tpu.pack_format<interleaved>} : vector<32xbf16> -> vector<16xf32>
          %parallel_loop3A_264 = tpu.unpack_subelements %parallel_loop3A_262, 1 {pack_format = #tpu.pack_format<interleaved>} : vector<32xbf16> -> vector<16xf32>
          %parallel_loop3A_265 = arith.index_cast %parallel_loop3A_234 : i32 to index
          %parallel_loop3A_266 = arith.constant 16 : index
          %parallel_loop3A_267 = tpu.vector_load %arg14[%parallel_loop3A_265, %parallel_loop3A_266] {strides = array<i32>} : memref<80x128xf32, #tpu.memory_space<vmem>>, vector<16xf32>,
          %parallel_loop3A_268 = arith.mulf %parallel_loop3A_267, %parallel_loop3A_263 : vector<16xf32>
          %parallel_loop3A_269 = arith.index_cast %parallel_loop3A_234 : i32 to index
          %parallel_loop3A_270 = arith.constant 16 : index
          %parallel_loop3A_271 = tpu.vector_load %arg18[%parallel_loop3A_269, %parallel_loop3A_270] {strides = array<i32>} : memref<80x128xf32, #tpu.memory_space<vmem>>, vector<16xf32>,
          tpu.vector_store %arg18[%parallel_loop3A_269, %parallel_loop3A_270], %parallel_loop3A_268 {strides = array<i32>} : memref<80x128xf32, #tpu.memory_space<vmem>>, vector<16xf32>,
          %parallel_loop3A_272 = arith.index_cast %parallel_loop3A_234 : i32 to index
          %parallel_loop3A_273 = arith.constant 80 : index
          %parallel_loop3A_274 = tpu.vector_load %arg14[%parallel_loop3A_272, %parallel_loop3A_273] {strides = array<i32>} : memref<80x128xf32, #tpu.memory_space<vmem>>, vector<16xf32>,
          %parallel_loop3A_275 = arith.mulf %parallel_loop3A_274, %parallel_loop3A_264 : vector<16xf32>
          %parallel_loop3A_276 = arith.index_cast %parallel_loop3A_234 : i32 to index
          %parallel_loop3A_277 = arith.constant 80 : index
          %parallel_loop3A_278 = tpu.vector_load %arg18[%parallel_loop3A_276, %parallel_loop3A_277] {strides = array<i32>} : memref<80x128xf32, #tpu.memory_space<vmem>>, vector<16xf32>,
          tpu.vector_store %arg18[%parallel_loop3A_276, %parallel_loop3A_277], %parallel_loop3A_275 {strides = array<i32>} : memref<80x128xf32, #tpu.memory_space<vmem>>, vector<16xf32>,
          %parallel_loop3A_279 = arith.constant 32 : i32
          %parallel_loop3A_280 = arith.addi %mul3A_4, %parallel_loop3A_279 : i32
          %parallel_loop3A_281 = arith.index_cast %parallel_loop3A_234 : i32 to index
          %parallel_loop3A_282 = arith.index_cast %parallel_loop3A_280 : i32 to index
          %parallel_loop3A_283 = tpu.vector_load %arg16[%parallel_loop3A_281, %parallel_loop3A_282] {strides = array<i32>} : memref<80x128xi32, #tpu.memory_space<vmem>>, vector<16xi32>,
          %parallel_loop3A_284 = vector.bitcast %parallel_loop3A_283 : vector<16xi32> to vector<32xbf16>
          %parallel_loop3A_285 = tpu.unpack_subelements %parallel_loop3A_284, 0 {pack_format = #tpu.pack_format<interleaved>} : vector<32xbf16> -> vector<16xf32>
          %parallel_loop3A_286 = tpu.unpack_subelements %parallel_loop3A_284, 1 {pack_format = #tpu.pack_format<interleaved>} : vector<32xbf16> -> vector<16xf32>
          %parallel_loop3A_287 = arith.index_cast %parallel_loop3A_234 : i32 to index
          %parallel_loop3A_288 = arith.constant 32 : index
          %parallel_loop3A_289 = tpu.vector_load %arg14[%parallel_loop3A_287, %parallel_loop3A_288] {strides = array<i32>} : memref<80x128xf32, #tpu.memory_space<vmem>>, vector<16xf32>,
          %parallel_loop3A_290 = arith.mulf %parallel_loop3A_289, %parallel_loop3A_285 : vector<16xf32>
          %parallel_loop3A_291 = arith.index_cast %parallel_loop3A_234 : i32 to index
          %parallel_loop3A_292 = arith.constant 32 : index
          %parallel_loop3A_293 = tpu.vector_load %arg18[%parallel_loop3A_291, %parallel_loop3A_292] {strides = array<i32>} : memref<80x128xf32, #tpu.memory_space<vmem>>, vector<16xf32>,
          tpu.vector_store %arg18[%parallel_loop3A_291, %parallel_loop3A_292], %parallel_loop3A_290 {strides = array<i32>} : memref<80x128xf32, #tpu.memory_space<vmem>>, vector<16xf32>,
          %parallel_loop3A_294 = arith.index_cast %parallel_loop3A_234 : i32 to index
          %parallel_loop3A_295 = arith.constant 96 : index
          %parallel_loop3A_296 = tpu.vector_load %arg14[%parallel_loop3A_294, %parallel_loop3A_295] {strides = array<i32>} : memref<80x128xf32, #tpu.memory_space<vmem>>, vector<16xf32>,
          %parallel_loop3A_297 = arith.mulf %parallel_loop3A_296, %parallel_loop3A_286 : vector<16xf32>
          %parallel_loop3A_298 = arith.index_cast %parallel_loop3A_234 : i32 to index
          %parallel_loop3A_299 = arith.constant 96 : index
          %parallel_loop3A_300 = tpu.vector_load %arg18[%parallel_loop3A_298, %parallel_loop3A_299] {strides = array<i32>} : memref<80x128xf32, #tpu.memory_space<vmem>>, vector<16xf32>,
          tpu.vector_store %arg18[%parallel_loop3A_298, %parallel_loop3A_299], %parallel_loop3A_297 {strides = array<i32>} : memref<80x128xf32, #tpu.memory_space<vmem>>, vector<16xf32>,
          %parallel_loop3A_301 = arith.constant 48 : i32
          %parallel_loop3A_302 = arith.addi %mul3A_4, %parallel_loop3A_301 : i32
          %parallel_loop3A_303 = arith.index_cast %parallel_loop3A_234 : i32 to index
          %parallel_loop3A_304 = arith.index_cast %parallel_loop3A_302 : i32 to index
          %parallel_loop3A_305 = tpu.vector_load %arg16[%parallel_loop3A_303, %parallel_loop3A_304] {strides = array<i32>} : memref<80x128xi32, #tpu.memory_space<vmem>>, vector<16xi32>,
          %parallel_loop3A_306 = vector.bitcast %parallel_loop3A_305 : vector<16xi32> to vector<32xbf16>
          %parallel_loop3A_307 = tpu.unpack_subelements %parallel_loop3A_306, 0 {pack_format = #tpu.pack_format<interleaved>} : vector<32xbf16> -> vector<16xf32>
          %parallel_loop3A_308 = tpu.unpack_subelements %parallel_loop3A_306, 1 {pack_format = #tpu.pack_format<interleaved>} : vector<32xbf16> -> vector<16xf32>
          %parallel_loop3A_309 = arith.index_cast %parallel_loop3A_234 : i32 to index
          %parallel_loop3A_310 = arith.constant 48 : index
          %parallel_loop3A_311 = tpu.vector_load %arg14[%parallel_loop3A_309, %parallel_loop3A_310] {strides = array<i32>} : memref<80x128xf32, #tpu.memory_space<vmem>>, vector<16xf32>,
          %parallel_loop3A_312 = arith.mulf %parallel_loop3A_311, %parallel_loop3A_307 : vector<16xf32>
          %parallel_loop3A_313 = arith.index_cast %parallel_loop3A_234 : i32 to index
          %parallel_loop3A_314 = arith.constant 48 : index
          %parallel_loop3A_315 = tpu.vector_load %arg18[%parallel_loop3A_313, %parallel_loop3A_314] {strides = array<i32>} : memref<80x128xf32, #tpu.memory_space<vmem>>, vector<16xf32>,
          tpu.vector_store %arg18[%parallel_loop3A_313, %parallel_loop3A_314], %parallel_loop3A_312 {strides = array<i32>} : memref<80x128xf32, #tpu.memory_space<vmem>>, vector<16xf32>,
          %parallel_loop3A_316 = arith.index_cast %parallel_loop3A_234 : i32 to index
          %parallel_loop3A_317 = arith.constant 112 : index
          %parallel_loop3A_318 = tpu.vector_load %arg14[%parallel_loop3A_316, %parallel_loop3A_317] {strides = array<i32>} : memref<80x128xf32, #tpu.memory_space<vmem>>, vector<16xf32>,
          %parallel_loop3A_319 = arith.mulf %parallel_loop3A_318, %parallel_loop3A_308 : vector<16xf32>
          %parallel_loop3A_320 = arith.index_cast %parallel_loop3A_234 : i32 to index
          %parallel_loop3A_321 = arith.constant 112 : index
          %parallel_loop3A_322 = tpu.vector_load %arg18[%parallel_loop3A_320, %parallel_loop3A_321] {strides = array<i32>} : memref<80x128xf32, #tpu.memory_space<vmem>>, vector<16xf32>,
          tpu.vector_store %arg18[%parallel_loop3A_320, %parallel_loop3A_321], %parallel_loop3A_319 {strides = array<i32>} : memref<80x128xf32, #tpu.memory_space<vmem>>, vector<16xf32>,
        } {sc.loop_unroll_factor = 4 : i64, sc.parallel_access}
        "tpu.region"() ({
          %run_scoped3A = tpu.sem_alloc : memref<!tpu.dma_semaphore, #tpu.memory_space<semaphore_mem>>
          %dma_start3A = arith.constant 0 : i32
          %dma_start3A_234 = arith.constant 0 : i32
          %dma_start3A_235 = tpu.memref_slice %arg19[%dma_start3A, %dma_start3A_234] : memref<5128x128xf32, #tpu.memory_space<vmem_shared>> -> memref<5128x128xf32, #tpu.memory_space<vmem_shared>>
          tpu.enqueue_indirect_dma source(%arg18 : memref<80x128xf32, #tpu.memory_space<vmem>>) target(%dma_start3A_235 : memref<5128x128xf32, #tpu.memory_space<vmem_shared>>) offsets(%arg12 : memref<80xi32, #tpu.memory_space<vmem>>) semaphore(%run_scoped3A : memref<!tpu.dma_semaphore, #tpu.memory_space<semaphore_mem>>) {add = true}
          %dma_wait3A_236 = arith.constant 0 : i32
          %dma_wait3A_237 = arith.constant 0 : i32
          %dma_wait3A_238 = tpu.memref_slice %arg19[%dma_wait3A_236, %dma_wait3A_237] : memref<5128x128xf32, #tpu.memory_space<vmem_shared>> -> memref<5128x128xf32, #tpu.memory_space<vmem_shared>>
          tpu.wait_indirect_dma semaphore(%run_scoped3A : memref<!tpu.dma_semaphore, #tpu.memory_space<semaphore_mem>>) src(%arg18 : memref<80x128xf32, #tpu.memory_space<vmem>>) dst(%dma_wait3A_238 : memref<5128x128xf32, #tpu.memory_space<vmem_shared>>)
          tpu.yield
        }) : () -> ()
        %add3A_228 = arith.constant 2 : i32
        %add3A_229 = arith.addi %add3A_211, %add3A_228 : i32
        %lt3A_230 = arith.cmpi slt, %add3A_229, %select_n3A_133 : i32
        %convert_element_type3A_231 = arith.extui %lt3A_230 : i1 to i32
        %cond3A_232 = arith.constant 0 : i32
        %cond3A_233 = arith.cmpi ne, %convert_element_type3A_231, %cond3A_232 : i32
        scf.if %cond3A_233 {
          %add3A_234 = arith.constant 2 : i32
          %add3A_235 = arith.addi %add3A_211, %add3A_234 : i32
          %sub3A_236 = arith.constant 1 : i32
          %sub3A_237 = arith.subi %sub3A_105, %sub3A_236 : i32
          %max3A = arith.constant 0 : i32
          %max3A_238 = arith.maxsi %sub3A_237, %max3A : i32
          %mul3A_239 = arith.constant 80 : i32
          %mul3A_240 = arith.muli %add3A_235, %mul3A_239 : i32
          %add3A_241 = arith.constant 0 : i32
          %add3A_242 = arith.addi %mul3A_240, %add3A_241 : i32
          %iota3A = tpu.iota {dimensions = array<i32: 0>} : vector<16xi32>
          %add3A_243 = vector.broadcast %add3A_242 : i32 to vector<16xi32>
          %add3A_244 = arith.addi %add3A_243, %iota3A : vector<16xi32>
          %lt3A_245 = vector.broadcast %sub3A_105 : i32 to vector<16xi32>
          %lt3A_246 = arith.cmpi slt, %add3A_244, %lt3A_245 : vector<16xi32>
          %min3A = vector.broadcast %max3A_238 : i32 to vector<16xi32>
          %min3A_247 = arith.minsi %add3A_244, %min3A : vector<16xi32>
          %add3A_248 = vector.broadcast %scan3A_9 : i32 to vector<16xi32>
          %add3A_249 = arith.addi %min3A_247, %add3A_248 : vector<16xi32>
          %min3A_250 = arith.constant 9999 : i32
          %min3A_251 = vector.broadcast %min3A_250 : i32 to vector<16xi32>
          %min3A_252 = arith.minsi %add3A_249, %min3A_251 : vector<16xi32>
          %gather3A = tpu.vector_load_idx %arg7[%min3A_252] : memref<10016xi32, #tpu.memory_space<vmem>>[vector<16xi32>], vector<16xi32>,
          %gather3A_253 = tpu.vector_load_idx %arg6[%gather3A] : memref<10000xi32, #tpu.memory_space<vmem>>[vector<16xi32>], vector<16xi32>,
          %and3A_254 = arith.constant 65535 : i32
          %and3A_255 = vector.broadcast %and3A_254 : i32 to vector<16xi32>
          %and3A_256 = arith.andi %gather3A_253, %and3A_255 : vector<16xi32>
          %swap3A = arith.constant 0 : index
          %swap3A_257 = tpu.vector_load %arg8[%swap3A] {strides = array<i32>} : memref<80xi32, #tpu.memory_space<vmem>>, vector<16xi32>,
          tpu.vector_store %arg8[%swap3A], %and3A_256 {strides = array<i32>} : memref<80xi32, #tpu.memory_space<vmem>>, vector<16xi32>,
          %add3A_258 = vector.broadcast %mul3A_0 : i32 to vector<16xi32>
          %add3A_259 = arith.addi %add3A_258, %gather3A : vector<16xi32>
          %swap3A_260 = arith.constant 0 : index
          %swap3A_261 = tpu.vector_load %arg10[%swap3A_260] {strides = array<i32>} : memref<80xi32, #tpu.memory_space<vmem>>, vector<16xi32>,
          tpu.vector_store %arg10[%swap3A_260], %add3A_259 {strides = array<i32>} : memref<80xi32, #tpu.memory_space<vmem>>, vector<16xi32>,
          %shift_right_arithmetic3A = arith.constant 16 : i32
          %shift_right_arithmetic3A_262 = vector.broadcast %shift_right_arithmetic3A : i32 to vector<16xi32>
          %shift_right_arithmetic3A_263 = arith.shrsi %gather3A_253, %shift_right_arithmetic3A_262 : vector<16xi32>
          %sub3A_264 = arith.constant 5120 : i32
          %sub3A_265 = vector.broadcast %sub3A_264 : i32 to vector<16xi32>
          %sub3A_266 = arith.subi %shift_right_arithmetic3A_263, %sub3A_265 : vector<16xi32>
          %jit3A_267 = arith.constant 5120 : i32
          %broadcast_in_dim3A = vector.broadcast %jit3A_267 : i32 to vector<16xi32>
          %select_n3A_268 = arith.select %lt3A_246, %sub3A_266, %broadcast_in_dim3A : vector<16xi1>, vector<16xi32>
          %swap3A_269 = arith.constant 0 : index
          %swap3A_270 = tpu.vector_load %arg12[%swap3A_269] {strides = array<i32>} : memref<80xi32, #tpu.memory_space<vmem>>, vector<16xi32>,
          tpu.vector_store %arg12[%swap3A_269], %select_n3A_268 {strides = array<i32>} : memref<80xi32, #tpu.memory_space<vmem>>, vector<16xi32>,
          %mul3A_271 = arith.constant 80 : i32
          %mul3A_272 = arith.muli %add3A_235, %mul3A_271 : i32
          %add3A_273 = arith.constant 16 : i32
          %add3A_274 = arith.addi %mul3A_272, %add3A_273 : i32
          %iota3A_275 = tpu.iota {dimensions = array<i32: 0>} : vector<16xi32>
          %add3A_276 = vector.broadcast %add3A_274 : i32 to vector<16xi32>
          %add3A_277 = arith.addi %add3A_276, %iota3A_275 : vector<16xi32>
          %lt3A_278 = vector.broadcast %sub3A_105 : i32 to vector<16xi32>
          %lt3A_279 = arith.cmpi slt, %add3A_277, %lt3A_278 : vector<16xi32>
          %min3A_280 = vector.broadcast %max3A_238 : i32 to vector<16xi32>
          %min3A_281 = arith.minsi %add3A_277, %min3A_280 : vector<16xi32>
          %add3A_282 = vector.broadcast %scan3A_9 : i32 to vector<16xi32>
          %add3A_283 = arith.addi %min3A_281, %add3A_282 : vector<16xi32>
          %min3A_284 = arith.constant 9999 : i32
          %min3A_285 = vector.broadcast %min3A_284 : i32 to vector<16xi32>
          %min3A_286 = arith.minsi %add3A_283, %min3A_285 : vector<16xi32>
          %gather3A_287 = tpu.vector_load_idx %arg7[%min3A_286] : memref<10016xi32, #tpu.memory_space<vmem>>[vector<16xi32>], vector<16xi32>,
          %gather3A_288 = tpu.vector_load_idx %arg6[%gather3A_287] : memref<10000xi32, #tpu.memory_space<vmem>>[vector<16xi32>], vector<16xi32>,
          %and3A_289 = arith.constant 65535 : i32
          %and3A_290 = vector.broadcast %and3A_289 : i32 to vector<16xi32>
          %and3A_291 = arith.andi %gather3A_288, %and3A_290 : vector<16xi32>
          %swap3A_292 = arith.constant 16 : index
          %swap3A_293 = tpu.vector_load %arg8[%swap3A_292] {strides = array<i32>} : memref<80xi32, #tpu.memory_space<vmem>>, vector<16xi32>,
          tpu.vector_store %arg8[%swap3A_292], %and3A_291 {strides = array<i32>} : memref<80xi32, #tpu.memory_space<vmem>>, vector<16xi32>,
          %add3A_294 = vector.broadcast %mul3A_0 : i32 to vector<16xi32>
          %add3A_295 = arith.addi %add3A_294, %gather3A_287 : vector<16xi32>
          %swap3A_296 = arith.constant 16 : index
          %swap3A_297 = tpu.vector_load %arg10[%swap3A_296] {strides = array<i32>} : memref<80xi32, #tpu.memory_space<vmem>>, vector<16xi32>,
          tpu.vector_store %arg10[%swap3A_296], %add3A_295 {strides = array<i32>} : memref<80xi32, #tpu.memory_space<vmem>>, vector<16xi32>,
          %shift_right_arithmetic3A_298 = arith.constant 16 : i32
          %shift_right_arithmetic3A_299 = vector.broadcast %shift_right_arithmetic3A_298 : i32 to vector<16xi32>
          %shift_right_arithmetic3A_300 = arith.shrsi %gather3A_288, %shift_right_arithmetic3A_299 : vector<16xi32>
          %sub3A_301 = arith.constant 5120 : i32
          %sub3A_302 = vector.broadcast %sub3A_301 : i32 to vector<16xi32>
          %sub3A_303 = arith.subi %shift_right_arithmetic3A_300, %sub3A_302 : vector<16xi32>
          %jit3A_304 = arith.constant 5120 : i32
          %broadcast_in_dim3A_305 = vector.broadcast %jit3A_304 : i32 to vector<16xi32>
          %select_n3A_306 = arith.select %lt3A_279, %sub3A_303, %broadcast_in_dim3A_305 : vector<16xi1>, vector<16xi32>
          %swap3A_307 = arith.constant 16 : index
          %swap3A_308 = tpu.vector_load %arg12[%swap3A_307] {strides = array<i32>} : memref<80xi32, #tpu.memory_space<vmem>>, vector<16xi32>,
          tpu.vector_store %arg12[%swap3A_307], %select_n3A_306 {strides = array<i32>} : memref<80xi32, #tpu.memory_space<vmem>>, vector<16xi32>,
          %mul3A_309 = arith.constant 80 : i32
          %mul3A_310 = arith.muli %add3A_235, %mul3A_309 : i32
          %add3A_311 = arith.constant 32 : i32
          %add3A_312 = arith.addi %mul3A_310, %add3A_311 : i32
          %iota3A_313 = tpu.iota {dimensions = array<i32: 0>} : vector<16xi32>
          %add3A_314 = vector.broadcast %add3A_312 : i32 to vector<16xi32>
          %add3A_315 = arith.addi %add3A_314, %iota3A_313 : vector<16xi32>
          %lt3A_316 = vector.broadcast %sub3A_105 : i32 to vector<16xi32>
          %lt3A_317 = arith.cmpi slt, %add3A_315, %lt3A_316 : vector<16xi32>
          %min3A_318 = vector.broadcast %max3A_238 : i32 to vector<16xi32>
          %min3A_319 = arith.minsi %add3A_315, %min3A_318 : vector<16xi32>
          %add3A_320 = vector.broadcast %scan3A_9 : i32 to vector<16xi32>
          %add3A_321 = arith.addi %min3A_319, %add3A_320 : vector<16xi32>
          %min3A_322 = arith.constant 9999 : i32
          %min3A_323 = vector.broadcast %min3A_322 : i32 to vector<16xi32>
          %min3A_324 = arith.minsi %add3A_321, %min3A_323 : vector<16xi32>
          %gather3A_325 = tpu.vector_load_idx %arg7[%min3A_324] : memref<10016xi32, #tpu.memory_space<vmem>>[vector<16xi32>], vector<16xi32>,
          %gather3A_326 = tpu.vector_load_idx %arg6[%gather3A_325] : memref<10000xi32, #tpu.memory_space<vmem>>[vector<16xi32>], vector<16xi32>,
          %and3A_327 = arith.constant 65535 : i32
          %and3A_328 = vector.broadcast %and3A_327 : i32 to vector<16xi32>
          %and3A_329 = arith.andi %gather3A_326, %and3A_328 : vector<16xi32>
          %swap3A_330 = arith.constant 32 : index
          %swap3A_331 = tpu.vector_load %arg8[%swap3A_330] {strides = array<i32>} : memref<80xi32, #tpu.memory_space<vmem>>, vector<16xi32>,
          tpu.vector_store %arg8[%swap3A_330], %and3A_329 {strides = array<i32>} : memref<80xi32, #tpu.memory_space<vmem>>, vector<16xi32>,
          %add3A_332 = vector.broadcast %mul3A_0 : i32 to vector<16xi32>
          %add3A_333 = arith.addi %add3A_332, %gather3A_325 : vector<16xi32>
          %swap3A_334 = arith.constant 32 : index
          %swap3A_335 = tpu.vector_load %arg10[%swap3A_334] {strides = array<i32>} : memref<80xi32, #tpu.memory_space<vmem>>, vector<16xi32>,
          tpu.vector_store %arg10[%swap3A_334], %add3A_333 {strides = array<i32>} : memref<80xi32, #tpu.memory_space<vmem>>, vector<16xi32>,
          %shift_right_arithmetic3A_336 = arith.constant 16 : i32
          %shift_right_arithmetic3A_337 = vector.broadcast %shift_right_arithmetic3A_336 : i32 to vector<16xi32>
          %shift_right_arithmetic3A_338 = arith.shrsi %gather3A_326, %shift_right_arithmetic3A_337 : vector<16xi32>
          %sub3A_339 = arith.constant 5120 : i32
          %sub3A_340 = vector.broadcast %sub3A_339 : i32 to vector<16xi32>
          %sub3A_341 = arith.subi %shift_right_arithmetic3A_338, %sub3A_340 : vector<16xi32>
          %jit3A_342 = arith.constant 5120 : i32
          %broadcast_in_dim3A_343 = vector.broadcast %jit3A_342 : i32 to vector<16xi32>
          %select_n3A_344 = arith.select %lt3A_317, %sub3A_341, %broadcast_in_dim3A_343 : vector<16xi1>, vector<16xi32>
          %swap3A_345 = arith.constant 32 : index
          %swap3A_346 = tpu.vector_load %arg12[%swap3A_345] {strides = array<i32>} : memref<80xi32, #tpu.memory_space<vmem>>, vector<16xi32>,
          tpu.vector_store %arg12[%swap3A_345], %select_n3A_344 {strides = array<i32>} : memref<80xi32, #tpu.memory_space<vmem>>, vector<16xi32>,
          %mul3A_347 = arith.constant 80 : i32
          %mul3A_348 = arith.muli %add3A_235, %mul3A_347 : i32
          %add3A_349 = arith.constant 48 : i32
          %add3A_350 = arith.addi %mul3A_348, %add3A_349 : i32
          %iota3A_351 = tpu.iota {dimensions = array<i32: 0>} : vector<16xi32>
          %add3A_352 = vector.broadcast %add3A_350 : i32 to vector<16xi32>
          %add3A_353 = arith.addi %add3A_352, %iota3A_351 : vector<16xi32>
          %lt3A_354 = vector.broadcast %sub3A_105 : i32 to vector<16xi32>
          %lt3A_355 = arith.cmpi slt, %add3A_353, %lt3A_354 : vector<16xi32>
          %min3A_356 = vector.broadcast %max3A_238 : i32 to vector<16xi32>
          %min3A_357 = arith.minsi %add3A_353, %min3A_356 : vector<16xi32>
          %add3A_358 = vector.broadcast %scan3A_9 : i32 to vector<16xi32>
          %add3A_359 = arith.addi %min3A_357, %add3A_358 : vector<16xi32>
          %min3A_360 = arith.constant 9999 : i32
          %min3A_361 = vector.broadcast %min3A_360 : i32 to vector<16xi32>
          %min3A_362 = arith.minsi %add3A_359, %min3A_361 : vector<16xi32>
          %gather3A_363 = tpu.vector_load_idx %arg7[%min3A_362] : memref<10016xi32, #tpu.memory_space<vmem>>[vector<16xi32>], vector<16xi32>,
          %gather3A_364 = tpu.vector_load_idx %arg6[%gather3A_363] : memref<10000xi32, #tpu.memory_space<vmem>>[vector<16xi32>], vector<16xi32>,
          %and3A_365 = arith.constant 65535 : i32
          %and3A_366 = vector.broadcast %and3A_365 : i32 to vector<16xi32>
          %and3A_367 = arith.andi %gather3A_364, %and3A_366 : vector<16xi32>
          %swap3A_368 = arith.constant 48 : index
          %swap3A_369 = tpu.vector_load %arg8[%swap3A_368] {strides = array<i32>} : memref<80xi32, #tpu.memory_space<vmem>>, vector<16xi32>,
          tpu.vector_store %arg8[%swap3A_368], %and3A_367 {strides = array<i32>} : memref<80xi32, #tpu.memory_space<vmem>>, vector<16xi32>,
          %add3A_370 = vector.broadcast %mul3A_0 : i32 to vector<16xi32>
          %add3A_371 = arith.addi %add3A_370, %gather3A_363 : vector<16xi32>
          %swap3A_372 = arith.constant 48 : index
          %swap3A_373 = tpu.vector_load %arg10[%swap3A_372] {strides = array<i32>} : memref<80xi32, #tpu.memory_space<vmem>>, vector<16xi32>,
          tpu.vector_store %arg10[%swap3A_372], %add3A_371 {strides = array<i32>} : memref<80xi32, #tpu.memory_space<vmem>>, vector<16xi32>,
          %shift_right_arithmetic3A_374 = arith.constant 16 : i32
          %shift_right_arithmetic3A_375 = vector.broadcast %shift_right_arithmetic3A_374 : i32 to vector<16xi32>
          %shift_right_arithmetic3A_376 = arith.shrsi %gather3A_364, %shift_right_arithmetic3A_375 : vector<16xi32>
          %sub3A_377 = arith.constant 5120 : i32
          %sub3A_378 = vector.broadcast %sub3A_377 : i32 to vector<16xi32>
          %sub3A_379 = arith.subi %shift_right_arithmetic3A_376, %sub3A_378 : vector<16xi32>
          %jit3A_380 = arith.constant 5120 : i32
          %broadcast_in_dim3A_381 = vector.broadcast %jit3A_380 : i32 to vector<16xi32>
          %select_n3A_382 = arith.select %lt3A_355, %sub3A_379, %broadcast_in_dim3A_381 : vector<16xi1>, vector<16xi32>
          %swap3A_383 = arith.constant 48 : index
          %swap3A_384 = tpu.vector_load %arg12[%swap3A_383] {strides = array<i32>} : memref<80xi32, #tpu.memory_space<vmem>>, vector<16xi32>,
          tpu.vector_store %arg12[%swap3A_383], %select_n3A_382 {strides = array<i32>} : memref<80xi32, #tpu.memory_space<vmem>>, vector<16xi32>,
          %mul3A_385 = arith.constant 80 : i32
          %mul3A_386 = arith.muli %add3A_235, %mul3A_385 : i32
          %add3A_387 = arith.constant 64 : i32
          %add3A_388 = arith.addi %mul3A_386, %add3A_387 : i32
          %iota3A_389 = tpu.iota {dimensions = array<i32: 0>} : vector<16xi32>
          %add3A_390 = vector.broadcast %add3A_388 : i32 to vector<16xi32>
          %add3A_391 = arith.addi %add3A_390, %iota3A_389 : vector<16xi32>
          %lt3A_392 = vector.broadcast %sub3A_105 : i32 to vector<16xi32>
          %lt3A_393 = arith.cmpi slt, %add3A_391, %lt3A_392 : vector<16xi32>
          %min3A_394 = vector.broadcast %max3A_238 : i32 to vector<16xi32>
          %min3A_395 = arith.minsi %add3A_391, %min3A_394 : vector<16xi32>
          %add3A_396 = vector.broadcast %scan3A_9 : i32 to vector<16xi32>
          %add3A_397 = arith.addi %min3A_395, %add3A_396 : vector<16xi32>
          %min3A_398 = arith.constant 9999 : i32
          %min3A_399 = vector.broadcast %min3A_398 : i32 to vector<16xi32>
          %min3A_400 = arith.minsi %add3A_397, %min3A_399 : vector<16xi32>
          %gather3A_401 = tpu.vector_load_idx %arg7[%min3A_400] : memref<10016xi32, #tpu.memory_space<vmem>>[vector<16xi32>], vector<16xi32>,
          %gather3A_402 = tpu.vector_load_idx %arg6[%gather3A_401] : memref<10000xi32, #tpu.memory_space<vmem>>[vector<16xi32>], vector<16xi32>,
          %and3A_403 = arith.constant 65535 : i32
          %and3A_404 = vector.broadcast %and3A_403 : i32 to vector<16xi32>
          %and3A_405 = arith.andi %gather3A_402, %and3A_404 : vector<16xi32>
          %swap3A_406 = arith.constant 64 : index
          %swap3A_407 = tpu.vector_load %arg8[%swap3A_406] {strides = array<i32>} : memref<80xi32, #tpu.memory_space<vmem>>, vector<16xi32>,
          tpu.vector_store %arg8[%swap3A_406], %and3A_405 {strides = array<i32>} : memref<80xi32, #tpu.memory_space<vmem>>, vector<16xi32>,
          %add3A_408 = vector.broadcast %mul3A_0 : i32 to vector<16xi32>
          %add3A_409 = arith.addi %add3A_408, %gather3A_401 : vector<16xi32>
          %swap3A_410 = arith.constant 64 : index
          %swap3A_411 = tpu.vector_load %arg10[%swap3A_410] {strides = array<i32>} : memref<80xi32, #tpu.memory_space<vmem>>, vector<16xi32>,
          tpu.vector_store %arg10[%swap3A_410], %add3A_409 {strides = array<i32>} : memref<80xi32, #tpu.memory_space<vmem>>, vector<16xi32>,
          %shift_right_arithmetic3A_412 = arith.constant 16 : i32
          %shift_right_arithmetic3A_413 = vector.broadcast %shift_right_arithmetic3A_412 : i32 to vector<16xi32>
          %shift_right_arithmetic3A_414 = arith.shrsi %gather3A_402, %shift_right_arithmetic3A_413 : vector<16xi32>
          %sub3A_415 = arith.constant 5120 : i32
          %sub3A_416 = vector.broadcast %sub3A_415 : i32 to vector<16xi32>
          %sub3A_417 = arith.subi %shift_right_arithmetic3A_414, %sub3A_416 : vector<16xi32>
          %jit3A_418 = arith.constant 5120 : i32
          %broadcast_in_dim3A_419 = vector.broadcast %jit3A_418 : i32 to vector<16xi32>
          %select_n3A_420 = arith.select %lt3A_393, %sub3A_417, %broadcast_in_dim3A_419 : vector<16xi1>, vector<16xi32>
          %swap3A_421 = arith.constant 64 : index
          %swap3A_422 = tpu.vector_load %arg12[%swap3A_421] {strides = array<i32>} : memref<80xi32, #tpu.memory_space<vmem>>, vector<16xi32>,
          tpu.vector_store %arg12[%swap3A_421], %select_n3A_420 {strides = array<i32>} : memref<80xi32, #tpu.memory_space<vmem>>, vector<16xi32>,
          %dma_start3A = arith.constant 0 : i32
          %dma_start3A_423 = arith.constant 0 : i32
          %dma_start3A_424 = tpu.memref_slice %arg2[%dma_start3A, %dma_start3A_423] : memref<10000x128xf32, #tpu.memory_space<hbm>> -> memref<10000x128xf32, #tpu.memory_space<hbm>>
          tpu.enqueue_indirect_dma source(%dma_start3A_424 : memref<10000x128xf32, #tpu.memory_space<hbm>>) target(%arg14 : memref<80x128xf32, #tpu.memory_space<vmem>>) offsets(%arg8 : memref<80xi32, #tpu.memory_space<vmem>>) semaphore(%arg20 : memref<!tpu.dma_semaphore, #tpu.memory_space<semaphore_mem>>)
          %dma_start3A_425 = arith.constant 0 : i32
          %dma_start3A_426 = arith.constant 0 : i32
          %dma_start3A_427 = tpu.memref_slice %arg4[%dma_start3A_425, %dma_start3A_426] : memref<160000x128xi32, #tpu.memory_space<hbm>> -> memref<160000x128xi32, #tpu.memory_space<hbm>>
          tpu.enqueue_indirect_dma source(%dma_start3A_427 : memref<160000x128xi32, #tpu.memory_space<hbm>>) target(%arg16 : memref<80x128xi32, #tpu.memory_space<vmem>>) offsets(%arg10 : memref<80xi32, #tpu.memory_space<vmem>>) semaphore(%arg20 : memref<!tpu.dma_semaphore, #tpu.memory_space<semaphore_mem>>)
        } else {
        }
      } else {
      }
      %add3A_215 = arith.constant 1 : i32
      %add3A_216 = arith.addi %mul3A_209, %add3A_215 : i32
      %lt3A_217 = arith.cmpi slt, %add3A_216, %select_n3A_133 : i32
      %convert_element_type3A_218 = arith.extui %lt3A_217 : i1 to i32
      %cond3A_219 = arith.constant 0 : i32
      %cond3A_220 = arith.cmpi ne, %convert_element_type3A_218, %cond3A_219 : i32
      scf.if %cond3A_220 {
        %dma_wait3A = arith.constant 0 : i32
        %dma_wait3A_221 = arith.constant 0 : i32
        %dma_wait3A_222 = tpu.memref_slice %arg2[%dma_wait3A, %dma_wait3A_221] : memref<10000x128xf32, #tpu.memory_space<hbm>> -> memref<10000x128xf32, #tpu.memory_space<hbm>>
        tpu.wait_indirect_dma semaphore(%arg21 : memref<!tpu.dma_semaphore, #tpu.memory_space<semaphore_mem>>) src(%dma_wait3A_222 : memref<10000x128xf32, #tpu.memory_space<hbm>>) dst(%arg15 : memref<80x128xf32, #tpu.memory_space<vmem>>)
        %dma_wait3A_223 = arith.constant 0 : i32
        %dma_wait3A_224 = arith.constant 0 : i32
        %dma_wait3A_225 = tpu.memref_slice %arg4[%dma_wait3A_223, %dma_wait3A_224] : memref<160000x128xi32, #tpu.memory_space<hbm>> -> memref<160000x128xi32, #tpu.memory_space<hbm>>
        tpu.wait_indirect_dma semaphore(%arg21 : memref<!tpu.dma_semaphore, #tpu.memory_space<semaphore_mem>>) src(%dma_wait3A_225 : memref<160000x128xi32, #tpu.memory_space<hbm>>) dst(%arg17 : memref<80x128xi32, #tpu.memory_space<vmem>>)
        %parallel_loop3A = arith.constant 0 : i32
        %parallel_loop3A_226 = arith.constant 80 : i32
        %parallel_loop3A_227 = arith.constant 1 : i32
        scf.for %parallel_loop3A_234 = %parallel_loop3A to %parallel_loop3A_226 step %parallel_loop3A_227  : i32 {
          %parallel_loop3A_235 = arith.constant 0 : i32
          %parallel_loop3A_236 = arith.addi %mul3A_4, %parallel_loop3A_235 : i32
          %parallel_loop3A_237 = arith.index_cast %parallel_loop3A_234 : i32 to index
          %parallel_loop3A_238 = arith.index_cast %parallel_loop3A_236 : i32 to index
          %parallel_loop3A_239 = tpu.vector_load %arg17[%parallel_loop3A_237, %parallel_loop3A_238] {strides = array<i32>} : memref<80x128xi32, #tpu.memory_space<vmem>>, vector<16xi32>,
          %parallel_loop3A_240 = vector.bitcast %parallel_loop3A_239 : vector<16xi32> to vector<32xbf16>
          %parallel_loop3A_241 = tpu.unpack_subelements %parallel_loop3A_240, 0 {pack_format = #tpu.pack_format<interleaved>} : vector<32xbf16> -> vector<16xf32>
          %parallel_loop3A_242 = tpu.unpack_subelements %parallel_loop3A_240, 1 {pack_format = #tpu.pack_format<interleaved>} : vector<32xbf16> -> vector<16xf32>
          %parallel_loop3A_243 = arith.index_cast %parallel_loop3A_234 : i32 to index
          %parallel_loop3A_244 = arith.constant 0 : index
          %parallel_loop3A_245 = tpu.vector_load %arg15[%parallel_loop3A_243, %parallel_loop3A_244] {strides = array<i32>} : memref<80x128xf32, #tpu.memory_space<vmem>>, vector<16xf32>,
          %parallel_loop3A_246 = arith.mulf %parallel_loop3A_245, %parallel_loop3A_241 : vector<16xf32>
          %parallel_loop3A_247 = arith.index_cast %parallel_loop3A_234 : i32 to index
          %parallel_loop3A_248 = arith.constant 0 : index
          %parallel_loop3A_249 = tpu.vector_load %arg18[%parallel_loop3A_247, %parallel_loop3A_248] {strides = array<i32>} : memref<80x128xf32, #tpu.memory_space<vmem>>, vector<16xf32>,
          tpu.vector_store %arg18[%parallel_loop3A_247, %parallel_loop3A_248], %parallel_loop3A_246 {strides = array<i32>} : memref<80x128xf32, #tpu.memory_space<vmem>>, vector<16xf32>,
          %parallel_loop3A_250 = arith.index_cast %parallel_loop3A_234 : i32 to index
          %parallel_loop3A_251 = arith.constant 64 : index
          %parallel_loop3A_252 = tpu.vector_load %arg15[%parallel_loop3A_250, %parallel_loop3A_251] {strides = array<i32>} : memref<80x128xf32, #tpu.memory_space<vmem>>, vector<16xf32>,
          %parallel_loop3A_253 = arith.mulf %parallel_loop3A_252, %parallel_loop3A_242 : vector<16xf32>
          %parallel_loop3A_254 = arith.index_cast %parallel_loop3A_234 : i32 to index
          %parallel_loop3A_255 = arith.constant 64 : index
          %parallel_loop3A_256 = tpu.vector_load %arg18[%parallel_loop3A_254, %parallel_loop3A_255] {strides = array<i32>} : memref<80x128xf32, #tpu.memory_space<vmem>>, vector<16xf32>,
          tpu.vector_store %arg18[%parallel_loop3A_254, %parallel_loop3A_255], %parallel_loop3A_253 {strides = array<i32>} : memref<80x128xf32, #tpu.memory_space<vmem>>, vector<16xf32>,
          %parallel_loop3A_257 = arith.constant 16 : i32
          %parallel_loop3A_258 = arith.addi %mul3A_4, %parallel_loop3A_257 : i32
          %parallel_loop3A_259 = arith.index_cast %parallel_loop3A_234 : i32 to index
          %parallel_loop3A_260 = arith.index_cast %parallel_loop3A_258 : i32 to index
          %parallel_loop3A_261 = tpu.vector_load %arg17[%parallel_loop3A_259, %parallel_loop3A_260] {strides = array<i32>} : memref<80x128xi32, #tpu.memory_space<vmem>>, vector<16xi32>,
          %parallel_loop3A_262 = vector.bitcast %parallel_loop3A_261 : vector<16xi32> to vector<32xbf16>
          %parallel_loop3A_263 = tpu.unpack_subelements %parallel_loop3A_262, 0 {pack_format = #tpu.pack_format<interleaved>} : vector<32xbf16> -> vector<16xf32>
          %parallel_loop3A_264 = tpu.unpack_subelements %parallel_loop3A_262, 1 {pack_format = #tpu.pack_format<interleaved>} : vector<32xbf16> -> vector<16xf32>
          %parallel_loop3A_265 = arith.index_cast %parallel_loop3A_234 : i32 to index
          %parallel_loop3A_266 = arith.constant 16 : index
          %parallel_loop3A_267 = tpu.vector_load %arg15[%parallel_loop3A_265, %parallel_loop3A_266] {strides = array<i32>} : memref<80x128xf32, #tpu.memory_space<vmem>>, vector<16xf32>,
          %parallel_loop3A_268 = arith.mulf %parallel_loop3A_267, %parallel_loop3A_263 : vector<16xf32>
          %parallel_loop3A_269 = arith.index_cast %parallel_loop3A_234 : i32 to index
          %parallel_loop3A_270 = arith.constant 16 : index
          %parallel_loop3A_271 = tpu.vector_load %arg18[%parallel_loop3A_269, %parallel_loop3A_270] {strides = array<i32>} : memref<80x128xf32, #tpu.memory_space<vmem>>, vector<16xf32>,
          tpu.vector_store %arg18[%parallel_loop3A_269, %parallel_loop3A_270], %parallel_loop3A_268 {strides = array<i32>} : memref<80x128xf32, #tpu.memory_space<vmem>>, vector<16xf32>,
          %parallel_loop3A_272 = arith.index_cast %parallel_loop3A_234 : i32 to index
          %parallel_loop3A_273 = arith.constant 80 : index
          %parallel_loop3A_274 = tpu.vector_load %arg15[%parallel_loop3A_272, %parallel_loop3A_273] {strides = array<i32>} : memref<80x128xf32, #tpu.memory_space<vmem>>, vector<16xf32>,
          %parallel_loop3A_275 = arith.mulf %parallel_loop3A_274, %parallel_loop3A_264 : vector<16xf32>
          %parallel_loop3A_276 = arith.index_cast %parallel_loop3A_234 : i32 to index
          %parallel_loop3A_277 = arith.constant 80 : index
          %parallel_loop3A_278 = tpu.vector_load %arg18[%parallel_loop3A_276, %parallel_loop3A_277] {strides = array<i32>} : memref<80x128xf32, #tpu.memory_space<vmem>>, vector<16xf32>,
          tpu.vector_store %arg18[%parallel_loop3A_276, %parallel_loop3A_277], %parallel_loop3A_275 {strides = array<i32>} : memref<80x128xf32, #tpu.memory_space<vmem>>, vector<16xf32>,
          %parallel_loop3A_279 = arith.constant 32 : i32
          %parallel_loop3A_280 = arith.addi %mul3A_4, %parallel_loop3A_279 : i32
          %parallel_loop3A_281 = arith.index_cast %parallel_loop3A_234 : i32 to index
          %parallel_loop3A_282 = arith.index_cast %parallel_loop3A_280 : i32 to index
          %parallel_loop3A_283 = tpu.vector_load %arg17[%parallel_loop3A_281, %parallel_loop3A_282] {strides = array<i32>} : memref<80x128xi32, #tpu.memory_space<vmem>>, vector<16xi32>,
          %parallel_loop3A_284 = vector.bitcast %parallel_loop3A_283 : vector<16xi32> to vector<32xbf16>
          %parallel_loop3A_285 = tpu.unpack_subelements %parallel_loop3A_284, 0 {pack_format = #tpu.pack_format<interleaved>} : vector<32xbf16> -> vector<16xf32>
          %parallel_loop3A_286 = tpu.unpack_subelements %parallel_loop3A_284, 1 {pack_format = #tpu.pack_format<interleaved>} : vector<32xbf16> -> vector<16xf32>
          %parallel_loop3A_287 = arith.index_cast %parallel_loop3A_234 : i32 to index
          %parallel_loop3A_288 = arith.constant 32 : index
          %parallel_loop3A_289 = tpu.vector_load %arg15[%parallel_loop3A_287, %parallel_loop3A_288] {strides = array<i32>} : memref<80x128xf32, #tpu.memory_space<vmem>>, vector<16xf32>,
          %parallel_loop3A_290 = arith.mulf %parallel_loop3A_289, %parallel_loop3A_285 : vector<16xf32>
          %parallel_loop3A_291 = arith.index_cast %parallel_loop3A_234 : i32 to index
          %parallel_loop3A_292 = arith.constant 32 : index
          %parallel_loop3A_293 = tpu.vector_load %arg18[%parallel_loop3A_291, %parallel_loop3A_292] {strides = array<i32>} : memref<80x128xf32, #tpu.memory_space<vmem>>, vector<16xf32>,
          tpu.vector_store %arg18[%parallel_loop3A_291, %parallel_loop3A_292], %parallel_loop3A_290 {strides = array<i32>} : memref<80x128xf32, #tpu.memory_space<vmem>>, vector<16xf32>,
          %parallel_loop3A_294 = arith.index_cast %parallel_loop3A_234 : i32 to index
          %parallel_loop3A_295 = arith.constant 96 : index
          %parallel_loop3A_296 = tpu.vector_load %arg15[%parallel_loop3A_294, %parallel_loop3A_295] {strides = array<i32>} : memref<80x128xf32, #tpu.memory_space<vmem>>, vector<16xf32>,
          %parallel_loop3A_297 = arith.mulf %parallel_loop3A_296, %parallel_loop3A_286 : vector<16xf32>
          %parallel_loop3A_298 = arith.index_cast %parallel_loop3A_234 : i32 to index
          %parallel_loop3A_299 = arith.constant 96 : index
          %parallel_loop3A_300 = tpu.vector_load %arg18[%parallel_loop3A_298, %parallel_loop3A_299] {strides = array<i32>} : memref<80x128xf32, #tpu.memory_space<vmem>>, vector<16xf32>,
          tpu.vector_store %arg18[%parallel_loop3A_298, %parallel_loop3A_299], %parallel_loop3A_297 {strides = array<i32>} : memref<80x128xf32, #tpu.memory_space<vmem>>, vector<16xf32>,
          %parallel_loop3A_301 = arith.constant 48 : i32
          %parallel_loop3A_302 = arith.addi %mul3A_4, %parallel_loop3A_301 : i32
          %parallel_loop3A_303 = arith.index_cast %parallel_loop3A_234 : i32 to index
          %parallel_loop3A_304 = arith.index_cast %parallel_loop3A_302 : i32 to index
          %parallel_loop3A_305 = tpu.vector_load %arg17[%parallel_loop3A_303, %parallel_loop3A_304] {strides = array<i32>} : memref<80x128xi32, #tpu.memory_space<vmem>>, vector<16xi32>,
          %parallel_loop3A_306 = vector.bitcast %parallel_loop3A_305 : vector<16xi32> to vector<32xbf16>
          %parallel_loop3A_307 = tpu.unpack_subelements %parallel_loop3A_306, 0 {pack_format = #tpu.pack_format<interleaved>} : vector<32xbf16> -> vector<16xf32>
          %parallel_loop3A_308 = tpu.unpack_subelements %parallel_loop3A_306, 1 {pack_format = #tpu.pack_format<interleaved>} : vector<32xbf16> -> vector<16xf32>
          %parallel_loop3A_309 = arith.index_cast %parallel_loop3A_234 : i32 to index
          %parallel_loop3A_310 = arith.constant 48 : index
          %parallel_loop3A_311 = tpu.vector_load %arg15[%parallel_loop3A_309, %parallel_loop3A_310] {strides = array<i32>} : memref<80x128xf32, #tpu.memory_space<vmem>>, vector<16xf32>,
          %parallel_loop3A_312 = arith.mulf %parallel_loop3A_311, %parallel_loop3A_307 : vector<16xf32>
          %parallel_loop3A_313 = arith.index_cast %parallel_loop3A_234 : i32 to index
          %parallel_loop3A_314 = arith.constant 48 : index
          %parallel_loop3A_315 = tpu.vector_load %arg18[%parallel_loop3A_313, %parallel_loop3A_314] {strides = array<i32>} : memref<80x128xf32, #tpu.memory_space<vmem>>, vector<16xf32>,
          tpu.vector_store %arg18[%parallel_loop3A_313, %parallel_loop3A_314], %parallel_loop3A_312 {strides = array<i32>} : memref<80x128xf32, #tpu.memory_space<vmem>>, vector<16xf32>,
          %parallel_loop3A_316 = arith.index_cast %parallel_loop3A_234 : i32 to index
          %parallel_loop3A_317 = arith.constant 112 : index
          %parallel_loop3A_318 = tpu.vector_load %arg15[%parallel_loop3A_316, %parallel_loop3A_317] {strides = array<i32>} : memref<80x128xf32, #tpu.memory_space<vmem>>, vector<16xf32>,
          %parallel_loop3A_319 = arith.mulf %parallel_loop3A_318, %parallel_loop3A_308 : vector<16xf32>
          %parallel_loop3A_320 = arith.index_cast %parallel_loop3A_234 : i32 to index
          %parallel_loop3A_321 = arith.constant 112 : index
          %parallel_loop3A_322 = tpu.vector_load %arg18[%parallel_loop3A_320, %parallel_loop3A_321] {strides = array<i32>} : memref<80x128xf32, #tpu.memory_space<vmem>>, vector<16xf32>,
          tpu.vector_store %arg18[%parallel_loop3A_320, %parallel_loop3A_321], %parallel_loop3A_319 {strides = array<i32>} : memref<80x128xf32, #tpu.memory_space<vmem>>, vector<16xf32>,
        } {sc.loop_unroll_factor = 4 : i64, sc.parallel_access}
        "tpu.region"() ({
          %run_scoped3A = tpu.sem_alloc : memref<!tpu.dma_semaphore, #tpu.memory_space<semaphore_mem>>
          %dma_start3A = arith.constant 0 : i32
          %dma_start3A_234 = arith.constant 0 : i32
          %dma_start3A_235 = tpu.memref_slice %arg19[%dma_start3A, %dma_start3A_234] : memref<5128x128xf32, #tpu.memory_space<vmem_shared>> -> memref<5128x128xf32, #tpu.memory_space<vmem_shared>>
          tpu.enqueue_indirect_dma source(%arg18 : memref<80x128xf32, #tpu.memory_space<vmem>>) target(%dma_start3A_235 : memref<5128x128xf32, #tpu.memory_space<vmem_shared>>) offsets(%arg13 : memref<80xi32, #tpu.memory_space<vmem>>) semaphore(%run_scoped3A : memref<!tpu.dma_semaphore, #tpu.memory_space<semaphore_mem>>) {add = true}
          %dma_wait3A_236 = arith.constant 0 : i32
          %dma_wait3A_237 = arith.constant 0 : i32
          %dma_wait3A_238 = tpu.memref_slice %arg19[%dma_wait3A_236, %dma_wait3A_237] : memref<5128x128xf32, #tpu.memory_space<vmem_shared>> -> memref<5128x128xf32, #tpu.memory_space<vmem_shared>>
          tpu.wait_indirect_dma semaphore(%run_scoped3A : memref<!tpu.dma_semaphore, #tpu.memory_space<semaphore_mem>>) src(%arg18 : memref<80x128xf32, #tpu.memory_space<vmem>>) dst(%dma_wait3A_238 : memref<5128x128xf32, #tpu.memory_space<vmem_shared>>)
          tpu.yield
        }) : () -> ()
        %add3A_228 = arith.constant 2 : i32
        %add3A_229 = arith.addi %add3A_216, %add3A_228 : i32
        %lt3A_230 = arith.cmpi slt, %add3A_229, %select_n3A_133 : i32
        %convert_element_type3A_231 = arith.extui %lt3A_230 : i1 to i32
        %cond3A_232 = arith.constant 0 : i32
        %cond3A_233 = arith.cmpi ne, %convert_element_type3A_231, %cond3A_232 : i32
        scf.if %cond3A_233 {
          %add3A_234 = arith.constant 2 : i32
          %add3A_235 = arith.addi %add3A_216, %add3A_234 : i32
          %sub3A_236 = arith.constant 1 : i32
          %sub3A_237 = arith.subi %sub3A_105, %sub3A_236 : i32
          %max3A = arith.constant 0 : i32
          %max3A_238 = arith.maxsi %sub3A_237, %max3A : i32
          %mul3A_239 = arith.constant 80 : i32
          %mul3A_240 = arith.muli %add3A_235, %mul3A_239 : i32
          %add3A_241 = arith.constant 0 : i32
          %add3A_242 = arith.addi %mul3A_240, %add3A_241 : i32
          %iota3A = tpu.iota {dimensions = array<i32: 0>} : vector<16xi32>
          %add3A_243 = vector.broadcast %add3A_242 : i32 to vector<16xi32>
          %add3A_244 = arith.addi %add3A_243, %iota3A : vector<16xi32>
          %lt3A_245 = vector.broadcast %sub3A_105 : i32 to vector<16xi32>
          %lt3A_246 = arith.cmpi slt, %add3A_244, %lt3A_245 : vector<16xi32>
          %min3A = vector.broadcast %max3A_238 : i32 to vector<16xi32>
          %min3A_247 = arith.minsi %add3A_244, %min3A : vector<16xi32>
          %add3A_248 = vector.broadcast %scan3A_9 : i32 to vector<16xi32>
          %add3A_249 = arith.addi %min3A_247, %add3A_248 : vector<16xi32>
          %min3A_250 = arith.constant 9999 : i32
          %min3A_251 = vector.broadcast %min3A_250 : i32 to vector<16xi32>
          %min3A_252 = arith.minsi %add3A_249, %min3A_251 : vector<16xi32>
          %gather3A = tpu.vector_load_idx %arg7[%min3A_252] : memref<10016xi32, #tpu.memory_space<vmem>>[vector<16xi32>], vector<16xi32>,
          %gather3A_253 = tpu.vector_load_idx %arg6[%gather3A] : memref<10000xi32, #tpu.memory_space<vmem>>[vector<16xi32>], vector<16xi32>,
          %and3A_254 = arith.constant 65535 : i32
          %and3A_255 = vector.broadcast %and3A_254 : i32 to vector<16xi32>
          %and3A_256 = arith.andi %gather3A_253, %and3A_255 : vector<16xi32>
          %swap3A = arith.constant 0 : index
          %swap3A_257 = tpu.vector_load %arg9[%swap3A] {strides = array<i32>} : memref<80xi32, #tpu.memory_space<vmem>>, vector<16xi32>,
          tpu.vector_store %arg9[%swap3A], %and3A_256 {strides = array<i32>} : memref<80xi32, #tpu.memory_space<vmem>>, vector<16xi32>,
          %add3A_258 = vector.broadcast %mul3A_0 : i32 to vector<16xi32>
          %add3A_259 = arith.addi %add3A_258, %gather3A : vector<16xi32>
          %swap3A_260 = arith.constant 0 : index
          %swap3A_261 = tpu.vector_load %arg11[%swap3A_260] {strides = array<i32>} : memref<80xi32, #tpu.memory_space<vmem>>, vector<16xi32>,
          tpu.vector_store %arg11[%swap3A_260], %add3A_259 {strides = array<i32>} : memref<80xi32, #tpu.memory_space<vmem>>, vector<16xi32>,
          %shift_right_arithmetic3A = arith.constant 16 : i32
          %shift_right_arithmetic3A_262 = vector.broadcast %shift_right_arithmetic3A : i32 to vector<16xi32>
          %shift_right_arithmetic3A_263 = arith.shrsi %gather3A_253, %shift_right_arithmetic3A_262 : vector<16xi32>
          %sub3A_264 = arith.constant 5120 : i32
          %sub3A_265 = vector.broadcast %sub3A_264 : i32 to vector<16xi32>
          %sub3A_266 = arith.subi %shift_right_arithmetic3A_263, %sub3A_265 : vector<16xi32>
          %jit3A_267 = arith.constant 5120 : i32
          %broadcast_in_dim3A = vector.broadcast %jit3A_267 : i32 to vector<16xi32>
          %select_n3A_268 = arith.select %lt3A_246, %sub3A_266, %broadcast_in_dim3A : vector<16xi1>, vector<16xi32>
          %swap3A_269 = arith.constant 0 : index
          %swap3A_270 = tpu.vector_load %arg13[%swap3A_269] {strides = array<i32>} : memref<80xi32, #tpu.memory_space<vmem>>, vector<16xi32>,
          tpu.vector_store %arg13[%swap3A_269], %select_n3A_268 {strides = array<i32>} : memref<80xi32, #tpu.memory_space<vmem>>, vector<16xi32>,
          %mul3A_271 = arith.constant 80 : i32
          %mul3A_272 = arith.muli %add3A_235, %mul3A_271 : i32
          %add3A_273 = arith.constant 16 : i32
          %add3A_274 = arith.addi %mul3A_272, %add3A_273 : i32
          %iota3A_275 = tpu.iota {dimensions = array<i32: 0>} : vector<16xi32>
          %add3A_276 = vector.broadcast %add3A_274 : i32 to vector<16xi32>
          %add3A_277 = arith.addi %add3A_276, %iota3A_275 : vector<16xi32>
          %lt3A_278 = vector.broadcast %sub3A_105 : i32 to vector<16xi32>
          %lt3A_279 = arith.cmpi slt, %add3A_277, %lt3A_278 : vector<16xi32>
          %min3A_280 = vector.broadcast %max3A_238 : i32 to vector<16xi32>
          %min3A_281 = arith.minsi %add3A_277, %min3A_280 : vector<16xi32>
          %add3A_282 = vector.broadcast %scan3A_9 : i32 to vector<16xi32>
          %add3A_283 = arith.addi %min3A_281, %add3A_282 : vector<16xi32>
          %min3A_284 = arith.constant 9999 : i32
          %min3A_285 = vector.broadcast %min3A_284 : i32 to vector<16xi32>
          %min3A_286 = arith.minsi %add3A_283, %min3A_285 : vector<16xi32>
          %gather3A_287 = tpu.vector_load_idx %arg7[%min3A_286] : memref<10016xi32, #tpu.memory_space<vmem>>[vector<16xi32>], vector<16xi32>,
          %gather3A_288 = tpu.vector_load_idx %arg6[%gather3A_287] : memref<10000xi32, #tpu.memory_space<vmem>>[vector<16xi32>], vector<16xi32>,
          %and3A_289 = arith.constant 65535 : i32
          %and3A_290 = vector.broadcast %and3A_289 : i32 to vector<16xi32>
          %and3A_291 = arith.andi %gather3A_288, %and3A_290 : vector<16xi32>
          %swap3A_292 = arith.constant 16 : index
          %swap3A_293 = tpu.vector_load %arg9[%swap3A_292] {strides = array<i32>} : memref<80xi32, #tpu.memory_space<vmem>>, vector<16xi32>,
          tpu.vector_store %arg9[%swap3A_292], %and3A_291 {strides = array<i32>} : memref<80xi32, #tpu.memory_space<vmem>>, vector<16xi32>,
          %add3A_294 = vector.broadcast %mul3A_0 : i32 to vector<16xi32>
          %add3A_295 = arith.addi %add3A_294, %gather3A_287 : vector<16xi32>
          %swap3A_296 = arith.constant 16 : index
          %swap3A_297 = tpu.vector_load %arg11[%swap3A_296] {strides = array<i32>} : memref<80xi32, #tpu.memory_space<vmem>>, vector<16xi32>,
          tpu.vector_store %arg11[%swap3A_296], %add3A_295 {strides = array<i32>} : memref<80xi32, #tpu.memory_space<vmem>>, vector<16xi32>,
          %shift_right_arithmetic3A_298 = arith.constant 16 : i32
          %shift_right_arithmetic3A_299 = vector.broadcast %shift_right_arithmetic3A_298 : i32 to vector<16xi32>
          %shift_right_arithmetic3A_300 = arith.shrsi %gather3A_288, %shift_right_arithmetic3A_299 : vector<16xi32>
          %sub3A_301 = arith.constant 5120 : i32
          %sub3A_302 = vector.broadcast %sub3A_301 : i32 to vector<16xi32>
          %sub3A_303 = arith.subi %shift_right_arithmetic3A_300, %sub3A_302 : vector<16xi32>
          %jit3A_304 = arith.constant 5120 : i32
          %broadcast_in_dim3A_305 = vector.broadcast %jit3A_304 : i32 to vector<16xi32>
          %select_n3A_306 = arith.select %lt3A_279, %sub3A_303, %broadcast_in_dim3A_305 : vector<16xi1>, vector<16xi32>
          %swap3A_307 = arith.constant 16 : index
          %swap3A_308 = tpu.vector_load %arg13[%swap3A_307] {strides = array<i32>} : memref<80xi32, #tpu.memory_space<vmem>>, vector<16xi32>,
          tpu.vector_store %arg13[%swap3A_307], %select_n3A_306 {strides = array<i32>} : memref<80xi32, #tpu.memory_space<vmem>>, vector<16xi32>,
          %mul3A_309 = arith.constant 80 : i32
          %mul3A_310 = arith.muli %add3A_235, %mul3A_309 : i32
          %add3A_311 = arith.constant 32 : i32
          %add3A_312 = arith.addi %mul3A_310, %add3A_311 : i32
          %iota3A_313 = tpu.iota {dimensions = array<i32: 0>} : vector<16xi32>
          %add3A_314 = vector.broadcast %add3A_312 : i32 to vector<16xi32>
          %add3A_315 = arith.addi %add3A_314, %iota3A_313 : vector<16xi32>
          %lt3A_316 = vector.broadcast %sub3A_105 : i32 to vector<16xi32>
          %lt3A_317 = arith.cmpi slt, %add3A_315, %lt3A_316 : vector<16xi32>
          %min3A_318 = vector.broadcast %max3A_238 : i32 to vector<16xi32>
          %min3A_319 = arith.minsi %add3A_315, %min3A_318 : vector<16xi32>
          %add3A_320 = vector.broadcast %scan3A_9 : i32 to vector<16xi32>
          %add3A_321 = arith.addi %min3A_319, %add3A_320 : vector<16xi32>
          %min3A_322 = arith.constant 9999 : i32
          %min3A_323 = vector.broadcast %min3A_322 : i32 to vector<16xi32>
          %min3A_324 = arith.minsi %add3A_321, %min3A_323 : vector<16xi32>
          %gather3A_325 = tpu.vector_load_idx %arg7[%min3A_324] : memref<10016xi32, #tpu.memory_space<vmem>>[vector<16xi32>], vector<16xi32>,
          %gather3A_326 = tpu.vector_load_idx %arg6[%gather3A_325] : memref<10000xi32, #tpu.memory_space<vmem>>[vector<16xi32>], vector<16xi32>,
          %and3A_327 = arith.constant 65535 : i32
          %and3A_328 = vector.broadcast %and3A_327 : i32 to vector<16xi32>
          %and3A_329 = arith.andi %gather3A_326, %and3A_328 : vector<16xi32>
          %swap3A_330 = arith.constant 32 : index
          %swap3A_331 = tpu.vector_load %arg9[%swap3A_330] {strides = array<i32>} : memref<80xi32, #tpu.memory_space<vmem>>, vector<16xi32>,
          tpu.vector_store %arg9[%swap3A_330], %and3A_329 {strides = array<i32>} : memref<80xi32, #tpu.memory_space<vmem>>, vector<16xi32>,
          %add3A_332 = vector.broadcast %mul3A_0 : i32 to vector<16xi32>
          %add3A_333 = arith.addi %add3A_332, %gather3A_325 : vector<16xi32>
          %swap3A_334 = arith.constant 32 : index
          %swap3A_335 = tpu.vector_load %arg11[%swap3A_334] {strides = array<i32>} : memref<80xi32, #tpu.memory_space<vmem>>, vector<16xi32>,
          tpu.vector_store %arg11[%swap3A_334], %add3A_333 {strides = array<i32>} : memref<80xi32, #tpu.memory_space<vmem>>, vector<16xi32>,
          %shift_right_arithmetic3A_336 = arith.constant 16 : i32
          %shift_right_arithmetic3A_337 = vector.broadcast %shift_right_arithmetic3A_336 : i32 to vector<16xi32>
          %shift_right_arithmetic3A_338 = arith.shrsi %gather3A_326, %shift_right_arithmetic3A_337 : vector<16xi32>
          %sub3A_339 = arith.constant 5120 : i32
          %sub3A_340 = vector.broadcast %sub3A_339 : i32 to vector<16xi32>
          %sub3A_341 = arith.subi %shift_right_arithmetic3A_338, %sub3A_340 : vector<16xi32>
          %jit3A_342 = arith.constant 5120 : i32
          %broadcast_in_dim3A_343 = vector.broadcast %jit3A_342 : i32 to vector<16xi32>
          %select_n3A_344 = arith.select %lt3A_317, %sub3A_341, %broadcast_in_dim3A_343 : vector<16xi1>, vector<16xi32>
          %swap3A_345 = arith.constant 32 : index
          %swap3A_346 = tpu.vector_load %arg13[%swap3A_345] {strides = array<i32>} : memref<80xi32, #tpu.memory_space<vmem>>, vector<16xi32>,
          tpu.vector_store %arg13[%swap3A_345], %select_n3A_344 {strides = array<i32>} : memref<80xi32, #tpu.memory_space<vmem>>, vector<16xi32>,
          %mul3A_347 = arith.constant 80 : i32
          %mul3A_348 = arith.muli %add3A_235, %mul3A_347 : i32
          %add3A_349 = arith.constant 48 : i32
          %add3A_350 = arith.addi %mul3A_348, %add3A_349 : i32
          %iota3A_351 = tpu.iota {dimensions = array<i32: 0>} : vector<16xi32>
          %add3A_352 = vector.broadcast %add3A_350 : i32 to vector<16xi32>
          %add3A_353 = arith.addi %add3A_352, %iota3A_351 : vector<16xi32>
          %lt3A_354 = vector.broadcast %sub3A_105 : i32 to vector<16xi32>
          %lt3A_355 = arith.cmpi slt, %add3A_353, %lt3A_354 : vector<16xi32>
          %min3A_356 = vector.broadcast %max3A_238 : i32 to vector<16xi32>
          %min3A_357 = arith.minsi %add3A_353, %min3A_356 : vector<16xi32>
          %add3A_358 = vector.broadcast %scan3A_9 : i32 to vector<16xi32>
          %add3A_359 = arith.addi %min3A_357, %add3A_358 : vector<16xi32>
          %min3A_360 = arith.constant 9999 : i32
          %min3A_361 = vector.broadcast %min3A_360 : i32 to vector<16xi32>
          %min3A_362 = arith.minsi %add3A_359, %min3A_361 : vector<16xi32>
          %gather3A_363 = tpu.vector_load_idx %arg7[%min3A_362] : memref<10016xi32, #tpu.memory_space<vmem>>[vector<16xi32>], vector<16xi32>,
          %gather3A_364 = tpu.vector_load_idx %arg6[%gather3A_363] : memref<10000xi32, #tpu.memory_space<vmem>>[vector<16xi32>], vector<16xi32>,
          %and3A_365 = arith.constant 65535 : i32
          %and3A_366 = vector.broadcast %and3A_365 : i32 to vector<16xi32>
          %and3A_367 = arith.andi %gather3A_364, %and3A_366 : vector<16xi32>
          %swap3A_368 = arith.constant 48 : index
          %swap3A_369 = tpu.vector_load %arg9[%swap3A_368] {strides = array<i32>} : memref<80xi32, #tpu.memory_space<vmem>>, vector<16xi32>,
          tpu.vector_store %arg9[%swap3A_368], %and3A_367 {strides = array<i32>} : memref<80xi32, #tpu.memory_space<vmem>>, vector<16xi32>,
          %add3A_370 = vector.broadcast %mul3A_0 : i32 to vector<16xi32>
          %add3A_371 = arith.addi %add3A_370, %gather3A_363 : vector<16xi32>
          %swap3A_372 = arith.constant 48 : index
          %swap3A_373 = tpu.vector_load %arg11[%swap3A_372] {strides = array<i32>} : memref<80xi32, #tpu.memory_space<vmem>>, vector<16xi32>,
          tpu.vector_store %arg11[%swap3A_372], %add3A_371 {strides = array<i32>} : memref<80xi32, #tpu.memory_space<vmem>>, vector<16xi32>,
          %shift_right_arithmetic3A_374 = arith.constant 16 : i32
          %shift_right_arithmetic3A_375 = vector.broadcast %shift_right_arithmetic3A_374 : i32 to vector<16xi32>
          %shift_right_arithmetic3A_376 = arith.shrsi %gather3A_364, %shift_right_arithmetic3A_375 : vector<16xi32>
          %sub3A_377 = arith.constant 5120 : i32
          %sub3A_378 = vector.broadcast %sub3A_377 : i32 to vector<16xi32>
          %sub3A_379 = arith.subi %shift_right_arithmetic3A_376, %sub3A_378 : vector<16xi32>
          %jit3A_380 = arith.constant 5120 : i32
          %broadcast_in_dim3A_381 = vector.broadcast %jit3A_380 : i32 to vector<16xi32>
          %select_n3A_382 = arith.select %lt3A_355, %sub3A_379, %broadcast_in_dim3A_381 : vector<16xi1>, vector<16xi32>
          %swap3A_383 = arith.constant 48 : index
          %swap3A_384 = tpu.vector_load %arg13[%swap3A_383] {strides = array<i32>} : memref<80xi32, #tpu.memory_space<vmem>>, vector<16xi32>,
          tpu.vector_store %arg13[%swap3A_383], %select_n3A_382 {strides = array<i32>} : memref<80xi32, #tpu.memory_space<vmem>>, vector<16xi32>,
          %mul3A_385 = arith.constant 80 : i32
          %mul3A_386 = arith.muli %add3A_235, %mul3A_385 : i32
          %add3A_387 = arith.constant 64 : i32
          %add3A_388 = arith.addi %mul3A_386, %add3A_387 : i32
          %iota3A_389 = tpu.iota {dimensions = array<i32: 0>} : vector<16xi32>
          %add3A_390 = vector.broadcast %add3A_388 : i32 to vector<16xi32>
          %add3A_391 = arith.addi %add3A_390, %iota3A_389 : vector<16xi32>
          %lt3A_392 = vector.broadcast %sub3A_105 : i32 to vector<16xi32>
          %lt3A_393 = arith.cmpi slt, %add3A_391, %lt3A_392 : vector<16xi32>
          %min3A_394 = vector.broadcast %max3A_238 : i32 to vector<16xi32>
          %min3A_395 = arith.minsi %add3A_391, %min3A_394 : vector<16xi32>
          %add3A_396 = vector.broadcast %scan3A_9 : i32 to vector<16xi32>
          %add3A_397 = arith.addi %min3A_395, %add3A_396 : vector<16xi32>
          %min3A_398 = arith.constant 9999 : i32
          %min3A_399 = vector.broadcast %min3A_398 : i32 to vector<16xi32>
          %min3A_400 = arith.minsi %add3A_397, %min3A_399 : vector<16xi32>
          %gather3A_401 = tpu.vector_load_idx %arg7[%min3A_400] : memref<10016xi32, #tpu.memory_space<vmem>>[vector<16xi32>], vector<16xi32>,
          %gather3A_402 = tpu.vector_load_idx %arg6[%gather3A_401] : memref<10000xi32, #tpu.memory_space<vmem>>[vector<16xi32>], vector<16xi32>,
          %and3A_403 = arith.constant 65535 : i32
          %and3A_404 = vector.broadcast %and3A_403 : i32 to vector<16xi32>
          %and3A_405 = arith.andi %gather3A_402, %and3A_404 : vector<16xi32>
          %swap3A_406 = arith.constant 64 : index
          %swap3A_407 = tpu.vector_load %arg9[%swap3A_406] {strides = array<i32>} : memref<80xi32, #tpu.memory_space<vmem>>, vector<16xi32>,
          tpu.vector_store %arg9[%swap3A_406], %and3A_405 {strides = array<i32>} : memref<80xi32, #tpu.memory_space<vmem>>, vector<16xi32>,
          %add3A_408 = vector.broadcast %mul3A_0 : i32 to vector<16xi32>
          %add3A_409 = arith.addi %add3A_408, %gather3A_401 : vector<16xi32>
          %swap3A_410 = arith.constant 64 : index
          %swap3A_411 = tpu.vector_load %arg11[%swap3A_410] {strides = array<i32>} : memref<80xi32, #tpu.memory_space<vmem>>, vector<16xi32>,
          tpu.vector_store %arg11[%swap3A_410], %add3A_409 {strides = array<i32>} : memref<80xi32, #tpu.memory_space<vmem>>, vector<16xi32>,
          %shift_right_arithmetic3A_412 = arith.constant 16 : i32
          %shift_right_arithmetic3A_413 = vector.broadcast %shift_right_arithmetic3A_412 : i32 to vector<16xi32>
          %shift_right_arithmetic3A_414 = arith.shrsi %gather3A_402, %shift_right_arithmetic3A_413 : vector<16xi32>
          %sub3A_415 = arith.constant 5120 : i32
          %sub3A_416 = vector.broadcast %sub3A_415 : i32 to vector<16xi32>
          %sub3A_417 = arith.subi %shift_right_arithmetic3A_414, %sub3A_416 : vector<16xi32>
          %jit3A_418 = arith.constant 5120 : i32
          %broadcast_in_dim3A_419 = vector.broadcast %jit3A_418 : i32 to vector<16xi32>
          %select_n3A_420 = arith.select %lt3A_393, %sub3A_417, %broadcast_in_dim3A_419 : vector<16xi1>, vector<16xi32>
          %swap3A_421 = arith.constant 64 : index
          %swap3A_422 = tpu.vector_load %arg13[%swap3A_421] {strides = array<i32>} : memref<80xi32, #tpu.memory_space<vmem>>, vector<16xi32>,
          tpu.vector_store %arg13[%swap3A_421], %select_n3A_420 {strides = array<i32>} : memref<80xi32, #tpu.memory_space<vmem>>, vector<16xi32>,
          %dma_start3A = arith.constant 0 : i32
          %dma_start3A_423 = arith.constant 0 : i32
          %dma_start3A_424 = tpu.memref_slice %arg2[%dma_start3A, %dma_start3A_423] : memref<10000x128xf32, #tpu.memory_space<hbm>> -> memref<10000x128xf32, #tpu.memory_space<hbm>>
          tpu.enqueue_indirect_dma source(%dma_start3A_424 : memref<10000x128xf32, #tpu.memory_space<hbm>>) target(%arg15 : memref<80x128xf32, #tpu.memory_space<vmem>>) offsets(%arg9 : memref<80xi32, #tpu.memory_space<vmem>>) semaphore(%arg21 : memref<!tpu.dma_semaphore, #tpu.memory_space<semaphore_mem>>)
          %dma_start3A_425 = arith.constant 0 : i32
          %dma_start3A_426 = arith.constant 0 : i32
          %dma_start3A_427 = tpu.memref_slice %arg4[%dma_start3A_425, %dma_start3A_426] : memref<160000x128xi32, #tpu.memory_space<hbm>> -> memref<160000x128xi32, #tpu.memory_space<hbm>>
          tpu.enqueue_indirect_dma source(%dma_start3A_427 : memref<160000x128xi32, #tpu.memory_space<hbm>>) target(%arg17 : memref<80x128xi32, #tpu.memory_space<vmem>>) offsets(%arg11 : memref<80xi32, #tpu.memory_space<vmem>>) semaphore(%arg21 : memref<!tpu.dma_semaphore, #tpu.memory_space<semaphore_mem>>)
        } else {
        }
      } else {
      }
    }
    %barrier3A_200 = arith.constant 0 : index
    tpu.barrier barrier_id(%barrier3A_200)
    %scan3A_201 = arith.constant 0 : i32
    %scan3A_202 = arith.constant 0 : i32
    %scan3A_203 = arith.constant 4 : i32
    %scan3A_204 = arith.addi %scan3A_202, %scan3A_203 : i32
    %scan3A_205 = arith.constant 1 : i32
    scf.for %scan3A_207 = %scan3A_202 to %scan3A_204 step %scan3A_205  : i32 {
      %mul3A_208 = arith.constant 80 : i32
      %mul3A_209 = arith.muli %scan3A_207, %mul3A_208 : i32
      %add3A_210 = arith.addi %mul3A_2, %mul3A_209 : i32
      "tpu.region"() ({
        %run_scoped3A = tpu.sem_alloc : memref<!tpu.dma_semaphore, #tpu.memory_space<semaphore_mem>>
        %dma_start3A = arith.constant 0 : i32
        %dma_start3A_216 = tpu.memref_slice %arg19[%add3A_210, %dma_start3A] : memref<5128x128xf32, #tpu.memory_space<vmem_shared>> -> memref<80x128xf32, #tpu.memory_space<vmem_shared>>
        %dma_start3A_217 = arith.constant 0 : i32
        %dma_start3A_218 = tpu.memref_slice %arg19[%add3A_210, %dma_start3A_217] : memref<5128x128xf32, #tpu.memory_space<vmem_shared>> -> memref<80x128xf32, #tpu.memory_space<vmem_shared>>
        tpu.enqueue_dma source(%dma_start3A_218 : memref<80x128xf32, #tpu.memory_space<vmem_shared>>) target(%arg18 : memref<80x128xf32, #tpu.memory_space<vmem>>) target_semaphore(%run_scoped3A : memref<!tpu.dma_semaphore, #tpu.memory_space<semaphore_mem>>)
        %dma_wait3A = arith.constant 0 : i32
        %dma_wait3A_219 = tpu.memref_slice %arg19[%add3A_210, %dma_wait3A] : memref<5128x128xf32, #tpu.memory_space<vmem_shared>> -> memref<80x128xf32, #tpu.memory_space<vmem_shared>>
        %dma_wait3A_220 = arith.constant 0 : i32
        %dma_wait3A_221 = tpu.memref_slice %arg19[%add3A_210, %dma_wait3A_220] : memref<5128x128xf32, #tpu.memory_space<vmem_shared>> -> memref<80x128xf32, #tpu.memory_space<vmem_shared>>
        tpu.wait_dma2 semaphore(%run_scoped3A : memref<!tpu.dma_semaphore, #tpu.memory_space<semaphore_mem>>) src(%dma_wait3A_221 : memref<80x128xf32, #tpu.memory_space<vmem_shared>>) dst(%arg18 : memref<80x128xf32, #tpu.memory_space<vmem>>)
        tpu.yield
      }) : () -> ()
      %add3A_211 = arith.constant 5120 : i32
      %add3A_212 = arith.addi %add3A_211, %mul3A_2 : i32
      %mul3A_213 = arith.constant 80 : i32
      %mul3A_214 = arith.muli %scan3A_207, %mul3A_213 : i32
      %add3A_215 = arith.addi %add3A_212, %mul3A_214 : i32
      "tpu.region"() ({
        %run_scoped3A = tpu.sem_alloc : memref<!tpu.dma_semaphore, #tpu.memory_space<semaphore_mem>>
        %dma_start3A = arith.constant 0 : i32
        %dma_start3A_216 = tpu.memref_slice %arg5[%arg0, %add3A_215, %dma_start3A] : memref<2x10240x128xf32, #tpu.memory_space<hbm>> -> memref<1x80x128xf32, #tpu.memory_space<hbm>>
        %dma_start3A_217 = tpu.memref_squeeze %dma_start3A_216 : memref<1x80x128xf32, #tpu.memory_space<hbm>> -> memref<80x128xf32, #tpu.memory_space<hbm>>
        %dma_start3A_218 = arith.constant 0 : i32
        %dma_start3A_219 = tpu.memref_slice %arg5[%arg0, %add3A_215, %dma_start3A_218] : memref<2x10240x128xf32, #tpu.memory_space<hbm>> -> memref<1x80x128xf32, #tpu.memory_space<hbm>>
        %dma_start3A_220 = tpu.memref_squeeze %dma_start3A_219 : memref<1x80x128xf32, #tpu.memory_space<hbm>> -> memref<80x128xf32, #tpu.memory_space<hbm>>
        tpu.enqueue_dma source(%arg18 : memref<80x128xf32, #tpu.memory_space<vmem>>) target(%dma_start3A_220 : memref<80x128xf32, #tpu.memory_space<hbm>>) target_semaphore(%run_scoped3A : memref<!tpu.dma_semaphore, #tpu.memory_space<semaphore_mem>>)
        %dma_wait3A = arith.constant 0 : i32
        %dma_wait3A_221 = tpu.memref_slice %arg5[%arg0, %add3A_215, %dma_wait3A] : memref<2x10240x128xf32, #tpu.memory_space<hbm>> -> memref<1x80x128xf32, #tpu.memory_space<hbm>>
        %dma_wait3A_222 = tpu.memref_squeeze %dma_wait3A_221 : memref<1x80x128xf32, #tpu.memory_space<hbm>> -> memref<80x128xf32, #tpu.memory_space<hbm>>
        %dma_wait3A_223 = arith.constant 0 : i32
        %dma_wait3A_224 = tpu.memref_slice %arg5[%arg0, %add3A_215, %dma_wait3A_223] : memref<2x10240x128xf32, #tpu.memory_space<hbm>> -> memref<1x80x128xf32, #tpu.memory_space<hbm>>
        %dma_wait3A_225 = tpu.memref_squeeze %dma_wait3A_224 : memref<1x80x128xf32, #tpu.memory_space<hbm>> -> memref<80x128xf32, #tpu.memory_space<hbm>>
        tpu.wait_dma2 semaphore(%run_scoped3A : memref<!tpu.dma_semaphore, #tpu.memory_space<semaphore_mem>>) src(%arg18 : memref<80x128xf32, #tpu.memory_space<vmem>>) dst(%dma_wait3A_225 : memref<80x128xf32, #tpu.memory_space<hbm>>)
        tpu.yield
      }) : () -> ()
    }
    %scan3A_206 = arith.constant 4 : i32
    return
  }
}

module attributes {stable_mosaic.version = 14 : i64} {
  func.func @_mix_body(%arg0: i32, %arg1: memref<4000x3xf32, #tpu.memory_space<vmem>>, %arg2: memref<4000x8xf32, #tpu.memory_space<vmem>>, %arg3: memref<8x64xf32, #tpu.memory_space<vmem>>, %arg4: memref<64x64xf32, #tpu.memory_space<vmem>>, %arg5: memref<64x64xf32, #tpu.memory_space<vmem>>, %arg6: memref<64x256xf32, #tpu.memory_space<vmem>>, %arg7: memref<3x9xf32, #tpu.memory_space<vmem>>, %arg8: memref<3x9xf32, #tpu.memory_space<vmem>>, %arg9: memref<9x27xf32, #tpu.memory_space<vmem>>, %arg10: memref<3x27xf32, #tpu.memory_space<vmem>>, %arg11: memref<3x128xf32, #tpu.memory_space<vmem>>, %arg12: memref<9x128xf32, #tpu.memory_space<vmem>>, %arg13: memref<27x128xf32, #tpu.memory_space<vmem>>, %arg14: memref<1x128xf32, #tpu.memory_space<vmem>>, %arg15: memref<4000x128xi32, #tpu.memory_space<vmem>>) attributes {dimension_semantics = [#tpu.dimension_semantics<arbitrary>], iteration_bounds = array<i64: 40>, scalar_prefetch = 0 : i64, scratch_operands = 0 : i64, tpu.core_type = #tpu.core_type<tc>, window_params = [{transform_indices = @transform_0, window_bounds = array<i64: 4000, 3>}, {transform_indices = @transform_1, window_bounds = array<i64: 4000, 8>}, {pipeline_mode = #tpu.pipeline_mode<synchronous>, transform_indices = @transform_2, window_bounds = array<i64: 8, 64>}, {pipeline_mode = #tpu.pipeline_mode<synchronous>, transform_indices = @transform_3, window_bounds = array<i64: 64, 64>}, {pipeline_mode = #tpu.pipeline_mode<synchronous>, transform_indices = @transform_4, window_bounds = array<i64: 64, 64>}, {pipeline_mode = #tpu.pipeline_mode<synchronous>, transform_indices = @transform_5, window_bounds = array<i64: 64, 256>}, {pipeline_mode = #tpu.pipeline_mode<synchronous>, transform_indices = @transform_6, window_bounds = array<i64: 3, 9>}, {pipeline_mode = #tpu.pipeline_mode<synchronous>, transform_indices = @transform_7, window_bounds = array<i64: 3, 9>}, {pipeline_mode = #tpu.pipeline_mode<synchronous>, transform_indices = @transform_8, window_bounds = array<i64: 9, 27>}, {pipeline_mode = #tpu.pipeline_mode<synchronous>, transform_indices = @transform_9, window_bounds = array<i64: 3, 27>}, {pipeline_mode = #tpu.pipeline_mode<synchronous>, transform_indices = @transform_10, window_bounds = array<i64: 3, 128>}, {pipeline_mode = #tpu.pipeline_mode<synchronous>, transform_indices = @transform_11, window_bounds = array<i64: 9, 128>}, {pipeline_mode = #tpu.pipeline_mode<synchronous>, transform_indices = @transform_12, window_bounds = array<i64: 27, 128>}, {pipeline_mode = #tpu.pipeline_mode<synchronous>, transform_indices = @transform_13, window_bounds = array<i64: 1, 128>}, {transform_indices = @transform_14, window_bounds = array<i64: 4000, 128>}]} {
    %get3A = arith.constant 0 : index
    %get3A_0 = arith.constant 0 : index
    %get3A_1 = vector.load %arg1[%get3A, %get3A_0] : memref<4000x3xf32, #tpu.memory_space<vmem>>, vector<4000x3xf32>
    %mul3A = arith.mulf %get3A_1, %get3A_1 : vector<4000x3xf32>
    %reduce_sum3A = arith.constant dense<0.000000e+00> : vector<4000xf32>
    %reduce_sum3A_2 = vector.multi_reduction <add>, %mul3A, %reduce_sum3A [1] : vector<4000x3xf32> to vector<4000xf32>
    %broadcast_in_dim3A = vector.shape_cast %reduce_sum3A_2 : vector<4000xf32> to vector<4000x1xf32>
    %gt3A = arith.constant 0.000000e+00 : f32
    %gt3A_3 = vector.broadcast %gt3A : f32 to vector<4000x1xf32>
    %gt3A_4 = arith.cmpf ogt, %broadcast_in_dim3A, %gt3A_3 : vector<4000x1xf32>
    %gt3A_5 = arith.constant 0.000000e+00 : f32
    %gt3A_6 = vector.broadcast %gt3A_5 : f32 to vector<4000x1xf32>
    %gt3A_7 = arith.cmpf ogt, %broadcast_in_dim3A, %gt3A_6 : vector<4000x1xf32>
    %jit3A = arith.constant 1.000000e+00 : f32
    %broadcast_in_dim3A_8 = vector.broadcast %jit3A : f32 to vector<4000x1xf32>
    %select_n3A = arith.select %gt3A_7, %broadcast_in_dim3A, %broadcast_in_dim3A_8 : vector<4000x1xi1>, vector<4000x1xf32>
    %rsqrt3A = math.rsqrt %select_n3A : vector<4000x1xf32>
    %jit3A_9 = arith.constant 0.000000e+00 : f32
    %broadcast_in_dim3A_10 = vector.broadcast %jit3A_9 : f32 to vector<4000x1xf32>
    %select_n3A_11 = arith.select %gt3A_4, %rsqrt3A, %broadcast_in_dim3A_10 : vector<4000x1xi1>, vector<4000x1xf32>
    %mul3A_12 = vector.broadcast %select_n3A_11 : vector<4000x1xf32> to vector<4000x3xf32>
    %mul3A_13 = arith.mulf %get3A_1, %mul3A_12 : vector<4000x3xf32>
    %get3A_14 = arith.constant 0 : index
    %get3A_15 = arith.constant 0 : index
    %get3A_16 = vector.load %arg7[%get3A_14, %get3A_15] : memref<3x9xf32, #tpu.memory_space<vmem>>, vector<3x9xf32>
    %dot_general3A = arith.constant dense<0.000000e+00> : vector<4000x9xf32>
    %dot_general3A_17 = tpu.matmul %mul3A_13, %get3A_16, %dot_general3A {dimension_numbers = #tpu.dot_dimension_numbers<[1], [0], [0], [1], [0, 0, 1, 1], [], []>, transpose_lhs_hint = false} : vector<4000x3xf32>, vector<3x9xf32>, vector<4000x9xf32> -> vector<4000x9xf32>
    %get3A_18 = arith.constant 0 : index
    %get3A_19 = arith.constant 0 : index
    %get3A_20 = vector.load %arg8[%get3A_18, %get3A_19] : memref<3x9xf32, #tpu.memory_space<vmem>>, vector<3x9xf32>
    %dot_general3A_21 = arith.constant dense<0.000000e+00> : vector<4000x9xf32>
    %dot_general3A_22 = tpu.matmul %mul3A_13, %get3A_20, %dot_general3A_21 {dimension_numbers = #tpu.dot_dimension_numbers<[1], [0], [0], [1], [0, 0, 1, 1], [], []>, transpose_lhs_hint = false} : vector<4000x3xf32>, vector<3x9xf32>, vector<4000x9xf32> -> vector<4000x9xf32>
    %mul3A_23 = arith.mulf %dot_general3A_17, %dot_general3A_22 : vector<4000x9xf32>
    %get3A_24 = arith.constant 0 : index
    %get3A_25 = arith.constant 0 : index
    %get3A_26 = vector.load %arg9[%get3A_24, %get3A_25] : memref<9x27xf32, #tpu.memory_space<vmem>>, vector<9x27xf32>
    %dot_general3A_27 = arith.constant dense<0.000000e+00> : vector<4000x27xf32>
    %dot_general3A_28 = tpu.matmul %mul3A_23, %get3A_26, %dot_general3A_27 {dimension_numbers = #tpu.dot_dimension_numbers<[1], [0], [0], [1], [0, 0, 1, 1], [], []>, transpose_lhs_hint = false} : vector<4000x9xf32>, vector<9x27xf32>, vector<4000x27xf32> -> vector<4000x27xf32>
    %get3A_29 = arith.constant 0 : index
    %get3A_30 = arith.constant 0 : index
    %get3A_31 = vector.load %arg10[%get3A_29, %get3A_30] : memref<3x27xf32, #tpu.memory_space<vmem>>, vector<3x27xf32>
    %dot_general3A_32 = arith.constant dense<0.000000e+00> : vector<4000x27xf32>
    %dot_general3A_33 = tpu.matmul %mul3A_13, %get3A_31, %dot_general3A_32 {dimension_numbers = #tpu.dot_dimension_numbers<[1], [0], [0], [1], [0, 0, 1, 1], [], []>, transpose_lhs_hint = false} : vector<4000x3xf32>, vector<3x27xf32>, vector<4000x27xf32> -> vector<4000x27xf32>
    %mul3A_34 = arith.mulf %dot_general3A_28, %dot_general3A_33 : vector<4000x27xf32>
    %get3A_35 = arith.constant 0 : index
    %get3A_36 = arith.constant 0 : index
    %get3A_37 = vector.load %arg14[%get3A_35, %get3A_36] : memref<1x128xf32, #tpu.memory_space<vmem>>, vector<1x128xf32>
    %get3A_38 = arith.constant 0 : index
    %get3A_39 = arith.constant 0 : index
    %get3A_40 = vector.load %arg11[%get3A_38, %get3A_39] : memref<3x128xf32, #tpu.memory_space<vmem>>, vector<3x128xf32>
    %dot_general3A_41 = arith.constant dense<0.000000e+00> : vector<4000x128xf32>
    %dot_general3A_42 = tpu.matmul %mul3A_13, %get3A_40, %dot_general3A_41 {dimension_numbers = #tpu.dot_dimension_numbers<[1], [0], [0], [1], [0, 0, 1, 1], [], []>, transpose_lhs_hint = false} : vector<4000x3xf32>, vector<3x128xf32>, vector<4000x128xf32> -> vector<4000x128xf32>
    %add3A = vector.broadcast %get3A_37 : vector<1x128xf32> to vector<4000x128xf32>
    %add3A_43 = arith.addf %add3A, %dot_general3A_42 : vector<4000x128xf32>
    %get3A_44 = arith.constant 0 : index
    %get3A_45 = arith.constant 0 : index
    %get3A_46 = vector.load %arg12[%get3A_44, %get3A_45] : memref<9x128xf32, #tpu.memory_space<vmem>>, vector<9x128xf32>
    %dot_general3A_47 = arith.constant dense<0.000000e+00> : vector<4000x128xf32>
    %dot_general3A_48 = tpu.matmul %mul3A_23, %get3A_46, %dot_general3A_47 {dimension_numbers = #tpu.dot_dimension_numbers<[1], [0], [0], [1], [0, 0, 1, 1], [], []>, transpose_lhs_hint = false} : vector<4000x9xf32>, vector<9x128xf32>, vector<4000x128xf32> -> vector<4000x128xf32>
    %add3A_49 = arith.addf %add3A_43, %dot_general3A_48 : vector<4000x128xf32>
    %get3A_50 = arith.constant 0 : index
    %get3A_51 = arith.constant 0 : index
    %get3A_52 = vector.load %arg13[%get3A_50, %get3A_51] : memref<27x128xf32, #tpu.memory_space<vmem>>, vector<27x128xf32>
    %dot_general3A_53 = arith.constant dense<0.000000e+00> : vector<4000x128xf32>
    %dot_general3A_54 = tpu.matmul %mul3A_34, %get3A_52, %dot_general3A_53 {dimension_numbers = #tpu.dot_dimension_numbers<[1], [0], [0], [1], [0, 0, 1, 1], [], []>, transpose_lhs_hint = false} : vector<4000x27xf32>, vector<27x128xf32>, vector<4000x128xf32> -> vector<4000x128xf32>
    %add3A_55 = arith.addf %add3A_49, %dot_general3A_54 : vector<4000x128xf32>
    %get3A_56 = arith.constant 0 : index
    %get3A_57 = arith.constant 0 : index
    %get3A_58 = vector.load %arg2[%get3A_56, %get3A_57] : memref<4000x8xf32, #tpu.memory_space<vmem>>, vector<4000x8xf32>
    %get3A_59 = arith.constant 0 : index
    %get3A_60 = arith.constant 0 : index
    %get3A_61 = vector.load %arg3[%get3A_59, %get3A_60] : memref<8x64xf32, #tpu.memory_space<vmem>>, vector<8x64xf32>
    %dot_general3A_62 = arith.constant dense<0.000000e+00> : vector<4000x64xf32>
    %dot_general3A_63 = tpu.matmul %get3A_58, %get3A_61, %dot_general3A_62 {dimension_numbers = #tpu.dot_dimension_numbers<[1], [0], [0], [1], [0, 0, 1, 1], [], []>, transpose_lhs_hint = false} : vector<4000x8xf32>, vector<8x64xf32>, vector<4000x64xf32> -> vector<4000x64xf32>
    %neg3A = arith.constant 0.000000e+00 : f32
    %neg3A_64 = vector.broadcast %neg3A : f32 to vector<4000x64xf32>
    %neg3A_65 = arith.subf %neg3A_64, %dot_general3A_63 : vector<4000x64xf32>
    %exp3A = math.exp %neg3A_65 : vector<4000x64xf32>
    %add3A_66 = arith.constant 1.000000e+00 : f32
    %add3A_67 = vector.broadcast %add3A_66 : f32 to vector<4000x64xf32>
    %add3A_68 = arith.addf %add3A_67, %exp3A : vector<4000x64xf32>
    %div3A = arith.divf %dot_general3A_63, %add3A_68 : vector<4000x64xf32>
    %get3A_69 = arith.constant 0 : index
    %get3A_70 = arith.constant 0 : index
    %get3A_71 = vector.load %arg4[%get3A_69, %get3A_70] : memref<64x64xf32, #tpu.memory_space<vmem>>, vector<64x64xf32>
    %dot_general3A_72 = arith.constant dense<0.000000e+00> : vector<4000x64xf32>
    %dot_general3A_73 = tpu.matmul %div3A, %get3A_71, %dot_general3A_72 {dimension_numbers = #tpu.dot_dimension_numbers<[1], [0], [0], [1], [0, 0, 1, 1], [], []>, transpose_lhs_hint = false} : vector<4000x64xf32>, vector<64x64xf32>, vector<4000x64xf32> -> vector<4000x64xf32>
    %neg3A_74 = arith.constant 0.000000e+00 : f32
    %neg3A_75 = vector.broadcast %neg3A_74 : f32 to vector<4000x64xf32>
    %neg3A_76 = arith.subf %neg3A_75, %dot_general3A_73 : vector<4000x64xf32>
    %exp3A_77 = math.exp %neg3A_76 : vector<4000x64xf32>
    %add3A_78 = arith.constant 1.000000e+00 : f32
    %add3A_79 = vector.broadcast %add3A_78 : f32 to vector<4000x64xf32>
    %add3A_80 = arith.addf %add3A_79, %exp3A_77 : vector<4000x64xf32>
    %div3A_81 = arith.divf %dot_general3A_73, %add3A_80 : vector<4000x64xf32>
    %get3A_82 = arith.constant 0 : index
    %get3A_83 = arith.constant 0 : index
    %get3A_84 = vector.load %arg5[%get3A_82, %get3A_83] : memref<64x64xf32, #tpu.memory_space<vmem>>, vector<64x64xf32>
    %dot_general3A_85 = arith.constant dense<0.000000e+00> : vector<4000x64xf32>
    %dot_general3A_86 = tpu.matmul %div3A_81, %get3A_84, %dot_general3A_85 {dimension_numbers = #tpu.dot_dimension_numbers<[1], [0], [0], [1], [0, 0, 1, 1], [], []>, transpose_lhs_hint = false} : vector<4000x64xf32>, vector<64x64xf32>, vector<4000x64xf32> -> vector<4000x64xf32>
    %neg3A_87 = arith.constant 0.000000e+00 : f32
    %neg3A_88 = vector.broadcast %neg3A_87 : f32 to vector<4000x64xf32>
    %neg3A_89 = arith.subf %neg3A_88, %dot_general3A_86 : vector<4000x64xf32>
    %exp3A_90 = math.exp %neg3A_89 : vector<4000x64xf32>
    %add3A_91 = arith.constant 1.000000e+00 : f32
    %add3A_92 = vector.broadcast %add3A_91 : f32 to vector<4000x64xf32>
    %add3A_93 = arith.addf %add3A_92, %exp3A_90 : vector<4000x64xf32>
    %div3A_94 = arith.divf %dot_general3A_86, %add3A_93 : vector<4000x64xf32>
    %get3A_95 = arith.constant 0 : index
    %get3A_96 = arith.constant 0 : index
    %get3A_97 = vector.load %arg6[%get3A_95, %get3A_96] : memref<64x256xf32, #tpu.memory_space<vmem>>, vector<64x256xf32>
    %dot_general3A_98 = arith.constant dense<0.000000e+00> : vector<4000x256xf32>
    %dot_general3A_99 = tpu.matmul %div3A_94, %get3A_97, %dot_general3A_98 {dimension_numbers = #tpu.dot_dimension_numbers<[1], [0], [0], [1], [0, 0, 1, 1], [], []>, transpose_lhs_hint = false} : vector<4000x64xf32>, vector<64x256xf32>, vector<4000x256xf32> -> vector<4000x256xf32>
    %slice3A = vector.extract_strided_slice %dot_general3A_99 {offsets = [0, 0], sizes = [4000, 128], strides = [1, 1]} : vector<4000x256xf32> to vector<4000x128xf32>
    %mul3A_100 = arith.constant 2.500000e-01 : f32
    %mul3A_101 = vector.broadcast %mul3A_100 : f32 to vector<4000x128xf32>
    %mul3A_102 = arith.mulf %slice3A, %mul3A_101 : vector<4000x128xf32>
    %bitcast_convert_type3A = tpu.bitcast %mul3A_102 : vector<4000x128xf32> -> vector<4000x128xi32>
    %add3A_103 = arith.constant 32767 : i32
    %add3A_104 = vector.broadcast %add3A_103 : i32 to vector<4000x128xi32>
    %add3A_105 = arith.addi %bitcast_convert_type3A, %add3A_104 : vector<4000x128xi32>
    %shift_right_logical3A = arith.constant 16 : i32
    %shift_right_logical3A_106 = vector.broadcast %shift_right_logical3A : i32 to vector<4000x128xi32>
    %shift_right_logical3A_107 = arith.shrui %bitcast_convert_type3A, %shift_right_logical3A_106 : vector<4000x128xi32>
    %and3A = arith.constant 1 : i32
    %and3A_108 = vector.broadcast %and3A : i32 to vector<4000x128xi32>
    %and3A_109 = arith.andi %shift_right_logical3A_107, %and3A_108 : vector<4000x128xi32>
    %add3A_110 = arith.addi %add3A_105, %and3A_109 : vector<4000x128xi32>
    %shift_right_logical3A_111 = arith.constant 16 : i32
    %shift_right_logical3A_112 = vector.broadcast %shift_right_logical3A_111 : i32 to vector<4000x128xi32>
    %shift_right_logical3A_113 = arith.shrui %add3A_110, %shift_right_logical3A_112 : vector<4000x128xi32>
    %slice3A_114 = vector.extract_strided_slice %shift_right_logical3A_113 {offsets = [0, 0], sizes = [4000, 64], strides = [1, 1]} : vector<4000x128xi32> to vector<4000x64xi32>
    %slice3A_115 = vector.extract_strided_slice %shift_right_logical3A_113 {offsets = [0, 64], sizes = [4000, 64], strides = [1, 1]} : vector<4000x128xi32> to vector<4000x64xi32>
    %shift_left3A = arith.constant 16 : i32
    %shift_left3A_116 = vector.broadcast %shift_left3A : i32 to vector<4000x64xi32>
    %shift_left3A_117 = arith.shli %slice3A_115, %shift_left3A_116 : vector<4000x64xi32>
    %or3A = arith.ori %slice3A_114, %shift_left3A_117 : vector<4000x64xi32>
    %swap3A = arith.constant 0 : index
    %swap3A_118 = arith.constant 0 : index
    %swap3A_119 = vector.load %arg15[%swap3A, %swap3A_118] : memref<4000x128xi32, #tpu.memory_space<vmem>>, vector<4000x64xi32>
    tpu.vector_store %arg15[%swap3A, %swap3A_118], %or3A {strides = array<i32>} : memref<4000x128xi32, #tpu.memory_space<vmem>>, vector<4000x64xi32>,
    %slice3A_120 = vector.extract_strided_slice %dot_general3A_99 {offsets = [0, 128], sizes = [4000, 128], strides = [1, 1]} : vector<4000x256xf32> to vector<4000x128xf32>
    %mul3A_121 = arith.mulf %slice3A_120, %add3A_55 : vector<4000x128xf32>
    %mul3A_122 = arith.constant 2.500000e-01 : f32
    %mul3A_123 = vector.broadcast %mul3A_122 : f32 to vector<4000x128xf32>
    %mul3A_124 = arith.mulf %mul3A_121, %mul3A_123 : vector<4000x128xf32>
    %bitcast_convert_type3A_125 = tpu.bitcast %mul3A_124 : vector<4000x128xf32> -> vector<4000x128xi32>
    %add3A_126 = arith.constant 32767 : i32
    %add3A_127 = vector.broadcast %add3A_126 : i32 to vector<4000x128xi32>
    %add3A_128 = arith.addi %bitcast_convert_type3A_125, %add3A_127 : vector<4000x128xi32>
    %shift_right_logical3A_129 = arith.constant 16 : i32
    %shift_right_logical3A_130 = vector.broadcast %shift_right_logical3A_129 : i32 to vector<4000x128xi32>
    %shift_right_logical3A_131 = arith.shrui %bitcast_convert_type3A_125, %shift_right_logical3A_130 : vector<4000x128xi32>
    %and3A_132 = arith.constant 1 : i32
    %and3A_133 = vector.broadcast %and3A_132 : i32 to vector<4000x128xi32>
    %and3A_134 = arith.andi %shift_right_logical3A_131, %and3A_133 : vector<4000x128xi32>
    %add3A_135 = arith.addi %add3A_128, %and3A_134 : vector<4000x128xi32>
    %shift_right_logical3A_136 = arith.constant 16 : i32
    %shift_right_logical3A_137 = vector.broadcast %shift_right_logical3A_136 : i32 to vector<4000x128xi32>
    %shift_right_logical3A_138 = arith.shrui %add3A_135, %shift_right_logical3A_137 : vector<4000x128xi32>
    %slice3A_139 = vector.extract_strided_slice %shift_right_logical3A_138 {offsets = [0, 0], sizes = [4000, 64], strides = [1, 1]} : vector<4000x128xi32> to vector<4000x64xi32>
    %slice3A_140 = vector.extract_strided_slice %shift_right_logical3A_138 {offsets = [0, 64], sizes = [4000, 64], strides = [1, 1]} : vector<4000x128xi32> to vector<4000x64xi32>
    %shift_left3A_141 = arith.constant 16 : i32
    %shift_left3A_142 = vector.broadcast %shift_left3A_141 : i32 to vector<4000x64xi32>
    %shift_left3A_143 = arith.shli %slice3A_140, %shift_left3A_142 : vector<4000x64xi32>
    %or3A_144 = arith.ori %slice3A_139, %shift_left3A_143 : vector<4000x64xi32>
    %swap3A_145 = arith.constant 0 : index
    %swap3A_146 = arith.constant 64 : index
    %swap3A_147 = vector.load %arg15[%swap3A_145, %swap3A_146] : memref<4000x128xi32, #tpu.memory_space<vmem>>, vector<4000x64xi32>
    tpu.vector_store %arg15[%swap3A_145, %swap3A_146], %or3A_144 {strides = array<i32>} : memref<4000x128xi32, #tpu.memory_space<vmem>>, vector<4000x64xi32>,
    return
  }
  func.func @transform_0(%arg0: i32) -> (i32, i32) {
    %c0_i32 = arith.constant 0 : i32
    %c0_i32_0 = arith.constant 0 : i32
    return %arg0, %c0_i32 : i32, i32
  }
  func.func @transform_1(%arg0: i32) -> (i32, i32) {
    %c0_i32 = arith.constant 0 : i32
    %c0_i32_0 = arith.constant 0 : i32
    return %arg0, %c0_i32 : i32, i32
  }
  func.func @transform_2(%arg0: i32) -> (i32, i32) {
    %c0_i32 = arith.constant 0 : i32
    %c0_i32_0 = arith.constant 0 : i32
    %c0_i32_1 = arith.constant 0 : i32
    return %c0_i32, %c0_i32_0 : i32, i32
  }
  func.func @transform_3(%arg0: i32) -> (i32, i32) {
    %c0_i32 = arith.constant 0 : i32
    %c0_i32_0 = arith.constant 0 : i32
    %c0_i32_1 = arith.constant 0 : i32
    return %c0_i32, %c0_i32_0 : i32, i32
  }
  func.func @transform_4(%arg0: i32) -> (i32, i32) {
    %c0_i32 = arith.constant 0 : i32
    %c0_i32_0 = arith.constant 0 : i32
    %c0_i32_1 = arith.constant 0 : i32
    return %c0_i32, %c0_i32_0 : i32, i32
  }
  func.func @transform_5(%arg0: i32) -> (i32, i32) {
    %c0_i32 = arith.constant 0 : i32
    %c0_i32_0 = arith.constant 0 : i32
    %c0_i32_1 = arith.constant 0 : i32
    return %c0_i32, %c0_i32_0 : i32, i32
  }
  func.func @transform_6(%arg0: i32) -> (i32, i32) {
    %c0_i32 = arith.constant 0 : i32
    %c0_i32_0 = arith.constant 0 : i32
    %c0_i32_1 = arith.constant 0 : i32
    return %c0_i32, %c0_i32_0 : i32, i32
  }
  func.func @transform_7(%arg0: i32) -> (i32, i32) {
    %c0_i32 = arith.constant 0 : i32
    %c0_i32_0 = arith.constant 0 : i32
    %c0_i32_1 = arith.constant 0 : i32
    return %c0_i32, %c0_i32_0 : i32, i32
  }
  func.func @transform_8(%arg0: i32) -> (i32, i32) {
    %c0_i32 = arith.constant 0 : i32
    %c0_i32_0 = arith.constant 0 : i32
    %c0_i32_1 = arith.constant 0 : i32
    return %c0_i32, %c0_i32_0 : i32, i32
  }
  func.func @transform_9(%arg0: i32) -> (i32, i32) {
    %c0_i32 = arith.constant 0 : i32
    %c0_i32_0 = arith.constant 0 : i32
    %c0_i32_1 = arith.constant 0 : i32
    return %c0_i32, %c0_i32_0 : i32, i32
  }
  func.func @transform_10(%arg0: i32) -> (i32, i32) {
    %c0_i32 = arith.constant 0 : i32
    %c0_i32_0 = arith.constant 0 : i32
    %c0_i32_1 = arith.constant 0 : i32
    return %c0_i32, %c0_i32_0 : i32, i32
  }
  func.func @transform_11(%arg0: i32) -> (i32, i32) {
    %c0_i32 = arith.constant 0 : i32
    %c0_i32_0 = arith.constant 0 : i32
    %c0_i32_1 = arith.constant 0 : i32
    return %c0_i32, %c0_i32_0 : i32, i32
  }
  func.func @transform_12(%arg0: i32) -> (i32, i32) {
    %c0_i32 = arith.constant 0 : i32
    %c0_i32_0 = arith.constant 0 : i32
    %c0_i32_1 = arith.constant 0 : i32
    return %c0_i32, %c0_i32_0 : i32, i32
  }
  func.func @transform_13(%arg0: i32) -> (i32, i32) {
    %c0_i32 = arith.constant 0 : i32
    %c0_i32_0 = arith.constant 0 : i32
    %c0_i32_1 = arith.constant 0 : i32
    return %c0_i32, %c0_i32_0 : i32, i32
  }
  func.func @transform_14(%arg0: i32) -> (i32, i32) {
    %c0_i32 = arith.constant 0 : i32
    %c0_i32_0 = arith.constant 0 : i32
    return %arg0, %c0_i32 : i32, i32
  }
}

</mosaic_0001>

<sc_bundles>
// kernel: kernel.4.cloned.1.call-start
scs
__scs_entry_jumppad:
0x0: {  	(pc) =	sbr.rel $0x88, $3  }
0x1: {  	(tag) =	ssettag $0x0;
	lr =	simm.s32 $0x1  }
0x2: {  	[smem:$0x3F98] =	sst lr;
	_ =	strace $0xD0000000  }
0x3: {  	_ = 	snop  }
0x4: {  	_ = 	snop  }
0x5: {  	_ = 	snop  }
0x6: {  	_ = 	snop  }
0x7: {  	_ = 	snop  }
__scs_overlays_trampoline_lowered:
0x8: {  	[smem:$0x3FA7] =	sst s0  }
0x9: {  	[smem:$0x3FA8] =	sst s1  }
0xa: {  	[smem:$0x3FA9] =	sst s2  }
0xb: {  	[smem:$0x3FAA] =	sst s3  }
0xc: {  	[smem:$0x3FAB] =	sst s4  }
0xd: {  	[smem:$0x3FAC] =	sst s5  }
0xe: {  	[smem:$0x3FAD] =	sst s6  }
0xf: {  	[smem:$0x3FAE] =	sst s7  }
0x10: {  	[smem:$0x3FAF] =	sst s8  }
0x11: {  	[smem:$0x3FB0] =	sst s9;
	s0 =	simm.s32 @!p0 $0x0  }
0x12: {  	s1 =	sld [smem:$0x3F96];
	s0 =	simm.s32 @p0 $0x1  }
0x13: {  	[smem:$0x3FB1] =	sst s0;
	s0 =	simm.s32 @!p1 $0x0  }
0x14: {  	s2 =	sld [smem:$0x3F95];
	s0 =	simm.s32 @p1 $0x1  }
0x15: {  	[smem:$0x3FB2] =	sst s0;
	s0 =	simm.s32 @!p2 $0x0  }
0x16: {  	s3 =	sld [smem:$0x3FDB];
	s0 =	simm.s32 @p2 $0x1  }
0x17: {  	s4 =	simm.s32 $0x1BF5;
	[smem:$0x3FB4] =	sst s0  }
0x18: {  	s0 =	sld [smem:$0x3F97];
	_ =	swait.ge [sflag:s4], $0x0  }
0x19: {  	s7 =	sld [smem:$0x3F98]  }
0x1a: {  	s8 =	sadd.s32 $0xFFFFE003, lr  }
0x1b: {  	s9 =	sadd.s32 $0xFFFFFEF7, lr;
	s5 =	simm.s32 $0xFFFFFFFF;
	p2 =	slt.u32 s8, $0xFFFFF086  }
0x1c: {  	p1 =	slt.u32 s9, $0xF7A;
	s5 =	simm.s32 @!p2 $0x0  }
0x1d: {  	s5 =	simm.s32 @p1 $0x1;
	p0 =	seq.s32 s7, s2  }
0x1e: {  	s7 =	smul.u32 @!p0 $0xF7A, s2;
	p2 =	seq.s32 @!p0 s5, $0x0  }
0x1f: {  	s9 =	smul.u32 $0xF7A, s1;
	s8 =	simm.s32 @!p0 $0x1BF5;
	p2 =	por !p2, p0  }
0x20: {  	[sflag:s8] =	ssyncset.s32 @!p0 $0xFFFFF086;
	s6 =	sadd.s32 @!p0 s3, s7;
	s7 =	simm.s32 @!p0 $0x108  }
0x21: {  	s3 =	sadd.s32 s3, s9;
	s6 =	sadd.s32 @!p0 $0x88, s6;
	s7 =	simm.s32 @p2 $0x1082  }
0x22: {  	[simem:s7], [sflag:s8] =	dma.local @!p0 [hbm:s6], $0xF7A  }
0x23: {  	s9 =	sor.u32 $0xD0000000, s2;
	s6 =	simm.s32 $0x108;
	_ =	swait.ge @!p0 [sflag:s8], $0x0  }
0x24: {  	s3 =	sadd.s32 $0x88, s3;
	s6 =	simm.s32 @!p1 $0x1082;
	[sflag:s4] =	ssyncset.s32 $0xFFFFF086  }
0x25: {  	[simem:s6], [sflag:s4] =	dma.local [hbm:s3], $0xF7A  }
0x26: {  	[smem:$0x3F98] =	sst s1;
	(tag) =	ssettag s2;
	_ =	strace s9  }
0x27: {  	s1 =	sld [smem:$0x3FA8]  }
0x28: {  	s2 =	sld [smem:$0x3FA9]  }
0x29: {  	s4 =	sld [smem:$0x3FAB]  }
0x2a: {  	p0 =	seq.s32 s5, $0x0;
	s5 =	sld [smem:$0x3FAC]  }
0x2b: {  	s6 =	sld [smem:$0x3FAD]  }
0x2c: {  	s7 =	sld [smem:$0x3FAE]  }
0x2d: {  	s3 =	simm.s32 $0x108;
	s8 =	sld [smem:$0x3FAF]  }
0x2e: {  	s3 =	simm.s32 @!p0 $0x1082;
	s9 =	sld [smem:$0x3FB0]  }
0x2f: {  	lr =	sadd.s32 s0, s3;
	s0 =	sld [smem:$0x3FA7]  }
0x30: {  	s3 =	sld [smem:$0x3FAA]  }
0x31: {  	[smem:$0x3FB3] =	sst s10  }
0x32: {  	s10 =	sld [smem:$0x3FB1];
	_ =	sdelay $0x3  }
0x33: {  	p0 =	seq.s32 s10, $0x1;
	s10 =	sld [smem:$0x3FB3];
	_ =	sdelay $0x3  }
0x34: {  	[smem:$0x3FB3] =	sst s10  }
0x35: {  	s10 =	sld [smem:$0x3FB2];
	_ =	sdelay $0x3  }
0x36: {  	p1 =	seq.s32 s10, $0x1;
	s10 =	sld [smem:$0x3FB3];
	_ =	sdelay $0x3  }
0x37: {  	[smem:$0x3FB3] =	sst s10  }
0x38: {  	s10 =	sld [smem:$0x3FB4]  }
0x39: {  	_ = 	snop;
	(pc) =	sbr.ind lr, $3  }
0x3a: {  	_ = 	snop  }
0x3b: {  	_ = 	snop  }
0x3c: {  	p2 =	seq.s32 s10, $0x1;
	s10 =	sld [smem:$0x3FB3]  }
0x3d: {  	_ =	shalt  }
0x3e: {  	_ =	shalt  }
0x3f: {  	_ =	shalt  }
0x40: {  	_ =	shalt  }
0x41: {  	_ =	shalt  }
0x42: {  	_ =	shalt  }
0x43: {  	_ =	shalt  }
0x44: {  	_ =	shalt  }
0x45: {  	_ =	shalt  }
0x46: {  	_ =	shalt  }
0x47: {  	_ =	shalt  }
0x48: {  	_ =	shalt  }
0x49: {  	_ =	shalt  }
0x4a: {  	_ =	shalt  }
0x4b: {  	_ =	shalt  }
0x4c: {  	_ =	shalt  }
0x4d: {  	_ =	shalt  }
0x4e: {  	_ =	shalt  }
0x4f: {  	_ =	shalt  }
0x50: {  	_ =	shalt  }
0x51: {  	_ =	shalt  }
0x52: {  	_ =	shalt  }
0x53: {  	_ =	shalt  }
0x54: {  	_ =	shalt  }
0x55: {  	_ =	shalt  }
0x56: {  	_ =	shalt  }
0x57: {  	_ =	shalt  }
0x58: {  	_ =	shalt  }
0x59: {  	_ =	shalt  }
0x5a: {  	_ =	shalt  }
0x5b: {  	_ =	shalt  }
0x5c: {  	_ =	shalt  }
0x5d: {  	_ =	shalt  }
0x5e: {  	_ =	shalt  }
0x5f: {  	_ =	shalt  }
0x60: {  	_ =	shalt  }
0x61: {  	_ =	shalt  }
0x62: {  	_ =	shalt  }
0x63: {  	_ =	shalt  }
0x64: {  	_ =	shalt  }
0x65: {  	_ =	shalt  }
0x66: {  	_ =	shalt  }
0x67: {  	_ =	shalt  }
0x68: {  	_ =	shalt  }
0x69: {  	_ =	shalt  }
0x6a: {  	_ =	shalt  }
0x6b: {  	_ =	shalt  }
0x6c: {  	_ =	shalt  }
0x6d: {  	_ =	shalt  }
0x6e: {  	_ =	shalt  }
0x6f: {  	_ =	shalt  }
0x70: {  	_ =	shalt  }
0x71: {  	_ =	shalt  }
0x72: {  	_ =	shalt  }
0x73: {  	_ =	shalt  }
0x74: {  	_ =	shalt  }
0x75: {  	_ =	shalt  }
0x76: {  	_ =	shalt  }
0x77: {  	_ =	shalt  }
0x78: {  	_ =	shalt  }
0x79: {  	_ =	shalt  }
0x7a: {  	_ =	shalt  }
0x7b: {  	_ =	shalt  }
0x7c: {  	_ =	shalt  }
0x7d: {  	_ =	shalt  }
0x7e: {  	_ =	shalt  }
0x7f: {  	_ =	shalt  }
0x80: {  	_ =	shalt  }
0x81: {  	_ =	shalt  }
0x82: {  	_ =	shalt  }
0x83: {  	_ =	shalt  }
0x84: {  	_ =	shalt  }
0x85: {  	_ =	shalt  }
0x86: {  	_ =	shalt  }
0x87: {  	_ =	shalt  }
.Lfunc_end0:
.L_simem_size_0:
called_computation_lowered:
.L_overlay_start_0:
0x88: {  	s2 =	sld [smem:$0x3FD9]  }
0x89: {  	s3 =	sld [smem:$0x3FFE];
	_ =	sdelay $0x1  }
0x8a: {  	s1 =	srdreg.scid  }
0x8b: {  	s0 =	sand.u32 $0x1, s1  }
0x8c: {  	s17 =	sshll.u32 s0, $0xA;
	s2 =	sadd.s32 s3, s2  }
0x8d: {  	s2 =	sadd.s32 s2, s17  }
0x8e: {  	[smem:$0x3FBF] =	sst s2  }
0x8f: {  	_ = 	snop  }
0x90: {  	s2 =	sld [smem:$0x3FC8]  }
0x91: {  	s18 =	sld [smem:$0x3FD0];
	(tm) =	ssettm $0x1  }
0x92: {  	s4 =	sld [smem:$0x3FFB];
	_ =	sdelay $0x3  }
0x93: {  	_ =	strace s4  }
0x94: {  	s4 =	sld [smem:$0x3FFC];
	_ =	sdelay $0x3  }
0x95: {  	_ =	strace s4  }
0x96: {  	s4 =	sld [smem:$0x3FFD];
	_ =	sdelay $0x3  }
0x97: {  	_ =	strace s4  }
0x98: {  	_ =	strace $0x8FFFFFFF  }
0x99: {  	s19 =	sld [smem:$0x3FDB];
	_ =	sdelay $0x1  }
0x9a: {  	s5 =	simm.s32 $_scs_section_size  }
0x9b: {  	s6 =	simm.s32 $_size__tile_overlayer_lowered;
	s7 =	simm.s32 $_tile_overlayer_lowered  }
0x9c: {  	s22 =	simm.s32 $0x1BFF;
	s21 =	sshll.u32 s7, $0x1;
	s4 =	sadd.s32 s5, s19  }
0x9d: {  	s8 =	simm.s32 $0x0;
	s20 =	sshll.u32 s6, $0x1;
	s6 =	sadd.s32 s21, s4  }
0x9e: {  	[timem:s8], [sflag:s22] =	dma.local [hbm:s6], s20  }
0x9f: {  	_ =	swait.ge [sflag:s22], s20  }
0xa0: {  	s5 =	ssub.s32 $0x0, s20;
	[sflag:s22] =	ssyncset.done $0x0  }
0xa1: {  	[sflag:s22] =	ssyncadd.s32 s5;
	_ =	sdelay $0x1  }
0xa2: {  	s23 =	simm.s32 $0x1B8B  }
0xa3: {  	_ =	swait.ge [sflag:s23], $0x1  }
0xa4: {  	[sflag:s23] =	ssyncset.done $0x0  }
0xa5: {  	s25 =	simm.s32 $0x1B8E;
	s24 =	sld [smem:$0x3FFE];
	[sflag:s23] =	ssyncadd.s32 $0xFFFFFFFF  }
0xa6: {  	s26 =	simm.s32 $execute0_lowered;
	[smem:$0x3FD2] =	sst s25  }
0xa7: {  	s6 =	sshll.u32 s26, $0x1;
	_ =	strace $0x80000046;
	[dreg:$0x1] =	wrdreg $0xFFFFFFFF  }
0xa8: {  	s28 =	simm.s32 $_size_execute0_lowered;
	s4 =	sadd.s32 s4, s6;
	[dreg:$0x0] =	wrdreg $0x0  }
0xa9: {  	s6 =	sshll.u32 s28, $0x1;
	[dreg:$0x2] =	wrdreg s4  }
0xaa: {  	[dreg:$0x3] =	wrdreg s6  }
0xab: {  	[dreg:$0x4] =	wrdreg $0xC0  }
0xac: {  	_ =	task [dreg:s8], $0x5FFFF  }
0xad: {  	[dreg:$0x1] =	wrdreg $0xFFFFFFFF  }
0xae: {  	[dreg:$0x0] =	wrdreg $0x60  }
0xaf: {  	[dreg:$0x2] =	wrdreg s2  }
0xb0: {  	[dreg:$0x3] =	wrdreg s18  }
0xb1: {  	[dreg:$0x4] =	wrdreg s24  }
0xb2: {  	[dreg:$0x5] =	wrdreg $0x11A000  }
0xb3: {  	[dreg:$0x6] =	wrdreg $0x9  }
0xb4: {  	_ =	task.clear_ibuf [dreg:s8], $0x7FFFF;
	_ =	strace $0x90000046  }
0xb5: {  	s29 =	simm.s32 $0x9;
	_ =	strace $0x80000048  }
0xb6: {  	_ =	swait.ge [sflag:s29], $0x1  }
0xb7: {  	[sflag:s29] =	ssyncadd.s32 $0xFFFFFFFF  }
0xb8: {  	_ =	strace $0x90000048  }
0xb9: {  	_ =	sfence  }
0xba: {  	s30 =	sld [smem:$0x0];
	_ =	sdelay $0x2  }
0xbb: {  	s31 =	sshll.u32 s1, $0xD;
	s1 =	sshrl.u32 s1, $0x2  }
0xbc: {  	s3 =	sand.u32 $0x4000, s31;
	s1 =	sadd.s32 s1, s30  }
0xbd: {  	s0 =	sor.u32 s3, s0;
	s1 =	sshll.u32 s1, $0x11  }
0xbe: {  	s0 =	sor.u32 s1, s0  }
0xbf: {  	s0 =	sadd.s32 $0x8F2B, s0  }
0xc0: {  	[sflag:s0] =	ssyncadd.remote.s32 $0x1  }
0xc1: {  	_ =	sfence.sel $0xFFFF  }
0xc2: {  	[dreg:$0x0] =	wrdreg $0xFFFFFFFF;
	(pc) =	sbr.abs _section_cstart, $3  }
0xc3: {  	[dreg:$0x1] =	wrdreg $0xFFFFFFFF  }
0xc4: {  	_ =	task.clear_ibuf [dreg:s8], $0x2FFFF;
	_ =	strace $0x9FFFFFFF  }
0xc5: {  	(tm) =	ssettm $0x7FFFFFFF  }
tec
execute0_lowered:
.L_overlay_start_1:
0x0: {  	(tag) =	ssettag $0x1  }
0x1: {  	s1 =	rddreg [dreg:$0x0]  }
0x2: {  	s0 =	rddreg [dreg:$0x1]  }
0x3: {  	s5 =	rddreg [dreg:$0x2]  }
0x4: {  	s2 =	rddreg [dreg:$0x3];
	s3 =	simm.s32 $0x0;
	s6 =	srdreg.scid  }
0x5: {  	s7 =	stileid.u32;
	s28 =	simm.s32 $0x3;
	s29 =	simm.s32 $0x1  }
0x6: {  	s30 =	simm.s32 $0xF200;
	s31 =	simm.s32 $0x50;
	[smem:$0x7FF] =	sst s3  }
0x7: {  	s4 =	sadd.s32 $0x4E4200, s5;
	s6 =	sand.u32 $0x1, s6;
	s8 =	sshrl.u32 s7, $0x3  }
0x8: {  	s10 =	sshll.u32 s7, $0x7;
	s12 =	smul.u32 $0x28000, s7;
	s5 =	sadd.s32 $0x2200, s5  }
0x9: {  	s23 =	smul.u32 $0xA000, s7;
	s26 =	sadd.s32 $0xA0000, s2;
	p0 =	sne.s32 s7, $0x0  }
0xa: {  	_ =	strace $0x80000047;
	s9 =	ssub.s32 $0x2, s6;
	s8 =	smul.u32 $0x13C00, s8  }
0xb: {  	s10 =	sand.u32 $0x380, s10;
	s22 =	smul.u32 $0x140000, s6;
	[dreg:$0xa] =	wrdreg s26  }
0xc: {  	s26 =	sshll.u32 s6, $0x6;
	s11 =	sshrl.u32 s9, $0x1;
	s21 =	sshrl.u32 s12, $0x2  }
0xd: {  	s14 =	sadd.s32 $0x2800, s23;
	s18 =	sadd.s32 $0x5000, s23;
	s9 =	ssub.s32 s9, s11  }
0xe: {  	s8 =	sor.u32 s10, s8;
	s10 =	sadd.s32 s21, s2;
	s12 =	sadd.s32 s22, s23  }
0xf: {  	s16 =	sadd.s32 s14, s2;
	s17 =	sadd.s32 s22, s14;
	[dreg:$0x6] =	wrdreg s10  }
0x10: {  	s19 =	sadd.s32 s22, s18;
	s24 =	sadd.s32 $0x2800, s10;
	[dreg:$0xd] =	wrdreg s16  }
0x11: {  	s8 =	sshrl.u32 s8, $0x3;
	s25 =	sadd.s32 $0x5000, s10;
	[dreg:$0x7] =	wrdreg s24  }
0x12: {  	s10 =	sadd.s32 $0x7800, s10;
	s9 =	smax.u32 s9, $0x1;
	[dreg:$0x8] =	wrdreg s25  }
0x13: {  	s13 =	sshrl.u32 s12, $0x3;
	s16 =	simm.s32 $0x2;
	[dreg:$0x9] =	wrdreg s10  }
0x14: {  	s12 =	simm.s32 $0x0;
	s0 =	sadd.s32 s0, s8;
	[dreg:$0xb] =	wrdreg s9  }
0x15: {  	s8 =	smul.u32 $0x2710, s7;
	s10 =	sadd.s32 s18, s2;
	[dreg:$0x5] =	wrdreg s0  }
0x16: {  	s15 =	sadd.s32 s5, s13;
	s9 =	sshrl.u32 s17, $0x3;
	[dreg:$0xf] =	wrdreg s10  }
0x17: {  	s18 =	simm.s32 $0x5180;
	s9 =	sadd.s32 s5, s9;
	[dreg:$0xc] =	wrdreg s15  }
0x18: {  	s0 =	sadd.s32 $0x7800, s23;
	s23 =	sadd.s32 $0x14500, s15;
	[dreg:$0xe] =	wrdreg s9  }
0x19: {  	s24 =	sadd.s32 $0x14A00, s15;
	s25 =	sadd.s32 $0x14F00, s15;
	[dreg:$0x14] =	wrdreg s23  }
0x1a: {  	s11 =	sadd.s32 s22, s0;
	s9 =	sshrl.u32 s19, $0x3;
	[dreg:$0x15] =	wrdreg s24  }
0x1b: {  	s0 =	sadd.s32 s0, s2;
	s22 =	sadd.s32 $0x14000, s15;
	[dreg:$0x16] =	wrdreg s25  }
.Ltmp0:
0x1c: {  	s24 =	sor.u32 $0xCB00, s26;
	s25 =	simm.s32 $0x2780;
	(pc) =	sbr.rel .LBB2_1-.Ltmp0, $4  }
0x1d: {  	s20 =	sshrl.u32 s11, $0x3;
	s9 =	sadd.s32 s5, s9;
	[dreg:$0x11] =	wrdreg s0  }
0x1e: {  	[dreg:$0x13] =	wrdreg s22;
	s11 =	sor.u32 $0xA300, s26;
	s0 =	simm.s32 $0x5100  }
0x1f: {  	s22 =	simm.s32 $0xCA00;
	[dreg:$0x10] =	wrdreg s9;
	s21 =	sadd.s32 s5, s20  }
0x20: {  	v1 =	vlaneseq.u32;
	v2 =	vimm.f32 $0.0e+00;
	v0 =	vmov s8;
	s20 =	simm.s32 $0x7A00;
	[dreg:$0x12] =	wrdreg s21;
	s21 =	simm.s32 $0x5080  }
.LBB2_39:
0x21: {  	[bflag:$0x0] =	sbarrier.arrive $0xFFFF  }
0x22: {  	s5 =	rddreg [dreg:$0x6]  }
0x23: {  	[tilespmem:s30], [sflag:$0x3] =	stream.linear.gather [spmem:s5], $0x2800, $0x38;
	[tilespmem:$0x1BA40] =	vst v63  }
0x24: {  	_ =	swait.ge [sflag:s28], $0x2800  }
0x25: {  	[sflag:s28] =	ssyncset.done $0x0  }
0x26: {  	s10 =	rddreg [dreg:$0x13];
	[sflag:s28] =	ssyncadd.s32 $0xFFFFD800  }
0x27: {  	[hbm4b:s10+s3] =	stream.linear.scatter [tilespmem:s30], [sflag:$0x3], $0x2800, $0x38;
	[tilespmem:$0x1BA40] =	vst v63  }
0x28: {  	_ =	swait.ge [sflag:s28], $0x2800  }
0x29: {  	[sflag:s28] =	ssyncset.done $0x0  }
0x2a: {  	s13 =	rddreg [dreg:$0xd];
	[sflag:s28] =	ssyncadd.s32 $0xFFFFD800  }
0x2b: {  	[tilespmem:s30], [sflag:$0x3] =	stream.linear.gather [spmem:s13], $0x2800, $0x38;
	[tilespmem:$0x1BA40] =	vst v63  }
0x2c: {  	_ =	swait.ge [sflag:s28], $0x2800  }
0x2d: {  	[sflag:s28] =	ssyncset.done $0x0  }
0x2e: {  	s14 =	rddreg [dreg:$0x14];
	[sflag:s28] =	ssyncadd.s32 $0xFFFFD800  }
0x2f: {  	[hbm4b:s14+s3] =	stream.linear.scatter [tilespmem:s30], [sflag:$0x3], $0x2800, $0x38;
	[tilespmem:$0x1BA40] =	vst v63  }
0x30: {  	_ =	swait.ge [sflag:s28], $0x2800  }
0x31: {  	[sflag:s28] =	ssyncset.done $0x0  }
0x32: {  	s15 =	rddreg [dreg:$0xf];
	[sflag:s28] =	ssyncadd.s32 $0xFFFFD800  }
0x33: {  	[tilespmem:s30], [sflag:$0x3] =	stream.linear.gather [spmem:s15], $0x2800, $0x38;
	[tilespmem:$0x1BA40] =	vst v63  }
0x34: {  	_ =	swait.ge [sflag:s28], $0x2800  }
0x35: {  	[sflag:s28] =	ssyncset.done $0x0  }
0x36: {  	s17 =	rddreg [dreg:$0x15];
	[sflag:s28] =	ssyncadd.s32 $0xFFFFD800  }
0x37: {  	[hbm4b:s17+s3] =	stream.linear.scatter [tilespmem:s30], [sflag:$0x3], $0x2800, $0x38;
	[tilespmem:$0x1BA40] =	vst v63  }
0x38: {  	_ =	swait.ge [sflag:s28], $0x2800  }
0x39: {  	[sflag:s28] =	ssyncset.done $0x0  }
0x3a: {  	s19 =	rddreg [dreg:$0x11];
	[sflag:s28] =	ssyncadd.s32 $0xFFFFD800  }
0x3b: {  	[tilespmem:s30], [sflag:$0x3] =	stream.linear.gather [spmem:s19], $0x2800, $0x38;
	[tilespmem:$0x1BA40] =	vst v63  }
0x3c: {  	_ =	swait.ge [sflag:s28], $0x2800  }
0x3d: {  	[sflag:s28] =	ssyncset.done $0x0  }
0x3e: {  	s23 =	rddreg [dreg:$0x16];
	[sflag:s28] =	ssyncadd.s32 $0xFFFFD800  }
0x3f: {  	[hbm4b:s23+s3] =	stream.linear.scatter [tilespmem:s30], [sflag:$0x3], $0x2800, $0x38;
	[tilespmem:$0x1BA40] =	vst v63  }
0x40: {  	_ =	swait.ge [sflag:s28], $0x2800  }
0x41: {  	s12 =	sadd.s32 $0x1, s12;
	s26 =	rddreg [dreg:$0xb]  }
0x42: {  	p1 =	sne.s32 s12, s26  }
.Ltmp1:
0x43: {  	_ = 	snop;
	(pc) =	sbr.rel @!p1 .LBB2_40-.Ltmp1, $3  }
0x44: {  	_ =	sdelay $0x1  }
0x45: {  	[sflag:s28] =	ssyncset.done $0x0  }
0x46: {  	[sflag:s28] =	ssyncadd.s32 $0xFFFFD800  }
.LBB2_1:
0x47: {  	s5 =	rddreg [dreg:$0x5];
	s6 =	simm.s32 $0x80;
	s7 =	simm.s32 $0x400  }
0x48: {  	[tilespmem:s3], [sflag:$0x3] =	stream.strided.gather [hbm4b:s5+s6], $0x2780, s7, s6, $0x38;
	[tilespmem:$0x1BA40] =	vst v63  }
0x49: {  	_ =	swait.ge [sflag:s28], $0x2780  }
0x4a: {  	[sflag:s28] =	ssyncset.done $0x0  }
0x4b: {  	[sflag:s28] =	ssyncadd.s32 $0xFFFFD880  }
0x4c: {  	v3 =	vld [tilespmem:s3+$0x0];
	_ =	sdelay $0x4  }
0x4d: {  	vm0 =	vlt.s32 v3, $0x14000000  }
0x4e: {  	v3 =	vmpcnt.ones.xlane vm0;
	_ =	sdelay $0x1  }
0x4f: {  	v3 =	vxor.u32 $0x80000000, v3  }
0x50: {  	(xrf0) =	vmax.scan.msk.u32 $0xffff, v3;
	_ =	sdelay $0x5  }
0x51: {  	v4, _, _ =	vpop (xrf0)  }
0x52: {  	v3 =	vor.u32 s3, v1;
	(v2sf) =	vpush v4, $0xF  }
0x53: {  	s5 =	simm.s32 $0x10;
	[tilespmem:s3+$0x2780] =	vst.msk vm0, v3  }
0x54: {  	s8 =	simm.s32 $0x10;
	s7 =	simm.s32 $0x20;
	s6 =	simm.s32 $0x0;
	v3 =	vld [tilespmem:s5+$0x0]  }
.LBB2_2:
0x55: {  	p1 =	sne.s32 s7, $0x2700;
	_ =	sdelay $0x3  }
0x56: {  	vm0 =	vlt.s32 v3, $0x14000000  }
0x57: {  	v3 =	vmpcnt.ones.xlane vm0;
	_ =	sdelay $0x1  }
0x58: {  	v3 =	vxor.u32 $0x80000000, v3  }
0x59: {  	(xrf0) =	vmax.scan.msk.u32 $0xffff, v3;
	_ =	sdelay $0x3  }
0x5a: {  	s9 =	spop (v2sf)  }
.Ltmp2:
0x5b: {  	s6 =	sadd.s32 s9, s6;
	(pc) =	sbr.rel @p1 .LBB2_2-.Ltmp2, $4  }
0x5c: {  	v3 =	vor.u32 s5, v1;
	s5 =	smov.u32 s7;
	v4, _, _ =	vpop (xrf0);
	s6 =	sadd.s32 $0x80000000, s6  }
0x5d: {  	[tilespmem:s6+$0x2780] =	vst.msk vm0, v3;
	(v2sf) =	vpush v4, $0xF  }
0x5e: {  	s8 =	sadd.s32 $0x10, s8  }
0x5f: {  	s7 =	sadd.s32 $0x10, s7;
	v3 =	vld [tilespmem:s8+$0x0]  }
0x60: {  	_ =	sdelay $0x3  }
0x61: {  	vm0 =	vlt.s32 v3, $0x14000000  }
0x62: {  	v3 =	vmpcnt.ones.xlane vm0;
	_ =	sdelay $0x1  }
0x63: {  	v3 =	vxor.u32 $0x80000000, v3  }
0x64: {  	(xrf0) =	vmax.scan.msk.u32 $0xffff, v3;
	_ =	sdelay $0x4  }
0x65: {  	s7 =	spop (v2sf)  }
0x66: {  	s6 =	sadd.s32 s7, s6;
	v3, _, _ =	vpop (xrf0)  }
0x67: {  	s6 =	sadd.s32 $0x80000000, s6;
	(v2sf) =	vpush v3, $0xF;
	v3 =	vor.u32 s5, v1  }
0x68: {  	s5 =	simm.s32 $0x0;
	[tilespmem:s6+$0x2780] =	vst.msk vm0, v3  }
0x69: {  	v3 =	vld [tilespmem:s5+$0x0];
	_ =	sdelay $0x4  }
0x6a: {  	vm15 =	vgt.s32 v3, $0x13FFFFFF  }
0x6b: {  	v3 =	vmpcnt.ones.xlane vm15;
	_ =	sdelay $0x1  }
0x6c: {  	v3 =	vxor.u32 $0x80000000, v3  }
0x6d: {  	(xrf0) =	vmax.scan.msk.u32 $0xffff, v3;
	_ =	sdelay $0x4  }
0x6e: {  	s26 =	spop (v2sf)  }
0x6f: {  	s6 =	sadd.s32 s26, s6;
	v4, _, _ =	vpop (xrf0)  }
0x70: {  	v3 =	vor.u32 s5, v1;
	s7 =	sadd.s32 $0x80000000, s6;
	(v2sf) =	vpush v4, $0xF  }
0x71: {  	s6 =	simm.s32 $0x10;
	[tilespmem:s7+$0x2780] =	vst.msk vm15, v3  }
0x72: {  	s9 =	simm.s32 $0x20;
	s10 =	simm.s32 $0x10;
	s8 =	smov.u32 s7;
	v3 =	vld [tilespmem:s6+$0x0]  }
.LBB2_4:
0x73: {  	p1 =	sne.s32 s9, $0x2700;
	_ =	sdelay $0x3  }
0x74: {  	vm0 =	vgt.s32 v3, $0x13FFFFFF  }
0x75: {  	v3 =	vmpcnt.ones.xlane vm0;
	_ =	sdelay $0x1  }
0x76: {  	v3 =	vxor.u32 $0x80000000, v3  }
0x77: {  	(xrf0) =	vmax.scan.msk.u32 $0xffff, v3;
	_ =	sdelay $0x3  }
0x78: {  	s13 =	spop (v2sf)  }
.Ltmp3:
0x79: {  	s8 =	sadd.s32 s13, s8;
	(pc) =	sbr.rel @p1 .LBB2_4-.Ltmp3, $4  }
0x7a: {  	v3 =	vor.u32 s6, v1;
	s6 =	smov.u32 s9;
	v4, _, _ =	vpop (xrf0);
	s8 =	sadd.s32 $0x80000000, s8  }
0x7b: {  	[tilespmem:s8+$0x2780] =	vst.msk vm0, v3;
	(v2sf) =	vpush v4, $0xF  }
0x7c: {  	s10 =	sadd.s32 $0x10, s10  }
0x7d: {  	s9 =	sadd.s32 $0x10, s9;
	v3 =	vld [tilespmem:s10+$0x0]  }
0x7e: {  	_ =	sdelay $0x3  }
0x7f: {  	vm0 =	vgt.s32 v3, $0x13FFFFFF  }
0x80: {  	v3 =	vmpcnt.ones.xlane vm0;
	_ =	sdelay $0x1  }
0x81: {  	v3 =	vxor.u32 $0x80000000, v3  }
0x82: {  	(xrf0) =	vmax.scan.msk.u32 $0xffff, v3;
	_ =	sdelay $0x5  }
0x83: {  	v3, _, _ =	vpop (xrf0)  }
0x84: {  	(v2sf) =	vpush v3, $0xF;
	_ =	sdelay $0xb  }
0x85: {  	s9 =	spop (v2sf)  }
0x86: {  	s17 =	sand.u32 $0xFE00, s5;
	s8 =	sadd.s32 s9, s8  }
0x87: {  	s23 =	sand.u32 $0x70, s5;
	s9 =	sshrl.u32 s17, $0x2;
	s19 =	sadd.s32 $0x80000000, s8;
	v3 =	vor.u32 s6, v1  }
0x88: {  	s8 =	sor.u32 s23, s9;
	s6 =	simm.s32 $0x40;
	[tilespmem:s19+$0x2780] =	vst.msk vm0, v3;
	s26 =	spop (v2sf)  }
.LBB2_6:
0x89: {  	p1 =	sne.s32 s6, $0x9FC0  }
0x8a: {  	[tilespmem:s8+$0xF200] =	vst v2;
	s5 =	sadd.s32 $0x10, s5;
	s8 =	smov.u32 s6;
	s6 =	sadd.s32 $0x40, s6  }
.Ltmp4:
0x8b: {  	(pc) =	sbr.rel @p1 .LBB2_6-.Ltmp4, $4  }
0x8c: {  	_ = 	snop  }
0x8d: {  	s8 =	sand.u32 $0xFE00, s8  }
0x8e: {  	s9 =	sand.u32 $0x70, s5;
	s8 =	sshrl.u32 s8, $0x2  }
0x8f: {  	s8 =	sor.u32 s9, s8  }
0x90: {  	s5 =	sadd.s32 $0x4F, s7  }
0x91: {  	[tilespmem:s8+$0xF200] =	vst v2;
	s9 =	rddreg [dreg:$0x6];
	s6 =	smulhi.u32 $0x66666667, s5;
	s14 =	sshra.s32 s5, $0x1F  }
0x92: {  	[spmem:s9] =	stream.linear.scatter [tilespmem:s30], [sflag:$0x3], $0x2800, $0x38;
	[tilespmem:$0x1BA40] =	vst v63  }
0x93: {  	s8 =	smul.u32 $0x66666667, s14;
	_ =	swait.ge [sflag:s28], $0x2800  }
0x94: {  	[sflag:s28] =	ssyncset.done $0x0  }
0x95: {  	s15 =	rddreg [dreg:$0x7];
	s6 =	sadd.s32 s8, s6;
	[sflag:s28] =	ssyncadd.s32 $0xFFFFD800  }
0x96: {  	[spmem:s15] =	stream.linear.scatter [tilespmem:s30], [sflag:$0x3], $0x2800, $0x38;
	[tilespmem:$0x1BA40] =	vst v63  }
0x97: {  	s17 =	sshrl.u32 s6, $0x1F;
	s6 =	sshra.s32 s6, $0x5;
	_ =	swait.ge [sflag:s28], $0x2800  }
0x98: {  	s23 =	ssub.s32 $0xFFFFFFB1, s7;
	s6 =	sadd.s32 s17, s6;
	[sflag:s28] =	ssyncset.done $0x0  }
0x99: {  	s8 =	smul.u32 $0xFFFFFFB0, s6;
	s19 =	rddreg [dreg:$0x8];
	[sflag:s28] =	ssyncadd.s32 $0xFFFFD800  }
0x9a: {  	[spmem:s19] =	stream.linear.scatter [tilespmem:s30], [sflag:$0x3], $0x2800, $0x38;
	[tilespmem:$0x1BA40] =	vst v63  }
0x9b: {  	p1 =	slt.s32 s5, $0x1;
	p2 =	sne.s32 s8, s23;
	_ =	swait.ge [sflag:s28], $0x2800  }
0x9c: {  	s5 =	simm.s32 $0x1;
	p1 =	por !p1, !p2;
	[sflag:s28] =	ssyncset.done $0x0  }
0x9d: {  	s26 =	rddreg [dreg:$0x9];
	p1 =	por !p1, !p1;
	[sflag:s28] =	ssyncadd.s32 $0xFFFFD800  }
0x9e: {  	[spmem:s26] =	stream.linear.scatter [tilespmem:s30], [sflag:$0x3], $0x2800, $0x38;
	[tilespmem:$0x1BA40] =	vst v63  }
0x9f: {  	s5 =	simm.s32 @!p1 $0x0;
	_ =	swait.ge [sflag:s28], $0x2800  }
0xa0: {  	s8 =	ssub.s32 s6, s5;
	s5 =	simm.s32 @!p0 $0xF200;
	[sflag:s28] =	ssyncset.done $0x0  }
0xa1: {  	p1 =	slt.s32 s8, $0x1;
	s6 =	rddreg [dreg:$0xa];
	[sflag:s28] =	ssyncadd.s32 $0xFFFFD800  }
0xa2: {  	[spmem:s6] =	stream.linear.scatter @!p0 [tilespmem:s5], [sflag:$0x3], $0x400, $0x38;
	[tilespmem:$0x1BA40] =	vst v63  }
0xa3: {  	s5 =	sadd.s32 @!p1 $0xFFFFFFFF, s7  }
0xa4: {  	p2 =	sgt.s32 @!p1 s5, $0x0  }
0xa5: {  	p2 =	por !p2, p1  }
0xa6: {  	v4 =	vlaneseq.u32 @!p1;
	s5 =	simm.s32 @p2 $0x0  }
0xa7: {  	s6 =	simm.s32 @!p0 $0x3;
	v3 =	vmin.u32 @!p1 v4, s5  }
0xa8: {  	_ =	swait.ge @!p0 [sflag:s6], $0x400  }
0xa9: {  	[sflag:s6] =	ssyncset.done @!p0 $0x0  }
0xaa: {  	[sflag:s6] =	ssyncadd.s32 @!p0 $0xFFFFFC00  }
0xab: {  	s6 =	simm.s32 @!p1 $0x2780;
	[bflag:$0x0] =	sbarrier.arrive $0xFFFF  }
0xac: {  	v5 =	vld.idx.msk @!p1 [tilespmem:v3+s6+$0x0], $0xffff;
	_ =	sdelay $0x6  }
0xad: {  	s9 =	simm.s32 @!p1 $0x0  }
0xae: {  	v6 =	vld.idx.msk @!p1 [tilespmem:v5+s9+$0x0], $0xffff;
	_ =	sdelay $0x1  }
0xaf: {  	v7 =	vor.u32 @!p1 $0x10, v4  }
0xb0: {  	v8 =	vmin.u32 @!p1 v7, s5  }
0xb1: {  	v3 =	vmov @!p1 s7;
	v5 =	vadd.s32 @!p1 v0, v5  }
0xb2: {  	vm0 =	vgt.s32 @!p1 v3, v4;
	[tilespmem:$0x5000] =	vst @!p1 v5;
	v9 =	vand.u32 @!p1 $0xFFFF, v6;
	v6 =	vshra.s32 @!p1 v6, $0x10  }
0xb3: {  	[tilespmem:$0x4F00] =	vst @!p1 v9;
	v5 =	vnsel @!p1 vm0, $0x1400, v6  }
0xb4: {  	[tilespmem:$0x5100] =	vst @!p1 v5  }
0xb5: {  	v5 =	vld.idx.msk @!p1 [tilespmem:v8+s6+$0x0], $0xffff;
	_ =	sdelay $0x7  }
0xb6: {  	v6 =	vld.idx.msk @!p1 [tilespmem:v5+s9+$0x0], $0xffff;
	_ =	sdelay $0x1  }
0xb7: {  	v8 =	vor.u32 @!p1 $0x20, v4  }
0xb8: {  	v9 =	vmin.u32 @!p1 v8, s5  }
0xb9: {  	v5 =	vadd.s32 @!p1 v0, v5  }
0xba: {  	vm0 =	vgt.s32 @!p1 v3, v7;
	[tilespmem:$0x5010] =	vst @!p1 v5;
	v10 =	vand.u32 @!p1 $0xFFFF, v6;
	v6 =	vshra.s32 @!p1 v6, $0x10  }
0xbb: {  	[tilespmem:$0x4F10] =	vst @!p1 v10;
	v5 =	vnsel @!p1 vm0, $0x1400, v6  }
0xbc: {  	[tilespmem:$0x5110] =	vst @!p1 v5  }
0xbd: {  	v5 =	vld.idx.msk @!p1 [tilespmem:v9+s6+$0x0], $0xffff;
	_ =	sdelay $0x7  }
0xbe: {  	v6 =	vld.idx.msk @!p1 [tilespmem:v5+s9+$0x0], $0xffff;
	_ =	sdelay $0x1  }
0xbf: {  	v7 =	vor.u32 @!p1 $0x30, v4  }
0xc0: {  	v9 =	vmin.u32 @!p1 v7, s5  }
0xc1: {  	v5 =	vadd.s32 @!p1 v0, v5  }
0xc2: {  	vm0 =	vgt.s32 @!p1 v3, v8;
	[tilespmem:$0x5020] =	vst @!p1 v5;
	v10 =	vand.u32 @!p1 $0xFFFF, v6;
	v6 =	vshra.s32 @!p1 v6, $0x10  }
0xc3: {  	[tilespmem:$0x4F20] =	vst @!p1 v10;
	v5 =	vnsel @!p1 vm0, $0x1400, v6  }
0xc4: {  	[tilespmem:$0x5120] =	vst @!p1 v5  }
0xc5: {  	v5 =	vld.idx.msk @!p1 [tilespmem:v9+s6+$0x0], $0xffff;
	_ =	sdelay $0x7  }
0xc6: {  	v6 =	vld.idx.msk @!p1 [tilespmem:v5+s9+$0x0], $0xffff;
	_ =	sdelay $0x1  }
0xc7: {  	v4 =	vor.u32 @!p1 $0x40, v4  }
0xc8: {  	v8 =	vmin.u32 @!p1 v4, s5  }
0xc9: {  	v5 =	vadd.s32 @!p1 v0, v5  }
0xca: {  	vm0 =	vgt.s32 @!p1 v3, v7;
	[tilespmem:$0x5030] =	vst @!p1 v5;
	v9 =	vand.u32 @!p1 $0xFFFF, v6;
	v6 =	vshra.s32 @!p1 v6, $0x10  }
0xcb: {  	[tilespmem:$0x4F30] =	vst @!p1 v9;
	v5 =	vnsel @!p1 vm0, $0x1400, v6  }
0xcc: {  	[tilespmem:$0x5130] =	vst @!p1 v5  }
0xcd: {  	v5 =	vld.idx.msk @!p1 [tilespmem:v8+s6+$0x0], $0xffff;
	_ =	sdelay $0x7  }
0xce: {  	v6 =	vld.idx.msk @!p1 [tilespmem:v5+s9+$0x0], $0xffff;
	_ =	sdelay $0x3  }
0xcf: {  	p2 =	seq.s32 @!p1 s8, $0x1;
	vm0 =	vgt.s32 @!p1 v3, v4;
	v4 =	vadd.s32 @!p1 v0, v5  }
0xd0: {  	p2 =	por p1, p2;
	[tilespmem:$0x5040] =	vst @!p1 v4;
	v7 =	vand.u32 @!p1 $0xFFFF, v6;
	v5 =	vshra.s32 @!p1 v6, $0x10  }
.Ltmp5:
0xd1: {  	[tilespmem:$0x4F40] =	vst @!p1 v7;
	v4 =	vnsel @!p1 vm0, $0x1400, v5;
	(pc) =	sbr.rel @p2 .LBB2_9-.Ltmp5, $4  }
0xd2: {  	s10 =	simm.s32 @!p1 $0x5200;
	s6 =	simm.s32 @!p1 $0x50;
	s9 =	simm.s32 @!p1 $0x4F00;
	[tilespmem:$0x5140] =	vst @!p1 v4  }
0xd3: {  	[tilespmem:s10], [sflag:$0x1] =	stream.indirect.gather @!p1 [hbm4b:s1+s6], $0x80, s9, s6, $0xb8;
	[tilespmem:$0x1BA40] =	vst v63  }
0xd4: {  	s9 =	simm.s32 @!p1 $0x5000;
	s10 =	simm.s32 @!p1 $0xA200  }
0xd5: {  	[tilespmem:s10], [sflag:$0x1] =	stream.indirect.gather @!p1 [hbm4b:s4+s6], $0x80, s9, s6, $0xb8;
	[tilespmem:$0x1BA40] =	vst v63  }
0xd6: {  	v4 =	vmov @!p1 s5;
	v5 =	vor.u32 $0x50, v1  }
0xd7: {  	vm0 =	vlt.s32 v4, v5  }
0xd8: {  	v6 =	vsel vm0, v4, v5;
	_ =	sdelay $0x4  }
0xd9: {  	v6 =	vld.idx.msk [tilespmem:v6+s25+$0x0], $0xffff;
	_ =	sdelay $0x7  }
0xda: {  	v7 =	vld.idx.msk [tilespmem:v6+s3+$0x0], $0xffff  }
0xdb: {  	v8 =	vor.u32 $0x60, v1  }
0xdc: {  	vm7 =	vlt.s32 v4, v8  }
0xdd: {  	v9 =	vsel vm7, v4, v8  }
0xde: {  	v45 =	vadd.s32 v0, v6  }
0xdf: {  	vm8 =	vgt.s32 v3, v5;
	[tilespmem:$0x5080] =	vst v45;
	v10 =	vand.u32 $0xFFFF, v7;
	v46 =	vshra.s32 v7, $0x10  }
0xe0: {  	[tilespmem:$0x4F80] =	vst v10;
	v47 =	vnsel vm8, $0x1400, v46  }
0xe1: {  	[tilespmem:$0x5180] =	vst v47  }
0xe2: {  	v5 =	vld.idx.msk [tilespmem:v9+s25+$0x0], $0xffff;
	_ =	sdelay $0x7  }
0xe3: {  	v48 =	vld.idx.msk [tilespmem:v5+s3+$0x0], $0xffff  }
0xe4: {  	v49 =	vor.u32 $0x70, v1  }
0xe5: {  	vm9 =	vlt.s32 v4, v49  }
0xe6: {  	v50 =	vsel vm9, v4, v49  }
0xe7: {  	v5 =	vadd.s32 v0, v5  }
0xe8: {  	vm10 =	vgt.s32 v3, v8;
	[tilespmem:$0x5090] =	vst v5;
	v51 =	vand.u32 $0xFFFF, v48;
	v6 =	vshra.s32 v48, $0x10  }
0xe9: {  	[tilespmem:$0x4F90] =	vst v51;
	v52 =	vnsel vm10, $0x1400, v6  }
0xea: {  	[tilespmem:$0x5190] =	vst v52  }
0xeb: {  	v5 =	vld.idx.msk [tilespmem:v50+s25+$0x0], $0xffff;
	_ =	sdelay $0x7  }
0xec: {  	v53 =	vld.idx.msk [tilespmem:v5+s3+$0x0], $0xffff  }
0xed: {  	v54 =	vor.u32 $0x80, v1  }
0xee: {  	vm11 =	vlt.s32 v4, v54  }
0xef: {  	v55 =	vsel vm11, v4, v54  }
0xf0: {  	v5 =	vadd.s32 v0, v5  }
0xf1: {  	vm12 =	vgt.s32 v3, v49;
	[tilespmem:$0x50A0] =	vst v5;
	v56 =	vand.u32 $0xFFFF, v53;
	v6 =	vshra.s32 v53, $0x10  }
0xf2: {  	[tilespmem:$0x4FA0] =	vst v56;
	v57 =	vnsel vm12, $0x1400, v6  }
0xf3: {  	[tilespmem:$0x51A0] =	vst v57  }
0xf4: {  	v5 =	vld.idx.msk [tilespmem:v55+s25+$0x0], $0xffff;
	_ =	sdelay $0x7  }
0xf5: {  	v58 =	vld.idx.msk [tilespmem:v5+s3+$0x0], $0xffff  }
0xf6: {  	v59 =	vor.u32 $0x90, v1  }
0xf7: {  	vm13 =	vlt.s32 v4, v59  }
0xf8: {  	v4 =	vsel vm13, v4, v59  }
0xf9: {  	v5 =	vadd.s32 v0, v5  }
0xfa: {  	vm14 =	vgt.s32 v3, v54;
	[tilespmem:$0x50B0] =	vst v5;
	v60 =	vand.u32 $0xFFFF, v58;
	v6 =	vshra.s32 v58, $0x10  }
0xfb: {  	[tilespmem:$0x4FB0] =	vst v60;
	v61 =	vnsel vm14, $0x1400, v6  }
0xfc: {  	[tilespmem:$0x51B0] =	vst v61  }
0xfd: {  	v4 =	vld.idx.msk [tilespmem:v4+s25+$0x0], $0xffff;
	_ =	sdelay $0x7  }
0xfe: {  	v5 =	vld.idx.msk [tilespmem:v4+s3+$0x0], $0xffff;
	_ =	sdelay $0x3  }
0xff: {  	vm15 =	vgt.s32 v3, v59;
	v3 =	vadd.s32 v0, v4  }
0x100: {  	[tilespmem:$0x50C0] =	vst v3;
	v62 =	vand.u32 $0xFFFF, v5;
	v63 =	vshra.s32 v5, $0x10  }
0x101: {  	[tilespmem:$0x4FC0] =	vst v62;
	v3 =	vnsel vm15, $0x1400, v63  }
0x102: {  	s26 =	simm.s32 $0x4F80;
	[tilespmem:$0x51C0] =	vst v3  }
0x103: {  	[tilespmem:s20], [sflag:$0x2] =	stream.indirect.gather [hbm4b:s1+s31], $0x80, s26, s31, $0xb8;
	[tilespmem:$0x1BA40] =	vst v63  }
0x104: {  	_ = 	snop  }
0x105: {  	[tilespmem:s22], [sflag:$0x2] =	stream.indirect.gather [hbm4b:s4+s31], $0x80, s21, s31, $0xb8;
	[tilespmem:$0x1BA40] =	vst v63  }
.LBB2_9:
0x106: {  	s5 =	sadd.s32 $0x1, s8  }
0x107: {  	s6 =	sand.u32 $0x1, s5  }
0x108: {  	p1 =	slt.s32 s8, $0x0;
	p2 =	seq.s32 s6, $0x1  }
0x109: {  	s26 =	sshrl.u32 s5, $0x1F;
	p1 =	por !p1, !p2  }
0x10a: {  	s5 =	sadd.s32 s26, s5;
	s6 =	simm.s32 $0x1;
	p1 =	por !p1, !p1  }
0x10b: {  	s5 =	sshra.s32 s5, $0x1;
	s6 =	simm.s32 @!p1 $0x0  }
0x10c: {  	s9 =	ssub.s32 s5, s6  }
0x10d: {  	p1 =	slt.s32 s9, $0x1  }
.Ltmp6:
0x10e: {  	_ = 	snop;
	(pc) =	sbr.rel @p1 .LBB2_22-.Ltmp6, $2  }
0x10f: {  	_ =	sdelay $0x2  }
0x110: {  	v3 =	vmov s7  }
.Ltmp7:
0x111: {  	(pc) =	sbr.rel .LBB2_11-.Ltmp7, $4  }
0x112: {  	s5 =	sadd.s32 $0xFFFFFFFF, s7  }
0x113: {  	p1 =	sgt.s32 s5, $0x0  }
0x114: {  	s5 =	simm.s32 @!p1 $0x0  }
0x115: {  	s10 =	sadd.s32 $0xFFFFFFFF, s8;
	s13 =	simm.s32 $0x0;
	v4 =	vmov s5  }
.LBB2_21:
0x116: {  	s13 =	sadd.s32 $0x1, s13  }
0x117: {  	p1 =	sne.s32 s13, s9  }
.Ltmp8:
0x118: {  	_ = 	snop;
	(pc) =	sbr.rel @!p1 .LBB2_22-.Ltmp8, $1  }
0x119: {  	_ =	sdelay $0x3  }
.LBB2_11:
0x11a: {  	s15 =	sshll.u32 s13, $0x1  }
0x11b: {  	p1 =	sge.s32 s15, s8  }
.Ltmp9:
0x11c: {  	_ = 	snop;
	(pc) =	sbr.rel @p1 .LBB2_16-.Ltmp9, $1  }
0x11d: {  	_ =	sdelay $0x3  }
0x11e: {  	_ =	swait.ge [sflag:s29], $0x2800  }
0x11f: {  	[sflag:s29] =	ssyncset.done $0x0  }
0x120: {  	[sflag:s29] =	ssyncadd.s32 $0xFFFFD800  }
0x121: {  	_ =	swait.ge [sflag:s29], $0x2800  }
0x122: {  	[sflag:s29] =	ssyncset.done $0x0  }
0x123: {  	[sflag:s29] =	ssyncadd.s32 $0xFFFFD800  }
0x124: {  	s6 =	simm.s32 $0x5300;
	v5 =	vld [tilespmem:s11+$0x80]  }
0x125: {  	v6 =	vld [tilespmem:s6+$0x80];
	_ =	sdelay $0x2  }
0x126: {  	v7 =	vld [tilespmem:s11+$0xFFFFFF80]  }
0x127: {  	v9 =	vld [tilespmem:s11+$0xFFFFFF00];
	v8 =	vunpack.i.l.bf16.f32 v5  }
0x128: {  	v10 =	vld [tilespmem:s6+$0xFFFFFF80];
	v6 =	vmul.f32 v6, v8  }
0x129: {  	s17 =	simm.s32 $0xF300;
	v8 =	vld [tilespmem:s6+$0xFFFFFF00]  }
0x12a: {  	[tilespmem:s17+$0x80] =	vst v6  }
0x12b: {  	v6 =	vld [tilespmem:s6+$0xC0]  }
0x12c: {  	v11 =	vld [tilespmem:s11+$0x0];
	v14 =	vunpack.i.l.bf16.f32 v7  }
0x12d: {  	v12 =	vld [tilespmem:s6+$0x0];
	v13 =	vunpack.i.l.bf16.f32 v9;
	v10 =	vmul.f32 v10, v14  }
0x12e: {  	v8 =	vmul.f32 v8, v13  }
0x12f: {  	v5 =	vunpack.i.u.bf16.f32 v5;
	[tilespmem:s17+$0xFFFFFF80] =	vst v10  }
0x130: {  	v10 =	vld [tilespmem:s6+$0xFFFFFFC0];
	[tilespmem:s17+$0xFFFFFF00] =	vst v8;
	v5 =	vmul.f32 v6, v5  }
0x131: {  	v6 =	vunpack.i.l.bf16.f32 v11;
	v8 =	vld [tilespmem:s6+$0xFFFFFF40]  }
0x132: {  	v6 =	vmul.f32 v12, v6;
	[tilespmem:s17+$0xC0] =	vst v5  }
0x133: {  	v5 =	vld [tilespmem:s11+$0x90]  }
0x134: {  	v7 =	vunpack.i.u.bf16.f32 v7;
	[tilespmem:s17+$0x0] =	vst v6;
	v6 =	vld [tilespmem:s6+$0x90]  }
0x135: {  	v9 =	vunpack.i.u.bf16.f32 v9;
	v7 =	vmul.f32 v10, v7  }
0x136: {  	v12 =	vld [tilespmem:s6+$0x40];
	v8 =	vmul.f32 v8, v9  }
0x137: {  	[tilespmem:s17+$0xFFFFFFC0] =	vst v7  }
0x138: {  	[tilespmem:s17+$0xFFFFFF40] =	vst v8;
	v8 =	vunpack.i.l.bf16.f32 v5  }
0x139: {  	v7 =	vld [tilespmem:s11+$0xFFFFFF90];
	v6 =	vmul.f32 v6, v8  }
0x13a: {  	v9 =	vunpack.i.u.bf16.f32 v11;
	v10 =	vld [tilespmem:s11+$0xFFFFFF10]  }
0x13b: {  	v8 =	vmul.f32 v12, v9;
	v9 =	vld [tilespmem:s6+$0xFFFFFF10];
	[tilespmem:s17+$0x90] =	vst v6  }
0x13c: {  	v6 =	vld [tilespmem:s6+$0xD0]  }
0x13d: {  	v11 =	vld [tilespmem:s6+$0xFFFFFF90];
	[tilespmem:s17+$0x40] =	vst v8  }
0x13e: {  	v8 =	vld [tilespmem:s11+$0x10]  }
0x13f: {  	v13 =	vld [tilespmem:s6+$0x10];
	v12 =	vunpack.i.l.bf16.f32 v10  }
0x140: {  	v5 =	vunpack.i.u.bf16.f32 v5;
	v9 =	vmul.f32 v9, v12  }
0x141: {  	v5 =	vmul.f32 v6, v5  }
0x142: {  	[tilespmem:s17+$0xFFFFFF10] =	vst v9;
	v6 =	vunpack.i.l.bf16.f32 v7  }
0x143: {  	v9 =	vunpack.i.l.bf16.f32 v8;
	v12 =	vld [tilespmem:s6+$0xFFFFFF50];
	v6 =	vmul.f32 v11, v6;
	[tilespmem:s17+$0xD0] =	vst v5  }
0x144: {  	v5 =	vmul.f32 v13, v9;
	v13 =	vld [tilespmem:s11+$0xA0]  }
0x145: {  	[tilespmem:s17+$0xFFFFFF90] =	vst v6;
	v6 =	vld [tilespmem:s6+$0xA0]  }
0x146: {  	v9 =	vld [tilespmem:s6+$0xFFFFFFD0];
	[tilespmem:s17+$0x10] =	vst v5  }
0x147: {  	v5 =	vunpack.i.u.bf16.f32 v10;
	v10 =	vld [tilespmem:s6+$0x50]  }
0x148: {  	v5 =	vmul.f32 v12, v5  }
0x149: {  	v11 =	vunpack.i.l.bf16.f32 v13  }
0x14a: {  	v7 =	vunpack.i.u.bf16.f32 v7;
	[tilespmem:s17+$0xFFFFFF50] =	vst v5;
	v5 =	vmul.f32 v6, v11  }
0x14b: {  	v6 =	vunpack.i.u.bf16.f32 v8;
	v11 =	vld [tilespmem:s11+$0xFFFFFF20];
	v7 =	vmul.f32 v9, v7  }
0x14c: {  	v12 =	vld [tilespmem:s6+$0xFFFFFF20];
	v6 =	vmul.f32 v10, v6;
	[tilespmem:s17+$0xA0] =	vst v5  }
0x14d: {  	[tilespmem:s17+$0xFFFFFFD0] =	vst v7;
	v8 =	vld [tilespmem:s6+$0xE0]  }
0x14e: {  	v7 =	vld [tilespmem:s11+$0xFFFFFFA0];
	[tilespmem:s17+$0x50] =	vst v6  }
0x14f: {  	v6 =	vld [tilespmem:s11+$0x20]  }
0x150: {  	s14 =	simm.s32 $0x0;
	s19 =	sadd.s32 $0x200, s11;
	v9 =	vld [tilespmem:s6+$0xFFFFFFA0];
	v10 =	vunpack.i.l.bf16.f32 v11  }
0x151: {  	s23 =	smov.u32 s11;
	s5 =	simm.s32 $0x5300;
	s26 =	simm.s32 $0xF300;
	v5 =	vunpack.i.u.bf16.f32 v11;
	v11 =	vmul.f32 v12, v10;
	v10 =	vld [tilespmem:s6+$0x20];
	v12 =	vunpack.i.u.bf16.f32 v13  }
.LBB2_13:
0x152: {  	v13 =	vld [tilespmem:s19+$0x80];
	s14 =	sadd.s32 $0x4, s14;
	v8 =	vmul.f32 v8, v12;
	s6 =	sadd.s32 $0x200, s6  }
0x153: {  	v12 =	vld [tilespmem:s6+$0x80];
	p1 =	slt.u32 s14, $0x4C;
	[tilespmem:s17+$0xFFFFFF20] =	vst v11;
	v11 =	vunpack.i.u.bf16.f32 v7;
	v7 =	vunpack.i.l.bf16.f32 v7  }
0x154: {  	v14 =	vld [tilespmem:s19+$0xFFFFFF80];
	v15 =	vunpack.i.u.bf16.f32 v6;
	v6 =	vunpack.i.l.bf16.f32 v6;
	[tilespmem:s17+$0xE0] =	vst v8  }
0x155: {  	v7 =	vmul.f32 v9, v7;
	v8 =	vld [tilespmem:s23+$0xB0]  }
0x156: {  	v6 =	vmul.f32 v10, v6;
	v9 =	vld [tilespmem:s5+$0xB0]  }
0x157: {  	v10 =	vld [tilespmem:s19+$0x0];
	v16 =	vunpack.i.l.bf16.f32 v13;
	[tilespmem:s17+$0xFFFFFFA0] =	vst v7  }
0x158: {  	v7 =	vld [tilespmem:s19+$0xFFFFFF00];
	v12 =	vmul.f32 v12, v16;
	[tilespmem:s17+$0x20] =	vst v6  }
0x159: {  	s17 =	sadd.s32 $0x200, s17;
	v6 =	vld [tilespmem:s6+$0xFFFFFF00];
	v16 =	vunpack.i.u.bf16.f32 v14;
	v14 =	vunpack.i.l.bf16.f32 v14  }
0x15a: {  	v17 =	vld [tilespmem:s6+$0xFFFFFF80];
	[tilespmem:s17+$0x80] =	vst v12;
	v12 =	vunpack.i.l.bf16.f32 v8  }
0x15b: {  	v18 =	vld [tilespmem:s6+$0xC0];
	v9 =	vmul.f32 v9, v12  }
0x15c: {  	v12 =	vunpack.i.u.bf16.f32 v10;
	v10 =	vunpack.i.l.bf16.f32 v10;
	v19 =	vld [tilespmem:s6+$0x0]  }
0x15d: {  	v20 =	vunpack.i.u.bf16.f32 v7;
	v7 =	vunpack.i.l.bf16.f32 v7;
	v21 =	vld [tilespmem:s5+$0xFFFFFF60];
	[tilespmem:s26+$0xB0] =	vst v9  }
0x15e: {  	v6 =	vmul.f32 v6, v7;
	v7 =	vld [tilespmem:s5+$0xF0]  }
0x15f: {  	v13 =	vunpack.i.u.bf16.f32 v13;
	v9 =	vmul.f32 v17, v14;
	v14 =	vld [tilespmem:s5+$0xFFFFFFE0]  }
0x160: {  	[tilespmem:s17+$0xFFFFFF00] =	vst v6;
	v6 =	vmul.f32 v18, v13;
	v13 =	vld [tilespmem:s5+$0x60]  }
0x161: {  	v17 =	vld [tilespmem:s6+$0xFFFFFF40];
	[tilespmem:s17+$0xFFFFFF80] =	vst v9;
	v9 =	vmul.f32 v19, v10  }
0x162: {  	v10 =	vld [tilespmem:s6+$0xFFFFFFC0];
	[tilespmem:s17+$0xC0] =	vst v6;
	v5 =	vmul.f32 v21, v5;
	v6 =	vunpack.i.u.bf16.f32 v8  }
0x163: {  	[tilespmem:s17+$0x0] =	vst v9;
	v8 =	vld [tilespmem:s19+$0x90];
	v6 =	vmul.f32 v7, v6  }
0x164: {  	v7 =	vld [tilespmem:s6+$0x90];
	[tilespmem:s26+$0xFFFFFF60] =	vst v5;
	v5 =	vmul.f32 v14, v11  }
0x165: {  	v9 =	vld [tilespmem:s6+$0x40];
	v11 =	vmul.f32 v13, v15;
	[tilespmem:s26+$0xF0] =	vst v6  }
0x166: {  	v6 =	vmul.f32 v17, v20;
	v13 =	vld [tilespmem:s23+$0xFFFFFF30];
	[tilespmem:s26+$0xFFFFFFE0] =	vst v5  }
0x167: {  	v5 =	vmul.f32 v10, v16;
	v10 =	vld [tilespmem:s23+$0xFFFFFFB0];
	[tilespmem:s26+$0x60] =	vst v11  }
0x168: {  	[tilespmem:s17+$0xFFFFFF40] =	vst v6;
	v6 =	vunpack.i.l.bf16.f32 v8;
	v11 =	vld [tilespmem:s23+$0x30];
	s23 =	smov.u32 s19  }
0x169: {  	v14 =	vld [tilespmem:s19+$0xFFFFFF10];
	[tilespmem:s17+$0xFFFFFFC0] =	vst v5;
	v5 =	vmul.f32 v7, v6  }
0x16a: {  	v6 =	vld [tilespmem:s19+$0xFFFFFF90];
	v7 =	vmul.f32 v9, v12  }
0x16b: {  	v9 =	vld [tilespmem:s6+$0xFFFFFF10];
	[tilespmem:s17+$0x90] =	vst v5;
	v5 =	vunpack.i.u.bf16.f32 v13;
	v12 =	vunpack.i.l.bf16.f32 v13  }
0x16c: {  	[tilespmem:s17+$0x40] =	vst v7;
	v7 =	vld [tilespmem:s6+$0xD0];
	v13 =	vunpack.i.u.bf16.f32 v10;
	v10 =	vunpack.i.l.bf16.f32 v10  }
0x16d: {  	v15 =	vld [tilespmem:s19+$0x10];
	v16 =	vunpack.i.u.bf16.f32 v11;
	v11 =	vunpack.i.l.bf16.f32 v11  }
0x16e: {  	v17 =	vunpack.i.u.bf16.f32 v14;
	v14 =	vunpack.i.l.bf16.f32 v14;
	v18 =	vld [tilespmem:s6+$0xFFFFFF90]  }
0x16f: {  	v19 =	vunpack.i.u.bf16.f32 v6;
	v6 =	vunpack.i.l.bf16.f32 v6;
	v20 =	vld [tilespmem:s6+$0x10]  }
0x170: {  	v8 =	vunpack.i.u.bf16.f32 v8;
	v9 =	vmul.f32 v9, v14;
	v14 =	vld [tilespmem:s5+$0xFFFFFF30]  }
0x171: {  	v7 =	vmul.f32 v7, v8;
	v8 =	vld [tilespmem:s5+$0xFFFFFFB0]  }
0x172: {  	[tilespmem:s17+$0xFFFFFF10] =	vst v9;
	v9 =	vunpack.i.u.bf16.f32 v15;
	v15 =	vunpack.i.l.bf16.f32 v15;
	v21 =	vld [tilespmem:s5+$0x30]  }
0x173: {  	v22 =	vld [tilespmem:s6+$0xFFFFFF50];
	v6 =	vmul.f32 v18, v6;
	[tilespmem:s17+$0xD0] =	vst v7  }
0x174: {  	v7 =	vmul.f32 v20, v15;
	v15 =	vld [tilespmem:s19+$0xA0]  }
0x175: {  	[tilespmem:s17+$0xFFFFFF90] =	vst v6;
	v6 =	vld [tilespmem:s6+$0xA0];
	v12 =	vmul.f32 v14, v12  }
0x176: {  	v14 =	vld [tilespmem:s6+$0xFFFFFFD0];
	[tilespmem:s17+$0x10] =	vst v7;
	v7 =	vmul.f32 v8, v10  }
0x177: {  	v8 =	vld [tilespmem:s6+$0x50];
	[tilespmem:s26+$0xFFFFFF30] =	vst v12;
	v10 =	vmul.f32 v21, v11  }
0x178: {  	v11 =	vmul.f32 v22, v17;
	v12 =	vld [tilespmem:s5+$0xFFFFFF70];
	[tilespmem:s26+$0xFFFFFFB0] =	vst v7  }
0x179: {  	v7 =	vunpack.i.l.bf16.f32 v15;
	v17 =	vld [tilespmem:s5+$0xFFFFFFF0];
	[tilespmem:s26+$0x30] =	vst v10  }
0x17a: {  	[tilespmem:s17+$0xFFFFFF50] =	vst v11;
	v6 =	vmul.f32 v6, v7;
	v10 =	vld [tilespmem:s5+$0x70];
	s5 =	smov.u32 s6  }
0x17b: {  	v11 =	vld [tilespmem:s19+$0xFFFFFF20];
	v7 =	vmul.f32 v14, v19  }
0x17c: {  	v14 =	vld [tilespmem:s6+$0xFFFFFF20];
	v9 =	vmul.f32 v8, v9;
	[tilespmem:s17+$0xA0] =	vst v6  }
.Ltmp10:
0x17d: {  	[tilespmem:s17+$0xFFFFFFD0] =	vst v7;
	v8 =	vld [tilespmem:s6+$0xE0];
	v5 =	vmul.f32 v12, v5;
	(pc) =	sbr.rel @p1 .LBB2_13-.Ltmp10, $4  }
0x17e: {  	v7 =	vld [tilespmem:s19+$0xFFFFFFA0];
	[tilespmem:s17+$0x50] =	vst v9;
	v12 =	vmul.f32 v17, v13  }
0x17f: {  	v6 =	vld [tilespmem:s19+$0x20];
	[tilespmem:s26+$0xFFFFFF70] =	vst v5;
	v13 =	vmul.f32 v10, v16  }
0x180: {  	v5 =	vunpack.i.u.bf16.f32 v11;
	v10 =	vunpack.i.l.bf16.f32 v11;
	v9 =	vld [tilespmem:s6+$0xFFFFFFA0];
	[tilespmem:s26+$0xFFFFFFF0] =	vst v12  }
0x181: {  	s19 =	sadd.s32 $0x200, s19;
	v12 =	vunpack.i.u.bf16.f32 v15;
	v11 =	vmul.f32 v14, v10;
	v10 =	vld [tilespmem:s6+$0x20];
	[tilespmem:s26+$0x70] =	vst v13;
	s26 =	smov.u32 s17  }
0x182: {  	_ =	sdelay $0x1  }
0x183: {  	v13 =	vunpack.i.l.bf16.f32 v7  }
0x184: {  	[tilespmem:s17+$0xFFFFFF20] =	vst v11;
	v9 =	vmul.f32 v9, v13  }
0x185: {  	v51 =	vunpack.i.l.bf16.f32 v6;
	v52 =	vld [tilespmem:s5+$0xFFFFFF60]  }
0x186: {  	v10 =	vmul.f32 v10, v51;
	[tilespmem:s17+$0xFFFFFFA0] =	vst v9  }
0x187: {  	v53 =	vld [tilespmem:s5+$0xFFFFFFE0]  }
0x188: {  	v8 =	vmul.f32 v8, v12;
	[tilespmem:s17+$0x20] =	vst v10  }
0x189: {  	v54 =	vld [tilespmem:s5+$0x60]  }
0x18a: {  	[tilespmem:s17+$0xE0] =	vst v8;
	v5 =	vmul.f32 v52, v5  }
0x18b: {  	v7 =	vunpack.i.u.bf16.f32 v7;
	v8 =	vld [tilespmem:s23+$0xB0]  }
0x18c: {  	v55 =	vld [tilespmem:s5+$0xB0];
	[tilespmem:s26+$0xFFFFFF60] =	vst v5;
	v7 =	vmul.f32 v53, v7  }
0x18d: {  	v6 =	vunpack.i.u.bf16.f32 v6;
	v56 =	vld [tilespmem:s5+$0xFFFFFF30]  }
0x18e: {  	v5 =	vmul.f32 v54, v6;
	v6 =	vld [tilespmem:s23+$0xFFFFFF30];
	[tilespmem:s26+$0xFFFFFFE0] =	vst v7  }
0x18f: {  	v7 =	vld [tilespmem:s23+$0xFFFFFFB0]  }
0x190: {  	[tilespmem:s26+$0x60] =	vst v5;
	v57 =	vld [tilespmem:s5+$0xFFFFFFB0]  }
0x191: {  	v5 =	vld [tilespmem:s23+$0x30]  }
0x192: {  	v58 =	vld [tilespmem:s5+$0x30]  }
0x193: {  	v59 =	vunpack.i.l.bf16.f32 v8  }
0x194: {  	v9 =	vmul.f32 v55, v59;
	v60 =	vunpack.i.l.bf16.f32 v6  }
0x195: {  	v10 =	vmul.f32 v56, v60;
	v61 =	vunpack.i.l.bf16.f32 v7  }
0x196: {  	[tilespmem:s26+$0xB0] =	vst v9;
	v62 =	vunpack.i.l.bf16.f32 v5;
	v11 =	vmul.f32 v57, v61  }
0x197: {  	v63 =	vld [tilespmem:s5+$0xF0];
	[tilespmem:s26+$0xFFFFFF30] =	vst v10;
	v9 =	vmul.f32 v58, v62  }
0x198: {  	v10 =	vld [tilespmem:s5+$0xFFFFFF70];
	[tilespmem:s26+$0xFFFFFFB0] =	vst v11  }
0x199: {  	v11 =	vld [tilespmem:s5+$0xFFFFFFF0];
	[tilespmem:s26+$0x30] =	vst v9  }
0x19a: {  	v9 =	vld [tilespmem:s5+$0x70]  }
0x19b: {  	v8 =	vunpack.i.u.bf16.f32 v8  }
0x19c: {  	v8 =	vmul.f32 v63, v8;
	v6 =	vunpack.i.u.bf16.f32 v6  }
0x19d: {  	v7 =	vunpack.i.u.bf16.f32 v7;
	v6 =	vmul.f32 v10, v6  }
0x19e: {  	[tilespmem:s26+$0xF0] =	vst v8;
	v5 =	vunpack.i.u.bf16.f32 v5;
	v7 =	vmul.f32 v11, v7  }
0x19f: {  	s5 =	sadd.s32 $0x2, s15;
	[tilespmem:s26+$0xFFFFFF70] =	vst v6;
	v5 =	vmul.f32 v9, v5  }
0x1a0: {  	p1 =	sge.s32 s5, s8;
	[tilespmem:s26+$0xFFFFFFF0] =	vst v7  }
.Ltmp11:
0x1a1: {  	[tilespmem:s26+$0x70] =	vst v5;
	(pc) =	sbr.rel @p1 .LBB2_16-.Ltmp11, $4  }
0x1a2: {  	[spmem:s2] =	stream.indirect.scatter.add.f32 [tilespmem:s30], [sflag:$0x3], $0x80, s0, s31, $0xb8;
	[tilespmem:$0x1BA40] =	vst v63  }
0x1a3: {  	_ =	swait.ge [sflag:s28], $0x2800  }
0x1a4: {  	[sflag:s28] =	ssyncset.done $0x0  }
0x1a5: {  	[sflag:s28] =	ssyncadd.s32 $0xFFFFD800  }
0x1a6: {  	s5 =	smul.u32 $0x50, s5;
	_ =	sdelay $0x1  }
0x1a7: {  	v5 =	vor.u32 s5, v1  }
0x1a8: {  	vm0 =	vlt.s32 v5, v4  }
0x1a9: {  	v6 =	vsel vm0, v5, v4  }
0x1aa: {  	vm0 =	vlt.s32 v6, $0x270F  }
0x1ab: {  	v6 =	vnsel vm0, $0x270F, v6;
	_ =	sdelay $0x4  }
0x1ac: {  	v6 =	vld.idx.msk [tilespmem:v6+s25+$0x0], $0xffff;
	_ =	sdelay $0x5  }
0x1ad: {  	s6 =	sor.u32 $0x10, s5  }
0x1ae: {  	v8 =	vor.u32 s6, v1  }
0x1af: {  	vm7 =	vlt.s32 v8, v4;
	v7 =	vld.idx.msk [tilespmem:v6+s3+$0x0], $0xffff  }
0x1b0: {  	v9 =	vsel vm7, v8, v4  }
0x1b1: {  	vm0 =	vlt.s32 v9, $0x270F  }
0x1b2: {  	v9 =	vnsel vm0, $0x270F, v9  }
0x1b3: {  	vm8 =	vlt.s32 v5, v3;
	v5 =	vadd.s32 v0, v6  }
0x1b4: {  	[tilespmem:$0x5000] =	vst v5;
	v10 =	vand.u32 $0xFFFF, v7;
	v6 =	vshra.s32 v7, $0x10  }
0x1b5: {  	[tilespmem:$0x4F00] =	vst v10;
	v5 =	vnsel vm8, $0x1400, v6  }
0x1b6: {  	[tilespmem:$0x5100] =	vst v5  }
0x1b7: {  	v5 =	vld.idx.msk [tilespmem:v9+s25+$0x0], $0xffff;
	_ =	sdelay $0x5  }
0x1b8: {  	s26 =	sadd.s32 $0x20, s5  }
0x1b9: {  	v7 =	vor.u32 s26, v1  }
0x1ba: {  	vm9 =	vlt.s32 v7, v4;
	v6 =	vld.idx.msk [tilespmem:v5+s3+$0x0], $0xffff  }
0x1bb: {  	v56 =	vsel vm9, v7, v4  }
0x1bc: {  	vm0 =	vlt.s32 v56, $0x270F  }
0x1bd: {  	v9 =	vnsel vm0, $0x270F, v56  }
0x1be: {  	v5 =	vadd.s32 v0, v5  }
0x1bf: {  	vm10 =	vlt.s32 v8, v3;
	[tilespmem:$0x5010] =	vst v5;
	v57 =	vand.u32 $0xFFFF, v6;
	v6 =	vshra.s32 v6, $0x10  }
0x1c0: {  	[tilespmem:$0x4F10] =	vst v57;
	v5 =	vnsel vm10, $0x1400, v6  }
0x1c1: {  	[tilespmem:$0x5110] =	vst v5  }
0x1c2: {  	v5 =	vld.idx.msk [tilespmem:v9+s25+$0x0], $0xffff;
	_ =	sdelay $0x5  }
0x1c3: {  	s14 =	sadd.s32 $0x30, s5  }
0x1c4: {  	v58 =	vor.u32 s14, v1  }
0x1c5: {  	vm11 =	vlt.s32 v58, v4;
	v6 =	vld.idx.msk [tilespmem:v5+s3+$0x0], $0xffff  }
0x1c6: {  	v59 =	vsel vm11, v58, v4  }
0x1c7: {  	vm0 =	vlt.s32 v59, $0x270F  }
0x1c8: {  	v9 =	vnsel vm0, $0x270F, v59  }
0x1c9: {  	v5 =	vadd.s32 v0, v5  }
0x1ca: {  	vm12 =	vlt.s32 v7, v3;
	[tilespmem:$0x5020] =	vst v5;
	v60 =	vand.u32 $0xFFFF, v6;
	v6 =	vshra.s32 v6, $0x10  }
0x1cb: {  	[tilespmem:$0x4F20] =	vst v60;
	v5 =	vnsel vm12, $0x1400, v6  }
0x1cc: {  	[tilespmem:$0x5120] =	vst v5  }
0x1cd: {  	v5 =	vld.idx.msk [tilespmem:v9+s25+$0x0], $0xffff;
	_ =	sdelay $0x5  }
0x1ce: {  	s5 =	sadd.s32 $0x40, s5  }
0x1cf: {  	v7 =	vor.u32 s5, v1  }
0x1d0: {  	vm13 =	vlt.s32 v7, v4;
	v6 =	vld.idx.msk [tilespmem:v5+s3+$0x0], $0xffff  }
0x1d1: {  	v61 =	vsel vm13, v7, v4  }
0x1d2: {  	vm0 =	vlt.s32 v61, $0x270F  }
0x1d3: {  	v9 =	vnsel vm0, $0x270F, v61  }
0x1d4: {  	v5 =	vadd.s32 v0, v5  }
0x1d5: {  	vm14 =	vlt.s32 v58, v3;
	[tilespmem:$0x5030] =	vst v5;
	v62 =	vand.u32 $0xFFFF, v6;
	v6 =	vshra.s32 v6, $0x10  }
0x1d6: {  	[tilespmem:$0x4F30] =	vst v62;
	v5 =	vnsel vm14, $0x1400, v6  }
0x1d7: {  	[tilespmem:$0x5130] =	vst v5  }
0x1d8: {  	v5 =	vld.idx.msk [tilespmem:v9+s25+$0x0], $0xffff;
	_ =	sdelay $0x7  }
0x1d9: {  	v6 =	vld.idx.msk [tilespmem:v5+s3+$0x0], $0xffff;
	_ =	sdelay $0x3  }
0x1da: {  	v5 =	vadd.s32 v0, v5  }
0x1db: {  	vm15 =	vlt.s32 v7, v3;
	[tilespmem:$0x5040] =	vst v5;
	v63 =	vand.u32 $0xFFFF, v6;
	v6 =	vshra.s32 v6, $0x10  }
0x1dc: {  	[tilespmem:$0x4F40] =	vst v63;
	v5 =	vnsel vm15, $0x1400, v6  }
0x1dd: {  	s17 =	simm.s32 $0x4F00;
	s19 =	simm.s32 $0x5200;
	[tilespmem:$0x5140] =	vst v5  }
0x1de: {  	[tilespmem:s19], [sflag:$0x1] =	stream.indirect.gather [hbm4b:s1+s31], $0x80, s17, s31, $0xb8;
	[tilespmem:$0x1BA40] =	vst v63  }
0x1df: {  	s23 =	simm.s32 $0x5000;
	s26 =	simm.s32 $0xA200  }
0x1e0: {  	[tilespmem:s26], [sflag:$0x1] =	stream.indirect.gather [hbm4b:s4+s31], $0x80, s23, s31, $0xb8;
	[tilespmem:$0x1BA40] =	vst v63  }
.LBB2_16:
0x1e1: {  	p1 =	sge.s32 s15, s10  }
.Ltmp12:
0x1e2: {  	_ = 	snop;
	(pc) =	sbr.rel @p1 .LBB2_21-.Ltmp12, $1  }
0x1e3: {  	_ =	sdelay $0x3  }
0x1e4: {  	_ =	swait.ge [sflag:s16], $0x2800  }
0x1e5: {  	[sflag:s16] =	ssyncset.done $0x0  }
0x1e6: {  	[sflag:s16] =	ssyncadd.s32 $0xFFFFD800  }
0x1e7: {  	_ =	swait.ge [sflag:s16], $0x2800  }
0x1e8: {  	[sflag:s16] =	ssyncset.done $0x0  }
0x1e9: {  	[sflag:s16] =	ssyncadd.s32 $0xFFFFD800  }
0x1ea: {  	s6 =	simm.s32 $0x7B00;
	v5 =	vld [tilespmem:s24+$0x80]  }
0x1eb: {  	v6 =	vld [tilespmem:s6+$0x80];
	_ =	sdelay $0x2  }
0x1ec: {  	v7 =	vld [tilespmem:s24+$0xFFFFFF80]  }
0x1ed: {  	v9 =	vld [tilespmem:s24+$0xFFFFFF00];
	v8 =	vunpack.i.l.bf16.f32 v5  }
0x1ee: {  	v10 =	vld [tilespmem:s6+$0xFFFFFF80];
	v6 =	vmul.f32 v6, v8  }
0x1ef: {  	s17 =	simm.s32 $0xF300;
	v8 =	vld [tilespmem:s6+$0xFFFFFF00]  }
0x1f0: {  	[tilespmem:s17+$0x80] =	vst v6  }
0x1f1: {  	v6 =	vld [tilespmem:s6+$0xC0]  }
0x1f2: {  	v11 =	vld [tilespmem:s24+$0x0];
	v14 =	vunpack.i.l.bf16.f32 v7  }
0x1f3: {  	v12 =	vld [tilespmem:s6+$0x0];
	v13 =	vunpack.i.l.bf16.f32 v9;
	v10 =	vmul.f32 v10, v14  }
0x1f4: {  	v8 =	vmul.f32 v8, v13  }
0x1f5: {  	v5 =	vunpack.i.u.bf16.f32 v5;
	[tilespmem:s17+$0xFFFFFF80] =	vst v10  }
0x1f6: {  	v10 =	vld [tilespmem:s6+$0xFFFFFFC0];
	[tilespmem:s17+$0xFFFFFF00] =	vst v8;
	v5 =	vmul.f32 v6, v5  }
0x1f7: {  	v6 =	vunpack.i.l.bf16.f32 v11;
	v8 =	vld [tilespmem:s6+$0xFFFFFF40]  }
0x1f8: {  	v6 =	vmul.f32 v12, v6;
	[tilespmem:s17+$0xC0] =	vst v5  }
0x1f9: {  	v5 =	vld [tilespmem:s24+$0x90]  }
0x1fa: {  	v7 =	vunpack.i.u.bf16.f32 v7;
	[tilespmem:s17+$0x0] =	vst v6;
	v6 =	vld [tilespmem:s6+$0x90]  }
0x1fb: {  	v9 =	vunpack.i.u.bf16.f32 v9;
	v7 =	vmul.f32 v10, v7  }
0x1fc: {  	v12 =	vld [tilespmem:s6+$0x40];
	v8 =	vmul.f32 v8, v9  }
0x1fd: {  	[tilespmem:s17+$0xFFFFFFC0] =	vst v7  }
0x1fe: {  	[tilespmem:s17+$0xFFFFFF40] =	vst v8;
	v8 =	vunpack.i.l.bf16.f32 v5  }
0x1ff: {  	v7 =	vld [tilespmem:s24+$0xFFFFFF90];
	v6 =	vmul.f32 v6, v8  }
0x200: {  	v9 =	vunpack.i.u.bf16.f32 v11;
	v10 =	vld [tilespmem:s24+$0xFFFFFF10]  }
0x201: {  	v8 =	vmul.f32 v12, v9;
	v9 =	vld [tilespmem:s6+$0xFFFFFF10];
	[tilespmem:s17+$0x90] =	vst v6  }
0x202: {  	v6 =	vld [tilespmem:s6+$0xD0]  }
0x203: {  	v11 =	vld [tilespmem:s6+$0xFFFFFF90];
	[tilespmem:s17+$0x40] =	vst v8  }
0x204: {  	v8 =	vld [tilespmem:s24+$0x10]  }
0x205: {  	v13 =	vld [tilespmem:s6+$0x10];
	v12 =	vunpack.i.l.bf16.f32 v10  }
0x206: {  	v5 =	vunpack.i.u.bf16.f32 v5;
	v9 =	vmul.f32 v9, v12  }
0x207: {  	v5 =	vmul.f32 v6, v5  }
0x208: {  	[tilespmem:s17+$0xFFFFFF10] =	vst v9;
	v6 =	vunpack.i.l.bf16.f32 v7  }
0x209: {  	v9 =	vunpack.i.l.bf16.f32 v8;
	v12 =	vld [tilespmem:s6+$0xFFFFFF50];
	v6 =	vmul.f32 v11, v6;
	[tilespmem:s17+$0xD0] =	vst v5  }
0x20a: {  	v5 =	vmul.f32 v13, v9;
	v13 =	vld [tilespmem:s24+$0xA0]  }
0x20b: {  	[tilespmem:s17+$0xFFFFFF90] =	vst v6;
	v6 =	vld [tilespmem:s6+$0xA0]  }
0x20c: {  	v9 =	vld [tilespmem:s6+$0xFFFFFFD0];
	[tilespmem:s17+$0x10] =	vst v5  }
0x20d: {  	v5 =	vunpack.i.u.bf16.f32 v10;
	v10 =	vld [tilespmem:s6+$0x50]  }
0x20e: {  	v5 =	vmul.f32 v12, v5  }
0x20f: {  	v11 =	vunpack.i.l.bf16.f32 v13  }
0x210: {  	v7 =	vunpack.i.u.bf16.f32 v7;
	[tilespmem:s17+$0xFFFFFF50] =	vst v5;
	v5 =	vmul.f32 v6, v11  }
0x211: {  	v6 =	vunpack.i.u.bf16.f32 v8;
	v11 =	vld [tilespmem:s24+$0xFFFFFF20];
	v7 =	vmul.f32 v9, v7  }
0x212: {  	v12 =	vld [tilespmem:s6+$0xFFFFFF20];
	v6 =	vmul.f32 v10, v6;
	[tilespmem:s17+$0xA0] =	vst v5  }
0x213: {  	[tilespmem:s17+$0xFFFFFFD0] =	vst v7;
	v8 =	vld [tilespmem:s6+$0xE0]  }
0x214: {  	v7 =	vld [tilespmem:s24+$0xFFFFFFA0];
	[tilespmem:s17+$0x50] =	vst v6  }
0x215: {  	v6 =	vld [tilespmem:s24+$0x20]  }
0x216: {  	s14 =	simm.s32 $0x0;
	s19 =	sadd.s32 $0x200, s24;
	v9 =	vld [tilespmem:s6+$0xFFFFFFA0];
	v10 =	vunpack.i.l.bf16.f32 v11  }
0x217: {  	s23 =	smov.u32 s24;
	s5 =	simm.s32 $0x7B00;
	s26 =	simm.s32 $0xF300;
	v5 =	vunpack.i.u.bf16.f32 v11;
	v11 =	vmul.f32 v12, v10;
	v10 =	vld [tilespmem:s6+$0x20];
	v12 =	vunpack.i.u.bf16.f32 v13  }
.LBB2_18:
0x218: {  	v13 =	vld [tilespmem:s19+$0x80];
	s14 =	sadd.s32 $0x4, s14;
	v8 =	vmul.f32 v8, v12;
	s6 =	sadd.s32 $0x200, s6  }
0x219: {  	v12 =	vld [tilespmem:s6+$0x80];
	p1 =	slt.u32 s14, $0x4C;
	[tilespmem:s17+$0xFFFFFF20] =	vst v11;
	v11 =	vunpack.i.u.bf16.f32 v7;
	v7 =	vunpack.i.l.bf16.f32 v7  }
0x21a: {  	v14 =	vld [tilespmem:s19+$0xFFFFFF80];
	v15 =	vunpack.i.u.bf16.f32 v6;
	v6 =	vunpack.i.l.bf16.f32 v6;
	[tilespmem:s17+$0xE0] =	vst v8  }
0x21b: {  	v7 =	vmul.f32 v9, v7;
	v8 =	vld [tilespmem:s23+$0xB0]  }
0x21c: {  	v6 =	vmul.f32 v10, v6;
	v9 =	vld [tilespmem:s5+$0xB0]  }
0x21d: {  	v10 =	vld [tilespmem:s19+$0x0];
	v16 =	vunpack.i.l.bf16.f32 v13;
	[tilespmem:s17+$0xFFFFFFA0] =	vst v7  }
0x21e: {  	v7 =	vld [tilespmem:s19+$0xFFFFFF00];
	v12 =	vmul.f32 v12, v16;
	[tilespmem:s17+$0x20] =	vst v6  }
0x21f: {  	s17 =	sadd.s32 $0x200, s17;
	v6 =	vld [tilespmem:s6+$0xFFFFFF00];
	v16 =	vunpack.i.u.bf16.f32 v14;
	v14 =	vunpack.i.l.bf16.f32 v14  }
0x220: {  	v17 =	vld [tilespmem:s6+$0xFFFFFF80];
	[tilespmem:s17+$0x80] =	vst v12;
	v12 =	vunpack.i.l.bf16.f32 v8  }
0x221: {  	v18 =	vld [tilespmem:s6+$0xC0];
	v9 =	vmul.f32 v9, v12  }
0x222: {  	v12 =	vunpack.i.u.bf16.f32 v10;
	v10 =	vunpack.i.l.bf16.f32 v10;
	v19 =	vld [tilespmem:s6+$0x0]  }
0x223: {  	v20 =	vunpack.i.u.bf16.f32 v7;
	v7 =	vunpack.i.l.bf16.f32 v7;
	v21 =	vld [tilespmem:s5+$0xFFFFFF60];
	[tilespmem:s26+$0xB0] =	vst v9  }
0x224: {  	v6 =	vmul.f32 v6, v7;
	v7 =	vld [tilespmem:s5+$0xF0]  }
0x225: {  	v13 =	vunpack.i.u.bf16.f32 v13;
	v9 =	vmul.f32 v17, v14;
	v14 =	vld [tilespmem:s5+$0xFFFFFFE0]  }
0x226: {  	[tilespmem:s17+$0xFFFFFF00] =	vst v6;
	v6 =	vmul.f32 v18, v13;
	v13 =	vld [tilespmem:s5+$0x60]  }
0x227: {  	v17 =	vld [tilespmem:s6+$0xFFFFFF40];
	[tilespmem:s17+$0xFFFFFF80] =	vst v9;
	v9 =	vmul.f32 v19, v10  }
0x228: {  	v10 =	vld [tilespmem:s6+$0xFFFFFFC0];
	[tilespmem:s17+$0xC0] =	vst v6;
	v5 =	vmul.f32 v21, v5;
	v6 =	vunpack.i.u.bf16.f32 v8  }
0x229: {  	[tilespmem:s17+$0x0] =	vst v9;
	v8 =	vld [tilespmem:s19+$0x90];
	v6 =	vmul.f32 v7, v6  }
0x22a: {  	v7 =	vld [tilespmem:s6+$0x90];
	[tilespmem:s26+$0xFFFFFF60] =	vst v5;
	v5 =	vmul.f32 v14, v11  }
0x22b: {  	v9 =	vld [tilespmem:s6+$0x40];
	v11 =	vmul.f32 v13, v15;
	[tilespmem:s26+$0xF0] =	vst v6  }
0x22c: {  	v6 =	vmul.f32 v17, v20;
	v13 =	vld [tilespmem:s23+$0xFFFFFF30];
	[tilespmem:s26+$0xFFFFFFE0] =	vst v5  }
0x22d: {  	v5 =	vmul.f32 v10, v16;
	v10 =	vld [tilespmem:s23+$0xFFFFFFB0];
	[tilespmem:s26+$0x60] =	vst v11  }
0x22e: {  	[tilespmem:s17+$0xFFFFFF40] =	vst v6;
	v6 =	vunpack.i.l.bf16.f32 v8;
	v11 =	vld [tilespmem:s23+$0x30];
	s23 =	smov.u32 s19  }
0x22f: {  	v14 =	vld [tilespmem:s19+$0xFFFFFF10];
	[tilespmem:s17+$0xFFFFFFC0] =	vst v5;
	v5 =	vmul.f32 v7, v6  }
0x230: {  	v6 =	vld [tilespmem:s19+$0xFFFFFF90];
	v7 =	vmul.f32 v9, v12  }
0x231: {  	v9 =	vld [tilespmem:s6+$0xFFFFFF10];
	[tilespmem:s17+$0x90] =	vst v5;
	v5 =	vunpack.i.u.bf16.f32 v13;
	v12 =	vunpack.i.l.bf16.f32 v13  }
0x232: {  	[tilespmem:s17+$0x40] =	vst v7;
	v7 =	vld [tilespmem:s6+$0xD0];
	v13 =	vunpack.i.u.bf16.f32 v10;
	v10 =	vunpack.i.l.bf16.f32 v10  }
0x233: {  	v15 =	vld [tilespmem:s19+$0x10];
	v16 =	vunpack.i.u.bf16.f32 v11;
	v11 =	vunpack.i.l.bf16.f32 v11  }
0x234: {  	v17 =	vunpack.i.u.bf16.f32 v14;
	v14 =	vunpack.i.l.bf16.f32 v14;
	v18 =	vld [tilespmem:s6+$0xFFFFFF90]  }
0x235: {  	v19 =	vunpack.i.u.bf16.f32 v6;
	v6 =	vunpack.i.l.bf16.f32 v6;
	v20 =	vld [tilespmem:s6+$0x10]  }
0x236: {  	v8 =	vunpack.i.u.bf16.f32 v8;
	v9 =	vmul.f32 v9, v14;
	v14 =	vld [tilespmem:s5+$0xFFFFFF30]  }
0x237: {  	v7 =	vmul.f32 v7, v8;
	v8 =	vld [tilespmem:s5+$0xFFFFFFB0]  }
0x238: {  	[tilespmem:s17+$0xFFFFFF10] =	vst v9;
	v9 =	vunpack.i.u.bf16.f32 v15;
	v15 =	vunpack.i.l.bf16.f32 v15;
	v21 =	vld [tilespmem:s5+$0x30]  }
0x239: {  	v22 =	vld [tilespmem:s6+$0xFFFFFF50];
	v6 =	vmul.f32 v18, v6;
	[tilespmem:s17+$0xD0] =	vst v7  }
0x23a: {  	v7 =	vmul.f32 v20, v15;
	v15 =	vld [tilespmem:s19+$0xA0]  }
0x23b: {  	[tilespmem:s17+$0xFFFFFF90] =	vst v6;
	v6 =	vld [tilespmem:s6+$0xA0];
	v12 =	vmul.f32 v14, v12  }
0x23c: {  	v14 =	vld [tilespmem:s6+$0xFFFFFFD0];
	[tilespmem:s17+$0x10] =	vst v7;
	v7 =	vmul.f32 v8, v10  }
0x23d: {  	v8 =	vld [tilespmem:s6+$0x50];
	[tilespmem:s26+$0xFFFFFF30] =	vst v12;
	v10 =	vmul.f32 v21, v11  }
0x23e: {  	v11 =	vmul.f32 v22, v17;
	v12 =	vld [tilespmem:s5+$0xFFFFFF70];
	[tilespmem:s26+$0xFFFFFFB0] =	vst v7  }
0x23f: {  	v7 =	vunpack.i.l.bf16.f32 v15;
	v17 =	vld [tilespmem:s5+$0xFFFFFFF0];
	[tilespmem:s26+$0x30] =	vst v10  }
0x240: {  	[tilespmem:s17+$0xFFFFFF50] =	vst v11;
	v6 =	vmul.f32 v6, v7;
	v10 =	vld [tilespmem:s5+$0x70];
	s5 =	smov.u32 s6  }
0x241: {  	v11 =	vld [tilespmem:s19+$0xFFFFFF20];
	v7 =	vmul.f32 v14, v19  }
0x242: {  	v14 =	vld [tilespmem:s6+$0xFFFFFF20];
	v9 =	vmul.f32 v8, v9;
	[tilespmem:s17+$0xA0] =	vst v6  }
.Ltmp13:
0x243: {  	[tilespmem:s17+$0xFFFFFFD0] =	vst v7;
	v8 =	vld [tilespmem:s6+$0xE0];
	v5 =	vmul.f32 v12, v5;
	(pc) =	sbr.rel @p1 .LBB2_18-.Ltmp13, $4  }
0x244: {  	v7 =	vld [tilespmem:s19+$0xFFFFFFA0];
	[tilespmem:s17+$0x50] =	vst v9;
	v12 =	vmul.f32 v17, v13  }
0x245: {  	v6 =	vld [tilespmem:s19+$0x20];
	[tilespmem:s26+$0xFFFFFF70] =	vst v5;
	v13 =	vmul.f32 v10, v16  }
0x246: {  	v5 =	vunpack.i.u.bf16.f32 v11;
	v10 =	vunpack.i.l.bf16.f32 v11;
	v9 =	vld [tilespmem:s6+$0xFFFFFFA0];
	[tilespmem:s26+$0xFFFFFFF0] =	vst v12  }
0x247: {  	s19 =	sadd.s32 $0x200, s19;
	v12 =	vunpack.i.u.bf16.f32 v15;
	v11 =	vmul.f32 v14, v10;
	v10 =	vld [tilespmem:s6+$0x20];
	[tilespmem:s26+$0x70] =	vst v13;
	s26 =	smov.u32 s17  }
0x248: {  	_ =	sdelay $0x1  }
0x249: {  	v13 =	vunpack.i.l.bf16.f32 v7  }
0x24a: {  	[tilespmem:s17+$0xFFFFFF20] =	vst v11;
	v9 =	vmul.f32 v9, v13  }
0x24b: {  	v51 =	vunpack.i.l.bf16.f32 v6;
	v52 =	vld [tilespmem:s5+$0xFFFFFF60]  }
0x24c: {  	v10 =	vmul.f32 v10, v51;
	[tilespmem:s17+$0xFFFFFFA0] =	vst v9  }
0x24d: {  	v53 =	vld [tilespmem:s5+$0xFFFFFFE0]  }
0x24e: {  	v8 =	vmul.f32 v8, v12;
	[tilespmem:s17+$0x20] =	vst v10  }
0x24f: {  	v54 =	vld [tilespmem:s5+$0x60]  }
0x250: {  	[tilespmem:s17+$0xE0] =	vst v8;
	v5 =	vmul.f32 v52, v5  }
0x251: {  	v7 =	vunpack.i.u.bf16.f32 v7;
	v8 =	vld [tilespmem:s23+$0xB0]  }
0x252: {  	v55 =	vld [tilespmem:s5+$0xB0];
	[tilespmem:s26+$0xFFFFFF60] =	vst v5;
	v7 =	vmul.f32 v53, v7  }
0x253: {  	v6 =	vunpack.i.u.bf16.f32 v6;
	v56 =	vld [tilespmem:s5+$0xFFFFFF30]  }
0x254: {  	v5 =	vmul.f32 v54, v6;
	v6 =	vld [tilespmem:s23+$0xFFFFFF30];
	[tilespmem:s26+$0xFFFFFFE0] =	vst v7  }
0x255: {  	v7 =	vld [tilespmem:s23+$0xFFFFFFB0]  }
0x256: {  	[tilespmem:s26+$0x60] =	vst v5;
	v57 =	vld [tilespmem:s5+$0xFFFFFFB0]  }
0x257: {  	v5 =	vld [tilespmem:s23+$0x30]  }
0x258: {  	v58 =	vld [tilespmem:s5+$0x30]  }
0x259: {  	v59 =	vunpack.i.l.bf16.f32 v8  }
0x25a: {  	v9 =	vmul.f32 v55, v59;
	v60 =	vunpack.i.l.bf16.f32 v6  }
0x25b: {  	v10 =	vmul.f32 v56, v60;
	v61 =	vunpack.i.l.bf16.f32 v7  }
0x25c: {  	[tilespmem:s26+$0xB0] =	vst v9;
	v62 =	vunpack.i.l.bf16.f32 v5;
	v11 =	vmul.f32 v57, v61  }
0x25d: {  	v63 =	vld [tilespmem:s5+$0xF0];
	[tilespmem:s26+$0xFFFFFF30] =	vst v10;
	v9 =	vmul.f32 v58, v62  }
0x25e: {  	v10 =	vld [tilespmem:s5+$0xFFFFFF70];
	[tilespmem:s26+$0xFFFFFFB0] =	vst v11  }
0x25f: {  	v11 =	vld [tilespmem:s5+$0xFFFFFFF0];
	[tilespmem:s26+$0x30] =	vst v9  }
0x260: {  	v9 =	vld [tilespmem:s5+$0x70]  }
0x261: {  	v8 =	vunpack.i.u.bf16.f32 v8  }
0x262: {  	v8 =	vmul.f32 v63, v8;
	v6 =	vunpack.i.u.bf16.f32 v6  }
0x263: {  	v7 =	vunpack.i.u.bf16.f32 v7;
	v6 =	vmul.f32 v10, v6  }
0x264: {  	[tilespmem:s26+$0xF0] =	vst v8;
	v5 =	vunpack.i.u.bf16.f32 v5;
	v7 =	vmul.f32 v11, v7  }
0x265: {  	s5 =	sadd.s32 $0x3, s15;
	[tilespmem:s26+$0xFFFFFF70] =	vst v6;
	v5 =	vmul.f32 v9, v5  }
0x266: {  	p1 =	sge.s32 s5, s8;
	[tilespmem:s26+$0xFFFFFFF0] =	vst v7  }
.Ltmp14:
0x267: {  	[tilespmem:s26+$0x70] =	vst v5;
	(pc) =	sbr.rel @p1 .LBB2_21-.Ltmp14, $4  }
0x268: {  	[spmem:s2] =	stream.indirect.scatter.add.f32 [tilespmem:s30], [sflag:$0x3], $0x80, s18, s31, $0xb8;
	[tilespmem:$0x1BA40] =	vst v63  }
0x269: {  	_ =	swait.ge [sflag:s28], $0x2800  }
0x26a: {  	[sflag:s28] =	ssyncset.done $0x0  }
0x26b: {  	[sflag:s28] =	ssyncadd.s32 $0xFFFFD800  }
0x26c: {  	s5 =	smul.u32 $0x50, s5;
	_ =	sdelay $0x1  }
0x26d: {  	v5 =	vor.u32 s5, v1  }
0x26e: {  	vm0 =	vlt.s32 v5, v4  }
0x26f: {  	v6 =	vsel vm0, v5, v4  }
0x270: {  	vm0 =	vlt.s32 v6, $0x270F  }
0x271: {  	v6 =	vnsel vm0, $0x270F, v6;
	_ =	sdelay $0x4  }
0x272: {  	v6 =	vld.idx.msk [tilespmem:v6+s25+$0x0], $0xffff;
	_ =	sdelay $0x5  }
0x273: {  	s6 =	sadd.s32 $0x10, s5  }
0x274: {  	v8 =	vor.u32 s6, v1  }
0x275: {  	vm7 =	vlt.s32 v8, v4;
	v7 =	vld.idx.msk [tilespmem:v6+s3+$0x0], $0xffff  }
0x276: {  	v9 =	vsel vm7, v8, v4  }
0x277: {  	vm0 =	vlt.s32 v9, $0x270F  }
0x278: {  	v9 =	vnsel vm0, $0x270F, v9  }
0x279: {  	vm8 =	vlt.s32 v5, v3;
	v5 =	vadd.s32 v0, v6  }
0x27a: {  	[tilespmem:$0x5080] =	vst v5;
	v10 =	vand.u32 $0xFFFF, v7;
	v6 =	vshra.s32 v7, $0x10  }
0x27b: {  	[tilespmem:$0x4F80] =	vst v10;
	v5 =	vnsel vm8, $0x1400, v6  }
0x27c: {  	[tilespmem:$0x5180] =	vst v5  }
0x27d: {  	v5 =	vld.idx.msk [tilespmem:v9+s25+$0x0], $0xffff;
	_ =	sdelay $0x5  }
0x27e: {  	s19 =	sadd.s32 $0x20, s5  }
0x27f: {  	v7 =	vor.u32 s19, v1  }
0x280: {  	vm9 =	vlt.s32 v7, v4;
	v6 =	vld.idx.msk [tilespmem:v5+s3+$0x0], $0xffff  }
0x281: {  	v56 =	vsel vm9, v7, v4  }
0x282: {  	vm0 =	vlt.s32 v56, $0x270F  }
0x283: {  	v9 =	vnsel vm0, $0x270F, v56  }
0x284: {  	v5 =	vadd.s32 v0, v5  }
0x285: {  	vm10 =	vlt.s32 v8, v3;
	[tilespmem:$0x5090] =	vst v5;
	v57 =	vand.u32 $0xFFFF, v6;
	v6 =	vshra.s32 v6, $0x10  }
0x286: {  	[tilespmem:$0x4F90] =	vst v57;
	v5 =	vnsel vm10, $0x1400, v6  }
0x287: {  	[tilespmem:$0x5190] =	vst v5  }
0x288: {  	v5 =	vld.idx.msk [tilespmem:v9+s25+$0x0], $0xffff;
	_ =	sdelay $0x5  }
0x289: {  	s23 =	sadd.s32 $0x30, s5  }
0x28a: {  	v58 =	vor.u32 s23, v1  }
0x28b: {  	vm11 =	vlt.s32 v58, v4;
	v6 =	vld.idx.msk [tilespmem:v5+s3+$0x0], $0xffff  }
0x28c: {  	v59 =	vsel vm11, v58, v4  }
0x28d: {  	vm0 =	vlt.s32 v59, $0x270F  }
0x28e: {  	v9 =	vnsel vm0, $0x270F, v59  }
0x28f: {  	v5 =	vadd.s32 v0, v5  }
0x290: {  	vm12 =	vlt.s32 v7, v3;
	[tilespmem:$0x50A0] =	vst v5;
	v60 =	vand.u32 $0xFFFF, v6;
	v6 =	vshra.s32 v6, $0x10  }
0x291: {  	[tilespmem:$0x4FA0] =	vst v60;
	v5 =	vnsel vm12, $0x1400, v6  }
0x292: {  	[tilespmem:$0x51A0] =	vst v5  }
0x293: {  	v5 =	vld.idx.msk [tilespmem:v9+s25+$0x0], $0xffff;
	_ =	sdelay $0x5  }
0x294: {  	s5 =	sadd.s32 $0x40, s5  }
0x295: {  	v7 =	vor.u32 s5, v1  }
0x296: {  	vm13 =	vlt.s32 v7, v4;
	v6 =	vld.idx.msk [tilespmem:v5+s3+$0x0], $0xffff  }
0x297: {  	v61 =	vsel vm13, v7, v4  }
0x298: {  	vm0 =	vlt.s32 v61, $0x270F  }
0x299: {  	v9 =	vnsel vm0, $0x270F, v61  }
0x29a: {  	v5 =	vadd.s32 v0, v5  }
0x29b: {  	vm14 =	vlt.s32 v58, v3;
	[tilespmem:$0x50B0] =	vst v5;
	v62 =	vand.u32 $0xFFFF, v6;
	v6 =	vshra.s32 v6, $0x10  }
0x29c: {  	[tilespmem:$0x4FB0] =	vst v62;
	v5 =	vnsel vm14, $0x1400, v6  }
0x29d: {  	[tilespmem:$0x51B0] =	vst v5  }
0x29e: {  	v5 =	vld.idx.msk [tilespmem:v9+s25+$0x0], $0xffff;
	_ =	sdelay $0x7  }
0x29f: {  	v6 =	vld.idx.msk [tilespmem:v5+s3+$0x0], $0xffff;
	_ =	sdelay $0x3  }
0x2a0: {  	v5 =	vadd.s32 v0, v5  }
0x2a1: {  	vm15 =	vlt.s32 v7, v3;
	[tilespmem:$0x50C0] =	vst v5;
	v63 =	vand.u32 $0xFFFF, v6;
	v6 =	vshra.s32 v6, $0x10  }
.Ltmp15:
0x2a2: {  	[tilespmem:$0x4FC0] =	vst v63;
	v5 =	vnsel vm15, $0x1400, v6;
	(pc) =	sbr.rel .LBB2_21-.Ltmp15, $4  }
0x2a3: {  	s26 =	simm.s32 $0x4F80;
	[tilespmem:$0x51C0] =	vst v5  }
0x2a4: {  	[tilespmem:s20], [sflag:$0x2] =	stream.indirect.gather [hbm4b:s1+s31], $0x80, s26, s31, $0xb8;
	[tilespmem:$0x1BA40] =	vst v63  }
0x2a5: {  	_ = 	snop  }
0x2a6: {  	[tilespmem:s22], [sflag:$0x2] =	stream.indirect.gather [hbm4b:s4+s31], $0x80, s21, s31, $0xb8;
	[tilespmem:$0x1BA40] =	vst v63  }
.LBB2_22:
0x2a7: {  	[bflag:$0x0] =	sbarrier.arrive $0xFFFF  }
0x2a8: {  	s5 =	rddreg [dreg:$0x6]  }
0x2a9: {  	[tilespmem:s30], [sflag:$0x3] =	stream.linear.gather [spmem:s5], $0x2800, $0x38;
	[tilespmem:$0x1BA40] =	vst v63  }
0x2aa: {  	_ =	swait.ge [sflag:s28], $0x2800  }
0x2ab: {  	[sflag:s28] =	ssyncset.done $0x0  }
0x2ac: {  	s5 =	simm.s32 $0x0;
	s6 =	rddreg [dreg:$0xc];
	[sflag:s28] =	ssyncadd.s32 $0xFFFFD800  }
0x2ad: {  	[hbm4b:s6+s5] =	stream.linear.scatter [tilespmem:s30], [sflag:$0x3], $0x2800, $0x38;
	[tilespmem:$0x1BA40] =	vst v63  }
0x2ae: {  	_ =	swait.ge [sflag:s28], $0x2800  }
0x2af: {  	[sflag:s28] =	ssyncset.done $0x0  }
0x2b0: {  	s13 =	rddreg [dreg:$0xd];
	[sflag:s28] =	ssyncadd.s32 $0xFFFFD800  }
0x2b1: {  	[tilespmem:s30], [sflag:$0x3] =	stream.linear.gather [spmem:s13], $0x2800, $0x38;
	[tilespmem:$0x1BA40] =	vst v63  }
0x2b2: {  	_ =	swait.ge [sflag:s28], $0x2800  }
0x2b3: {  	[sflag:s28] =	ssyncset.done $0x0  }
0x2b4: {  	s14 =	rddreg [dreg:$0xe];
	[sflag:s28] =	ssyncadd.s32 $0xFFFFD800  }
0x2b5: {  	[hbm4b:s14+s5] =	stream.linear.scatter [tilespmem:s30], [sflag:$0x3], $0x2800, $0x38;
	[tilespmem:$0x1BA40] =	vst v63  }
0x2b6: {  	_ =	swait.ge [sflag:s28], $0x2800  }
0x2b7: {  	[sflag:s28] =	ssyncset.done $0x0  }
0x2b8: {  	s15 =	rddreg [dreg:$0xf];
	[sflag:s28] =	ssyncadd.s32 $0xFFFFD800  }
0x2b9: {  	[tilespmem:s30], [sflag:$0x3] =	stream.linear.gather [spmem:s15], $0x2800, $0x38;
	[tilespmem:$0x1BA40] =	vst v63  }
0x2ba: {  	_ =	swait.ge [sflag:s28], $0x2800  }
0x2bb: {  	[sflag:s28] =	ssyncset.done $0x0  }
0x2bc: {  	s17 =	rddreg [dreg:$0x10];
	[sflag:s28] =	ssyncadd.s32 $0xFFFFD800  }
0x2bd: {  	[hbm4b:s17+s5] =	stream.linear.scatter [tilespmem:s30], [sflag:$0x3], $0x2800, $0x38;
	[tilespmem:$0x1BA40] =	vst v63  }
0x2be: {  	_ =	swait.ge [sflag:s28], $0x2800  }
0x2bf: {  	[sflag:s28] =	ssyncset.done $0x0  }
0x2c0: {  	s19 =	rddreg [dreg:$0x11];
	[sflag:s28] =	ssyncadd.s32 $0xFFFFD800  }
0x2c1: {  	[tilespmem:s30], [sflag:$0x3] =	stream.linear.gather [spmem:s19], $0x2800, $0x38;
	[tilespmem:$0x1BA40] =	vst v63  }
0x2c2: {  	_ =	swait.ge [sflag:s28], $0x2800  }
0x2c3: {  	[sflag:s28] =	ssyncset.done $0x0  }
0x2c4: {  	s23 =	rddreg [dreg:$0x12];
	[sflag:s28] =	ssyncadd.s32 $0xFFFFD800  }
0x2c5: {  	[hbm4b:s23+s5] =	stream.linear.scatter [tilespmem:s30], [sflag:$0x3], $0x2800, $0x38;
	[tilespmem:$0x1BA40] =	vst v63  }
0x2c6: {  	_ =	swait.ge [sflag:s28], $0x2800  }
0x2c7: {  	s26 =	sand.u32 $0xFE00, s5;
	[sflag:s28] =	ssyncset.done $0x0  }
0x2c8: {  	s8 =	sand.u32 $0x70, s5;
	s9 =	sshrl.u32 s26, $0x2;
	[sflag:s28] =	ssyncadd.s32 $0xFFFFD800  }
0x2c9: {  	s8 =	sor.u32 s8, s9;
	s6 =	simm.s32 $0x40;
	[bflag:$0x0] =	sbarrier.arrive $0xFFFF  }
.LBB2_23:
0x2ca: {  	p1 =	sne.s32 s6, $0x9FC0  }
0x2cb: {  	[tilespmem:s8+$0xF200] =	vst v2;
	s5 =	sadd.s32 $0x10, s5;
	s8 =	smov.u32 s6;
	s6 =	sadd.s32 $0x40, s6  }
.Ltmp16:
0x2cc: {  	(pc) =	sbr.rel @p1 .LBB2_23-.Ltmp16, $4  }
0x2cd: {  	_ = 	snop  }
0x2ce: {  	s8 =	sand.u32 $0xFE00, s8  }
0x2cf: {  	s9 =	sand.u32 $0x70, s5;
	s8 =	sshrl.u32 s8, $0x2  }
0x2d0: {  	s8 =	sor.u32 s9, s8  }
0x2d1: {  	s5 =	ssub.s32 $0x275F, s7  }
0x2d2: {  	[tilespmem:s8+$0xF200] =	vst v2;
	s15 =	rddreg [dreg:$0x6];
	s6 =	smulhi.u32 $0x66666667, s5;
	s5 =	sshra.s32 s5, $0x1F  }
0x2d3: {  	[spmem:s15] =	stream.linear.scatter [tilespmem:s30], [sflag:$0x3], $0x2800, $0x38;
	[tilespmem:$0x1BA40] =	vst v63  }
0x2d4: {  	s9 =	smul.u32 $0x66666667, s5  }
0x2d5: {  	p1 =	sne.s32 s7, $0x275F;
	s8 =	simm.s32 $0x1;
	_ =	swait.ge [sflag:s28], $0x2800  }
0x2d6: {  	[sflag:s28] =	ssyncset.done $0x0;
	s10 =	rddreg [dreg:$0x7];
	s6 =	sadd.s32 s9, s6  }
0x2d7: {  	[sflag:s28] =	ssyncadd.s32 $0xFFFFD800;
	s14 =	sshrl.u32 s6, $0x1F;
	s6 =	sshra.s32 s6, $0x5  }
0x2d8: {  	[spmem:s10] =	stream.linear.scatter [tilespmem:s30], [sflag:$0x3], $0x2800, $0x38;
	[tilespmem:$0x1BA40] =	vst v63  }
0x2d9: {  	s8 =	simm.s32 @!p1 $0x0;
	s6 =	sadd.s32 s14, s6  }
0x2da: {  	s5 =	sor.u32 s8, s5;
	_ =	swait.ge [sflag:s28], $0x2800;
	s17 =	smul.u32 $0xFFFFFFB0, s6  }
0x2db: {  	s19 =	sadd.s32 $0xFFFFD8A1, s7;
	p6 =	sne.s32 s5, $0x1;
	[sflag:s28] =	ssyncset.done $0x0  }
0x2dc: {  	s23 =	rddreg [dreg:$0x8];
	[sflag:s28] =	ssyncadd.s32 $0xFFFFD800;
	p2 =	sne.s32 s17, s19  }
0x2dd: {  	[spmem:s23] =	stream.linear.scatter [tilespmem:s30], [sflag:$0x3], $0x2800, $0x38;
	[tilespmem:$0x1BA40] =	vst v63  }
0x2de: {  	p1 =	por !p2, !p6  }
0x2df: {  	s5 =	simm.s32 $0x1;
	_ =	swait.ge [sflag:s28], $0x2800;
	p1 =	por !p1, !p1  }
0x2e0: {  	[sflag:s28] =	ssyncset.done $0x0;
	s5 =	simm.s32 @!p1 $0x0  }
0x2e1: {  	s26 =	rddreg [dreg:$0x9];
	[sflag:s28] =	ssyncadd.s32 $0xFFFFD800;
	s8 =	ssub.s32 s6, s5  }
0x2e2: {  	[spmem:s26] =	stream.linear.scatter [tilespmem:s30], [sflag:$0x3], $0x2800, $0x38;
	[tilespmem:$0x1BA40] =	vst v63  }
0x2e3: {  	p1 =	slt.s32 s8, $0x1  }
0x2e4: {  	s6 =	ssub.s32 @!p1 $0x270F, s7  }
0x2e5: {  	p2 =	sgt.s32 @!p1 s6, $0x0  }
0x2e6: {  	p2 =	por !p2, p1  }
0x2e7: {  	_ =	swait.ge [sflag:s28], $0x2800;
	v5 =	vlaneseq.u32 @!p1;
	s6 =	simm.s32 @p2 $0x0  }
0x2e8: {  	[sflag:s28] =	ssyncset.done $0x0;
	v4 =	vmin.u32 @!p1 v5, s6  }
0x2e9: {  	s5 =	simm.s32 @!p0 $0xF200;
	s9 =	rddreg [dreg:$0xa];
	[sflag:s28] =	ssyncadd.s32 $0xFFFFD800;
	v4 =	vadd.s32 @!p1 s7, v4  }
0x2ea: {  	[spmem:s9] =	stream.linear.scatter @!p0 [tilespmem:s5], [sflag:$0x3], $0x400, $0x38;
	vm0 =	vlt.s32 @!p1 v4, $0x270F;
	[tilespmem:$0x1BA40] =	vst v63  }
0x2eb: {  	s5 =	simm.s32 @!p0 $0x3;
	v4 =	vnsel @!p1 vm0, $0x270F, v4  }
0x2ec: {  	_ =	swait.ge @!p0 [sflag:s5], $0x400  }
0x2ed: {  	[sflag:s5] =	ssyncset.done @!p0 $0x0  }
0x2ee: {  	[sflag:s5] =	ssyncadd.s32 @!p0 $0xFFFFFC00  }
0x2ef: {  	s9 =	simm.s32 @!p1 $0x2780;
	[bflag:$0x0] =	sbarrier.arrive $0xFFFF  }
0x2f0: {  	v6 =	vld.idx.msk @!p1 [tilespmem:v4+s9+$0x0], $0xffff;
	_ =	sdelay $0x6  }
0x2f1: {  	s10 =	simm.s32 @!p1 $0x0  }
0x2f2: {  	v8 =	vor.u32 @!p1 $0x10, v5;
	v7 =	vld.idx.msk @!p1 [tilespmem:v6+s10+$0x0], $0xffff  }
0x2f3: {  	v4 =	vmin.u32 @!p1 v8, s6  }
0x2f4: {  	v4 =	vadd.s32 @!p1 s7, v4  }
0x2f5: {  	s5 =	ssub.s32 $0x2710, s7;
	vm0 =	vlt.s32 @!p1 v4, $0x270F  }
0x2f6: {  	v9 =	vnsel @!p1 vm0, $0x270F, v4;
	v4 =	vmov @!p1 s5  }
0x2f7: {  	v6 =	vadd.s32 @!p1 v0, v6;
	v10 =	vand.u32 @!p1 $0xFFFF, v7;
	v7 =	vshra.s32 @!p1 v7, $0x10  }
0x2f8: {  	vm0 =	vgt.s32 @!p1 v4, v5;
	[tilespmem:$0x5000] =	vst @!p1 v6;
	v7 =	vadd.s32 @!p1 $0xFFFFEC00, v7  }
0x2f9: {  	[tilespmem:$0x4F00] =	vst @!p1 v10;
	v6 =	vnsel @!p1 vm0, $0x1400, v7  }
0x2fa: {  	[tilespmem:$0x5100] =	vst @!p1 v6  }
0x2fb: {  	v6 =	vld.idx.msk @!p1 [tilespmem:v9+s9+$0x0], $0xffff;
	_ =	sdelay $0x7  }
0x2fc: {  	v9 =	vor.u32 @!p1 $0x20, v5;
	v7 =	vld.idx.msk @!p1 [tilespmem:v6+s10+$0x0], $0xffff  }
0x2fd: {  	v10 =	vmin.u32 @!p1 v9, s6  }
0x2fe: {  	v10 =	vadd.s32 @!p1 s7, v10  }
0x2ff: {  	vm0 =	vlt.s32 @!p1 v10, $0x270F  }
0x300: {  	v10 =	vnsel @!p1 vm0, $0x270F, v10  }
0x301: {  	v6 =	vadd.s32 @!p1 v0, v6;
	v11 =	vand.u32 @!p1 $0xFFFF, v7;
	v7 =	vshra.s32 @!p1 v7, $0x10  }
0x302: {  	vm0 =	vgt.s32 @!p1 v4, v8;
	[tilespmem:$0x5010] =	vst @!p1 v6;
	v7 =	vadd.s32 @!p1 $0xFFFFEC00, v7  }
0x303: {  	[tilespmem:$0x4F10] =	vst @!p1 v11;
	v6 =	vnsel @!p1 vm0, $0x1400, v7  }
0x304: {  	[tilespmem:$0x5110] =	vst @!p1 v6  }
0x305: {  	v6 =	vld.idx.msk @!p1 [tilespmem:v10+s9+$0x0], $0xffff;
	_ =	sdelay $0x7  }
0x306: {  	v8 =	vor.u32 @!p1 $0x30, v5;
	v7 =	vld.idx.msk @!p1 [tilespmem:v6+s10+$0x0], $0xffff  }
0x307: {  	v10 =	vmin.u32 @!p1 v8, s6  }
0x308: {  	v10 =	vadd.s32 @!p1 s7, v10  }
0x309: {  	vm0 =	vlt.s32 @!p1 v10, $0x270F  }
0x30a: {  	v10 =	vnsel @!p1 vm0, $0x270F, v10  }
0x30b: {  	v6 =	vadd.s32 @!p1 v0, v6;
	v11 =	vand.u32 @!p1 $0xFFFF, v7;
	v7 =	vshra.s32 @!p1 v7, $0x10  }
0x30c: {  	vm0 =	vgt.s32 @!p1 v4, v9;
	[tilespmem:$0x5020] =	vst @!p1 v6;
	v7 =	vadd.s32 @!p1 $0xFFFFEC00, v7  }
0x30d: {  	[tilespmem:$0x4F20] =	vst @!p1 v11;
	v6 =	vnsel @!p1 vm0, $0x1400, v7  }
0x30e: {  	[tilespmem:$0x5120] =	vst @!p1 v6  }
0x30f: {  	v6 =	vld.idx.msk @!p1 [tilespmem:v10+s9+$0x0], $0xffff;
	_ =	sdelay $0x7  }
0x310: {  	v5 =	vor.u32 @!p1 $0x40, v5;
	v7 =	vld.idx.msk @!p1 [tilespmem:v6+s10+$0x0], $0xffff  }
0x311: {  	v9 =	vmin.u32 @!p1 v5, s6  }
0x312: {  	v9 =	vadd.s32 @!p1 s7, v9  }
0x313: {  	vm0 =	vlt.s32 @!p1 v9, $0x270F  }
0x314: {  	v9 =	vnsel @!p1 vm0, $0x270F, v9  }
0x315: {  	v6 =	vadd.s32 @!p1 v0, v6;
	v10 =	vand.u32 @!p1 $0xFFFF, v7;
	v7 =	vshra.s32 @!p1 v7, $0x10  }
0x316: {  	vm0 =	vgt.s32 @!p1 v4, v8;
	[tilespmem:$0x5030] =	vst @!p1 v6;
	v7 =	vadd.s32 @!p1 $0xFFFFEC00, v7  }
0x317: {  	[tilespmem:$0x4F30] =	vst @!p1 v10;
	v6 =	vnsel @!p1 vm0, $0x1400, v7  }
0x318: {  	[tilespmem:$0x5130] =	vst @!p1 v6  }
0x319: {  	v6 =	vld.idx.msk @!p1 [tilespmem:v9+s9+$0x0], $0xffff;
	_ =	sdelay $0x7  }
0x31a: {  	v7 =	vld.idx.msk @!p1 [tilespmem:v6+s10+$0x0], $0xffff;
	_ =	sdelay $0x3  }
0x31b: {  	vm0 =	vgt.s32 @!p1 v4, v5  }
0x31c: {  	p2 =	seq.s32 @!p1 s8, $0x1;
	v5 =	vadd.s32 @!p1 v0, v6;
	v8 =	vand.u32 @!p1 $0xFFFF, v7;
	v7 =	vshra.s32 @!p1 v7, $0x10  }
0x31d: {  	p2 =	por p1, p2;
	[tilespmem:$0x5040] =	vst @!p1 v5;
	v6 =	vadd.s32 @!p1 $0xFFFFEC00, v7  }
.Ltmp17:
0x31e: {  	[tilespmem:$0x4F40] =	vst @!p1 v8;
	v5 =	vnsel @!p1 vm0, $0x1400, v6;
	(pc) =	sbr.rel @p2 .LBB2_26-.Ltmp17, $4  }
0x31f: {  	s13 =	simm.s32 @!p1 $0x5200;
	s9 =	simm.s32 @!p1 $0x50;
	s10 =	simm.s32 @!p1 $0x4F00;
	[tilespmem:$0x5140] =	vst @!p1 v5  }
0x320: {  	[tilespmem:s13], [sflag:$0x1] =	stream.indirect.gather @!p1 [hbm4b:s1+s9], $0x80, s10, s9, $0xb8;
	[tilespmem:$0x1BA40] =	vst v63  }
0x321: {  	s10 =	simm.s32 @!p1 $0x5000;
	s13 =	simm.s32 @!p1 $0xA200  }
0x322: {  	[tilespmem:s13], [sflag:$0x1] =	stream.indirect.gather @!p1 [hbm4b:s4+s9], $0x80, s10, s9, $0xb8;
	[tilespmem:$0x1BA40] =	vst v63  }
0x323: {  	v5 =	vmov @!p1 s6;
	v6 =	vor.u32 $0x50, v1  }
0x324: {  	vm0 =	vlt.s32 v5, v6  }
0x325: {  	v7 =	vmov @!p1 s7;
	v8 =	vsel vm0, v5, v6  }
0x326: {  	v8 =	vadd.s32 v7, v8  }
0x327: {  	vm14 =	vlt.s32 v8, $0x270F  }
0x328: {  	v8 =	vnsel vm14, $0x270F, v8;
	_ =	sdelay $0x4  }
0x329: {  	v8 =	vld.idx.msk [tilespmem:v8+s25+$0x0], $0xffff;
	_ =	sdelay $0x6  }
0x32a: {  	v9 =	vor.u32 $0x60, v1  }
0x32b: {  	vm15 =	vlt.s32 v5, v9;
	v10 =	vld.idx.msk [tilespmem:v8+s3+$0x0], $0xffff  }
0x32c: {  	v11 =	vsel vm15, v5, v9  }
0x32d: {  	v11 =	vadd.s32 v7, v11  }
0x32e: {  	vm4 =	vlt.s32 v11, $0x270F  }
0x32f: {  	v11 =	vnsel vm4, $0x270F, v11  }
0x330: {  	v43 =	vadd.s32 v0, v8;
	v12 =	vand.u32 $0xFFFF, v10;
	v10 =	vshra.s32 v10, $0x10  }
0x331: {  	vm5 =	vgt.s32 v4, v6;
	[tilespmem:$0x5080] =	vst v43;
	v44 =	vadd.s32 $0xFFFFEC00, v10  }
0x332: {  	[tilespmem:$0x4F80] =	vst v12;
	v45 =	vnsel vm5, $0x1400, v44  }
0x333: {  	[tilespmem:$0x5180] =	vst v45  }
0x334: {  	v6 =	vld.idx.msk [tilespmem:v11+s25+$0x0], $0xffff;
	_ =	sdelay $0x6  }
0x335: {  	v46 =	vor.u32 $0x70, v1  }
0x336: {  	vm6 =	vlt.s32 v5, v46;
	v47 =	vld.idx.msk [tilespmem:v6+s3+$0x0], $0xffff  }
0x337: {  	v48 =	vsel vm6, v5, v46  }
0x338: {  	v11 =	vadd.s32 v7, v48  }
0x339: {  	vm7 =	vlt.s32 v11, $0x270F  }
0x33a: {  	v11 =	vnsel vm7, $0x270F, v11  }
0x33b: {  	v6 =	vadd.s32 v0, v6;
	v10 =	vshra.s32 v47, $0x10  }
0x33c: {  	vm8 =	vgt.s32 v4, v9;
	[tilespmem:$0x5090] =	vst v6;
	v49 =	vand.u32 $0xFFFF, v47;
	v50 =	vadd.s32 $0xFFFFEC00, v10  }
0x33d: {  	[tilespmem:$0x4F90] =	vst v49;
	v51 =	vnsel vm8, $0x1400, v50  }
0x33e: {  	[tilespmem:$0x5190] =	vst v51  }
0x33f: {  	v6 =	vld.idx.msk [tilespmem:v11+s25+$0x0], $0xffff;
	_ =	sdelay $0x6  }
0x340: {  	v52 =	vor.u32 $0x80, v1  }
0x341: {  	vm9 =	vlt.s32 v5, v52;
	v53 =	vld.idx.msk [tilespmem:v6+s3+$0x0], $0xffff  }
0x342: {  	v54 =	vsel vm9, v5, v52  }
0x343: {  	v11 =	vadd.s32 v7, v54  }
0x344: {  	vm10 =	vlt.s32 v11, $0x270F  }
0x345: {  	v11 =	vnsel vm10, $0x270F, v11  }
0x346: {  	v6 =	vadd.s32 v0, v6;
	v10 =	vshra.s32 v53, $0x10  }
0x347: {  	vm11 =	vgt.s32 v4, v46;
	[tilespmem:$0x50A0] =	vst v6;
	v55 =	vand.u32 $0xFFFF, v53;
	v56 =	vadd.s32 $0xFFFFEC00, v10  }
0x348: {  	[tilespmem:$0x4FA0] =	vst v55;
	v57 =	vnsel vm11, $0x1400, v56  }
0x349: {  	[tilespmem:$0x51A0] =	vst v57  }
0x34a: {  	v6 =	vld.idx.msk [tilespmem:v11+s25+$0x0], $0xffff;
	_ =	sdelay $0x6  }
0x34b: {  	v58 =	vor.u32 $0x90, v1  }
0x34c: {  	vm12 =	vlt.s32 v5, v58;
	v59 =	vld.idx.msk [tilespmem:v6+s3+$0x0], $0xffff  }
0x34d: {  	v5 =	vsel vm12, v5, v58  }
0x34e: {  	v5 =	vadd.s32 v7, v5  }
0x34f: {  	vm13 =	vlt.s32 v5, $0x270F  }
0x350: {  	v5 =	vnsel vm13, $0x270F, v5  }
0x351: {  	v6 =	vadd.s32 v0, v6;
	v10 =	vshra.s32 v59, $0x10  }
0x352: {  	vm14 =	vgt.s32 v4, v52;
	[tilespmem:$0x50B0] =	vst v6;
	v60 =	vand.u32 $0xFFFF, v59;
	v61 =	vadd.s32 $0xFFFFEC00, v10  }
0x353: {  	[tilespmem:$0x4FB0] =	vst v60;
	v62 =	vnsel vm14, $0x1400, v61  }
0x354: {  	[tilespmem:$0x51B0] =	vst v62  }
0x355: {  	v5 =	vld.idx.msk [tilespmem:v5+s25+$0x0], $0xffff;
	_ =	sdelay $0x7  }
0x356: {  	v6 =	vld.idx.msk [tilespmem:v5+s3+$0x0], $0xffff;
	_ =	sdelay $0x3  }
0x357: {  	vm15 =	vgt.s32 v4, v58  }
0x358: {  	v4 =	vadd.s32 v0, v5;
	v63 =	vand.u32 $0xFFFF, v6;
	v6 =	vshra.s32 v6, $0x10  }
0x359: {  	[tilespmem:$0x50C0] =	vst v4;
	v5 =	vadd.s32 $0xFFFFEC00, v6  }
0x35a: {  	[tilespmem:$0x4FC0] =	vst v63;
	v4 =	vnsel vm15, $0x1400, v5  }
0x35b: {  	s26 =	simm.s32 $0x4F80;
	[tilespmem:$0x51C0] =	vst v4  }
0x35c: {  	[tilespmem:s20], [sflag:$0x2] =	stream.indirect.gather [hbm4b:s1+s31], $0x80, s26, s31, $0xb8;
	[tilespmem:$0x1BA40] =	vst v63  }
0x35d: {  	_ = 	snop  }
0x35e: {  	[tilespmem:s22], [sflag:$0x2] =	stream.indirect.gather [hbm4b:s4+s31], $0x80, s21, s31, $0xb8;
	[tilespmem:$0x1BA40] =	vst v63  }
.LBB2_26:
0x35f: {  	s6 =	sadd.s32 $0x1, s8  }
0x360: {  	s9 =	sand.u32 $0x1, s6  }
0x361: {  	p1 =	slt.s32 s8, $0x0;
	p2 =	seq.s32 s9, $0x1  }
0x362: {  	s26 =	sshrl.u32 s6, $0x1F;
	p1 =	por !p1, !p2  }
0x363: {  	s6 =	sadd.s32 s26, s6;
	s9 =	simm.s32 $0x1;
	p1 =	por !p1, !p1  }
0x364: {  	s6 =	sshra.s32 s6, $0x1;
	s9 =	simm.s32 @!p1 $0x0  }
0x365: {  	s9 =	ssub.s32 s6, s9  }
0x366: {  	p1 =	slt.s32 s9, $0x1  }
.Ltmp18:
0x367: {  	_ = 	snop;
	(pc) =	sbr.rel @p1 .LBB2_39-.Ltmp18, $1  }
0x368: {  	_ =	sdelay $0x3  }
.Ltmp19:
0x369: {  	(pc) =	sbr.rel .LBB2_28-.Ltmp19, $4  }
0x36a: {  	s6 =	ssub.s32 $0x270F, s7  }
0x36b: {  	p1 =	sgt.s32 s6, $0x0  }
0x36c: {  	s6 =	simm.s32 @!p1 $0x0  }
0x36d: {  	s7 =	sadd.s32 $0xFFFFFFFF, s8;
	v4 =	vmov s5;
	s10 =	simm.s32 $0x0;
	v5 =	vmov s6  }
.LBB2_38:
0x36e: {  	s10 =	sadd.s32 $0x1, s10  }
0x36f: {  	p1 =	sne.s32 s10, s9  }
.Ltmp20:
0x370: {  	_ = 	snop;
	(pc) =	sbr.rel @!p1 .LBB2_39-.Ltmp20, $1  }
0x371: {  	_ =	sdelay $0x3  }
.LBB2_28:
0x372: {  	s13 =	sshll.u32 s10, $0x1  }
0x373: {  	p1 =	sge.s32 s13, s8  }
.Ltmp21:
0x374: {  	_ = 	snop;
	(pc) =	sbr.rel @p1 .LBB2_33-.Ltmp21, $1  }
0x375: {  	_ =	sdelay $0x3  }
0x376: {  	_ =	swait.ge [sflag:s29], $0x2800  }
0x377: {  	[sflag:s29] =	ssyncset.done $0x0  }
0x378: {  	[sflag:s29] =	ssyncadd.s32 $0xFFFFD800  }
0x379: {  	_ =	swait.ge [sflag:s29], $0x2800  }
0x37a: {  	[sflag:s29] =	ssyncset.done $0x0  }
0x37b: {  	[sflag:s29] =	ssyncadd.s32 $0xFFFFD800  }
0x37c: {  	s6 =	simm.s32 $0x5300;
	v6 =	vld [tilespmem:s11+$0x80]  }
0x37d: {  	v7 =	vld [tilespmem:s6+$0x80];
	_ =	sdelay $0x2  }
0x37e: {  	v8 =	vld [tilespmem:s11+$0xFFFFFF80]  }
0x37f: {  	v10 =	vld [tilespmem:s11+$0xFFFFFF00];
	v9 =	vunpack.i.l.bf16.f32 v6  }
0x380: {  	v11 =	vld [tilespmem:s6+$0xFFFFFF80];
	v7 =	vmul.f32 v7, v9  }
0x381: {  	s15 =	simm.s32 $0xF300;
	v9 =	vld [tilespmem:s6+$0xFFFFFF00]  }
0x382: {  	[tilespmem:s15+$0x80] =	vst v7  }
0x383: {  	v7 =	vld [tilespmem:s6+$0xC0]  }
0x384: {  	v12 =	vld [tilespmem:s11+$0x0];
	v15 =	vunpack.i.l.bf16.f32 v8  }
0x385: {  	v13 =	vld [tilespmem:s6+$0x0];
	v14 =	vunpack.i.l.bf16.f32 v10;
	v11 =	vmul.f32 v11, v15  }
0x386: {  	v9 =	vmul.f32 v9, v14  }
0x387: {  	v6 =	vunpack.i.u.bf16.f32 v6;
	[tilespmem:s15+$0xFFFFFF80] =	vst v11  }
0x388: {  	v11 =	vld [tilespmem:s6+$0xFFFFFFC0];
	[tilespmem:s15+$0xFFFFFF00] =	vst v9;
	v6 =	vmul.f32 v7, v6  }
0x389: {  	v7 =	vunpack.i.l.bf16.f32 v12;
	v9 =	vld [tilespmem:s6+$0xFFFFFF40]  }
0x38a: {  	v7 =	vmul.f32 v13, v7;
	[tilespmem:s15+$0xC0] =	vst v6  }
0x38b: {  	v6 =	vld [tilespmem:s11+$0x90]  }
0x38c: {  	v8 =	vunpack.i.u.bf16.f32 v8;
	[tilespmem:s15+$0x0] =	vst v7;
	v7 =	vld [tilespmem:s6+$0x90]  }
0x38d: {  	v10 =	vunpack.i.u.bf16.f32 v10;
	v8 =	vmul.f32 v11, v8  }
0x38e: {  	v13 =	vld [tilespmem:s6+$0x40];
	v9 =	vmul.f32 v9, v10  }
0x38f: {  	[tilespmem:s15+$0xFFFFFFC0] =	vst v8  }
0x390: {  	[tilespmem:s15+$0xFFFFFF40] =	vst v9;
	v9 =	vunpack.i.l.bf16.f32 v6  }
0x391: {  	v8 =	vld [tilespmem:s11+$0xFFFFFF90];
	v7 =	vmul.f32 v7, v9  }
0x392: {  	v10 =	vunpack.i.u.bf16.f32 v12;
	v11 =	vld [tilespmem:s11+$0xFFFFFF10]  }
0x393: {  	v9 =	vmul.f32 v13, v10;
	v10 =	vld [tilespmem:s6+$0xFFFFFF10];
	[tilespmem:s15+$0x90] =	vst v7  }
0x394: {  	v7 =	vld [tilespmem:s6+$0xD0]  }
0x395: {  	v12 =	vld [tilespmem:s6+$0xFFFFFF90];
	[tilespmem:s15+$0x40] =	vst v9  }
0x396: {  	v9 =	vld [tilespmem:s11+$0x10]  }
0x397: {  	v14 =	vld [tilespmem:s6+$0x10];
	v13 =	vunpack.i.l.bf16.f32 v11  }
0x398: {  	v6 =	vunpack.i.u.bf16.f32 v6;
	v10 =	vmul.f32 v10, v13  }
0x399: {  	v6 =	vmul.f32 v7, v6  }
0x39a: {  	[tilespmem:s15+$0xFFFFFF10] =	vst v10;
	v7 =	vunpack.i.l.bf16.f32 v8  }
0x39b: {  	v10 =	vunpack.i.l.bf16.f32 v9;
	v13 =	vld [tilespmem:s6+$0xFFFFFF50];
	v7 =	vmul.f32 v12, v7;
	[tilespmem:s15+$0xD0] =	vst v6  }
0x39c: {  	v6 =	vmul.f32 v14, v10;
	v14 =	vld [tilespmem:s11+$0xA0]  }
0x39d: {  	[tilespmem:s15+$0xFFFFFF90] =	vst v7;
	v7 =	vld [tilespmem:s6+$0xA0]  }
0x39e: {  	v10 =	vld [tilespmem:s6+$0xFFFFFFD0];
	[tilespmem:s15+$0x10] =	vst v6  }
0x39f: {  	v6 =	vunpack.i.u.bf16.f32 v11;
	v11 =	vld [tilespmem:s6+$0x50]  }
0x3a0: {  	v6 =	vmul.f32 v13, v6  }
0x3a1: {  	v12 =	vunpack.i.l.bf16.f32 v14  }
0x3a2: {  	v8 =	vunpack.i.u.bf16.f32 v8;
	[tilespmem:s15+$0xFFFFFF50] =	vst v6;
	v6 =	vmul.f32 v7, v12  }
0x3a3: {  	v7 =	vunpack.i.u.bf16.f32 v9;
	v12 =	vld [tilespmem:s11+$0xFFFFFF20];
	v8 =	vmul.f32 v10, v8  }
0x3a4: {  	v13 =	vld [tilespmem:s6+$0xFFFFFF20];
	v7 =	vmul.f32 v11, v7;
	[tilespmem:s15+$0xA0] =	vst v6  }
0x3a5: {  	[tilespmem:s15+$0xFFFFFFD0] =	vst v8;
	v9 =	vld [tilespmem:s6+$0xE0]  }
0x3a6: {  	v8 =	vld [tilespmem:s11+$0xFFFFFFA0];
	[tilespmem:s15+$0x50] =	vst v7  }
0x3a7: {  	v7 =	vld [tilespmem:s11+$0x20]  }
0x3a8: {  	s14 =	simm.s32 $0x0;
	s19 =	sadd.s32 $0x200, s11;
	v10 =	vld [tilespmem:s6+$0xFFFFFFA0];
	v11 =	vunpack.i.l.bf16.f32 v12  }
0x3a9: {  	s23 =	smov.u32 s11;
	s5 =	simm.s32 $0x5300;
	s17 =	simm.s32 $0xF300;
	v6 =	vunpack.i.u.bf16.f32 v12;
	v12 =	vmul.f32 v13, v11;
	v11 =	vld [tilespmem:s6+$0x20];
	v13 =	vunpack.i.u.bf16.f32 v14  }
.LBB2_30:
0x3aa: {  	v14 =	vld [tilespmem:s19+$0x80];
	s14 =	sadd.s32 $0x4, s14;
	v9 =	vmul.f32 v9, v13;
	s6 =	sadd.s32 $0x200, s6  }
0x3ab: {  	v13 =	vld [tilespmem:s6+$0x80];
	p1 =	slt.u32 s14, $0x4C;
	[tilespmem:s15+$0xFFFFFF20] =	vst v12;
	v12 =	vunpack.i.u.bf16.f32 v8;
	v8 =	vunpack.i.l.bf16.f32 v8  }
0x3ac: {  	v15 =	vld [tilespmem:s19+$0xFFFFFF80];
	v16 =	vunpack.i.u.bf16.f32 v7;
	v7 =	vunpack.i.l.bf16.f32 v7;
	[tilespmem:s15+$0xE0] =	vst v9  }
0x3ad: {  	v8 =	vmul.f32 v10, v8;
	v9 =	vld [tilespmem:s23+$0xB0]  }
0x3ae: {  	v7 =	vmul.f32 v11, v7;
	v10 =	vld [tilespmem:s5+$0xB0]  }
0x3af: {  	v11 =	vld [tilespmem:s19+$0x0];
	v17 =	vunpack.i.l.bf16.f32 v14;
	[tilespmem:s15+$0xFFFFFFA0] =	vst v8  }
0x3b0: {  	v8 =	vld [tilespmem:s19+$0xFFFFFF00];
	v13 =	vmul.f32 v13, v17;
	[tilespmem:s15+$0x20] =	vst v7  }
0x3b1: {  	s15 =	sadd.s32 $0x200, s15;
	v7 =	vld [tilespmem:s6+$0xFFFFFF00];
	v17 =	vunpack.i.u.bf16.f32 v15;
	v15 =	vunpack.i.l.bf16.f32 v15  }
0x3b2: {  	v18 =	vld [tilespmem:s6+$0xFFFFFF80];
	[tilespmem:s15+$0x80] =	vst v13;
	v13 =	vunpack.i.l.bf16.f32 v9  }
0x3b3: {  	v19 =	vld [tilespmem:s6+$0xC0];
	v10 =	vmul.f32 v10, v13  }
0x3b4: {  	v13 =	vunpack.i.u.bf16.f32 v11;
	v11 =	vunpack.i.l.bf16.f32 v11;
	v20 =	vld [tilespmem:s6+$0x0]  }
0x3b5: {  	v21 =	vunpack.i.u.bf16.f32 v8;
	v8 =	vunpack.i.l.bf16.f32 v8;
	v22 =	vld [tilespmem:s5+$0xFFFFFF60];
	[tilespmem:s17+$0xB0] =	vst v10  }
0x3b6: {  	v7 =	vmul.f32 v7, v8;
	v8 =	vld [tilespmem:s5+$0xF0]  }
0x3b7: {  	v14 =	vunpack.i.u.bf16.f32 v14;
	v10 =	vmul.f32 v18, v15;
	v15 =	vld [tilespmem:s5+$0xFFFFFFE0]  }
0x3b8: {  	[tilespmem:s15+$0xFFFFFF00] =	vst v7;
	v7 =	vmul.f32 v19, v14;
	v14 =	vld [tilespmem:s5+$0x60]  }
0x3b9: {  	v18 =	vld [tilespmem:s6+$0xFFFFFF40];
	[tilespmem:s15+$0xFFFFFF80] =	vst v10;
	v10 =	vmul.f32 v20, v11  }
0x3ba: {  	v11 =	vld [tilespmem:s6+$0xFFFFFFC0];
	[tilespmem:s15+$0xC0] =	vst v7;
	v6 =	vmul.f32 v22, v6;
	v7 =	vunpack.i.u.bf16.f32 v9  }
0x3bb: {  	[tilespmem:s15+$0x0] =	vst v10;
	v9 =	vld [tilespmem:s19+$0x90];
	v7 =	vmul.f32 v8, v7  }
0x3bc: {  	v8 =	vld [tilespmem:s6+$0x90];
	[tilespmem:s17+$0xFFFFFF60] =	vst v6;
	v6 =	vmul.f32 v15, v12  }
0x3bd: {  	v10 =	vld [tilespmem:s6+$0x40];
	v12 =	vmul.f32 v14, v16;
	[tilespmem:s17+$0xF0] =	vst v7  }
0x3be: {  	v7 =	vmul.f32 v18, v21;
	v14 =	vld [tilespmem:s23+$0xFFFFFF30];
	[tilespmem:s17+$0xFFFFFFE0] =	vst v6  }
0x3bf: {  	v6 =	vmul.f32 v11, v17;
	v11 =	vld [tilespmem:s23+$0xFFFFFFB0];
	[tilespmem:s17+$0x60] =	vst v12  }
0x3c0: {  	[tilespmem:s15+$0xFFFFFF40] =	vst v7;
	v7 =	vunpack.i.l.bf16.f32 v9;
	v12 =	vld [tilespmem:s23+$0x30];
	s23 =	smov.u32 s19  }
0x3c1: {  	v15 =	vld [tilespmem:s19+$0xFFFFFF10];
	[tilespmem:s15+$0xFFFFFFC0] =	vst v6;
	v6 =	vmul.f32 v8, v7  }
0x3c2: {  	v7 =	vld [tilespmem:s19+$0xFFFFFF90];
	v8 =	vmul.f32 v10, v13  }
0x3c3: {  	v10 =	vld [tilespmem:s6+$0xFFFFFF10];
	[tilespmem:s15+$0x90] =	vst v6;
	v6 =	vunpack.i.u.bf16.f32 v14;
	v13 =	vunpack.i.l.bf16.f32 v14  }
0x3c4: {  	[tilespmem:s15+$0x40] =	vst v8;
	v8 =	vld [tilespmem:s6+$0xD0];
	v14 =	vunpack.i.u.bf16.f32 v11;
	v11 =	vunpack.i.l.bf16.f32 v11  }
0x3c5: {  	v16 =	vld [tilespmem:s19+$0x10];
	v17 =	vunpack.i.u.bf16.f32 v12;
	v12 =	vunpack.i.l.bf16.f32 v12  }
0x3c6: {  	v18 =	vunpack.i.u.bf16.f32 v15;
	v15 =	vunpack.i.l.bf16.f32 v15;
	v19 =	vld [tilespmem:s6+$0xFFFFFF90]  }
0x3c7: {  	v20 =	vunpack.i.u.bf16.f32 v7;
	v7 =	vunpack.i.l.bf16.f32 v7;
	v21 =	vld [tilespmem:s6+$0x10]  }
0x3c8: {  	v9 =	vunpack.i.u.bf16.f32 v9;
	v10 =	vmul.f32 v10, v15;
	v15 =	vld [tilespmem:s5+$0xFFFFFF30]  }
0x3c9: {  	v8 =	vmul.f32 v8, v9;
	v9 =	vld [tilespmem:s5+$0xFFFFFFB0]  }
0x3ca: {  	[tilespmem:s15+$0xFFFFFF10] =	vst v10;
	v10 =	vunpack.i.u.bf16.f32 v16;
	v16 =	vunpack.i.l.bf16.f32 v16;
	v22 =	vld [tilespmem:s5+$0x30]  }
0x3cb: {  	v23 =	vld [tilespmem:s6+$0xFFFFFF50];
	v7 =	vmul.f32 v19, v7;
	[tilespmem:s15+$0xD0] =	vst v8  }
0x3cc: {  	v8 =	vmul.f32 v21, v16;
	v16 =	vld [tilespmem:s19+$0xA0]  }
0x3cd: {  	[tilespmem:s15+$0xFFFFFF90] =	vst v7;
	v7 =	vld [tilespmem:s6+$0xA0];
	v13 =	vmul.f32 v15, v13  }
0x3ce: {  	v15 =	vld [tilespmem:s6+$0xFFFFFFD0];
	[tilespmem:s15+$0x10] =	vst v8;
	v8 =	vmul.f32 v9, v11  }
0x3cf: {  	v9 =	vld [tilespmem:s6+$0x50];
	[tilespmem:s17+$0xFFFFFF30] =	vst v13;
	v11 =	vmul.f32 v22, v12  }
0x3d0: {  	v12 =	vmul.f32 v23, v18;
	v13 =	vld [tilespmem:s5+$0xFFFFFF70];
	[tilespmem:s17+$0xFFFFFFB0] =	vst v8  }
0x3d1: {  	v8 =	vunpack.i.l.bf16.f32 v16;
	v18 =	vld [tilespmem:s5+$0xFFFFFFF0];
	[tilespmem:s17+$0x30] =	vst v11  }
0x3d2: {  	[tilespmem:s15+$0xFFFFFF50] =	vst v12;
	v7 =	vmul.f32 v7, v8;
	v11 =	vld [tilespmem:s5+$0x70];
	s5 =	smov.u32 s6  }
0x3d3: {  	v12 =	vld [tilespmem:s19+$0xFFFFFF20];
	v8 =	vmul.f32 v15, v20  }
0x3d4: {  	v15 =	vld [tilespmem:s6+$0xFFFFFF20];
	v10 =	vmul.f32 v9, v10;
	[tilespmem:s15+$0xA0] =	vst v7  }
.Ltmp22:
0x3d5: {  	[tilespmem:s15+$0xFFFFFFD0] =	vst v8;
	v9 =	vld [tilespmem:s6+$0xE0];
	v6 =	vmul.f32 v13, v6;
	(pc) =	sbr.rel @p1 .LBB2_30-.Ltmp22, $4  }
0x3d6: {  	v8 =	vld [tilespmem:s19+$0xFFFFFFA0];
	[tilespmem:s15+$0x50] =	vst v10;
	v13 =	vmul.f32 v18, v14  }
0x3d7: {  	v7 =	vld [tilespmem:s19+$0x20];
	[tilespmem:s17+$0xFFFFFF70] =	vst v6;
	v14 =	vmul.f32 v11, v17  }
0x3d8: {  	v6 =	vunpack.i.u.bf16.f32 v12;
	v11 =	vunpack.i.l.bf16.f32 v12;
	v10 =	vld [tilespmem:s6+$0xFFFFFFA0];
	[tilespmem:s17+$0xFFFFFFF0] =	vst v13  }
0x3d9: {  	s19 =	sadd.s32 $0x200, s19;
	v13 =	vunpack.i.u.bf16.f32 v16;
	v12 =	vmul.f32 v15, v11;
	v11 =	vld [tilespmem:s6+$0x20];
	[tilespmem:s17+$0x70] =	vst v14;
	s17 =	smov.u32 s15  }
0x3da: {  	_ =	sdelay $0x1  }
0x3db: {  	v14 =	vunpack.i.l.bf16.f32 v8  }
0x3dc: {  	[tilespmem:s15+$0xFFFFFF20] =	vst v12;
	v10 =	vmul.f32 v10, v14  }
0x3dd: {  	v50 =	vunpack.i.l.bf16.f32 v7;
	v51 =	vld [tilespmem:s5+$0xFFFFFF60]  }
0x3de: {  	v11 =	vmul.f32 v11, v50;
	[tilespmem:s15+$0xFFFFFFA0] =	vst v10  }
0x3df: {  	v52 =	vld [tilespmem:s5+$0xFFFFFFE0]  }
0x3e0: {  	v9 =	vmul.f32 v9, v13;
	[tilespmem:s15+$0x20] =	vst v11  }
0x3e1: {  	v53 =	vld [tilespmem:s5+$0x60]  }
0x3e2: {  	[tilespmem:s15+$0xE0] =	vst v9;
	v6 =	vmul.f32 v51, v6  }
0x3e3: {  	v54 =	vunpack.i.u.bf16.f32 v8;
	v9 =	vld [tilespmem:s23+$0xB0]  }
0x3e4: {  	v55 =	vld [tilespmem:s5+$0xB0];
	[tilespmem:s17+$0xFFFFFF60] =	vst v6;
	v8 =	vmul.f32 v52, v54  }
0x3e5: {  	v7 =	vunpack.i.u.bf16.f32 v7;
	v56 =	vld [tilespmem:s5+$0xFFFFFF30]  }
0x3e6: {  	v6 =	vmul.f32 v53, v7;
	v7 =	vld [tilespmem:s23+$0xFFFFFF30];
	[tilespmem:s17+$0xFFFFFFE0] =	vst v8  }
0x3e7: {  	v8 =	vld [tilespmem:s23+$0xFFFFFFB0]  }
0x3e8: {  	[tilespmem:s17+$0x60] =	vst v6;
	v57 =	vld [tilespmem:s5+$0xFFFFFFB0]  }
0x3e9: {  	v6 =	vld [tilespmem:s23+$0x30]  }
0x3ea: {  	v58 =	vld [tilespmem:s5+$0x30]  }
0x3eb: {  	v59 =	vunpack.i.l.bf16.f32 v9  }
0x3ec: {  	v10 =	vmul.f32 v55, v59;
	v60 =	vunpack.i.l.bf16.f32 v7  }
0x3ed: {  	v11 =	vmul.f32 v56, v60;
	v61 =	vunpack.i.l.bf16.f32 v8  }
0x3ee: {  	[tilespmem:s17+$0xB0] =	vst v10;
	v62 =	vunpack.i.l.bf16.f32 v6;
	v12 =	vmul.f32 v57, v61  }
0x3ef: {  	v63 =	vld [tilespmem:s5+$0xF0];
	[tilespmem:s17+$0xFFFFFF30] =	vst v11;
	v10 =	vmul.f32 v58, v62  }
0x3f0: {  	v11 =	vld [tilespmem:s5+$0xFFFFFF70];
	[tilespmem:s17+$0xFFFFFFB0] =	vst v12  }
0x3f1: {  	v12 =	vld [tilespmem:s5+$0xFFFFFFF0];
	[tilespmem:s17+$0x30] =	vst v10  }
0x3f2: {  	v10 =	vld [tilespmem:s5+$0x70]  }
0x3f3: {  	v9 =	vunpack.i.u.bf16.f32 v9  }
0x3f4: {  	v9 =	vmul.f32 v63, v9;
	v7 =	vunpack.i.u.bf16.f32 v7  }
0x3f5: {  	v8 =	vunpack.i.u.bf16.f32 v8;
	v7 =	vmul.f32 v11, v7  }
0x3f6: {  	[tilespmem:s17+$0xF0] =	vst v9;
	v6 =	vunpack.i.u.bf16.f32 v6;
	v8 =	vmul.f32 v12, v8  }
0x3f7: {  	s5 =	sadd.s32 $0x2, s13;
	[tilespmem:s17+$0xFFFFFF70] =	vst v7;
	v6 =	vmul.f32 v10, v6  }
0x3f8: {  	p1 =	sge.s32 s5, s8;
	[tilespmem:s17+$0xFFFFFFF0] =	vst v8  }
.Ltmp23:
0x3f9: {  	[tilespmem:s17+$0x70] =	vst v6;
	(pc) =	sbr.rel @p1 .LBB2_33-.Ltmp23, $4  }
0x3fa: {  	[spmem:s2] =	stream.indirect.scatter.add.f32 [tilespmem:s30], [sflag:$0x3], $0x80, s0, s31, $0xb8;
	[tilespmem:$0x1BA40] =	vst v63  }
0x3fb: {  	_ =	swait.ge [sflag:s28], $0x2800  }
0x3fc: {  	[sflag:s28] =	ssyncset.done $0x0  }
0x3fd: {  	[sflag:s28] =	ssyncadd.s32 $0xFFFFD800  }
0x3fe: {  	s5 =	smul.u32 $0x50, s5;
	_ =	sdelay $0x1  }
0x3ff: {  	v6 =	vor.u32 s5, v1  }
0x400: {  	vm0 =	vlt.s32 v6, v5  }
0x401: {  	v7 =	vsel vm0, v6, v5  }
0x402: {  	v7 =	vadd.s32 v3, v7  }
0x403: {  	vm14 =	vlt.s32 v7, $0x270F  }
0x404: {  	v7 =	vnsel vm14, $0x270F, v7;
	_ =	sdelay $0x4  }
0x405: {  	v7 =	vld.idx.msk [tilespmem:v7+s25+$0x0], $0xffff;
	_ =	sdelay $0x5  }
0x406: {  	s6 =	sor.u32 $0x10, s5  }
0x407: {  	v8 =	vor.u32 s6, v1  }
0x408: {  	vm15 =	vlt.s32 v8, v5;
	v9 =	vld.idx.msk [tilespmem:v7+s3+$0x0], $0xffff  }
0x409: {  	v10 =	vsel vm15, v8, v5  }
0x40a: {  	v10 =	vadd.s32 v3, v10  }
0x40b: {  	vm4 =	vlt.s32 v10, $0x270F  }
0x40c: {  	vm5 =	vlt.s32 v6, v4;
	v10 =	vnsel vm4, $0x270F, v10  }
0x40d: {  	v6 =	vadd.s32 v0, v7;
	v11 =	vand.u32 $0xFFFF, v9;
	v9 =	vshra.s32 v9, $0x10  }
0x40e: {  	[tilespmem:$0x5000] =	vst v6;
	v7 =	vadd.s32 $0xFFFFEC00, v9  }
0x40f: {  	[tilespmem:$0x4F00] =	vst v11;
	v6 =	vnsel vm5, $0x1400, v7  }
0x410: {  	[tilespmem:$0x5100] =	vst v6  }
0x411: {  	v6 =	vld.idx.msk [tilespmem:v10+s25+$0x0], $0xffff;
	_ =	sdelay $0x5  }
0x412: {  	s14 =	sadd.s32 $0x20, s5  }
0x413: {  	v7 =	vor.u32 s14, v1  }
0x414: {  	vm6 =	vlt.s32 v7, v5;
	v50 =	vld.idx.msk [tilespmem:v6+s3+$0x0], $0xffff  }
0x415: {  	v51 =	vsel vm6, v7, v5  }
0x416: {  	v10 =	vadd.s32 v3, v51  }
0x417: {  	vm7 =	vlt.s32 v10, $0x270F  }
0x418: {  	v10 =	vnsel vm7, $0x270F, v10  }
0x419: {  	v6 =	vadd.s32 v0, v6;
	v9 =	vshra.s32 v50, $0x10  }
0x41a: {  	vm8 =	vlt.s32 v8, v4;
	[tilespmem:$0x5010] =	vst v6;
	v52 =	vand.u32 $0xFFFF, v50;
	v53 =	vadd.s32 $0xFFFFEC00, v9  }
0x41b: {  	[tilespmem:$0x4F10] =	vst v52;
	v6 =	vnsel vm8, $0x1400, v53  }
0x41c: {  	[tilespmem:$0x5110] =	vst v6  }
0x41d: {  	v6 =	vld.idx.msk [tilespmem:v10+s25+$0x0], $0xffff;
	_ =	sdelay $0x5  }
0x41e: {  	s15 =	sadd.s32 $0x30, s5  }
0x41f: {  	v54 =	vor.u32 s15, v1  }
0x420: {  	vm9 =	vlt.s32 v54, v5;
	v55 =	vld.idx.msk [tilespmem:v6+s3+$0x0], $0xffff  }
0x421: {  	v56 =	vsel vm9, v54, v5  }
0x422: {  	v10 =	vadd.s32 v3, v56  }
0x423: {  	vm10 =	vlt.s32 v10, $0x270F  }
0x424: {  	v10 =	vnsel vm10, $0x270F, v10  }
0x425: {  	v6 =	vadd.s32 v0, v6;
	v9 =	vshra.s32 v55, $0x10  }
0x426: {  	vm11 =	vlt.s32 v7, v4;
	[tilespmem:$0x5020] =	vst v6;
	v57 =	vand.u32 $0xFFFF, v55;
	v7 =	vadd.s32 $0xFFFFEC00, v9  }
0x427: {  	[tilespmem:$0x4F20] =	vst v57;
	v6 =	vnsel vm11, $0x1400, v7  }
0x428: {  	[tilespmem:$0x5120] =	vst v6  }
0x429: {  	v6 =	vld.idx.msk [tilespmem:v10+s25+$0x0], $0xffff;
	_ =	sdelay $0x5  }
0x42a: {  	s5 =	sadd.s32 $0x40, s5  }
0x42b: {  	v7 =	vor.u32 s5, v1  }
0x42c: {  	vm12 =	vlt.s32 v7, v5;
	v58 =	vld.idx.msk [tilespmem:v6+s3+$0x0], $0xffff  }
0x42d: {  	v59 =	vsel vm12, v7, v5  }
0x42e: {  	v10 =	vadd.s32 v3, v59  }
0x42f: {  	vm13 =	vlt.s32 v10, $0x270F  }
0x430: {  	v10 =	vnsel vm13, $0x270F, v10  }
0x431: {  	v6 =	vadd.s32 v0, v6;
	v9 =	vshra.s32 v58, $0x10  }
0x432: {  	vm14 =	vlt.s32 v54, v4;
	[tilespmem:$0x5030] =	vst v6;
	v60 =	vand.u32 $0xFFFF, v58;
	v61 =	vadd.s32 $0xFFFFEC00, v9  }
0x433: {  	[tilespmem:$0x4F30] =	vst v60;
	v6 =	vnsel vm14, $0x1400, v61  }
0x434: {  	[tilespmem:$0x5130] =	vst v6  }
0x435: {  	v6 =	vld.idx.msk [tilespmem:v10+s25+$0x0], $0xffff;
	_ =	sdelay $0x7  }
0x436: {  	v62 =	vld.idx.msk [tilespmem:v6+s3+$0x0], $0xffff;
	_ =	sdelay $0x4  }
0x437: {  	v6 =	vadd.s32 v0, v6;
	v8 =	vshra.s32 v62, $0x10  }
0x438: {  	vm15 =	vlt.s32 v7, v4;
	[tilespmem:$0x5040] =	vst v6;
	v63 =	vand.u32 $0xFFFF, v62;
	v7 =	vadd.s32 $0xFFFFEC00, v8  }
0x439: {  	[tilespmem:$0x4F40] =	vst v63;
	v6 =	vnsel vm15, $0x1400, v7  }
0x43a: {  	s17 =	simm.s32 $0x4F00;
	s19 =	simm.s32 $0x5200;
	[tilespmem:$0x5140] =	vst v6  }
0x43b: {  	[tilespmem:s19], [sflag:$0x1] =	stream.indirect.gather [hbm4b:s1+s31], $0x80, s17, s31, $0xb8;
	[tilespmem:$0x1BA40] =	vst v63  }
0x43c: {  	s23 =	simm.s32 $0x5000;
	s26 =	simm.s32 $0xA200  }
0x43d: {  	[tilespmem:s26], [sflag:$0x1] =	stream.indirect.gather [hbm4b:s4+s31], $0x80, s23, s31, $0xb8;
	[tilespmem:$0x1BA40] =	vst v63  }
.LBB2_33:
0x43e: {  	p1 =	sge.s32 s13, s7  }
.Ltmp24:
0x43f: {  	_ = 	snop;
	(pc) =	sbr.rel @p1 .LBB2_38-.Ltmp24, $1  }
0x440: {  	_ =	sdelay $0x3  }
0x441: {  	_ =	swait.ge [sflag:s16], $0x2800  }
0x442: {  	[sflag:s16] =	ssyncset.done $0x0  }
0x443: {  	[sflag:s16] =	ssyncadd.s32 $0xFFFFD800  }
0x444: {  	_ =	swait.ge [sflag:s16], $0x2800  }
0x445: {  	[sflag:s16] =	ssyncset.done $0x0  }
0x446: {  	[sflag:s16] =	ssyncadd.s32 $0xFFFFD800  }
0x447: {  	s6 =	simm.s32 $0x7B00;
	v6 =	vld [tilespmem:s24+$0x80]  }
0x448: {  	v7 =	vld [tilespmem:s6+$0x80];
	_ =	sdelay $0x2  }
0x449: {  	v8 =	vld [tilespmem:s24+$0xFFFFFF80]  }
0x44a: {  	v10 =	vld [tilespmem:s24+$0xFFFFFF00];
	v9 =	vunpack.i.l.bf16.f32 v6  }
0x44b: {  	v11 =	vld [tilespmem:s6+$0xFFFFFF80];
	v7 =	vmul.f32 v7, v9  }
0x44c: {  	s15 =	simm.s32 $0xF300;
	v9 =	vld [tilespmem:s6+$0xFFFFFF00]  }
0x44d: {  	[tilespmem:s15+$0x80] =	vst v7  }
0x44e: {  	v7 =	vld [tilespmem:s6+$0xC0]  }
0x44f: {  	v12 =	vld [tilespmem:s24+$0x0];
	v15 =	vunpack.i.l.bf16.f32 v8  }
0x450: {  	v13 =	vld [tilespmem:s6+$0x0];
	v14 =	vunpack.i.l.bf16.f32 v10;
	v11 =	vmul.f32 v11, v15  }
0x451: {  	v9 =	vmul.f32 v9, v14  }
0x452: {  	v6 =	vunpack.i.u.bf16.f32 v6;
	[tilespmem:s15+$0xFFFFFF80] =	vst v11  }
0x453: {  	v11 =	vld [tilespmem:s6+$0xFFFFFFC0];
	[tilespmem:s15+$0xFFFFFF00] =	vst v9;
	v6 =	vmul.f32 v7, v6  }
0x454: {  	v7 =	vunpack.i.l.bf16.f32 v12;
	v9 =	vld [tilespmem:s6+$0xFFFFFF40]  }
0x455: {  	v7 =	vmul.f32 v13, v7;
	[tilespmem:s15+$0xC0] =	vst v6  }
0x456: {  	v6 =	vld [tilespmem:s24+$0x90]  }
0x457: {  	v8 =	vunpack.i.u.bf16.f32 v8;
	[tilespmem:s15+$0x0] =	vst v7;
	v7 =	vld [tilespmem:s6+$0x90]  }
0x458: {  	v10 =	vunpack.i.u.bf16.f32 v10;
	v8 =	vmul.f32 v11, v8  }
0x459: {  	v13 =	vld [tilespmem:s6+$0x40];
	v9 =	vmul.f32 v9, v10  }
0x45a: {  	[tilespmem:s15+$0xFFFFFFC0] =	vst v8  }
0x45b: {  	[tilespmem:s15+$0xFFFFFF40] =	vst v9;
	v9 =	vunpack.i.l.bf16.f32 v6  }
0x45c: {  	v8 =	vld [tilespmem:s24+$0xFFFFFF90];
	v7 =	vmul.f32 v7, v9  }
0x45d: {  	v10 =	vunpack.i.u.bf16.f32 v12;
	v11 =	vld [tilespmem:s24+$0xFFFFFF10]  }
0x45e: {  	v9 =	vmul.f32 v13, v10;
	v10 =	vld [tilespmem:s6+$0xFFFFFF10];
	[tilespmem:s15+$0x90] =	vst v7  }
0x45f: {  	v7 =	vld [tilespmem:s6+$0xD0]  }
0x460: {  	v12 =	vld [tilespmem:s6+$0xFFFFFF90];
	[tilespmem:s15+$0x40] =	vst v9  }
0x461: {  	v9 =	vld [tilespmem:s24+$0x10]  }
0x462: {  	v14 =	vld [tilespmem:s6+$0x10];
	v13 =	vunpack.i.l.bf16.f32 v11  }
0x463: {  	v6 =	vunpack.i.u.bf16.f32 v6;
	v10 =	vmul.f32 v10, v13  }
0x464: {  	v6 =	vmul.f32 v7, v6  }
0x465: {  	[tilespmem:s15+$0xFFFFFF10] =	vst v10;
	v7 =	vunpack.i.l.bf16.f32 v8  }
0x466: {  	v10 =	vunpack.i.l.bf16.f32 v9;
	v13 =	vld [tilespmem:s6+$0xFFFFFF50];
	v7 =	vmul.f32 v12, v7;
	[tilespmem:s15+$0xD0] =	vst v6  }
0x467: {  	v6 =	vmul.f32 v14, v10;
	v14 =	vld [tilespmem:s24+$0xA0]  }
0x468: {  	[tilespmem:s15+$0xFFFFFF90] =	vst v7;
	v7 =	vld [tilespmem:s6+$0xA0]  }
0x469: {  	v10 =	vld [tilespmem:s6+$0xFFFFFFD0];
	[tilespmem:s15+$0x10] =	vst v6  }
0x46a: {  	v6 =	vunpack.i.u.bf16.f32 v11;
	v11 =	vld [tilespmem:s6+$0x50]  }
0x46b: {  	v6 =	vmul.f32 v13, v6  }
0x46c: {  	v12 =	vunpack.i.l.bf16.f32 v14  }
0x46d: {  	v8 =	vunpack.i.u.bf16.f32 v8;
	[tilespmem:s15+$0xFFFFFF50] =	vst v6;
	v6 =	vmul.f32 v7, v12  }
0x46e: {  	v7 =	vunpack.i.u.bf16.f32 v9;
	v12 =	vld [tilespmem:s24+$0xFFFFFF20];
	v8 =	vmul.f32 v10, v8  }
0x46f: {  	v13 =	vld [tilespmem:s6+$0xFFFFFF20];
	v7 =	vmul.f32 v11, v7;
	[tilespmem:s15+$0xA0] =	vst v6  }
0x470: {  	[tilespmem:s15+$0xFFFFFFD0] =	vst v8;
	v9 =	vld [tilespmem:s6+$0xE0]  }
0x471: {  	v8 =	vld [tilespmem:s24+$0xFFFFFFA0];
	[tilespmem:s15+$0x50] =	vst v7  }
0x472: {  	v7 =	vld [tilespmem:s24+$0x20]  }
0x473: {  	s14 =	simm.s32 $0x0;
	s19 =	sadd.s32 $0x200, s24;
	v10 =	vld [tilespmem:s6+$0xFFFFFFA0];
	v11 =	vunpack.i.l.bf16.f32 v12  }
0x474: {  	s23 =	smov.u32 s24;
	s5 =	simm.s32 $0x7B00;
	s17 =	simm.s32 $0xF300;
	v6 =	vunpack.i.u.bf16.f32 v12;
	v12 =	vmul.f32 v13, v11;
	v11 =	vld [tilespmem:s6+$0x20];
	v13 =	vunpack.i.u.bf16.f32 v14  }
.LBB2_35:
0x475: {  	v14 =	vld [tilespmem:s19+$0x80];
	s14 =	sadd.s32 $0x4, s14;
	v9 =	vmul.f32 v9, v13;
	s6 =	sadd.s32 $0x200, s6  }
0x476: {  	v13 =	vld [tilespmem:s6+$0x80];
	p1 =	slt.u32 s14, $0x4C;
	[tilespmem:s15+$0xFFFFFF20] =	vst v12;
	v12 =	vunpack.i.u.bf16.f32 v8;
	v8 =	vunpack.i.l.bf16.f32 v8  }
0x477: {  	v15 =	vld [tilespmem:s19+$0xFFFFFF80];
	v16 =	vunpack.i.u.bf16.f32 v7;
	v7 =	vunpack.i.l.bf16.f32 v7;
	[tilespmem:s15+$0xE0] =	vst v9  }
0x478: {  	v8 =	vmul.f32 v10, v8;
	v9 =	vld [tilespmem:s23+$0xB0]  }
0x479: {  	v7 =	vmul.f32 v11, v7;
	v10 =	vld [tilespmem:s5+$0xB0]  }
0x47a: {  	v11 =	vld [tilespmem:s19+$0x0];
	v17 =	vunpack.i.l.bf16.f32 v14;
	[tilespmem:s15+$0xFFFFFFA0] =	vst v8  }
0x47b: {  	v8 =	vld [tilespmem:s19+$0xFFFFFF00];
	v13 =	vmul.f32 v13, v17;
	[tilespmem:s15+$0x20] =	vst v7  }
0x47c: {  	s15 =	sadd.s32 $0x200, s15;
	v7 =	vld [tilespmem:s6+$0xFFFFFF00];
	v17 =	vunpack.i.u.bf16.f32 v15;
	v15 =	vunpack.i.l.bf16.f32 v15  }
0x47d: {  	v18 =	vld [tilespmem:s6+$0xFFFFFF80];
	[tilespmem:s15+$0x80] =	vst v13;
	v13 =	vunpack.i.l.bf16.f32 v9  }
0x47e: {  	v19 =	vld [tilespmem:s6+$0xC0];
	v10 =	vmul.f32 v10, v13  }
0x47f: {  	v13 =	vunpack.i.u.bf16.f32 v11;
	v11 =	vunpack.i.l.bf16.f32 v11;
	v20 =	vld [tilespmem:s6+$0x0]  }
0x480: {  	v21 =	vunpack.i.u.bf16.f32 v8;
	v8 =	vunpack.i.l.bf16.f32 v8;
	v22 =	vld [tilespmem:s5+$0xFFFFFF60];
	[tilespmem:s17+$0xB0] =	vst v10  }
0x481: {  	v7 =	vmul.f32 v7, v8;
	v8 =	vld [tilespmem:s5+$0xF0]  }
0x482: {  	v14 =	vunpack.i.u.bf16.f32 v14;
	v10 =	vmul.f32 v18, v15;
	v15 =	vld [tilespmem:s5+$0xFFFFFFE0]  }
0x483: {  	[tilespmem:s15+$0xFFFFFF00] =	vst v7;
	v7 =	vmul.f32 v19, v14;
	v14 =	vld [tilespmem:s5+$0x60]  }
0x484: {  	v18 =	vld [tilespmem:s6+$0xFFFFFF40];
	[tilespmem:s15+$0xFFFFFF80] =	vst v10;
	v10 =	vmul.f32 v20, v11  }
0x485: {  	v11 =	vld [tilespmem:s6+$0xFFFFFFC0];
	[tilespmem:s15+$0xC0] =	vst v7;
	v6 =	vmul.f32 v22, v6;
	v7 =	vunpack.i.u.bf16.f32 v9  }
0x486: {  	[tilespmem:s15+$0x0] =	vst v10;
	v9 =	vld [tilespmem:s19+$0x90];
	v7 =	vmul.f32 v8, v7  }
0x487: {  	v8 =	vld [tilespmem:s6+$0x90];
	[tilespmem:s17+$0xFFFFFF60] =	vst v6;
	v6 =	vmul.f32 v15, v12  }
0x488: {  	v10 =	vld [tilespmem:s6+$0x40];
	v12 =	vmul.f32 v14, v16;
	[tilespmem:s17+$0xF0] =	vst v7  }
0x489: {  	v7 =	vmul.f32 v18, v21;
	v14 =	vld [tilespmem:s23+$0xFFFFFF30];
	[tilespmem:s17+$0xFFFFFFE0] =	vst v6  }
0x48a: {  	v6 =	vmul.f32 v11, v17;
	v11 =	vld [tilespmem:s23+$0xFFFFFFB0];
	[tilespmem:s17+$0x60] =	vst v12  }
0x48b: {  	[tilespmem:s15+$0xFFFFFF40] =	vst v7;
	v7 =	vunpack.i.l.bf16.f32 v9;
	v12 =	vld [tilespmem:s23+$0x30];
	s23 =	smov.u32 s19  }
0x48c: {  	v15 =	vld [tilespmem:s19+$0xFFFFFF10];
	[tilespmem:s15+$0xFFFFFFC0] =	vst v6;
	v6 =	vmul.f32 v8, v7  }
0x48d: {  	v7 =	vld [tilespmem:s19+$0xFFFFFF90];
	v8 =	vmul.f32 v10, v13  }
0x48e: {  	v10 =	vld [tilespmem:s6+$0xFFFFFF10];
	[tilespmem:s15+$0x90] =	vst v6;
	v6 =	vunpack.i.u.bf16.f32 v14;
	v13 =	vunpack.i.l.bf16.f32 v14  }
0x48f: {  	[tilespmem:s15+$0x40] =	vst v8;
	v8 =	vld [tilespmem:s6+$0xD0];
	v14 =	vunpack.i.u.bf16.f32 v11;
	v11 =	vunpack.i.l.bf16.f32 v11  }
0x490: {  	v16 =	vld [tilespmem:s19+$0x10];
	v17 =	vunpack.i.u.bf16.f32 v12;
	v12 =	vunpack.i.l.bf16.f32 v12  }
0x491: {  	v18 =	vunpack.i.u.bf16.f32 v15;
	v15 =	vunpack.i.l.bf16.f32 v15;
	v19 =	vld [tilespmem:s6+$0xFFFFFF90]  }
0x492: {  	v20 =	vunpack.i.u.bf16.f32 v7;
	v7 =	vunpack.i.l.bf16.f32 v7;
	v21 =	vld [tilespmem:s6+$0x10]  }
0x493: {  	v9 =	vunpack.i.u.bf16.f32 v9;
	v10 =	vmul.f32 v10, v15;
	v15 =	vld [tilespmem:s5+$0xFFFFFF30]  }
0x494: {  	v8 =	vmul.f32 v8, v9;
	v9 =	vld [tilespmem:s5+$0xFFFFFFB0]  }
0x495: {  	[tilespmem:s15+$0xFFFFFF10] =	vst v10;
	v10 =	vunpack.i.u.bf16.f32 v16;
	v16 =	vunpack.i.l.bf16.f32 v16;
	v22 =	vld [tilespmem:s5+$0x30]  }
0x496: {  	v23 =	vld [tilespmem:s6+$0xFFFFFF50];
	v7 =	vmul.f32 v19, v7;
	[tilespmem:s15+$0xD0] =	vst v8  }
0x497: {  	v8 =	vmul.f32 v21, v16;
	v16 =	vld [tilespmem:s19+$0xA0]  }
0x498: {  	[tilespmem:s15+$0xFFFFFF90] =	vst v7;
	v7 =	vld [tilespmem:s6+$0xA0];
	v13 =	vmul.f32 v15, v13  }
0x499: {  	v15 =	vld [tilespmem:s6+$0xFFFFFFD0];
	[tilespmem:s15+$0x10] =	vst v8;
	v8 =	vmul.f32 v9, v11  }
0x49a: {  	v9 =	vld [tilespmem:s6+$0x50];
	[tilespmem:s17+$0xFFFFFF30] =	vst v13;
	v11 =	vmul.f32 v22, v12  }
0x49b: {  	v12 =	vmul.f32 v23, v18;
	v13 =	vld [tilespmem:s5+$0xFFFFFF70];
	[tilespmem:s17+$0xFFFFFFB0] =	vst v8  }
0x49c: {  	v8 =	vunpack.i.l.bf16.f32 v16;
	v18 =	vld [tilespmem:s5+$0xFFFFFFF0];
	[tilespmem:s17+$0x30] =	vst v11  }
0x49d: {  	[tilespmem:s15+$0xFFFFFF50] =	vst v12;
	v7 =	vmul.f32 v7, v8;
	v11 =	vld [tilespmem:s5+$0x70];
	s5 =	smov.u32 s6  }
0x49e: {  	v12 =	vld [tilespmem:s19+$0xFFFFFF20];
	v8 =	vmul.f32 v15, v20  }
0x49f: {  	v15 =	vld [tilespmem:s6+$0xFFFFFF20];
	v10 =	vmul.f32 v9, v10;
	[tilespmem:s15+$0xA0] =	vst v7  }
.Ltmp25:
0x4a0: {  	[tilespmem:s15+$0xFFFFFFD0] =	vst v8;
	v9 =	vld [tilespmem:s6+$0xE0];
	v6 =	vmul.f32 v13, v6;
	(pc) =	sbr.rel @p1 .LBB2_35-.Ltmp25, $4  }
0x4a1: {  	v8 =	vld [tilespmem:s19+$0xFFFFFFA0];
	[tilespmem:s15+$0x50] =	vst v10;
	v13 =	vmul.f32 v18, v14  }
0x4a2: {  	v7 =	vld [tilespmem:s19+$0x20];
	[tilespmem:s17+$0xFFFFFF70] =	vst v6;
	v14 =	vmul.f32 v11, v17  }
0x4a3: {  	v6 =	vunpack.i.u.bf16.f32 v12;
	v11 =	vunpack.i.l.bf16.f32 v12;
	v10 =	vld [tilespmem:s6+$0xFFFFFFA0];
	[tilespmem:s17+$0xFFFFFFF0] =	vst v13  }
0x4a4: {  	s19 =	sadd.s32 $0x200, s19;
	v13 =	vunpack.i.u.bf16.f32 v16;
	v12 =	vmul.f32 v15, v11;
	v11 =	vld [tilespmem:s6+$0x20];
	[tilespmem:s17+$0x70] =	vst v14;
	s17 =	smov.u32 s15  }
0x4a5: {  	_ =	sdelay $0x1  }
0x4a6: {  	v14 =	vunpack.i.l.bf16.f32 v8  }
0x4a7: {  	[tilespmem:s15+$0xFFFFFF20] =	vst v12;
	v10 =	vmul.f32 v10, v14  }
0x4a8: {  	v50 =	vunpack.i.l.bf16.f32 v7;
	v51 =	vld [tilespmem:s5+$0xFFFFFF60]  }
0x4a9: {  	v11 =	vmul.f32 v11, v50;
	[tilespmem:s15+$0xFFFFFFA0] =	vst v10  }
0x4aa: {  	v52 =	vld [tilespmem:s5+$0xFFFFFFE0]  }
0x4ab: {  	v9 =	vmul.f32 v9, v13;
	[tilespmem:s15+$0x20] =	vst v11  }
0x4ac: {  	v53 =	vld [tilespmem:s5+$0x60]  }
0x4ad: {  	[tilespmem:s15+$0xE0] =	vst v9;
	v6 =	vmul.f32 v51, v6  }
0x4ae: {  	v54 =	vunpack.i.u.bf16.f32 v8;
	v9 =	vld [tilespmem:s23+$0xB0]  }
0x4af: {  	v55 =	vld [tilespmem:s5+$0xB0];
	[tilespmem:s17+$0xFFFFFF60] =	vst v6;
	v8 =	vmul.f32 v52, v54  }
0x4b0: {  	v7 =	vunpack.i.u.bf16.f32 v7;
	v56 =	vld [tilespmem:s5+$0xFFFFFF30]  }
0x4b1: {  	v6 =	vmul.f32 v53, v7;
	v7 =	vld [tilespmem:s23+$0xFFFFFF30];
	[tilespmem:s17+$0xFFFFFFE0] =	vst v8  }
0x4b2: {  	v8 =	vld [tilespmem:s23+$0xFFFFFFB0]  }
0x4b3: {  	[tilespmem:s17+$0x60] =	vst v6;
	v57 =	vld [tilespmem:s5+$0xFFFFFFB0]  }
0x4b4: {  	v6 =	vld [tilespmem:s23+$0x30]  }
0x4b5: {  	v58 =	vld [tilespmem:s5+$0x30]  }
0x4b6: {  	v59 =	vunpack.i.l.bf16.f32 v9  }
0x4b7: {  	v10 =	vmul.f32 v55, v59;
	v60 =	vunpack.i.l.bf16.f32 v7  }
0x4b8: {  	v11 =	vmul.f32 v56, v60;
	v61 =	vunpack.i.l.bf16.f32 v8  }
0x4b9: {  	[tilespmem:s17+$0xB0] =	vst v10;
	v62 =	vunpack.i.l.bf16.f32 v6;
	v12 =	vmul.f32 v57, v61  }
0x4ba: {  	v63 =	vld [tilespmem:s5+$0xF0];
	[tilespmem:s17+$0xFFFFFF30] =	vst v11;
	v10 =	vmul.f32 v58, v62  }
0x4bb: {  	v11 =	vld [tilespmem:s5+$0xFFFFFF70];
	[tilespmem:s17+$0xFFFFFFB0] =	vst v12  }
0x4bc: {  	v12 =	vld [tilespmem:s5+$0xFFFFFFF0];
	[tilespmem:s17+$0x30] =	vst v10  }
0x4bd: {  	v10 =	vld [tilespmem:s5+$0x70]  }
0x4be: {  	v9 =	vunpack.i.u.bf16.f32 v9  }
0x4bf: {  	v9 =	vmul.f32 v63, v9;
	v7 =	vunpack.i.u.bf16.f32 v7  }
0x4c0: {  	v8 =	vunpack.i.u.bf16.f32 v8;
	v7 =	vmul.f32 v11, v7  }
0x4c1: {  	[tilespmem:s17+$0xF0] =	vst v9;
	v6 =	vunpack.i.u.bf16.f32 v6;
	v8 =	vmul.f32 v12, v8  }
0x4c2: {  	s5 =	sadd.s32 $0x3, s13;
	[tilespmem:s17+$0xFFFFFF70] =	vst v7;
	v6 =	vmul.f32 v10, v6  }
0x4c3: {  	p1 =	sge.s32 s5, s8;
	[tilespmem:s17+$0xFFFFFFF0] =	vst v8  }
.Ltmp26:
0x4c4: {  	[tilespmem:s17+$0x70] =	vst v6;
	(pc) =	sbr.rel @p1 .LBB2_38-.Ltmp26, $4  }
0x4c5: {  	[spmem:s2] =	stream.indirect.scatter.add.f32 [tilespmem:s30], [sflag:$0x3], $0x80, s18, s31, $0xb8;
	[tilespmem:$0x1BA40] =	vst v63  }
0x4c6: {  	_ =	swait.ge [sflag:s28], $0x2800  }
0x4c7: {  	[sflag:s28] =	ssyncset.done $0x0  }
0x4c8: {  	[sflag:s28] =	ssyncadd.s32 $0xFFFFD800  }
0x4c9: {  	s5 =	smul.u32 $0x50, s5;
	_ =	sdelay $0x1  }
0x4ca: {  	v6 =	vor.u32 s5, v1  }
0x4cb: {  	vm0 =	vlt.s32 v6, v5  }
0x4cc: {  	v7 =	vsel vm0, v6, v5  }
0x4cd: {  	v7 =	vadd.s32 v3, v7  }
0x4ce: {  	vm14 =	vlt.s32 v7, $0x270F  }
0x4cf: {  	v7 =	vnsel vm14, $0x270F, v7;
	_ =	sdelay $0x4  }
0x4d0: {  	v7 =	vld.idx.msk [tilespmem:v7+s25+$0x0], $0xffff;
	_ =	sdelay $0x5  }
0x4d1: {  	s6 =	sadd.s32 $0x10, s5  }
0x4d2: {  	v8 =	vor.u32 s6, v1  }
0x4d3: {  	vm15 =	vlt.s32 v8, v5;
	v9 =	vld.idx.msk [tilespmem:v7+s3+$0x0], $0xffff  }
0x4d4: {  	v10 =	vsel vm15, v8, v5  }
0x4d5: {  	v10 =	vadd.s32 v3, v10  }
0x4d6: {  	vm4 =	vlt.s32 v10, $0x270F  }
0x4d7: {  	vm5 =	vlt.s32 v6, v4;
	v10 =	vnsel vm4, $0x270F, v10  }
0x4d8: {  	v6 =	vadd.s32 v0, v7;
	v11 =	vand.u32 $0xFFFF, v9;
	v9 =	vshra.s32 v9, $0x10  }
0x4d9: {  	[tilespmem:$0x5080] =	vst v6;
	v7 =	vadd.s32 $0xFFFFEC00, v9  }
0x4da: {  	[tilespmem:$0x4F80] =	vst v11;
	v6 =	vnsel vm5, $0x1400, v7  }
0x4db: {  	[tilespmem:$0x5180] =	vst v6  }
0x4dc: {  	v6 =	vld.idx.msk [tilespmem:v10+s25+$0x0], $0xffff;
	_ =	sdelay $0x5  }
0x4dd: {  	s19 =	sadd.s32 $0x20, s5  }
0x4de: {  	v7 =	vor.u32 s19, v1  }
0x4df: {  	vm6 =	vlt.s32 v7, v5;
	v50 =	vld.idx.msk [tilespmem:v6+s3+$0x0], $0xffff  }
0x4e0: {  	v51 =	vsel vm6, v7, v5  }
0x4e1: {  	v10 =	vadd.s32 v3, v51  }
0x4e2: {  	vm7 =	vlt.s32 v10, $0x270F  }
0x4e3: {  	v10 =	vnsel vm7, $0x270F, v10  }
0x4e4: {  	v6 =	vadd.s32 v0, v6;
	v9 =	vshra.s32 v50, $0x10  }
0x4e5: {  	vm8 =	vlt.s32 v8, v4;
	[tilespmem:$0x5090] =	vst v6;
	v52 =	vand.u32 $0xFFFF, v50;
	v53 =	vadd.s32 $0xFFFFEC00, v9  }
0x4e6: {  	[tilespmem:$0x4F90] =	vst v52;
	v6 =	vnsel vm8, $0x1400, v53  }
0x4e7: {  	[tilespmem:$0x5190] =	vst v6  }
0x4e8: {  	v6 =	vld.idx.msk [tilespmem:v10+s25+$0x0], $0xffff;
	_ =	sdelay $0x5  }
0x4e9: {  	s23 =	sadd.s32 $0x30, s5  }
0x4ea: {  	v54 =	vor.u32 s23, v1  }
0x4eb: {  	vm9 =	vlt.s32 v54, v5;
	v55 =	vld.idx.msk [tilespmem:v6+s3+$0x0], $0xffff  }
0x4ec: {  	v56 =	vsel vm9, v54, v5  }
0x4ed: {  	v10 =	vadd.s32 v3, v56  }
0x4ee: {  	vm10 =	vlt.s32 v10, $0x270F  }
0x4ef: {  	v10 =	vnsel vm10, $0x270F, v10  }
0x4f0: {  	v6 =	vadd.s32 v0, v6;
	v9 =	vshra.s32 v55, $0x10  }
0x4f1: {  	vm11 =	vlt.s32 v7, v4;
	[tilespmem:$0x50A0] =	vst v6;
	v57 =	vand.u32 $0xFFFF, v55;
	v7 =	vadd.s32 $0xFFFFEC00, v9  }
0x4f2: {  	[tilespmem:$0x4FA0] =	vst v57;
	v6 =	vnsel vm11, $0x1400, v7  }
0x4f3: {  	[tilespmem:$0x51A0] =	vst v6  }
0x4f4: {  	v6 =	vld.idx.msk [tilespmem:v10+s25+$0x0], $0xffff;
	_ =	sdelay $0x5  }
0x4f5: {  	s5 =	sadd.s32 $0x40, s5  }
0x4f6: {  	v7 =	vor.u32 s5, v1  }
0x4f7: {  	vm12 =	vlt.s32 v7, v5;
	v58 =	vld.idx.msk [tilespmem:v6+s3+$0x0], $0xffff  }
0x4f8: {  	v59 =	vsel vm12, v7, v5  }
0x4f9: {  	v10 =	vadd.s32 v3, v59  }
0x4fa: {  	vm13 =	vlt.s32 v10, $0x270F  }
0x4fb: {  	v10 =	vnsel vm13, $0x270F, v10  }
0x4fc: {  	v6 =	vadd.s32 v0, v6;
	v9 =	vshra.s32 v58, $0x10  }
0x4fd: {  	vm14 =	vlt.s32 v54, v4;
	[tilespmem:$0x50B0] =	vst v6;
	v60 =	vand.u32 $0xFFFF, v58;
	v61 =	vadd.s32 $0xFFFFEC00, v9  }
0x4fe: {  	[tilespmem:$0x4FB0] =	vst v60;
	v6 =	vnsel vm14, $0x1400, v61  }
0x4ff: {  	[tilespmem:$0x51B0] =	vst v6  }
0x500: {  	v6 =	vld.idx.msk [tilespmem:v10+s25+$0x0], $0xffff;
	_ =	sdelay $0x7  }
0x501: {  	v62 =	vld.idx.msk [tilespmem:v6+s3+$0x0], $0xffff;
	_ =	sdelay $0x4  }
0x502: {  	v6 =	vadd.s32 v0, v6;
	v8 =	vshra.s32 v62, $0x10  }
0x503: {  	vm15 =	vlt.s32 v7, v4;
	[tilespmem:$0x50C0] =	vst v6;
	v63 =	vand.u32 $0xFFFF, v62;
	v7 =	vadd.s32 $0xFFFFEC00, v8  }
.Ltmp27:
0x504: {  	[tilespmem:$0x4FC0] =	vst v63;
	v6 =	vnsel vm15, $0x1400, v7;
	(pc) =	sbr.rel .LBB2_38-.Ltmp27, $4  }
0x505: {  	s26 =	simm.s32 $0x4F80;
	[tilespmem:$0x51C0] =	vst v6  }
0x506: {  	[tilespmem:s20], [sflag:$0x2] =	stream.indirect.gather [hbm4b:s1+s31], $0x80, s26, s31, $0xb8;
	[tilespmem:$0x1BA40] =	vst v63  }
0x507: {  	_ = 	snop  }
0x508: {  	[tilespmem:s22], [sflag:$0x2] =	stream.indirect.gather [hbm4b:s4+s31], $0x80, s21, s31, $0xb8;
	[tilespmem:$0x1BA40] =	vst v63  }
.LBB2_40:
0x509: {  	_ =	sfence.sel $0x180000  }
0x50a: {  	[bflag:$0x0] =	sbarrier.arrive $0xFFFF  }
0x50b: {  	_ =	strace $0x90000047  }
0x50c: {  	[bflag:$0x2] =	sbarrier.arrive $0xFFFF  }
0x50d: {  	s0 =	rddreg [dreg:$0x4]  }
0x50e: {  	s0 =	sadd.s32 @!p0 $0x100000, s0  }
0x50f: {  	[sflag:s0] =	ssyncadd.tile.s32 @!p0 $0x1;
	_ =	shalt  }
.Lfunc_end2:
_tile_overlayer_lowered:
.L_overlay_start_2:
0x510: {  	(tag) =	ssettag $0x2  }
0x511: {  	s0 =	rddreg [dreg:$0x0];
	s2 =	stileid.u32  }
0x512: {  	s1 =	rddreg [dreg:$0x1];
	p0 =	sne.s32 s2, $0x0  }
0x513: {  	s3 =	rddreg [dreg:$0x2];
	[bflag:$0x3] =	sbarrier.arrive $0xFFFF;
	s2 =	simm.s32 @!p0 $0x1C03  }
0x514: {  	[timem:s3], [sflag:s2] =	dma.local @!p0 [hbm:s0], s1  }
0x515: {  	s0 =	simm.s32 @!p0 $0x3  }
0x516: {  	_ =	swait.ge @!p0 [sflag:s0], s1  }
0x517: {  	s1 =	ssub.s32 @!p0 $0x0, s1;
	[sflag:s0] =	ssyncset.done @!p0 $0x0  }
0x518: {  	[sflag:s0] =	ssyncadd.s32 @!p0 s1  }
0x519: {  	[bflag:$0x3] =	sbarrier.arrive $0xFFFF  }
0x51a: {  	_ =	shalt  }

</sc_bundles>
